<compile_context>
chip_gen: v7x
topology: tpu7x:2x2x1
jax: 0.10.2.dev20260603
libtpu: 0.0.44.dev20260713+nightly
codegen_flags: <defaults>
</compile_context>

<pallas_src>
import functools

import jax
import jax.numpy as jnp
from jax import lax
from jax.experimental import pallas as pl
from jax.experimental.pallas import tpu as pltpu
from jax.experimental.pallas import tpu_sc as plsc

_USERS = 50000
_ITEMS = 50000
_N = _USERS + _ITEMS
_D = 32
_E = 1600000
_HALF = _N // 2
_NC = 2
_NS = 16
_BLOCK = 1024
_CHUNK = 128
_NCHK = _BLOCK // _CHUNK
_E_PAD = ((_E + _NS * _BLOCK - 1) // (_NS * _BLOCK)) * (_NS * _BLOCK)
_EPT = _E_PAD // _NS
_NBLK = _EPT // _BLOCK
_ROWS_PER_TILE = 3128
_PAD_HALF = _NS * _ROWS_PER_TILE
_NPAD = _NC * _PAD_HALF
_GAP = _PAD_HALF - _HALF


def _layer_body(ego, srcp, dstp, wp, zh, out,
                srcL, dstL, wL, sstage, dstage, wstage, rows, acc,
                sem_l, sem_g, sem_s):
    c = lax.axis_index("c")
    s = lax.axis_index("s")
    base_node = c * _HALF
    row0 = s * _ROWS_PER_TILE

    pltpu.sync_copy(zh.at[pl.ds(row0, _ROWS_PER_TILE)],
                    acc.at[pl.ds(row0, _ROWS_PER_TILE)])
    plsc.subcore_barrier()

    ebase = s * _EPT
    lane16 = lax.iota(jnp.int32, 16)

    def _start_loads(b, q):
        off = ebase + b * _BLOCK
        pltpu.make_async_copy(srcp.at[pl.ds(off, _BLOCK)],
                              srcL.at[q], sem_l).start()
        pltpu.make_async_copy(dstp.at[pl.ds(off, _BLOCK)],
                              dstL.at[q], sem_l).start()
        pltpu.make_async_copy(wp.at[pl.ds(off, _BLOCK)],
                              wL.at[q], sem_l).start()

    def _wait_loads(q):
        pltpu.make_async_copy(srcp.at[pl.ds(ebase, _BLOCK)],
                              srcL.at[q], sem_l).wait()
        pltpu.make_async_copy(dstp.at[pl.ds(ebase, _BLOCK)],
                              dstL.at[q], sem_l).wait()
        pltpu.make_async_copy(wp.at[pl.ds(ebase, _BLOCK)],
                              wL.at[q], sem_l).wait()

    def _wait_scatter(t, kd):
        @pl.when((t >= 0) & (t >= kd))
        def _():
            pltpu.make_async_copy(rows.at[lax.rem(t, 3)],
                                  acc.at[dstage.at[lax.rem(t, 3)]],
                                  sem_s.at[lax.rem(t, 3)]).wait()

        return jnp.maximum(kd, t + 1)

    def _stage(q, k, slot):
        def _grp(j, cc):
            sl = pl.ds(k * _CHUNK + j * 16, 16)
            osl = pl.ds(j * 16, 16)
            sv = srcL[q, sl]
            dv = dstL[q, sl]
            wv = wL[q, sl]
            sstage[slot, osl] = jnp.where(sv >= _HALF, sv + _GAP, sv)
            d = dv - base_node
            ok = (d >= 0) & (d < _HALF)
            grow = _HALF + jnp.bitwise_and(lane16 + j, 31)
            dstage[slot, osl] = jnp.where(ok, d, grow)
            wstage[slot, osl] = jnp.where(ok, wv, 0.0)
            return cc

        lax.fori_loop(0, _CHUNK // 16, _grp, 0)

    def _start_gather(slot):
        pltpu.make_async_copy(ego.at[sstage.at[slot]],
                              rows.at[slot], sem_g.at[slot]).start()

    _start_loads(0, 0)

    def _block(b, carry):
        kg, kd = carry
        q = lax.rem(b, 2)
        _wait_loads(q)

        @pl.when(b + 1 < _NBLK)
        def _():
            _start_loads(b + 1, 1 - q)

        _stage(q, 0, lax.rem(kg, 3))
        _start_gather(lax.rem(kg, 3))

        def _chunk(k, carry2):
            kg2, kd2 = carry2
            p = lax.rem(kg2, 3)
            pnext = lax.rem(kg2 + 1, 3)

            kd2 = _wait_scatter(kg2 - 2, kd2)

            @pl.when(k + 1 < _NCHK)
            def _():
                _stage(q, k + 1, pnext)
                _start_gather(pnext)

            pltpu.make_async_copy(ego.at[sstage.at[p]],
                                  rows.at[p], sem_g.at[p]).wait()

            def _scale(j, cc2):
                w16 = wstage[p, pl.ds(j * 16, 16)]
                for jj in range(16):
                    i = j * 16 + jj
                    w = w16[jj]
                    rows[p, i, 0:16] = rows[p, i, 0:16] * w
                    rows[p, i, 16:32] = rows[p, i, 16:32] * w
                return cc2

            lax.fori_loop(0, _CHUNK // 16, _scale, 0)

            pltpu.async_copy(rows.at[p], acc.at[dstage.at[p]],
                             sem_s.at[p], add=True)
            return (kg2 + 1, kd2)

        return lax.fori_loop(0, _NCHK, _chunk, (kg, kd))

    kg, kd = lax.fori_loop(0, _NBLK, _block, (jnp.int32(0), jnp.int32(0)))
    kd = _wait_scatter(kg - 2, kd)
    kd = _wait_scatter(kg - 1, kd)
    plsc.subcore_barrier()

    pltpu.sync_copy(acc.at[pl.ds(row0, _ROWS_PER_TILE)],
                    out.at[pl.ds(c * _PAD_HALF + row0, _ROWS_PER_TILE)])


_layer = functools.partial(
    pl.kernel,
    _layer_body,
    mesh=plsc.VectorSubcoreMesh(core_axis_name="c", subcore_axis_name="s"),
    compiler_params=pltpu.CompilerParams(use_tc_tiling_on_sc=False),
    out_type=jax.ShapeDtypeStruct((_NPAD, _D), jnp.float32),
    scratch_types=[
        pltpu.VMEM((2, _BLOCK), jnp.int32),
        pltpu.VMEM((2, _BLOCK), jnp.int32),
        pltpu.VMEM((2, _BLOCK), jnp.float32),
        pltpu.VMEM((3, _CHUNK), jnp.int32),
        pltpu.VMEM((3, _CHUNK), jnp.int32),
        pltpu.VMEM((3, _CHUNK), jnp.float32),
        pltpu.VMEM((3, _CHUNK, _D), jnp.float32),
        pltpu.VMEM_SHARED((_PAD_HALF, _D), jnp.float32),
        pltpu.SemaphoreType.DMA,
        pltpu.SemaphoreType.DMA((3,)),
        pltpu.SemaphoreType.DMA((3,)),
    ],
)()


def _mean3_body(a_ref, b_ref, c_ref, o_ref):
    o_ref[...] = (a_ref[...] + b_ref[...] + c_ref[...]) * jnp.float32(1.0 / 3.0)


def _mean3(a, b, c):
    rows = a.shape[0]
    blk = 2000
    return pl.pallas_call(
        _mean3_body,
        out_shape=jax.ShapeDtypeStruct(a.shape, jnp.float32),
        grid=(rows // blk,),
        in_specs=[pl.BlockSpec((blk, _D), lambda i: (i, 0))] * 3,
        out_specs=pl.BlockSpec((blk, _D), lambda i: (i, 0)),
    )(a, b, c)


def kernel(user_emb, item_emb, edge_index, edge_weight):
    gap = jnp.zeros((_GAP, _D), jnp.float32)
    ego0 = jnp.concatenate([user_emb, gap, item_emb, gap], axis=0)
    pad = _E_PAD - _E
    srcp = jnp.pad(edge_index[0], (0, pad))
    dstp = jnp.pad(edge_index[1], (0, pad))
    wp = jnp.pad(edge_weight, (0, pad))
    zh = jnp.zeros((_PAD_HALF, _D), jnp.float32)

    ego1 = _layer(ego0, srcp, dstp, wp, zh)
    ego2 = _layer(ego1, srcp, dstp, wp, zh)
    ego3 = _layer(ego2, srcp, dstp, wp, zh)

    u = _mean3(ego1[:_USERS], ego2[:_USERS], ego3[:_USERS])
    v = _mean3(ego1[_PAD_HALF:_PAD_HALF + _ITEMS],
               ego2[_PAD_HALF:_PAD_HALF + _ITEMS],
               ego3[_PAD_HALF:_PAD_HALF + _ITEMS])
    return (u, v)

# --- scband reference (transcript-rebuilt; emitter-appended) ---
"""Pipeline reference for scband-dahnrec-encoder-90941637525622 (READ-ONLY COPY).

The authoritative reference and input builder live on the scoring server;
editing this copy changes nothing except your own understanding.
"""

import jax, jax.numpy as jnp
import numpy as np

USER_NUM = 50000
ITEM_NUM = 50000
N_EDGES = 1600000
EMB = 32
N_LAYERS = 3
LAYER_CL = 1

def setup_inputs(seed: int = 0) -> dict:
    key = jax.random.key(seed)
    k1, k2, k3, k4 = jax.random.split(key, 4)
    user_emb = jax.random.normal(k1, (USER_NUM, EMB), dtype=jnp.float32)
    item_emb = jax.random.normal(k2, (ITEM_NUM, EMB), dtype=jnp.float32)
    edge_index = jax.random.randint(k3, (2, N_EDGES), 0, USER_NUM + ITEM_NUM, dtype=jnp.int64 if jax.config.read('jax_enable_x64') else jnp.int32).astype(jnp.int32)
    edge_weight = jax.random.uniform(k4, (N_EDGES,), dtype=jnp.float32)
    return {"user_emb": user_emb, "item_emb": item_emb, "edge_index": edge_index, "edge_weight": edge_weight}

def reference(user_emb, item_emb, edge_index, edge_weight):
    # Faithful translation of DAHNRec_Encoder.forward(perturbed=False).
    # torch.sparse.mm(sparse_norm_adj, ego) is expressed edge-wise:
    #   out[dst] = sum_{edges e: dst(e)=dst} w(e) * ego[src(e)]
    N = USER_NUM + ITEM_NUM
    ego = jnp.concatenate([user_emb, item_emb], axis=0)
    src = edge_index[0]
    dst = edge_index[1]
    all_embeddings = []
    all_embeddings_cl = ego
    for k in range(N_LAYERS):
        msgs = jnp.take(ego, src, axis=0) * edge_weight[:, None]
        ego = jax.ops.segment_sum(msgs, dst, num_segments=N)
        all_embeddings.append(ego)
        if k == LAYER_CL - 1:
            all_embeddings_cl = ego
    final_embeddings = jnp.mean(jnp.stack(all_embeddings, axis=1), axis=1)
    user_all = final_embeddings[:USER_NUM]
    item_all = final_embeddings[USER_NUM:]
    # perturbed=False -> return (user_all_embeddings, item_all_embeddings)
    return (user_all, item_all)

if __name__ == "__main__":
    import jax
    _d = setup_inputs()
    print(jax.jit(kernel)(*tuple(_d.values())))

</pallas_src>

<mosaic_0001>
#map = affine_map<(d0, d1) -> (0, 0)>
#map1 = affine_map<(d0, d1) -> (0)>
module attributes {stable_mosaic.version = 14 : i64} {
  func.func @_layer_body(%arg0: i32, %arg1: i32, %arg2: memref<100096x32xf32, #tpu.memory_space<hbm>>, %arg3: memref<1605632xi32, #tpu.memory_space<hbm>>, %arg4: memref<1605632xi32, #tpu.memory_space<hbm>>, %arg5: memref<1605632xf32, #tpu.memory_space<hbm>>, %arg6: memref<50048x32xf32, #tpu.memory_space<hbm>>, %arg7: memref<100096x32xf32, #tpu.memory_space<hbm>>, %arg8: memref<2x1024xi32, #tpu.memory_space<vmem>>, %arg9: memref<2x1024xi32, #tpu.memory_space<vmem>>, %arg10: memref<2x1024xf32, #tpu.memory_space<vmem>>, %arg11: memref<3x128xi32, #tpu.memory_space<vmem>>, %arg12: memref<3x128xi32, #tpu.memory_space<vmem>>, %arg13: memref<3x128xf32, #tpu.memory_space<vmem>>, %arg14: memref<3x128x32xf32, #tpu.memory_space<vmem>>, %arg15: memref<50048x32xf32, #tpu.memory_space<vmem_shared>>, %arg16: memref<!tpu.dma_semaphore, #tpu.memory_space<semaphore_mem>>, %arg17: memref<3x!tpu.dma_semaphore, #tpu.memory_space<semaphore_mem>>, %arg18: memref<3x!tpu.dma_semaphore, #tpu.memory_space<semaphore_mem>>) attributes {dimension_semantics = [#tpu.dimension_semantics<core_parallel>, #tpu.dimension_semantics<subcore_parallel>], iteration_bounds = array<i64: 2, 16>, scalar_prefetch = 0 : i64, scratch_operands = 11 : i64, tpu.core_type = #tpu.core_type<sc_vector_subcore>, window_params = [{transform_indices = #map}, {transform_indices = #map1}, {transform_indices = #map1}, {transform_indices = #map1}, {transform_indices = #map}, {transform_indices = #map}]} {
    %mul3A = arith.constant 50000 : i32
    %mul3A_0 = arith.muli %arg0, %mul3A : i32
    %mul3A_1 = arith.constant 3128 : i32
    %mul3A_2 = arith.muli %arg1, %mul3A_1 : i32
    "tpu.region"() ({
      %run_scoped3A = tpu.sem_alloc : memref<!tpu.dma_semaphore, #tpu.memory_space<semaphore_mem>>
      %dma_start3A_61 = arith.constant 0 : i32
      %dma_start3A_62 = tpu.memref_slice %arg15[%mul3A_2, %dma_start3A_61] : memref<50048x32xf32, #tpu.memory_space<vmem_shared>> -> memref<3128x32xf32, #tpu.memory_space<vmem_shared>>
      %dma_start3A_63 = arith.constant 0 : i32
      %dma_start3A_64 = tpu.memref_slice %arg6[%mul3A_2, %dma_start3A_63] : memref<50048x32xf32, #tpu.memory_space<hbm>> -> memref<3128x32xf32, #tpu.memory_space<hbm>>
      tpu.enqueue_dma source(%dma_start3A_64 : memref<3128x32xf32, #tpu.memory_space<hbm>>) target(%dma_start3A_62 : memref<3128x32xf32, #tpu.memory_space<vmem_shared>>) target_semaphore(%run_scoped3A : memref<!tpu.dma_semaphore, #tpu.memory_space<semaphore_mem>>)
      %dma_wait3A = arith.constant 0 : i32
      %dma_wait3A_65 = tpu.memref_slice %arg15[%mul3A_2, %dma_wait3A] : memref<50048x32xf32, #tpu.memory_space<vmem_shared>> -> memref<3128x32xf32, #tpu.memory_space<vmem_shared>>
      %dma_wait3A_66 = arith.constant 0 : i32
      %dma_wait3A_67 = tpu.memref_slice %arg6[%mul3A_2, %dma_wait3A_66] : memref<50048x32xf32, #tpu.memory_space<hbm>> -> memref<3128x32xf32, #tpu.memory_space<hbm>>
      tpu.wait_dma2 semaphore(%run_scoped3A : memref<!tpu.dma_semaphore, #tpu.memory_space<semaphore_mem>>) src(%dma_wait3A_67 : memref<3128x32xf32, #tpu.memory_space<hbm>>) dst(%dma_wait3A_65 : memref<3128x32xf32, #tpu.memory_space<vmem_shared>>)
      tpu.yield
    }) : () -> ()
    %barrier3A = arith.constant 0 : index
    tpu.barrier barrier_id(%barrier3A)
    %mul3A_3 = arith.constant 100352 : i32
    %mul3A_4 = arith.muli %arg1, %mul3A_3 : i32
    %iota3A = tpu.iota {dimensions = array<i32: 0>} : vector<16xi32>
    %add3A = arith.constant 0 : i32
    %add3A_5 = arith.addi %mul3A_4, %add3A : i32
    %dma_start3A = arith.constant 0 : i32
    %dma_start3A_6 = arith.constant 0 : i32
    %dma_start3A_7 = tpu.memref_slice %arg8[%dma_start3A, %dma_start3A_6] : memref<2x1024xi32, #tpu.memory_space<vmem>> -> memref<1x1024xi32, #tpu.memory_space<vmem>>
    %dma_start3A_8 = tpu.memref_squeeze %dma_start3A_7 : memref<1x1024xi32, #tpu.memory_space<vmem>> -> memref<1024xi32, #tpu.memory_space<vmem>>
    %dma_start3A_9 = tpu.memref_slice %arg3[%add3A_5] : memref<1605632xi32, #tpu.memory_space<hbm>> -> memref<1024xi32, #tpu.memory_space<hbm>>
    %dma_start3A_10 = arith.constant 0 : i32
    %dma_start3A_11 = tpu.memref_slice %arg8[%dma_start3A, %dma_start3A_10] : memref<2x1024xi32, #tpu.memory_space<vmem>> -> memref<1x1024xi32, #tpu.memory_space<vmem>>
    %dma_start3A_12 = tpu.memref_squeeze %dma_start3A_11 : memref<1x1024xi32, #tpu.memory_space<vmem>> -> memref<1024xi32, #tpu.memory_space<vmem>>
    %dma_start3A_13 = tpu.memref_slice %arg3[%add3A_5] : memref<1605632xi32, #tpu.memory_space<hbm>> -> memref<1024xi32, #tpu.memory_space<hbm>>
    tpu.enqueue_dma source(%dma_start3A_13 : memref<1024xi32, #tpu.memory_space<hbm>>) target(%dma_start3A_12 : memref<1024xi32, #tpu.memory_space<vmem>>) target_semaphore(%arg16 : memref<!tpu.dma_semaphore, #tpu.memory_space<semaphore_mem>>)
    %dma_start3A_14 = arith.constant 0 : i32
    %dma_start3A_15 = arith.constant 0 : i32
    %dma_start3A_16 = tpu.memref_slice %arg9[%dma_start3A_14, %dma_start3A_15] : memref<2x1024xi32, #tpu.memory_space<vmem>> -> memref<1x1024xi32, #tpu.memory_space<vmem>>
    %dma_start3A_17 = tpu.memref_squeeze %dma_start3A_16 : memref<1x1024xi32, #tpu.memory_space<vmem>> -> memref<1024xi32, #tpu.memory_space<vmem>>
    %dma_start3A_18 = tpu.memref_slice %arg4[%add3A_5] : memref<1605632xi32, #tpu.memory_space<hbm>> -> memref<1024xi32, #tpu.memory_space<hbm>>
    %dma_start3A_19 = arith.constant 0 : i32
    %dma_start3A_20 = tpu.memref_slice %arg9[%dma_start3A_14, %dma_start3A_19] : memref<2x1024xi32, #tpu.memory_space<vmem>> -> memref<1x1024xi32, #tpu.memory_space<vmem>>
    %dma_start3A_21 = tpu.memref_squeeze %dma_start3A_20 : memref<1x1024xi32, #tpu.memory_space<vmem>> -> memref<1024xi32, #tpu.memory_space<vmem>>
    %dma_start3A_22 = tpu.memref_slice %arg4[%add3A_5] : memref<1605632xi32, #tpu.memory_space<hbm>> -> memref<1024xi32, #tpu.memory_space<hbm>>
    tpu.enqueue_dma source(%dma_start3A_22 : memref<1024xi32, #tpu.memory_space<hbm>>) target(%dma_start3A_21 : memref<1024xi32, #tpu.memory_space<vmem>>) target_semaphore(%arg16 : memref<!tpu.dma_semaphore, #tpu.memory_space<semaphore_mem>>)
    %dma_start3A_23 = arith.constant 0 : i32
    %dma_start3A_24 = arith.constant 0 : i32
    %dma_start3A_25 = tpu.memref_slice %arg10[%dma_start3A_23, %dma_start3A_24] : memref<2x1024xf32, #tpu.memory_space<vmem>> -> memref<1x1024xf32, #tpu.memory_space<vmem>>
    %dma_start3A_26 = tpu.memref_squeeze %dma_start3A_25 : memref<1x1024xf32, #tpu.memory_space<vmem>> -> memref<1024xf32, #tpu.memory_space<vmem>>
    %dma_start3A_27 = tpu.memref_slice %arg5[%add3A_5] : memref<1605632xf32, #tpu.memory_space<hbm>> -> memref<1024xf32, #tpu.memory_space<hbm>>
    %dma_start3A_28 = arith.constant 0 : i32
    %dma_start3A_29 = tpu.memref_slice %arg10[%dma_start3A_23, %dma_start3A_28] : memref<2x1024xf32, #tpu.memory_space<vmem>> -> memref<1x1024xf32, #tpu.memory_space<vmem>>
    %dma_start3A_30 = tpu.memref_squeeze %dma_start3A_29 : memref<1x1024xf32, #tpu.memory_space<vmem>> -> memref<1024xf32, #tpu.memory_space<vmem>>
    %dma_start3A_31 = tpu.memref_slice %arg5[%add3A_5] : memref<1605632xf32, #tpu.memory_space<hbm>> -> memref<1024xf32, #tpu.memory_space<hbm>>
    tpu.enqueue_dma source(%dma_start3A_31 : memref<1024xf32, #tpu.memory_space<hbm>>) target(%dma_start3A_30 : memref<1024xf32, #tpu.memory_space<vmem>>) target_semaphore(%arg16 : memref<!tpu.dma_semaphore, #tpu.memory_space<semaphore_mem>>)
    %scan3A = arith.constant 0 : i32
    %scan3A_32 = arith.constant 0 : i32
    %scan3A_33 = arith.constant 0 : i32
    %scan3A_34 = arith.constant 98 : i32
    %scan3A_35 = arith.addi %scan3A_33, %scan3A_34 : i32
    %scan3A_36 = arith.constant 1 : i32
    %scan3A_37:2 = scf.for %scan3A_61 = %scan3A_33 to %scan3A_35 step %scan3A_36 iter_args(%scan3A_62 = %scan3A, %scan3A_63 = %scan3A_32) -> (i32, i32)  : i32 {
      %rem3A = arith.constant 2 : i32
      %rem3A_64 = arith.remsi %scan3A_61, %rem3A : i32
      %dma_wait3A = arith.constant 0 : i32
      %dma_wait3A_65 = tpu.memref_slice %arg8[%rem3A_64, %dma_wait3A] : memref<2x1024xi32, #tpu.memory_space<vmem>> -> memref<1x1024xi32, #tpu.memory_space<vmem>>
      %dma_wait3A_66 = tpu.memref_squeeze %dma_wait3A_65 : memref<1x1024xi32, #tpu.memory_space<vmem>> -> memref<1024xi32, #tpu.memory_space<vmem>>
      %dma_wait3A_67 = tpu.memref_slice %arg3[%mul3A_4] : memref<1605632xi32, #tpu.memory_space<hbm>> -> memref<1024xi32, #tpu.memory_space<hbm>>
      %dma_wait3A_68 = arith.constant 0 : i32
      %dma_wait3A_69 = tpu.memref_slice %arg8[%rem3A_64, %dma_wait3A_68] : memref<2x1024xi32, #tpu.memory_space<vmem>> -> memref<1x1024xi32, #tpu.memory_space<vmem>>
      %dma_wait3A_70 = tpu.memref_squeeze %dma_wait3A_69 : memref<1x1024xi32, #tpu.memory_space<vmem>> -> memref<1024xi32, #tpu.memory_space<vmem>>
      %dma_wait3A_71 = tpu.memref_slice %arg3[%mul3A_4] : memref<1605632xi32, #tpu.memory_space<hbm>> -> memref<1024xi32, #tpu.memory_space<hbm>>
      tpu.wait_dma2 semaphore(%arg16 : memref<!tpu.dma_semaphore, #tpu.memory_space<semaphore_mem>>) src(%dma_wait3A_71 : memref<1024xi32, #tpu.memory_space<hbm>>) dst(%dma_wait3A_70 : memref<1024xi32, #tpu.memory_space<vmem>>)
      %dma_wait3A_72 = arith.constant 0 : i32
      %dma_wait3A_73 = tpu.memref_slice %arg9[%rem3A_64, %dma_wait3A_72] : memref<2x1024xi32, #tpu.memory_space<vmem>> -> memref<1x1024xi32, #tpu.memory_space<vmem>>
      %dma_wait3A_74 = tpu.memref_squeeze %dma_wait3A_73 : memref<1x1024xi32, #tpu.memory_space<vmem>> -> memref<1024xi32, #tpu.memory_space<vmem>>
      %dma_wait3A_75 = tpu.memref_slice %arg4[%mul3A_4] : memref<1605632xi32, #tpu.memory_space<hbm>> -> memref<1024xi32, #tpu.memory_space<hbm>>
      %dma_wait3A_76 = arith.constant 0 : i32
      %dma_wait3A_77 = tpu.memref_slice %arg9[%rem3A_64, %dma_wait3A_76] : memref<2x1024xi32, #tpu.memory_space<vmem>> -> memref<1x1024xi32, #tpu.memory_space<vmem>>
      %dma_wait3A_78 = tpu.memref_squeeze %dma_wait3A_77 : memref<1x1024xi32, #tpu.memory_space<vmem>> -> memref<1024xi32, #tpu.memory_space<vmem>>
      %dma_wait3A_79 = tpu.memref_slice %arg4[%mul3A_4] : memref<1605632xi32, #tpu.memory_space<hbm>> -> memref<1024xi32, #tpu.memory_space<hbm>>
      tpu.wait_dma2 semaphore(%arg16 : memref<!tpu.dma_semaphore, #tpu.memory_space<semaphore_mem>>) src(%dma_wait3A_79 : memref<1024xi32, #tpu.memory_space<hbm>>) dst(%dma_wait3A_78 : memref<1024xi32, #tpu.memory_space<vmem>>)
      %dma_wait3A_80 = arith.constant 0 : i32
      %dma_wait3A_81 = tpu.memref_slice %arg10[%rem3A_64, %dma_wait3A_80] : memref<2x1024xf32, #tpu.memory_space<vmem>> -> memref<1x1024xf32, #tpu.memory_space<vmem>>
      %dma_wait3A_82 = tpu.memref_squeeze %dma_wait3A_81 : memref<1x1024xf32, #tpu.memory_space<vmem>> -> memref<1024xf32, #tpu.memory_space<vmem>>
      %dma_wait3A_83 = tpu.memref_slice %arg5[%mul3A_4] : memref<1605632xf32, #tpu.memory_space<hbm>> -> memref<1024xf32, #tpu.memory_space<hbm>>
      %dma_wait3A_84 = arith.constant 0 : i32
      %dma_wait3A_85 = tpu.memref_slice %arg10[%rem3A_64, %dma_wait3A_84] : memref<2x1024xf32, #tpu.memory_space<vmem>> -> memref<1x1024xf32, #tpu.memory_space<vmem>>
      %dma_wait3A_86 = tpu.memref_squeeze %dma_wait3A_85 : memref<1x1024xf32, #tpu.memory_space<vmem>> -> memref<1024xf32, #tpu.memory_space<vmem>>
      %dma_wait3A_87 = tpu.memref_slice %arg5[%mul3A_4] : memref<1605632xf32, #tpu.memory_space<hbm>> -> memref<1024xf32, #tpu.memory_space<hbm>>
      tpu.wait_dma2 semaphore(%arg16 : memref<!tpu.dma_semaphore, #tpu.memory_space<semaphore_mem>>) src(%dma_wait3A_87 : memref<1024xf32, #tpu.memory_space<hbm>>) dst(%dma_wait3A_86 : memref<1024xf32, #tpu.memory_space<vmem>>)
      %add3A_88 = arith.constant 1 : i32
      %add3A_89 = arith.addi %scan3A_61, %add3A_88 : i32
      %lt3A = arith.constant 98 : i32
      %lt3A_90 = arith.cmpi slt, %add3A_89, %lt3A : i32
      %convert_element_type3A_91 = arith.extui %lt3A_90 : i1 to i32
      %cond3A_92 = arith.constant 0 : i32
      %cond3A_93 = arith.cmpi ne, %convert_element_type3A_91, %cond3A_92 : i32
      scf.if %cond3A_93 {
        %add3A_122 = arith.constant 1 : i32
        %add3A_123 = arith.addi %scan3A_61, %add3A_122 : i32
        %sub3A_124 = arith.constant 1 : i32
        %sub3A_125 = arith.subi %sub3A_124, %rem3A_64 : i32
        %mul3A_126 = arith.constant 1024 : i32
        %mul3A_127 = arith.muli %add3A_123, %mul3A_126 : i32
        %add3A_128 = arith.addi %mul3A_4, %mul3A_127 : i32
        %dma_start3A_129 = arith.constant 0 : i32
        %dma_start3A_130 = tpu.memref_slice %arg8[%sub3A_125, %dma_start3A_129] : memref<2x1024xi32, #tpu.memory_space<vmem>> -> memref<1x1024xi32, #tpu.memory_space<vmem>>
        %dma_start3A_131 = tpu.memref_squeeze %dma_start3A_130 : memref<1x1024xi32, #tpu.memory_space<vmem>> -> memref<1024xi32, #tpu.memory_space<vmem>>
        %dma_start3A_132 = tpu.memref_slice %arg3[%add3A_128] : memref<1605632xi32, #tpu.memory_space<hbm>> -> memref<1024xi32, #tpu.memory_space<hbm>>
        %dma_start3A_133 = arith.constant 0 : i32
        %dma_start3A_134 = tpu.memref_slice %arg8[%sub3A_125, %dma_start3A_133] : memref<2x1024xi32, #tpu.memory_space<vmem>> -> memref<1x1024xi32, #tpu.memory_space<vmem>>
        %dma_start3A_135 = tpu.memref_squeeze %dma_start3A_134 : memref<1x1024xi32, #tpu.memory_space<vmem>> -> memref<1024xi32, #tpu.memory_space<vmem>>
        %dma_start3A_136 = tpu.memref_slice %arg3[%add3A_128] : memref<1605632xi32, #tpu.memory_space<hbm>> -> memref<1024xi32, #tpu.memory_space<hbm>>
        tpu.enqueue_dma source(%dma_start3A_136 : memref<1024xi32, #tpu.memory_space<hbm>>) target(%dma_start3A_135 : memref<1024xi32, #tpu.memory_space<vmem>>) target_semaphore(%arg16 : memref<!tpu.dma_semaphore, #tpu.memory_space<semaphore_mem>>)
        %dma_start3A_137 = arith.constant 0 : i32
        %dma_start3A_138 = tpu.memref_slice %arg9[%sub3A_125, %dma_start3A_137] : memref<2x1024xi32, #tpu.memory_space<vmem>> -> memref<1x1024xi32, #tpu.memory_space<vmem>>
        %dma_start3A_139 = tpu.memref_squeeze %dma_start3A_138 : memref<1x1024xi32, #tpu.memory_space<vmem>> -> memref<1024xi32, #tpu.memory_space<vmem>>
        %dma_start3A_140 = tpu.memref_slice %arg4[%add3A_128] : memref<1605632xi32, #tpu.memory_space<hbm>> -> memref<1024xi32, #tpu.memory_space<hbm>>
        %dma_start3A_141 = arith.constant 0 : i32
        %dma_start3A_142 = tpu.memref_slice %arg9[%sub3A_125, %dma_start3A_141] : memref<2x1024xi32, #tpu.memory_space<vmem>> -> memref<1x1024xi32, #tpu.memory_space<vmem>>
        %dma_start3A_143 = tpu.memref_squeeze %dma_start3A_142 : memref<1x1024xi32, #tpu.memory_space<vmem>> -> memref<1024xi32, #tpu.memory_space<vmem>>
        %dma_start3A_144 = tpu.memref_slice %arg4[%add3A_128] : memref<1605632xi32, #tpu.memory_space<hbm>> -> memref<1024xi32, #tpu.memory_space<hbm>>
        tpu.enqueue_dma source(%dma_start3A_144 : memref<1024xi32, #tpu.memory_space<hbm>>) target(%dma_start3A_143 : memref<1024xi32, #tpu.memory_space<vmem>>) target_semaphore(%arg16 : memref<!tpu.dma_semaphore, #tpu.memory_space<semaphore_mem>>)
        %dma_start3A_145 = arith.constant 0 : i32
        %dma_start3A_146 = tpu.memref_slice %arg10[%sub3A_125, %dma_start3A_145] : memref<2x1024xf32, #tpu.memory_space<vmem>> -> memref<1x1024xf32, #tpu.memory_space<vmem>>
        %dma_start3A_147 = tpu.memref_squeeze %dma_start3A_146 : memref<1x1024xf32, #tpu.memory_space<vmem>> -> memref<1024xf32, #tpu.memory_space<vmem>>
        %dma_start3A_148 = tpu.memref_slice %arg5[%add3A_128] : memref<1605632xf32, #tpu.memory_space<hbm>> -> memref<1024xf32, #tpu.memory_space<hbm>>
        %dma_start3A_149 = arith.constant 0 : i32
        %dma_start3A_150 = tpu.memref_slice %arg10[%sub3A_125, %dma_start3A_149] : memref<2x1024xf32, #tpu.memory_space<vmem>> -> memref<1x1024xf32, #tpu.memory_space<vmem>>
        %dma_start3A_151 = tpu.memref_squeeze %dma_start3A_150 : memref<1x1024xf32, #tpu.memory_space<vmem>> -> memref<1024xf32, #tpu.memory_space<vmem>>
        %dma_start3A_152 = tpu.memref_slice %arg5[%add3A_128] : memref<1605632xf32, #tpu.memory_space<hbm>> -> memref<1024xf32, #tpu.memory_space<hbm>>
        tpu.enqueue_dma source(%dma_start3A_152 : memref<1024xf32, #tpu.memory_space<hbm>>) target(%dma_start3A_151 : memref<1024xf32, #tpu.memory_space<vmem>>) target_semaphore(%arg16 : memref<!tpu.dma_semaphore, #tpu.memory_space<semaphore_mem>>)
      } else {
      }
      %rem3A_94 = arith.constant 3 : i32
      %rem3A_95 = arith.remsi %scan3A_62, %rem3A_94 : i32
      %scan3A_96 = arith.constant 0 : i32
      %scan3A_97 = arith.constant 0 : i32
      %scan3A_98 = arith.constant 8 : i32
      %scan3A_99 = arith.addi %scan3A_97, %scan3A_98 : i32
      %scan3A_100 = arith.constant 1 : i32
      scf.for %scan3A_122 = %scan3A_97 to %scan3A_99 step %scan3A_100  : i32 {
        %mul3A_123 = arith.constant 16 : i32
        %mul3A_124 = arith.muli %scan3A_122, %mul3A_123 : i32
        %add3A_125 = arith.constant 0 : i32
        %add3A_126 = arith.addi %add3A_125, %mul3A_124 : i32
        %mul3A_127 = arith.constant 16 : i32
        %mul3A_128 = arith.muli %scan3A_122, %mul3A_127 : i32
        %get3A = arith.index_cast %rem3A_64 : i32 to index
        %get3A_129 = arith.index_cast %add3A_126 : i32 to index
        %get3A_130 = tpu.vector_load %arg8[%get3A, %get3A_129] {strides = array<i32>} : memref<2x1024xi32, #tpu.memory_space<vmem>>, vector<1x16xi32>,
        %get3A_131 = vector.shape_cast %get3A_130 : vector<1x16xi32> to vector<16xi32>
        %get3A_132 = arith.index_cast %rem3A_64 : i32 to index
        %get3A_133 = arith.index_cast %add3A_126 : i32 to index
        %get3A_134 = tpu.vector_load %arg9[%get3A_132, %get3A_133] {strides = array<i32>} : memref<2x1024xi32, #tpu.memory_space<vmem>>, vector<1x16xi32>,
        %get3A_135 = vector.shape_cast %get3A_134 : vector<1x16xi32> to vector<16xi32>
        %get3A_136 = arith.index_cast %rem3A_64 : i32 to index
        %get3A_137 = arith.index_cast %add3A_126 : i32 to index
        %get3A_138 = tpu.vector_load %arg10[%get3A_136, %get3A_137] {strides = array<i32>} : memref<2x1024xf32, #tpu.memory_space<vmem>>, vector<1x16xf32>,
        %get3A_139 = vector.shape_cast %get3A_138 : vector<1x16xf32> to vector<16xf32>
        %ge3A_140 = arith.constant 50000 : i32
        %ge3A_141 = vector.broadcast %ge3A_140 : i32 to vector<16xi32>
        %ge3A_142 = arith.cmpi sge, %get3A_131, %ge3A_141 : vector<16xi32>
        %add3A_143 = arith.constant 48 : i32
        %add3A_144 = vector.broadcast %add3A_143 : i32 to vector<16xi32>
        %add3A_145 = arith.addi %get3A_131, %add3A_144 : vector<16xi32>
        %select_n3A = arith.select %ge3A_142, %add3A_145, %get3A_131 : vector<16xi1>, vector<16xi32>
        %swap3A = arith.index_cast %rem3A_95 : i32 to index
        %swap3A_146 = arith.index_cast %mul3A_128 : i32 to index
        %swap3A_147 = tpu.vector_load %arg11[%swap3A, %swap3A_146] {strides = array<i32>} : memref<3x128xi32, #tpu.memory_space<vmem>>, vector<1x16xi32>,
        %swap3A_148 = vector.shape_cast %swap3A_147 : vector<1x16xi32> to vector<16xi32>
        %swap3A_149 = vector.shape_cast %select_n3A : vector<16xi32> to vector<1x16xi32>
        tpu.vector_store %arg11[%swap3A, %swap3A_146], %swap3A_149 {strides = array<i32>} : memref<3x128xi32, #tpu.memory_space<vmem>>, vector<1x16xi32>,
        %sub3A_150 = vector.broadcast %mul3A_0 : i32 to vector<16xi32>
        %sub3A_151 = arith.subi %get3A_135, %sub3A_150 : vector<16xi32>
        %ge3A_152 = arith.constant 0 : i32
        %ge3A_153 = vector.broadcast %ge3A_152 : i32 to vector<16xi32>
        %ge3A_154 = arith.cmpi sge, %sub3A_151, %ge3A_153 : vector<16xi32>
        %lt3A_155 = arith.constant 50000 : i32
        %lt3A_156 = vector.broadcast %lt3A_155 : i32 to vector<16xi32>
        %lt3A_157 = arith.cmpi slt, %sub3A_151, %lt3A_156 : vector<16xi32>
        %and3A_158 = arith.andi %ge3A_154, %lt3A_157 : vector<16xi1>
        %add3A_159 = vector.broadcast %scan3A_122 : i32 to vector<16xi32>
        %add3A_160 = arith.addi %iota3A, %add3A_159 : vector<16xi32>
        %and3A_161 = arith.constant 31 : i32
        %and3A_162 = vector.broadcast %and3A_161 : i32 to vector<16xi32>
        %and3A_163 = arith.andi %add3A_160, %and3A_162 : vector<16xi32>
        %add3A_164 = arith.constant 50000 : i32
        %add3A_165 = vector.broadcast %add3A_164 : i32 to vector<16xi32>
        %add3A_166 = arith.addi %add3A_165, %and3A_163 : vector<16xi32>
        %select_n3A_167 = arith.select %and3A_158, %sub3A_151, %add3A_166 : vector<16xi1>, vector<16xi32>
        %swap3A_168 = arith.index_cast %rem3A_95 : i32 to index
        %swap3A_169 = arith.index_cast %mul3A_128 : i32 to index
        %swap3A_170 = tpu.vector_load %arg12[%swap3A_168, %swap3A_169] {strides = array<i32>} : memref<3x128xi32, #tpu.memory_space<vmem>>, vector<1x16xi32>,
        %swap3A_171 = vector.shape_cast %swap3A_170 : vector<1x16xi32> to vector<16xi32>
        %swap3A_172 = vector.shape_cast %select_n3A_167 : vector<16xi32> to vector<1x16xi32>
        tpu.vector_store %arg12[%swap3A_168, %swap3A_169], %swap3A_172 {strides = array<i32>} : memref<3x128xi32, #tpu.memory_space<vmem>>, vector<1x16xi32>,
        %jit3A = arith.constant 0.000000e+00 : f32
        %broadcast_in_dim3A = vector.broadcast %jit3A : f32 to vector<16xf32>
        %select_n3A_173 = arith.select %and3A_158, %get3A_139, %broadcast_in_dim3A : vector<16xi1>, vector<16xf32>
        %swap3A_174 = arith.index_cast %rem3A_95 : i32 to index
        %swap3A_175 = arith.index_cast %mul3A_128 : i32 to index
        %swap3A_176 = tpu.vector_load %arg13[%swap3A_174, %swap3A_175] {strides = array<i32>} : memref<3x128xf32, #tpu.memory_space<vmem>>, vector<1x16xf32>,
        %swap3A_177 = vector.shape_cast %swap3A_176 : vector<1x16xf32> to vector<16xf32>
        %swap3A_178 = vector.shape_cast %select_n3A_173 : vector<16xf32> to vector<1x16xf32>
        tpu.vector_store %arg13[%swap3A_174, %swap3A_175], %swap3A_178 {strides = array<i32>} : memref<3x128xf32, #tpu.memory_space<vmem>>, vector<1x16xf32>,
      }
      %scan3A_101 = arith.constant 8 : i32
      %rem3A_102 = arith.constant 3 : i32
      %rem3A_103 = arith.remsi %scan3A_62, %rem3A_102 : i32
      %dma_start3A_104 = arith.constant 0 : i32
      %dma_start3A_105 = arith.constant 0 : i32
      %dma_start3A_106 = tpu.memref_slice %arg14[%rem3A_103, %dma_start3A_104, %dma_start3A_105] : memref<3x128x32xf32, #tpu.memory_space<vmem>> -> memref<1x128x32xf32, #tpu.memory_space<vmem>>
      %dma_start3A_107 = tpu.memref_squeeze %dma_start3A_106 : memref<1x128x32xf32, #tpu.memory_space<vmem>> -> memref<128x32xf32, #tpu.memory_space<vmem>>
      %dma_start3A_108 = arith.constant 0 : i32
      %dma_start3A_109 = tpu.memref_slice %arg11[%rem3A_103, %dma_start3A_108] : memref<3x128xi32, #tpu.memory_space<vmem>> -> memref<1x128xi32, #tpu.memory_space<vmem>>
      %dma_start3A_110 = tpu.memref_squeeze %dma_start3A_109 : memref<1x128xi32, #tpu.memory_space<vmem>> -> memref<128xi32, #tpu.memory_space<vmem>>
      %dma_start3A_111 = arith.constant 0 : i32
      %dma_start3A_112 = arith.constant 0 : i32
      %dma_start3A_113 = tpu.memref_slice %arg2[%dma_start3A_111, %dma_start3A_112] : memref<100096x32xf32, #tpu.memory_space<hbm>> -> memref<100096x32xf32, #tpu.memory_space<hbm>>
      %dma_start3A_114 = tpu.memref_slice %arg17[%rem3A_103] : memref<3x!tpu.dma_semaphore, #tpu.memory_space<semaphore_mem>> -> memref<1x!tpu.dma_semaphore, #tpu.memory_space<semaphore_mem>>
      %dma_start3A_115 = tpu.memref_squeeze %dma_start3A_114 : memref<1x!tpu.dma_semaphore, #tpu.memory_space<semaphore_mem>> -> memref<!tpu.dma_semaphore, #tpu.memory_space<semaphore_mem>>
      tpu.enqueue_indirect_dma source(%dma_start3A_113 : memref<100096x32xf32, #tpu.memory_space<hbm>>) target(%dma_start3A_107 : memref<128x32xf32, #tpu.memory_space<vmem>>) offsets(%dma_start3A_110 : memref<128xi32, #tpu.memory_space<vmem>>) semaphore(%dma_start3A_115 : memref<!tpu.dma_semaphore, #tpu.memory_space<semaphore_mem>>)
      %scan3A_116 = arith.constant 0 : i32
      %scan3A_117 = arith.constant 8 : i32
      %scan3A_118 = arith.addi %scan3A_116, %scan3A_117 : i32
      %scan3A_119 = arith.constant 1 : i32
      %scan3A_120:2 = scf.for %scan3A_122 = %scan3A_116 to %scan3A_118 step %scan3A_119 iter_args(%scan3A_123 = %scan3A_62, %scan3A_124 = %scan3A_63) -> (i32, i32)  : i32 {
        %rem3A_125 = arith.constant 3 : i32
        %rem3A_126 = arith.remsi %scan3A_123, %rem3A_125 : i32
        %add3A_127 = arith.constant 1 : i32
        %add3A_128 = arith.addi %scan3A_123, %add3A_127 : i32
        %rem3A_129 = arith.constant 3 : i32
        %rem3A_130 = arith.remsi %add3A_128, %rem3A_129 : i32
        %sub3A_131 = arith.constant 2 : i32
        %sub3A_132 = arith.subi %scan3A_123, %sub3A_131 : i32
        %ge3A_133 = arith.constant 0 : i32
        %ge3A_134 = arith.cmpi sge, %sub3A_132, %ge3A_133 : i32
        %ge3A_135 = arith.cmpi sge, %sub3A_132, %scan3A_124 : i32
        %and3A_136 = arith.andi %ge3A_134, %ge3A_135 : i1
        %convert_element_type3A_137 = arith.extui %and3A_136 : i1 to i32
        %cond3A_138 = arith.constant 0 : i32
        %cond3A_139 = arith.cmpi ne, %convert_element_type3A_137, %cond3A_138 : i32
        scf.if %cond3A_139 {
          %rem3A_182 = arith.constant 3 : i32
          %rem3A_183 = arith.remsi %sub3A_132, %rem3A_182 : i32
          %rem3A_184 = arith.constant 3 : i32
          %rem3A_185 = arith.remsi %sub3A_132, %rem3A_184 : i32
          %rem3A_186 = arith.constant 3 : i32
          %rem3A_187 = arith.remsi %sub3A_132, %rem3A_186 : i32
          %dma_wait3A_188 = arith.constant 0 : i32
          %dma_wait3A_189 = arith.constant 0 : i32
          %dma_wait3A_190 = tpu.memref_slice %arg14[%rem3A_183, %dma_wait3A_188, %dma_wait3A_189] : memref<3x128x32xf32, #tpu.memory_space<vmem>> -> memref<1x128x32xf32, #tpu.memory_space<vmem>>
          %dma_wait3A_191 = tpu.memref_squeeze %dma_wait3A_190 : memref<1x128x32xf32, #tpu.memory_space<vmem>> -> memref<128x32xf32, #tpu.memory_space<vmem>>
          %dma_wait3A_192 = arith.constant 0 : i32
          %dma_wait3A_193 = tpu.memref_slice %arg12[%rem3A_185, %dma_wait3A_192] : memref<3x128xi32, #tpu.memory_space<vmem>> -> memref<1x128xi32, #tpu.memory_space<vmem>>
          %dma_wait3A_194 = tpu.memref_squeeze %dma_wait3A_193 : memref<1x128xi32, #tpu.memory_space<vmem>> -> memref<128xi32, #tpu.memory_space<vmem>>
          %dma_wait3A_195 = arith.constant 0 : i32
          %dma_wait3A_196 = arith.constant 0 : i32
          %dma_wait3A_197 = tpu.memref_slice %arg15[%dma_wait3A_195, %dma_wait3A_196] : memref<50048x32xf32, #tpu.memory_space<vmem_shared>> -> memref<50048x32xf32, #tpu.memory_space<vmem_shared>>
          %dma_wait3A_198 = tpu.memref_slice %arg18[%rem3A_187] : memref<3x!tpu.dma_semaphore, #tpu.memory_space<semaphore_mem>> -> memref<1x!tpu.dma_semaphore, #tpu.memory_space<semaphore_mem>>
          %dma_wait3A_199 = tpu.memref_squeeze %dma_wait3A_198 : memref<1x!tpu.dma_semaphore, #tpu.memory_space<semaphore_mem>> -> memref<!tpu.dma_semaphore, #tpu.memory_space<semaphore_mem>>
          tpu.wait_indirect_dma semaphore(%dma_wait3A_199 : memref<!tpu.dma_semaphore, #tpu.memory_space<semaphore_mem>>) src(%dma_wait3A_191 : memref<128x32xf32, #tpu.memory_space<vmem>>) dst(%dma_wait3A_197 : memref<50048x32xf32, #tpu.memory_space<vmem_shared>>)
        } else {
        }
        %add3A_140 = arith.constant 1 : i32
        %add3A_141 = arith.addi %sub3A_132, %add3A_140 : i32
        %max3A_142 = arith.maxsi %scan3A_124, %add3A_141 : i32
        %add3A_143 = arith.constant 1 : i32
        %add3A_144 = arith.addi %scan3A_122, %add3A_143 : i32
        %lt3A_145 = arith.constant 8 : i32
        %lt3A_146 = arith.cmpi slt, %add3A_144, %lt3A_145 : i32
        %convert_element_type3A_147 = arith.extui %lt3A_146 : i1 to i32
        %cond3A_148 = arith.constant 0 : i32
        %cond3A_149 = arith.cmpi ne, %convert_element_type3A_147, %cond3A_148 : i32
        scf.if %cond3A_149 {
          %add3A_182 = arith.constant 1 : i32
          %add3A_183 = arith.addi %scan3A_122, %add3A_182 : i32
          %scan3A_184 = arith.constant 0 : i32
          %scan3A_185 = arith.constant 0 : i32
          %scan3A_186 = arith.constant 8 : i32
          %scan3A_187 = arith.addi %scan3A_185, %scan3A_186 : i32
          %scan3A_188 = arith.constant 1 : i32
          scf.for %scan3A_202 = %scan3A_185 to %scan3A_187 step %scan3A_188  : i32 {
            %mul3A_203 = arith.constant 128 : i32
            %mul3A_204 = arith.muli %add3A_183, %mul3A_203 : i32
            %mul3A_205 = arith.constant 16 : i32
            %mul3A_206 = arith.muli %scan3A_202, %mul3A_205 : i32
            %add3A_207 = arith.addi %mul3A_204, %mul3A_206 : i32
            %mul3A_208 = arith.constant 16 : i32
            %mul3A_209 = arith.muli %scan3A_202, %mul3A_208 : i32
            %get3A = arith.index_cast %rem3A_64 : i32 to index
            %get3A_210 = arith.index_cast %add3A_207 : i32 to index
            %get3A_211 = tpu.vector_load %arg8[%get3A, %get3A_210] {strides = array<i32>} : memref<2x1024xi32, #tpu.memory_space<vmem>>, vector<1x16xi32>,
            %get3A_212 = vector.shape_cast %get3A_211 : vector<1x16xi32> to vector<16xi32>
            %get3A_213 = arith.index_cast %rem3A_64 : i32 to index
            %get3A_214 = arith.index_cast %add3A_207 : i32 to index
            %get3A_215 = tpu.vector_load %arg9[%get3A_213, %get3A_214] {strides = array<i32>} : memref<2x1024xi32, #tpu.memory_space<vmem>>, vector<1x16xi32>,
            %get3A_216 = vector.shape_cast %get3A_215 : vector<1x16xi32> to vector<16xi32>
            %get3A_217 = arith.index_cast %rem3A_64 : i32 to index
            %get3A_218 = arith.index_cast %add3A_207 : i32 to index
            %get3A_219 = tpu.vector_load %arg10[%get3A_217, %get3A_218] {strides = array<i32>} : memref<2x1024xf32, #tpu.memory_space<vmem>>, vector<1x16xf32>,
            %get3A_220 = vector.shape_cast %get3A_219 : vector<1x16xf32> to vector<16xf32>
            %ge3A_221 = arith.constant 50000 : i32
            %ge3A_222 = vector.broadcast %ge3A_221 : i32 to vector<16xi32>
            %ge3A_223 = arith.cmpi sge, %get3A_212, %ge3A_222 : vector<16xi32>
            %add3A_224 = arith.constant 48 : i32
            %add3A_225 = vector.broadcast %add3A_224 : i32 to vector<16xi32>
            %add3A_226 = arith.addi %get3A_212, %add3A_225 : vector<16xi32>
            %select_n3A = arith.select %ge3A_223, %add3A_226, %get3A_212 : vector<16xi1>, vector<16xi32>
            %swap3A = arith.index_cast %rem3A_130 : i32 to index
            %swap3A_227 = arith.index_cast %mul3A_209 : i32 to index
            %swap3A_228 = tpu.vector_load %arg11[%swap3A, %swap3A_227] {strides = array<i32>} : memref<3x128xi32, #tpu.memory_space<vmem>>, vector<1x16xi32>,
            %swap3A_229 = vector.shape_cast %swap3A_228 : vector<1x16xi32> to vector<16xi32>
            %swap3A_230 = vector.shape_cast %select_n3A : vector<16xi32> to vector<1x16xi32>
            tpu.vector_store %arg11[%swap3A, %swap3A_227], %swap3A_230 {strides = array<i32>} : memref<3x128xi32, #tpu.memory_space<vmem>>, vector<1x16xi32>,
            %sub3A_231 = vector.broadcast %mul3A_0 : i32 to vector<16xi32>
            %sub3A_232 = arith.subi %get3A_216, %sub3A_231 : vector<16xi32>
            %ge3A_233 = arith.constant 0 : i32
            %ge3A_234 = vector.broadcast %ge3A_233 : i32 to vector<16xi32>
            %ge3A_235 = arith.cmpi sge, %sub3A_232, %ge3A_234 : vector<16xi32>
            %lt3A_236 = arith.constant 50000 : i32
            %lt3A_237 = vector.broadcast %lt3A_236 : i32 to vector<16xi32>
            %lt3A_238 = arith.cmpi slt, %sub3A_232, %lt3A_237 : vector<16xi32>
            %and3A_239 = arith.andi %ge3A_235, %lt3A_238 : vector<16xi1>
            %add3A_240 = vector.broadcast %scan3A_202 : i32 to vector<16xi32>
            %add3A_241 = arith.addi %iota3A, %add3A_240 : vector<16xi32>
            %and3A_242 = arith.constant 31 : i32
            %and3A_243 = vector.broadcast %and3A_242 : i32 to vector<16xi32>
            %and3A_244 = arith.andi %add3A_241, %and3A_243 : vector<16xi32>
            %add3A_245 = arith.constant 50000 : i32
            %add3A_246 = vector.broadcast %add3A_245 : i32 to vector<16xi32>
            %add3A_247 = arith.addi %add3A_246, %and3A_244 : vector<16xi32>
            %select_n3A_248 = arith.select %and3A_239, %sub3A_232, %add3A_247 : vector<16xi1>, vector<16xi32>
            %swap3A_249 = arith.index_cast %rem3A_130 : i32 to index
            %swap3A_250 = arith.index_cast %mul3A_209 : i32 to index
            %swap3A_251 = tpu.vector_load %arg12[%swap3A_249, %swap3A_250] {strides = array<i32>} : memref<3x128xi32, #tpu.memory_space<vmem>>, vector<1x16xi32>,
            %swap3A_252 = vector.shape_cast %swap3A_251 : vector<1x16xi32> to vector<16xi32>
            %swap3A_253 = vector.shape_cast %select_n3A_248 : vector<16xi32> to vector<1x16xi32>
            tpu.vector_store %arg12[%swap3A_249, %swap3A_250], %swap3A_253 {strides = array<i32>} : memref<3x128xi32, #tpu.memory_space<vmem>>, vector<1x16xi32>,
            %jit3A = arith.constant 0.000000e+00 : f32
            %broadcast_in_dim3A = vector.broadcast %jit3A : f32 to vector<16xf32>
            %select_n3A_254 = arith.select %and3A_239, %get3A_220, %broadcast_in_dim3A : vector<16xi1>, vector<16xf32>
            %swap3A_255 = arith.index_cast %rem3A_130 : i32 to index
            %swap3A_256 = arith.index_cast %mul3A_209 : i32 to index
            %swap3A_257 = tpu.vector_load %arg13[%swap3A_255, %swap3A_256] {strides = array<i32>} : memref<3x128xf32, #tpu.memory_space<vmem>>, vector<1x16xf32>,
            %swap3A_258 = vector.shape_cast %swap3A_257 : vector<1x16xf32> to vector<16xf32>
            %swap3A_259 = vector.shape_cast %select_n3A_254 : vector<16xf32> to vector<1x16xf32>
            tpu.vector_store %arg13[%swap3A_255, %swap3A_256], %swap3A_259 {strides = array<i32>} : memref<3x128xf32, #tpu.memory_space<vmem>>, vector<1x16xf32>,
          }
          %scan3A_189 = arith.constant 8 : i32
          %dma_start3A_190 = arith.constant 0 : i32
          %dma_start3A_191 = arith.constant 0 : i32
          %dma_start3A_192 = tpu.memref_slice %arg14[%rem3A_130, %dma_start3A_190, %dma_start3A_191] : memref<3x128x32xf32, #tpu.memory_space<vmem>> -> memref<1x128x32xf32, #tpu.memory_space<vmem>>
          %dma_start3A_193 = tpu.memref_squeeze %dma_start3A_192 : memref<1x128x32xf32, #tpu.memory_space<vmem>> -> memref<128x32xf32, #tpu.memory_space<vmem>>
          %dma_start3A_194 = arith.constant 0 : i32
          %dma_start3A_195 = tpu.memref_slice %arg11[%rem3A_130, %dma_start3A_194] : memref<3x128xi32, #tpu.memory_space<vmem>> -> memref<1x128xi32, #tpu.memory_space<vmem>>
          %dma_start3A_196 = tpu.memref_squeeze %dma_start3A_195 : memref<1x128xi32, #tpu.memory_space<vmem>> -> memref<128xi32, #tpu.memory_space<vmem>>
          %dma_start3A_197 = arith.constant 0 : i32
          %dma_start3A_198 = arith.constant 0 : i32
          %dma_start3A_199 = tpu.memref_slice %arg2[%dma_start3A_197, %dma_start3A_198] : memref<100096x32xf32, #tpu.memory_space<hbm>> -> memref<100096x32xf32, #tpu.memory_space<hbm>>
          %dma_start3A_200 = tpu.memref_slice %arg17[%rem3A_130] : memref<3x!tpu.dma_semaphore, #tpu.memory_space<semaphore_mem>> -> memref<1x!tpu.dma_semaphore, #tpu.memory_space<semaphore_mem>>
          %dma_start3A_201 = tpu.memref_squeeze %dma_start3A_200 : memref<1x!tpu.dma_semaphore, #tpu.memory_space<semaphore_mem>> -> memref<!tpu.dma_semaphore, #tpu.memory_space<semaphore_mem>>
          tpu.enqueue_indirect_dma source(%dma_start3A_199 : memref<100096x32xf32, #tpu.memory_space<hbm>>) target(%dma_start3A_193 : memref<128x32xf32, #tpu.memory_space<vmem>>) offsets(%dma_start3A_196 : memref<128xi32, #tpu.memory_space<vmem>>) semaphore(%dma_start3A_201 : memref<!tpu.dma_semaphore, #tpu.memory_space<semaphore_mem>>)
        } else {
        }
        %dma_wait3A_150 = arith.constant 0 : i32
        %dma_wait3A_151 = arith.constant 0 : i32
        %dma_wait3A_152 = tpu.memref_slice %arg14[%rem3A_126, %dma_wait3A_150, %dma_wait3A_151] : memref<3x128x32xf32, #tpu.memory_space<vmem>> -> memref<1x128x32xf32, #tpu.memory_space<vmem>>
        %dma_wait3A_153 = tpu.memref_squeeze %dma_wait3A_152 : memref<1x128x32xf32, #tpu.memory_space<vmem>> -> memref<128x32xf32, #tpu.memory_space<vmem>>
        %dma_wait3A_154 = arith.constant 0 : i32
        %dma_wait3A_155 = tpu.memref_slice %arg11[%rem3A_126, %dma_wait3A_154] : memref<3x128xi32, #tpu.memory_space<vmem>> -> memref<1x128xi32, #tpu.memory_space<vmem>>
        %dma_wait3A_156 = tpu.memref_squeeze %dma_wait3A_155 : memref<1x128xi32, #tpu.memory_space<vmem>> -> memref<128xi32, #tpu.memory_space<vmem>>
        %dma_wait3A_157 = arith.constant 0 : i32
        %dma_wait3A_158 = arith.constant 0 : i32
        %dma_wait3A_159 = tpu.memref_slice %arg2[%dma_wait3A_157, %dma_wait3A_158] : memref<100096x32xf32, #tpu.memory_space<hbm>> -> memref<100096x32xf32, #tpu.memory_space<hbm>>
        %dma_wait3A_160 = tpu.memref_slice %arg17[%rem3A_126] : memref<3x!tpu.dma_semaphore, #tpu.memory_space<semaphore_mem>> -> memref<1x!tpu.dma_semaphore, #tpu.memory_space<semaphore_mem>>
        %dma_wait3A_161 = tpu.memref_squeeze %dma_wait3A_160 : memref<1x!tpu.dma_semaphore, #tpu.memory_space<semaphore_mem>> -> memref<!tpu.dma_semaphore, #tpu.memory_space<semaphore_mem>>
        tpu.wait_indirect_dma semaphore(%dma_wait3A_161 : memref<!tpu.dma_semaphore, #tpu.memory_space<semaphore_mem>>) src(%dma_wait3A_159 : memref<100096x32xf32, #tpu.memory_space<hbm>>) dst(%dma_wait3A_153 : memref<128x32xf32, #tpu.memory_space<vmem>>)
        %scan3A_162 = arith.constant 0 : i32
        %scan3A_163 = arith.constant 0 : i32
        %scan3A_164 = arith.constant 8 : i32
        %scan3A_165 = arith.addi %scan3A_163, %scan3A_164 : i32
        %scan3A_166 = arith.constant 1 : i32
        scf.for %scan3A_182 = %scan3A_163 to %scan3A_165 step %scan3A_166  : i32 {
          %mul3A_183 = arith.constant 16 : i32
          %mul3A_184 = arith.muli %scan3A_182, %mul3A_183 : i32
          %get3A = arith.index_cast %rem3A_126 : i32 to index
          %get3A_185 = arith.index_cast %mul3A_184 : i32 to index
          %get3A_186 = tpu.vector_load %arg13[%get3A, %get3A_185] {strides = array<i32>} : memref<3x128xf32, #tpu.memory_space<vmem>>, vector<1x16xf32>,
          %get3A_187 = vector.shape_cast %get3A_186 : vector<1x16xf32> to vector<16xf32>
          %mul3A_188 = arith.constant 16 : i32
          %mul3A_189 = arith.muli %scan3A_182, %mul3A_188 : i32
          %add3A_190 = arith.constant 0 : i32
          %add3A_191 = arith.addi %mul3A_189, %add3A_190 : i32
          %slice3A = vector.extract_strided_slice %get3A_187 {offsets = [0], sizes = [1], strides = [1]} : vector<16xf32> to vector<1xf32>
          %squeeze3A = vector.extract %slice3A[0] : f32 from vector<1xf32>
          %get3A_192 = arith.index_cast %rem3A_126 : i32 to index
          %get3A_193 = arith.index_cast %add3A_191 : i32 to index
          %get3A_194 = arith.constant 0 : index
          %get3A_195 = tpu.vector_load %arg14[%get3A_192, %get3A_193, %get3A_194] {strides = array<i32>} : memref<3x128x32xf32, #tpu.memory_space<vmem>>, vector<1x1x16xf32>,
          %get3A_196 = vector.shape_cast %get3A_195 : vector<1x1x16xf32> to vector<16xf32>
          %mul3A_197 = vector.broadcast %squeeze3A : f32 to vector<16xf32>
          %mul3A_198 = arith.mulf %get3A_196, %mul3A_197 : vector<16xf32>
          %swap3A = arith.index_cast %rem3A_126 : i32 to index
          %swap3A_199 = arith.index_cast %add3A_191 : i32 to index
          %swap3A_200 = arith.constant 0 : index
          %swap3A_201 = tpu.vector_load %arg14[%swap3A, %swap3A_199, %swap3A_200] {strides = array<i32>} : memref<3x128x32xf32, #tpu.memory_space<vmem>>, vector<1x1x16xf32>,
          %swap3A_202 = vector.shape_cast %swap3A_201 : vector<1x1x16xf32> to vector<16xf32>
          %swap3A_203 = vector.shape_cast %mul3A_198 : vector<16xf32> to vector<1x1x16xf32>
          tpu.vector_store %arg14[%swap3A, %swap3A_199, %swap3A_200], %swap3A_203 {strides = array<i32>} : memref<3x128x32xf32, #tpu.memory_space<vmem>>, vector<1x1x16xf32>,
          %get3A_204 = arith.index_cast %rem3A_126 : i32 to index
          %get3A_205 = arith.index_cast %add3A_191 : i32 to index
          %get3A_206 = arith.constant 16 : index
          %get3A_207 = tpu.vector_load %arg14[%get3A_204, %get3A_205, %get3A_206] {strides = array<i32>} : memref<3x128x32xf32, #tpu.memory_space<vmem>>, vector<1x1x16xf32>,
          %get3A_208 = vector.shape_cast %get3A_207 : vector<1x1x16xf32> to vector<16xf32>
          %mul3A_209 = vector.broadcast %squeeze3A : f32 to vector<16xf32>
          %mul3A_210 = arith.mulf %get3A_208, %mul3A_209 : vector<16xf32>
          %swap3A_211 = arith.index_cast %rem3A_126 : i32 to index
          %swap3A_212 = arith.index_cast %add3A_191 : i32 to index
          %swap3A_213 = arith.constant 16 : index
          %swap3A_214 = tpu.vector_load %arg14[%swap3A_211, %swap3A_212, %swap3A_213] {strides = array<i32>} : memref<3x128x32xf32, #tpu.memory_space<vmem>>, vector<1x1x16xf32>,
          %swap3A_215 = vector.shape_cast %swap3A_214 : vector<1x1x16xf32> to vector<16xf32>
          %swap3A_216 = vector.shape_cast %mul3A_210 : vector<16xf32> to vector<1x1x16xf32>
          tpu.vector_store %arg14[%swap3A_211, %swap3A_212, %swap3A_213], %swap3A_216 {strides = array<i32>} : memref<3x128x32xf32, #tpu.memory_space<vmem>>, vector<1x1x16xf32>,
          %mul3A_217 = arith.constant 16 : i32
          %mul3A_218 = arith.muli %scan3A_182, %mul3A_217 : i32
          %add3A_219 = arith.constant 1 : i32
          %add3A_220 = arith.addi %mul3A_218, %add3A_219 : i32
          %slice3A_221 = vector.extract_strided_slice %get3A_187 {offsets = [1], sizes = [1], strides = [1]} : vector<16xf32> to vector<1xf32>
          %squeeze3A_222 = vector.extract %slice3A_221[0] : f32 from vector<1xf32>
          %get3A_223 = arith.index_cast %rem3A_126 : i32 to index
          %get3A_224 = arith.index_cast %add3A_220 : i32 to index
          %get3A_225 = arith.constant 0 : index
          %get3A_226 = tpu.vector_load %arg14[%get3A_223, %get3A_224, %get3A_225] {strides = array<i32>} : memref<3x128x32xf32, #tpu.memory_space<vmem>>, vector<1x1x16xf32>,
          %get3A_227 = vector.shape_cast %get3A_226 : vector<1x1x16xf32> to vector<16xf32>
          %mul3A_228 = vector.broadcast %squeeze3A_222 : f32 to vector<16xf32>
          %mul3A_229 = arith.mulf %get3A_227, %mul3A_228 : vector<16xf32>
          %swap3A_230 = arith.index_cast %rem3A_126 : i32 to index
          %swap3A_231 = arith.index_cast %add3A_220 : i32 to index
          %swap3A_232 = arith.constant 0 : index
          %swap3A_233 = tpu.vector_load %arg14[%swap3A_230, %swap3A_231, %swap3A_232] {strides = array<i32>} : memref<3x128x32xf32, #tpu.memory_space<vmem>>, vector<1x1x16xf32>,
          %swap3A_234 = vector.shape_cast %swap3A_233 : vector<1x1x16xf32> to vector<16xf32>
          %swap3A_235 = vector.shape_cast %mul3A_229 : vector<16xf32> to vector<1x1x16xf32>
          tpu.vector_store %arg14[%swap3A_230, %swap3A_231, %swap3A_232], %swap3A_235 {strides = array<i32>} : memref<3x128x32xf32, #tpu.memory_space<vmem>>, vector<1x1x16xf32>,
          %get3A_236 = arith.index_cast %rem3A_126 : i32 to index
          %get3A_237 = arith.index_cast %add3A_220 : i32 to index
          %get3A_238 = arith.constant 16 : index
          %get3A_239 = tpu.vector_load %arg14[%get3A_236, %get3A_237, %get3A_238] {strides = array<i32>} : memref<3x128x32xf32, #tpu.memory_space<vmem>>, vector<1x1x16xf32>,
          %get3A_240 = vector.shape_cast %get3A_239 : vector<1x1x16xf32> to vector<16xf32>
          %mul3A_241 = vector.broadcast %squeeze3A_222 : f32 to vector<16xf32>
          %mul3A_242 = arith.mulf %get3A_240, %mul3A_241 : vector<16xf32>
          %swap3A_243 = arith.index_cast %rem3A_126 : i32 to index
          %swap3A_244 = arith.index_cast %add3A_220 : i32 to index
          %swap3A_245 = arith.constant 16 : index
          %swap3A_246 = tpu.vector_load %arg14[%swap3A_243, %swap3A_244, %swap3A_245] {strides = array<i32>} : memref<3x128x32xf32, #tpu.memory_space<vmem>>, vector<1x1x16xf32>,
          %swap3A_247 = vector.shape_cast %swap3A_246 : vector<1x1x16xf32> to vector<16xf32>
          %swap3A_248 = vector.shape_cast %mul3A_242 : vector<16xf32> to vector<1x1x16xf32>
          tpu.vector_store %arg14[%swap3A_243, %swap3A_244, %swap3A_245], %swap3A_248 {strides = array<i32>} : memref<3x128x32xf32, #tpu.memory_space<vmem>>, vector<1x1x16xf32>,
          %mul3A_249 = arith.constant 16 : i32
          %mul3A_250 = arith.muli %scan3A_182, %mul3A_249 : i32
          %add3A_251 = arith.constant 2 : i32
          %add3A_252 = arith.addi %mul3A_250, %add3A_251 : i32
          %slice3A_253 = vector.extract_strided_slice %get3A_187 {offsets = [2], sizes = [1], strides = [1]} : vector<16xf32> to vector<1xf32>
          %squeeze3A_254 = vector.extract %slice3A_253[0] : f32 from vector<1xf32>
          %get3A_255 = arith.index_cast %rem3A_126 : i32 to index
          %get3A_256 = arith.index_cast %add3A_252 : i32 to index
          %get3A_257 = arith.constant 0 : index
          %get3A_258 = tpu.vector_load %arg14[%get3A_255, %get3A_256, %get3A_257] {strides = array<i32>} : memref<3x128x32xf32, #tpu.memory_space<vmem>>, vector<1x1x16xf32>,
          %get3A_259 = vector.shape_cast %get3A_258 : vector<1x1x16xf32> to vector<16xf32>
          %mul3A_260 = vector.broadcast %squeeze3A_254 : f32 to vector<16xf32>
          %mul3A_261 = arith.mulf %get3A_259, %mul3A_260 : vector<16xf32>
          %swap3A_262 = arith.index_cast %rem3A_126 : i32 to index
          %swap3A_263 = arith.index_cast %add3A_252 : i32 to index
          %swap3A_264 = arith.constant 0 : index
          %swap3A_265 = tpu.vector_load %arg14[%swap3A_262, %swap3A_263, %swap3A_264] {strides = array<i32>} : memref<3x128x32xf32, #tpu.memory_space<vmem>>, vector<1x1x16xf32>,
          %swap3A_266 = vector.shape_cast %swap3A_265 : vector<1x1x16xf32> to vector<16xf32>
          %swap3A_267 = vector.shape_cast %mul3A_261 : vector<16xf32> to vector<1x1x16xf32>
          tpu.vector_store %arg14[%swap3A_262, %swap3A_263, %swap3A_264], %swap3A_267 {strides = array<i32>} : memref<3x128x32xf32, #tpu.memory_space<vmem>>, vector<1x1x16xf32>,
          %get3A_268 = arith.index_cast %rem3A_126 : i32 to index
          %get3A_269 = arith.index_cast %add3A_252 : i32 to index
          %get3A_270 = arith.constant 16 : index
          %get3A_271 = tpu.vector_load %arg14[%get3A_268, %get3A_269, %get3A_270] {strides = array<i32>} : memref<3x128x32xf32, #tpu.memory_space<vmem>>, vector<1x1x16xf32>,
          %get3A_272 = vector.shape_cast %get3A_271 : vector<1x1x16xf32> to vector<16xf32>
          %mul3A_273 = vector.broadcast %squeeze3A_254 : f32 to vector<16xf32>
          %mul3A_274 = arith.mulf %get3A_272, %mul3A_273 : vector<16xf32>
          %swap3A_275 = arith.index_cast %rem3A_126 : i32 to index
          %swap3A_276 = arith.index_cast %add3A_252 : i32 to index
          %swap3A_277 = arith.constant 16 : index
          %swap3A_278 = tpu.vector_load %arg14[%swap3A_275, %swap3A_276, %swap3A_277] {strides = array<i32>} : memref<3x128x32xf32, #tpu.memory_space<vmem>>, vector<1x1x16xf32>,
          %swap3A_279 = vector.shape_cast %swap3A_278 : vector<1x1x16xf32> to vector<16xf32>
          %swap3A_280 = vector.shape_cast %mul3A_274 : vector<16xf32> to vector<1x1x16xf32>
          tpu.vector_store %arg14[%swap3A_275, %swap3A_276, %swap3A_277], %swap3A_280 {strides = array<i32>} : memref<3x128x32xf32, #tpu.memory_space<vmem>>, vector<1x1x16xf32>,
          %mul3A_281 = arith.constant 16 : i32
          %mul3A_282 = arith.muli %scan3A_182, %mul3A_281 : i32
          %add3A_283 = arith.constant 3 : i32
          %add3A_284 = arith.addi %mul3A_282, %add3A_283 : i32
          %slice3A_285 = vector.extract_strided_slice %get3A_187 {offsets = [3], sizes = [1], strides = [1]} : vector<16xf32> to vector<1xf32>
          %squeeze3A_286 = vector.extract %slice3A_285[0] : f32 from vector<1xf32>
          %get3A_287 = arith.index_cast %rem3A_126 : i32 to index
          %get3A_288 = arith.index_cast %add3A_284 : i32 to index
          %get3A_289 = arith.constant 0 : index
          %get3A_290 = tpu.vector_load %arg14[%get3A_287, %get3A_288, %get3A_289] {strides = array<i32>} : memref<3x128x32xf32, #tpu.memory_space<vmem>>, vector<1x1x16xf32>,
          %get3A_291 = vector.shape_cast %get3A_290 : vector<1x1x16xf32> to vector<16xf32>
          %mul3A_292 = vector.broadcast %squeeze3A_286 : f32 to vector<16xf32>
          %mul3A_293 = arith.mulf %get3A_291, %mul3A_292 : vector<16xf32>
          %swap3A_294 = arith.index_cast %rem3A_126 : i32 to index
          %swap3A_295 = arith.index_cast %add3A_284 : i32 to index
          %swap3A_296 = arith.constant 0 : index
          %swap3A_297 = tpu.vector_load %arg14[%swap3A_294, %swap3A_295, %swap3A_296] {strides = array<i32>} : memref<3x128x32xf32, #tpu.memory_space<vmem>>, vector<1x1x16xf32>,
          %swap3A_298 = vector.shape_cast %swap3A_297 : vector<1x1x16xf32> to vector<16xf32>
          %swap3A_299 = vector.shape_cast %mul3A_293 : vector<16xf32> to vector<1x1x16xf32>
          tpu.vector_store %arg14[%swap3A_294, %swap3A_295, %swap3A_296], %swap3A_299 {strides = array<i32>} : memref<3x128x32xf32, #tpu.memory_space<vmem>>, vector<1x1x16xf32>,
          %get3A_300 = arith.index_cast %rem3A_126 : i32 to index
          %get3A_301 = arith.index_cast %add3A_284 : i32 to index
          %get3A_302 = arith.constant 16 : index
          %get3A_303 = tpu.vector_load %arg14[%get3A_300, %get3A_301, %get3A_302] {strides = array<i32>} : memref<3x128x32xf32, #tpu.memory_space<vmem>>, vector<1x1x16xf32>,
          %get3A_304 = vector.shape_cast %get3A_303 : vector<1x1x16xf32> to vector<16xf32>
          %mul3A_305 = vector.broadcast %squeeze3A_286 : f32 to vector<16xf32>
          %mul3A_306 = arith.mulf %get3A_304, %mul3A_305 : vector<16xf32>
          %swap3A_307 = arith.index_cast %rem3A_126 : i32 to index
          %swap3A_308 = arith.index_cast %add3A_284 : i32 to index
          %swap3A_309 = arith.constant 16 : index
          %swap3A_310 = tpu.vector_load %arg14[%swap3A_307, %swap3A_308, %swap3A_309] {strides = array<i32>} : memref<3x128x32xf32, #tpu.memory_space<vmem>>, vector<1x1x16xf32>,
          %swap3A_311 = vector.shape_cast %swap3A_310 : vector<1x1x16xf32> to vector<16xf32>
          %swap3A_312 = vector.shape_cast %mul3A_306 : vector<16xf32> to vector<1x1x16xf32>
          tpu.vector_store %arg14[%swap3A_307, %swap3A_308, %swap3A_309], %swap3A_312 {strides = array<i32>} : memref<3x128x32xf32, #tpu.memory_space<vmem>>, vector<1x1x16xf32>,
          %mul3A_313 = arith.constant 16 : i32
          %mul3A_314 = arith.muli %scan3A_182, %mul3A_313 : i32
          %add3A_315 = arith.constant 4 : i32
          %add3A_316 = arith.addi %mul3A_314, %add3A_315 : i32
          %slice3A_317 = vector.extract_strided_slice %get3A_187 {offsets = [4], sizes = [1], strides = [1]} : vector<16xf32> to vector<1xf32>
          %squeeze3A_318 = vector.extract %slice3A_317[0] : f32 from vector<1xf32>
          %get3A_319 = arith.index_cast %rem3A_126 : i32 to index
          %get3A_320 = arith.index_cast %add3A_316 : i32 to index
          %get3A_321 = arith.constant 0 : index
          %get3A_322 = tpu.vector_load %arg14[%get3A_319, %get3A_320, %get3A_321] {strides = array<i32>} : memref<3x128x32xf32, #tpu.memory_space<vmem>>, vector<1x1x16xf32>,
          %get3A_323 = vector.shape_cast %get3A_322 : vector<1x1x16xf32> to vector<16xf32>
          %mul3A_324 = vector.broadcast %squeeze3A_318 : f32 to vector<16xf32>
          %mul3A_325 = arith.mulf %get3A_323, %mul3A_324 : vector<16xf32>
          %swap3A_326 = arith.index_cast %rem3A_126 : i32 to index
          %swap3A_327 = arith.index_cast %add3A_316 : i32 to index
          %swap3A_328 = arith.constant 0 : index
          %swap3A_329 = tpu.vector_load %arg14[%swap3A_326, %swap3A_327, %swap3A_328] {strides = array<i32>} : memref<3x128x32xf32, #tpu.memory_space<vmem>>, vector<1x1x16xf32>,
          %swap3A_330 = vector.shape_cast %swap3A_329 : vector<1x1x16xf32> to vector<16xf32>
          %swap3A_331 = vector.shape_cast %mul3A_325 : vector<16xf32> to vector<1x1x16xf32>
          tpu.vector_store %arg14[%swap3A_326, %swap3A_327, %swap3A_328], %swap3A_331 {strides = array<i32>} : memref<3x128x32xf32, #tpu.memory_space<vmem>>, vector<1x1x16xf32>,
          %get3A_332 = arith.index_cast %rem3A_126 : i32 to index
          %get3A_333 = arith.index_cast %add3A_316 : i32 to index
          %get3A_334 = arith.constant 16 : index
          %get3A_335 = tpu.vector_load %arg14[%get3A_332, %get3A_333, %get3A_334] {strides = array<i32>} : memref<3x128x32xf32, #tpu.memory_space<vmem>>, vector<1x1x16xf32>,
          %get3A_336 = vector.shape_cast %get3A_335 : vector<1x1x16xf32> to vector<16xf32>
          %mul3A_337 = vector.broadcast %squeeze3A_318 : f32 to vector<16xf32>
          %mul3A_338 = arith.mulf %get3A_336, %mul3A_337 : vector<16xf32>
          %swap3A_339 = arith.index_cast %rem3A_126 : i32 to index
          %swap3A_340 = arith.index_cast %add3A_316 : i32 to index
          %swap3A_341 = arith.constant 16 : index
          %swap3A_342 = tpu.vector_load %arg14[%swap3A_339, %swap3A_340, %swap3A_341] {strides = array<i32>} : memref<3x128x32xf32, #tpu.memory_space<vmem>>, vector<1x1x16xf32>,
          %swap3A_343 = vector.shape_cast %swap3A_342 : vector<1x1x16xf32> to vector<16xf32>
          %swap3A_344 = vector.shape_cast %mul3A_338 : vector<16xf32> to vector<1x1x16xf32>
          tpu.vector_store %arg14[%swap3A_339, %swap3A_340, %swap3A_341], %swap3A_344 {strides = array<i32>} : memref<3x128x32xf32, #tpu.memory_space<vmem>>, vector<1x1x16xf32>,
          %mul3A_345 = arith.constant 16 : i32
          %mul3A_346 = arith.muli %scan3A_182, %mul3A_345 : i32
          %add3A_347 = arith.constant 5 : i32
          %add3A_348 = arith.addi %mul3A_346, %add3A_347 : i32
          %slice3A_349 = vector.extract_strided_slice %get3A_187 {offsets = [5], sizes = [1], strides = [1]} : vector<16xf32> to vector<1xf32>
          %squeeze3A_350 = vector.extract %slice3A_349[0] : f32 from vector<1xf32>
          %get3A_351 = arith.index_cast %rem3A_126 : i32 to index
          %get3A_352 = arith.index_cast %add3A_348 : i32 to index
          %get3A_353 = arith.constant 0 : index
          %get3A_354 = tpu.vector_load %arg14[%get3A_351, %get3A_352, %get3A_353] {strides = array<i32>} : memref<3x128x32xf32, #tpu.memory_space<vmem>>, vector<1x1x16xf32>,
          %get3A_355 = vector.shape_cast %get3A_354 : vector<1x1x16xf32> to vector<16xf32>
          %mul3A_356 = vector.broadcast %squeeze3A_350 : f32 to vector<16xf32>
          %mul3A_357 = arith.mulf %get3A_355, %mul3A_356 : vector<16xf32>
          %swap3A_358 = arith.index_cast %rem3A_126 : i32 to index
          %swap3A_359 = arith.index_cast %add3A_348 : i32 to index
          %swap3A_360 = arith.constant 0 : index
          %swap3A_361 = tpu.vector_load %arg14[%swap3A_358, %swap3A_359, %swap3A_360] {strides = array<i32>} : memref<3x128x32xf32, #tpu.memory_space<vmem>>, vector<1x1x16xf32>,
          %swap3A_362 = vector.shape_cast %swap3A_361 : vector<1x1x16xf32> to vector<16xf32>
          %swap3A_363 = vector.shape_cast %mul3A_357 : vector<16xf32> to vector<1x1x16xf32>
          tpu.vector_store %arg14[%swap3A_358, %swap3A_359, %swap3A_360], %swap3A_363 {strides = array<i32>} : memref<3x128x32xf32, #tpu.memory_space<vmem>>, vector<1x1x16xf32>,
          %get3A_364 = arith.index_cast %rem3A_126 : i32 to index
          %get3A_365 = arith.index_cast %add3A_348 : i32 to index
          %get3A_366 = arith.constant 16 : index
          %get3A_367 = tpu.vector_load %arg14[%get3A_364, %get3A_365, %get3A_366] {strides = array<i32>} : memref<3x128x32xf32, #tpu.memory_space<vmem>>, vector<1x1x16xf32>,
          %get3A_368 = vector.shape_cast %get3A_367 : vector<1x1x16xf32> to vector<16xf32>
          %mul3A_369 = vector.broadcast %squeeze3A_350 : f32 to vector<16xf32>
          %mul3A_370 = arith.mulf %get3A_368, %mul3A_369 : vector<16xf32>
          %swap3A_371 = arith.index_cast %rem3A_126 : i32 to index
          %swap3A_372 = arith.index_cast %add3A_348 : i32 to index
          %swap3A_373 = arith.constant 16 : index
          %swap3A_374 = tpu.vector_load %arg14[%swap3A_371, %swap3A_372, %swap3A_373] {strides = array<i32>} : memref<3x128x32xf32, #tpu.memory_space<vmem>>, vector<1x1x16xf32>,
          %swap3A_375 = vector.shape_cast %swap3A_374 : vector<1x1x16xf32> to vector<16xf32>
          %swap3A_376 = vector.shape_cast %mul3A_370 : vector<16xf32> to vector<1x1x16xf32>
          tpu.vector_store %arg14[%swap3A_371, %swap3A_372, %swap3A_373], %swap3A_376 {strides = array<i32>} : memref<3x128x32xf32, #tpu.memory_space<vmem>>, vector<1x1x16xf32>,
          %mul3A_377 = arith.constant 16 : i32
          %mul3A_378 = arith.muli %scan3A_182, %mul3A_377 : i32
          %add3A_379 = arith.constant 6 : i32
          %add3A_380 = arith.addi %mul3A_378, %add3A_379 : i32
          %slice3A_381 = vector.extract_strided_slice %get3A_187 {offsets = [6], sizes = [1], strides = [1]} : vector<16xf32> to vector<1xf32>
          %squeeze3A_382 = vector.extract %slice3A_381[0] : f32 from vector<1xf32>
          %get3A_383 = arith.index_cast %rem3A_126 : i32 to index
          %get3A_384 = arith.index_cast %add3A_380 : i32 to index
          %get3A_385 = arith.constant 0 : index
          %get3A_386 = tpu.vector_load %arg14[%get3A_383, %get3A_384, %get3A_385] {strides = array<i32>} : memref<3x128x32xf32, #tpu.memory_space<vmem>>, vector<1x1x16xf32>,
          %get3A_387 = vector.shape_cast %get3A_386 : vector<1x1x16xf32> to vector<16xf32>
          %mul3A_388 = vector.broadcast %squeeze3A_382 : f32 to vector<16xf32>
          %mul3A_389 = arith.mulf %get3A_387, %mul3A_388 : vector<16xf32>
          %swap3A_390 = arith.index_cast %rem3A_126 : i32 to index
          %swap3A_391 = arith.index_cast %add3A_380 : i32 to index
          %swap3A_392 = arith.constant 0 : index
          %swap3A_393 = tpu.vector_load %arg14[%swap3A_390, %swap3A_391, %swap3A_392] {strides = array<i32>} : memref<3x128x32xf32, #tpu.memory_space<vmem>>, vector<1x1x16xf32>,
          %swap3A_394 = vector.shape_cast %swap3A_393 : vector<1x1x16xf32> to vector<16xf32>
          %swap3A_395 = vector.shape_cast %mul3A_389 : vector<16xf32> to vector<1x1x16xf32>
          tpu.vector_store %arg14[%swap3A_390, %swap3A_391, %swap3A_392], %swap3A_395 {strides = array<i32>} : memref<3x128x32xf32, #tpu.memory_space<vmem>>, vector<1x1x16xf32>,
          %get3A_396 = arith.index_cast %rem3A_126 : i32 to index
          %get3A_397 = arith.index_cast %add3A_380 : i32 to index
          %get3A_398 = arith.constant 16 : index
          %get3A_399 = tpu.vector_load %arg14[%get3A_396, %get3A_397, %get3A_398] {strides = array<i32>} : memref<3x128x32xf32, #tpu.memory_space<vmem>>, vector<1x1x16xf32>,
          %get3A_400 = vector.shape_cast %get3A_399 : vector<1x1x16xf32> to vector<16xf32>
          %mul3A_401 = vector.broadcast %squeeze3A_382 : f32 to vector<16xf32>
          %mul3A_402 = arith.mulf %get3A_400, %mul3A_401 : vector<16xf32>
          %swap3A_403 = arith.index_cast %rem3A_126 : i32 to index
          %swap3A_404 = arith.index_cast %add3A_380 : i32 to index
          %swap3A_405 = arith.constant 16 : index
          %swap3A_406 = tpu.vector_load %arg14[%swap3A_403, %swap3A_404, %swap3A_405] {strides = array<i32>} : memref<3x128x32xf32, #tpu.memory_space<vmem>>, vector<1x1x16xf32>,
          %swap3A_407 = vector.shape_cast %swap3A_406 : vector<1x1x16xf32> to vector<16xf32>
          %swap3A_408 = vector.shape_cast %mul3A_402 : vector<16xf32> to vector<1x1x16xf32>
          tpu.vector_store %arg14[%swap3A_403, %swap3A_404, %swap3A_405], %swap3A_408 {strides = array<i32>} : memref<3x128x32xf32, #tpu.memory_space<vmem>>, vector<1x1x16xf32>,
          %mul3A_409 = arith.constant 16 : i32
          %mul3A_410 = arith.muli %scan3A_182, %mul3A_409 : i32
          %add3A_411 = arith.constant 7 : i32
          %add3A_412 = arith.addi %mul3A_410, %add3A_411 : i32
          %slice3A_413 = vector.extract_strided_slice %get3A_187 {offsets = [7], sizes = [1], strides = [1]} : vector<16xf32> to vector<1xf32>
          %squeeze3A_414 = vector.extract %slice3A_413[0] : f32 from vector<1xf32>
          %get3A_415 = arith.index_cast %rem3A_126 : i32 to index
          %get3A_416 = arith.index_cast %add3A_412 : i32 to index
          %get3A_417 = arith.constant 0 : index
          %get3A_418 = tpu.vector_load %arg14[%get3A_415, %get3A_416, %get3A_417] {strides = array<i32>} : memref<3x128x32xf32, #tpu.memory_space<vmem>>, vector<1x1x16xf32>,
          %get3A_419 = vector.shape_cast %get3A_418 : vector<1x1x16xf32> to vector<16xf32>
          %mul3A_420 = vector.broadcast %squeeze3A_414 : f32 to vector<16xf32>
          %mul3A_421 = arith.mulf %get3A_419, %mul3A_420 : vector<16xf32>
          %swap3A_422 = arith.index_cast %rem3A_126 : i32 to index
          %swap3A_423 = arith.index_cast %add3A_412 : i32 to index
          %swap3A_424 = arith.constant 0 : index
          %swap3A_425 = tpu.vector_load %arg14[%swap3A_422, %swap3A_423, %swap3A_424] {strides = array<i32>} : memref<3x128x32xf32, #tpu.memory_space<vmem>>, vector<1x1x16xf32>,
          %swap3A_426 = vector.shape_cast %swap3A_425 : vector<1x1x16xf32> to vector<16xf32>
          %swap3A_427 = vector.shape_cast %mul3A_421 : vector<16xf32> to vector<1x1x16xf32>
          tpu.vector_store %arg14[%swap3A_422, %swap3A_423, %swap3A_424], %swap3A_427 {strides = array<i32>} : memref<3x128x32xf32, #tpu.memory_space<vmem>>, vector<1x1x16xf32>,
          %get3A_428 = arith.index_cast %rem3A_126 : i32 to index
          %get3A_429 = arith.index_cast %add3A_412 : i32 to index
          %get3A_430 = arith.constant 16 : index
          %get3A_431 = tpu.vector_load %arg14[%get3A_428, %get3A_429, %get3A_430] {strides = array<i32>} : memref<3x128x32xf32, #tpu.memory_space<vmem>>, vector<1x1x16xf32>,
          %get3A_432 = vector.shape_cast %get3A_431 : vector<1x1x16xf32> to vector<16xf32>
          %mul3A_433 = vector.broadcast %squeeze3A_414 : f32 to vector<16xf32>
          %mul3A_434 = arith.mulf %get3A_432, %mul3A_433 : vector<16xf32>
          %swap3A_435 = arith.index_cast %rem3A_126 : i32 to index
          %swap3A_436 = arith.index_cast %add3A_412 : i32 to index
          %swap3A_437 = arith.constant 16 : index
          %swap3A_438 = tpu.vector_load %arg14[%swap3A_435, %swap3A_436, %swap3A_437] {strides = array<i32>} : memref<3x128x32xf32, #tpu.memory_space<vmem>>, vector<1x1x16xf32>,
          %swap3A_439 = vector.shape_cast %swap3A_438 : vector<1x1x16xf32> to vector<16xf32>
          %swap3A_440 = vector.shape_cast %mul3A_434 : vector<16xf32> to vector<1x1x16xf32>
          tpu.vector_store %arg14[%swap3A_435, %swap3A_436, %swap3A_437], %swap3A_440 {strides = array<i32>} : memref<3x128x32xf32, #tpu.memory_space<vmem>>, vector<1x1x16xf32>,
          %mul3A_441 = arith.constant 16 : i32
          %mul3A_442 = arith.muli %scan3A_182, %mul3A_441 : i32
          %add3A_443 = arith.constant 8 : i32
          %add3A_444 = arith.addi %mul3A_442, %add3A_443 : i32
          %slice3A_445 = vector.extract_strided_slice %get3A_187 {offsets = [8], sizes = [1], strides = [1]} : vector<16xf32> to vector<1xf32>
          %squeeze3A_446 = vector.extract %slice3A_445[0] : f32 from vector<1xf32>
          %get3A_447 = arith.index_cast %rem3A_126 : i32 to index
          %get3A_448 = arith.index_cast %add3A_444 : i32 to index
          %get3A_449 = arith.constant 0 : index
          %get3A_450 = tpu.vector_load %arg14[%get3A_447, %get3A_448, %get3A_449] {strides = array<i32>} : memref<3x128x32xf32, #tpu.memory_space<vmem>>, vector<1x1x16xf32>,
          %get3A_451 = vector.shape_cast %get3A_450 : vector<1x1x16xf32> to vector<16xf32>
          %mul3A_452 = vector.broadcast %squeeze3A_446 : f32 to vector<16xf32>
          %mul3A_453 = arith.mulf %get3A_451, %mul3A_452 : vector<16xf32>
          %swap3A_454 = arith.index_cast %rem3A_126 : i32 to index
          %swap3A_455 = arith.index_cast %add3A_444 : i32 to index
          %swap3A_456 = arith.constant 0 : index
          %swap3A_457 = tpu.vector_load %arg14[%swap3A_454, %swap3A_455, %swap3A_456] {strides = array<i32>} : memref<3x128x32xf32, #tpu.memory_space<vmem>>, vector<1x1x16xf32>,
          %swap3A_458 = vector.shape_cast %swap3A_457 : vector<1x1x16xf32> to vector<16xf32>
          %swap3A_459 = vector.shape_cast %mul3A_453 : vector<16xf32> to vector<1x1x16xf32>
          tpu.vector_store %arg14[%swap3A_454, %swap3A_455, %swap3A_456], %swap3A_459 {strides = array<i32>} : memref<3x128x32xf32, #tpu.memory_space<vmem>>, vector<1x1x16xf32>,
          %get3A_460 = arith.index_cast %rem3A_126 : i32 to index
          %get3A_461 = arith.index_cast %add3A_444 : i32 to index
          %get3A_462 = arith.constant 16 : index
          %get3A_463 = tpu.vector_load %arg14[%get3A_460, %get3A_461, %get3A_462] {strides = array<i32>} : memref<3x128x32xf32, #tpu.memory_space<vmem>>, vector<1x1x16xf32>,
          %get3A_464 = vector.shape_cast %get3A_463 : vector<1x1x16xf32> to vector<16xf32>
          %mul3A_465 = vector.broadcast %squeeze3A_446 : f32 to vector<16xf32>
          %mul3A_466 = arith.mulf %get3A_464, %mul3A_465 : vector<16xf32>
          %swap3A_467 = arith.index_cast %rem3A_126 : i32 to index
          %swap3A_468 = arith.index_cast %add3A_444 : i32 to index
          %swap3A_469 = arith.constant 16 : index
          %swap3A_470 = tpu.vector_load %arg14[%swap3A_467, %swap3A_468, %swap3A_469] {strides = array<i32>} : memref<3x128x32xf32, #tpu.memory_space<vmem>>, vector<1x1x16xf32>,
          %swap3A_471 = vector.shape_cast %swap3A_470 : vector<1x1x16xf32> to vector<16xf32>
          %swap3A_472 = vector.shape_cast %mul3A_466 : vector<16xf32> to vector<1x1x16xf32>
          tpu.vector_store %arg14[%swap3A_467, %swap3A_468, %swap3A_469], %swap3A_472 {strides = array<i32>} : memref<3x128x32xf32, #tpu.memory_space<vmem>>, vector<1x1x16xf32>,
          %mul3A_473 = arith.constant 16 : i32
          %mul3A_474 = arith.muli %scan3A_182, %mul3A_473 : i32
          %add3A_475 = arith.constant 9 : i32
          %add3A_476 = arith.addi %mul3A_474, %add3A_475 : i32
          %slice3A_477 = vector.extract_strided_slice %get3A_187 {offsets = [9], sizes = [1], strides = [1]} : vector<16xf32> to vector<1xf32>
          %squeeze3A_478 = vector.extract %slice3A_477[0] : f32 from vector<1xf32>
          %get3A_479 = arith.index_cast %rem3A_126 : i32 to index
          %get3A_480 = arith.index_cast %add3A_476 : i32 to index
          %get3A_481 = arith.constant 0 : index
          %get3A_482 = tpu.vector_load %arg14[%get3A_479, %get3A_480, %get3A_481] {strides = array<i32>} : memref<3x128x32xf32, #tpu.memory_space<vmem>>, vector<1x1x16xf32>,
          %get3A_483 = vector.shape_cast %get3A_482 : vector<1x1x16xf32> to vector<16xf32>
          %mul3A_484 = vector.broadcast %squeeze3A_478 : f32 to vector<16xf32>
          %mul3A_485 = arith.mulf %get3A_483, %mul3A_484 : vector<16xf32>
          %swap3A_486 = arith.index_cast %rem3A_126 : i32 to index
          %swap3A_487 = arith.index_cast %add3A_476 : i32 to index
          %swap3A_488 = arith.constant 0 : index
          %swap3A_489 = tpu.vector_load %arg14[%swap3A_486, %swap3A_487, %swap3A_488] {strides = array<i32>} : memref<3x128x32xf32, #tpu.memory_space<vmem>>, vector<1x1x16xf32>,
          %swap3A_490 = vector.shape_cast %swap3A_489 : vector<1x1x16xf32> to vector<16xf32>
          %swap3A_491 = vector.shape_cast %mul3A_485 : vector<16xf32> to vector<1x1x16xf32>
          tpu.vector_store %arg14[%swap3A_486, %swap3A_487, %swap3A_488], %swap3A_491 {strides = array<i32>} : memref<3x128x32xf32, #tpu.memory_space<vmem>>, vector<1x1x16xf32>,
          %get3A_492 = arith.index_cast %rem3A_126 : i32 to index
          %get3A_493 = arith.index_cast %add3A_476 : i32 to index
          %get3A_494 = arith.constant 16 : index
          %get3A_495 = tpu.vector_load %arg14[%get3A_492, %get3A_493, %get3A_494] {strides = array<i32>} : memref<3x128x32xf32, #tpu.memory_space<vmem>>, vector<1x1x16xf32>,
          %get3A_496 = vector.shape_cast %get3A_495 : vector<1x1x16xf32> to vector<16xf32>
          %mul3A_497 = vector.broadcast %squeeze3A_478 : f32 to vector<16xf32>
          %mul3A_498 = arith.mulf %get3A_496, %mul3A_497 : vector<16xf32>
          %swap3A_499 = arith.index_cast %rem3A_126 : i32 to index
          %swap3A_500 = arith.index_cast %add3A_476 : i32 to index
          %swap3A_501 = arith.constant 16 : index
          %swap3A_502 = tpu.vector_load %arg14[%swap3A_499, %swap3A_500, %swap3A_501] {strides = array<i32>} : memref<3x128x32xf32, #tpu.memory_space<vmem>>, vector<1x1x16xf32>,
          %swap3A_503 = vector.shape_cast %swap3A_502 : vector<1x1x16xf32> to vector<16xf32>
          %swap3A_504 = vector.shape_cast %mul3A_498 : vector<16xf32> to vector<1x1x16xf32>
          tpu.vector_store %arg14[%swap3A_499, %swap3A_500, %swap3A_501], %swap3A_504 {strides = array<i32>} : memref<3x128x32xf32, #tpu.memory_space<vmem>>, vector<1x1x16xf32>,
          %mul3A_505 = arith.constant 16 : i32
          %mul3A_506 = arith.muli %scan3A_182, %mul3A_505 : i32
          %add3A_507 = arith.constant 10 : i32
          %add3A_508 = arith.addi %mul3A_506, %add3A_507 : i32
          %slice3A_509 = vector.extract_strided_slice %get3A_187 {offsets = [10], sizes = [1], strides = [1]} : vector<16xf32> to vector<1xf32>
          %squeeze3A_510 = vector.extract %slice3A_509[0] : f32 from vector<1xf32>
          %get3A_511 = arith.index_cast %rem3A_126 : i32 to index
          %get3A_512 = arith.index_cast %add3A_508 : i32 to index
          %get3A_513 = arith.constant 0 : index
          %get3A_514 = tpu.vector_load %arg14[%get3A_511, %get3A_512, %get3A_513] {strides = array<i32>} : memref<3x128x32xf32, #tpu.memory_space<vmem>>, vector<1x1x16xf32>,
          %get3A_515 = vector.shape_cast %get3A_514 : vector<1x1x16xf32> to vector<16xf32>
          %mul3A_516 = vector.broadcast %squeeze3A_510 : f32 to vector<16xf32>
          %mul3A_517 = arith.mulf %get3A_515, %mul3A_516 : vector<16xf32>
          %swap3A_518 = arith.index_cast %rem3A_126 : i32 to index
          %swap3A_519 = arith.index_cast %add3A_508 : i32 to index
          %swap3A_520 = arith.constant 0 : index
          %swap3A_521 = tpu.vector_load %arg14[%swap3A_518, %swap3A_519, %swap3A_520] {strides = array<i32>} : memref<3x128x32xf32, #tpu.memory_space<vmem>>, vector<1x1x16xf32>,
          %swap3A_522 = vector.shape_cast %swap3A_521 : vector<1x1x16xf32> to vector<16xf32>
          %swap3A_523 = vector.shape_cast %mul3A_517 : vector<16xf32> to vector<1x1x16xf32>
          tpu.vector_store %arg14[%swap3A_518, %swap3A_519, %swap3A_520], %swap3A_523 {strides = array<i32>} : memref<3x128x32xf32, #tpu.memory_space<vmem>>, vector<1x1x16xf32>,
          %get3A_524 = arith.index_cast %rem3A_126 : i32 to index
          %get3A_525 = arith.index_cast %add3A_508 : i32 to index
          %get3A_526 = arith.constant 16 : index
          %get3A_527 = tpu.vector_load %arg14[%get3A_524, %get3A_525, %get3A_526] {strides = array<i32>} : memref<3x128x32xf32, #tpu.memory_space<vmem>>, vector<1x1x16xf32>,
          %get3A_528 = vector.shape_cast %get3A_527 : vector<1x1x16xf32> to vector<16xf32>
          %mul3A_529 = vector.broadcast %squeeze3A_510 : f32 to vector<16xf32>
          %mul3A_530 = arith.mulf %get3A_528, %mul3A_529 : vector<16xf32>
          %swap3A_531 = arith.index_cast %rem3A_126 : i32 to index
          %swap3A_532 = arith.index_cast %add3A_508 : i32 to index
          %swap3A_533 = arith.constant 16 : index
          %swap3A_534 = tpu.vector_load %arg14[%swap3A_531, %swap3A_532, %swap3A_533] {strides = array<i32>} : memref<3x128x32xf32, #tpu.memory_space<vmem>>, vector<1x1x16xf32>,
          %swap3A_535 = vector.shape_cast %swap3A_534 : vector<1x1x16xf32> to vector<16xf32>
          %swap3A_536 = vector.shape_cast %mul3A_530 : vector<16xf32> to vector<1x1x16xf32>
          tpu.vector_store %arg14[%swap3A_531, %swap3A_532, %swap3A_533], %swap3A_536 {strides = array<i32>} : memref<3x128x32xf32, #tpu.memory_space<vmem>>, vector<1x1x16xf32>,
          %mul3A_537 = arith.constant 16 : i32
          %mul3A_538 = arith.muli %scan3A_182, %mul3A_537 : i32
          %add3A_539 = arith.constant 11 : i32
          %add3A_540 = arith.addi %mul3A_538, %add3A_539 : i32
          %slice3A_541 = vector.extract_strided_slice %get3A_187 {offsets = [11], sizes = [1], strides = [1]} : vector<16xf32> to vector<1xf32>
          %squeeze3A_542 = vector.extract %slice3A_541[0] : f32 from vector<1xf32>
          %get3A_543 = arith.index_cast %rem3A_126 : i32 to index
          %get3A_544 = arith.index_cast %add3A_540 : i32 to index
          %get3A_545 = arith.constant 0 : index
          %get3A_546 = tpu.vector_load %arg14[%get3A_543, %get3A_544, %get3A_545] {strides = array<i32>} : memref<3x128x32xf32, #tpu.memory_space<vmem>>, vector<1x1x16xf32>,
          %get3A_547 = vector.shape_cast %get3A_546 : vector<1x1x16xf32> to vector<16xf32>
          %mul3A_548 = vector.broadcast %squeeze3A_542 : f32 to vector<16xf32>
          %mul3A_549 = arith.mulf %get3A_547, %mul3A_548 : vector<16xf32>
          %swap3A_550 = arith.index_cast %rem3A_126 : i32 to index
          %swap3A_551 = arith.index_cast %add3A_540 : i32 to index
          %swap3A_552 = arith.constant 0 : index
          %swap3A_553 = tpu.vector_load %arg14[%swap3A_550, %swap3A_551, %swap3A_552] {strides = array<i32>} : memref<3x128x32xf32, #tpu.memory_space<vmem>>, vector<1x1x16xf32>,
          %swap3A_554 = vector.shape_cast %swap3A_553 : vector<1x1x16xf32> to vector<16xf32>
          %swap3A_555 = vector.shape_cast %mul3A_549 : vector<16xf32> to vector<1x1x16xf32>
          tpu.vector_store %arg14[%swap3A_550, %swap3A_551, %swap3A_552], %swap3A_555 {strides = array<i32>} : memref<3x128x32xf32, #tpu.memory_space<vmem>>, vector<1x1x16xf32>,
          %get3A_556 = arith.index_cast %rem3A_126 : i32 to index
          %get3A_557 = arith.index_cast %add3A_540 : i32 to index
          %get3A_558 = arith.constant 16 : index
          %get3A_559 = tpu.vector_load %arg14[%get3A_556, %get3A_557, %get3A_558] {strides = array<i32>} : memref<3x128x32xf32, #tpu.memory_space<vmem>>, vector<1x1x16xf32>,
          %get3A_560 = vector.shape_cast %get3A_559 : vector<1x1x16xf32> to vector<16xf32>
          %mul3A_561 = vector.broadcast %squeeze3A_542 : f32 to vector<16xf32>
          %mul3A_562 = arith.mulf %get3A_560, %mul3A_561 : vector<16xf32>
          %swap3A_563 = arith.index_cast %rem3A_126 : i32 to index
          %swap3A_564 = arith.index_cast %add3A_540 : i32 to index
          %swap3A_565 = arith.constant 16 : index
          %swap3A_566 = tpu.vector_load %arg14[%swap3A_563, %swap3A_564, %swap3A_565] {strides = array<i32>} : memref<3x128x32xf32, #tpu.memory_space<vmem>>, vector<1x1x16xf32>,
          %swap3A_567 = vector.shape_cast %swap3A_566 : vector<1x1x16xf32> to vector<16xf32>
          %swap3A_568 = vector.shape_cast %mul3A_562 : vector<16xf32> to vector<1x1x16xf32>
          tpu.vector_store %arg14[%swap3A_563, %swap3A_564, %swap3A_565], %swap3A_568 {strides = array<i32>} : memref<3x128x32xf32, #tpu.memory_space<vmem>>, vector<1x1x16xf32>,
          %mul3A_569 = arith.constant 16 : i32
          %mul3A_570 = arith.muli %scan3A_182, %mul3A_569 : i32
          %add3A_571 = arith.constant 12 : i32
          %add3A_572 = arith.addi %mul3A_570, %add3A_571 : i32
          %slice3A_573 = vector.extract_strided_slice %get3A_187 {offsets = [12], sizes = [1], strides = [1]} : vector<16xf32> to vector<1xf32>
          %squeeze3A_574 = vector.extract %slice3A_573[0] : f32 from vector<1xf32>
          %get3A_575 = arith.index_cast %rem3A_126 : i32 to index
          %get3A_576 = arith.index_cast %add3A_572 : i32 to index
          %get3A_577 = arith.constant 0 : index
          %get3A_578 = tpu.vector_load %arg14[%get3A_575, %get3A_576, %get3A_577] {strides = array<i32>} : memref<3x128x32xf32, #tpu.memory_space<vmem>>, vector<1x1x16xf32>,
          %get3A_579 = vector.shape_cast %get3A_578 : vector<1x1x16xf32> to vector<16xf32>
          %mul3A_580 = vector.broadcast %squeeze3A_574 : f32 to vector<16xf32>
          %mul3A_581 = arith.mulf %get3A_579, %mul3A_580 : vector<16xf32>
          %swap3A_582 = arith.index_cast %rem3A_126 : i32 to index
          %swap3A_583 = arith.index_cast %add3A_572 : i32 to index
          %swap3A_584 = arith.constant 0 : index
          %swap3A_585 = tpu.vector_load %arg14[%swap3A_582, %swap3A_583, %swap3A_584] {strides = array<i32>} : memref<3x128x32xf32, #tpu.memory_space<vmem>>, vector<1x1x16xf32>,
          %swap3A_586 = vector.shape_cast %swap3A_585 : vector<1x1x16xf32> to vector<16xf32>
          %swap3A_587 = vector.shape_cast %mul3A_581 : vector<16xf32> to vector<1x1x16xf32>
          tpu.vector_store %arg14[%swap3A_582, %swap3A_583, %swap3A_584], %swap3A_587 {strides = array<i32>} : memref<3x128x32xf32, #tpu.memory_space<vmem>>, vector<1x1x16xf32>,
          %get3A_588 = arith.index_cast %rem3A_126 : i32 to index
          %get3A_589 = arith.index_cast %add3A_572 : i32 to index
          %get3A_590 = arith.constant 16 : index
          %get3A_591 = tpu.vector_load %arg14[%get3A_588, %get3A_589, %get3A_590] {strides = array<i32>} : memref<3x128x32xf32, #tpu.memory_space<vmem>>, vector<1x1x16xf32>,
          %get3A_592 = vector.shape_cast %get3A_591 : vector<1x1x16xf32> to vector<16xf32>
          %mul3A_593 = vector.broadcast %squeeze3A_574 : f32 to vector<16xf32>
          %mul3A_594 = arith.mulf %get3A_592, %mul3A_593 : vector<16xf32>
          %swap3A_595 = arith.index_cast %rem3A_126 : i32 to index
          %swap3A_596 = arith.index_cast %add3A_572 : i32 to index
          %swap3A_597 = arith.constant 16 : index
          %swap3A_598 = tpu.vector_load %arg14[%swap3A_595, %swap3A_596, %swap3A_597] {strides = array<i32>} : memref<3x128x32xf32, #tpu.memory_space<vmem>>, vector<1x1x16xf32>,
          %swap3A_599 = vector.shape_cast %swap3A_598 : vector<1x1x16xf32> to vector<16xf32>
          %swap3A_600 = vector.shape_cast %mul3A_594 : vector<16xf32> to vector<1x1x16xf32>
          tpu.vector_store %arg14[%swap3A_595, %swap3A_596, %swap3A_597], %swap3A_600 {strides = array<i32>} : memref<3x128x32xf32, #tpu.memory_space<vmem>>, vector<1x1x16xf32>,
          %mul3A_601 = arith.constant 16 : i32
          %mul3A_602 = arith.muli %scan3A_182, %mul3A_601 : i32
          %add3A_603 = arith.constant 13 : i32
          %add3A_604 = arith.addi %mul3A_602, %add3A_603 : i32
          %slice3A_605 = vector.extract_strided_slice %get3A_187 {offsets = [13], sizes = [1], strides = [1]} : vector<16xf32> to vector<1xf32>
          %squeeze3A_606 = vector.extract %slice3A_605[0] : f32 from vector<1xf32>
          %get3A_607 = arith.index_cast %rem3A_126 : i32 to index
          %get3A_608 = arith.index_cast %add3A_604 : i32 to index
          %get3A_609 = arith.constant 0 : index
          %get3A_610 = tpu.vector_load %arg14[%get3A_607, %get3A_608, %get3A_609] {strides = array<i32>} : memref<3x128x32xf32, #tpu.memory_space<vmem>>, vector<1x1x16xf32>,
          %get3A_611 = vector.shape_cast %get3A_610 : vector<1x1x16xf32> to vector<16xf32>
          %mul3A_612 = vector.broadcast %squeeze3A_606 : f32 to vector<16xf32>
          %mul3A_613 = arith.mulf %get3A_611, %mul3A_612 : vector<16xf32>
          %swap3A_614 = arith.index_cast %rem3A_126 : i32 to index
          %swap3A_615 = arith.index_cast %add3A_604 : i32 to index
          %swap3A_616 = arith.constant 0 : index
          %swap3A_617 = tpu.vector_load %arg14[%swap3A_614, %swap3A_615, %swap3A_616] {strides = array<i32>} : memref<3x128x32xf32, #tpu.memory_space<vmem>>, vector<1x1x16xf32>,
          %swap3A_618 = vector.shape_cast %swap3A_617 : vector<1x1x16xf32> to vector<16xf32>
          %swap3A_619 = vector.shape_cast %mul3A_613 : vector<16xf32> to vector<1x1x16xf32>
          tpu.vector_store %arg14[%swap3A_614, %swap3A_615, %swap3A_616], %swap3A_619 {strides = array<i32>} : memref<3x128x32xf32, #tpu.memory_space<vmem>>, vector<1x1x16xf32>,
          %get3A_620 = arith.index_cast %rem3A_126 : i32 to index
          %get3A_621 = arith.index_cast %add3A_604 : i32 to index
          %get3A_622 = arith.constant 16 : index
          %get3A_623 = tpu.vector_load %arg14[%get3A_620, %get3A_621, %get3A_622] {strides = array<i32>} : memref<3x128x32xf32, #tpu.memory_space<vmem>>, vector<1x1x16xf32>,
          %get3A_624 = vector.shape_cast %get3A_623 : vector<1x1x16xf32> to vector<16xf32>
          %mul3A_625 = vector.broadcast %squeeze3A_606 : f32 to vector<16xf32>
          %mul3A_626 = arith.mulf %get3A_624, %mul3A_625 : vector<16xf32>
          %swap3A_627 = arith.index_cast %rem3A_126 : i32 to index
          %swap3A_628 = arith.index_cast %add3A_604 : i32 to index
          %swap3A_629 = arith.constant 16 : index
          %swap3A_630 = tpu.vector_load %arg14[%swap3A_627, %swap3A_628, %swap3A_629] {strides = array<i32>} : memref<3x128x32xf32, #tpu.memory_space<vmem>>, vector<1x1x16xf32>,
          %swap3A_631 = vector.shape_cast %swap3A_630 : vector<1x1x16xf32> to vector<16xf32>
          %swap3A_632 = vector.shape_cast %mul3A_626 : vector<16xf32> to vector<1x1x16xf32>
          tpu.vector_store %arg14[%swap3A_627, %swap3A_628, %swap3A_629], %swap3A_632 {strides = array<i32>} : memref<3x128x32xf32, #tpu.memory_space<vmem>>, vector<1x1x16xf32>,
          %mul3A_633 = arith.constant 16 : i32
          %mul3A_634 = arith.muli %scan3A_182, %mul3A_633 : i32
          %add3A_635 = arith.constant 14 : i32
          %add3A_636 = arith.addi %mul3A_634, %add3A_635 : i32
          %slice3A_637 = vector.extract_strided_slice %get3A_187 {offsets = [14], sizes = [1], strides = [1]} : vector<16xf32> to vector<1xf32>
          %squeeze3A_638 = vector.extract %slice3A_637[0] : f32 from vector<1xf32>
          %get3A_639 = arith.index_cast %rem3A_126 : i32 to index
          %get3A_640 = arith.index_cast %add3A_636 : i32 to index
          %get3A_641 = arith.constant 0 : index
          %get3A_642 = tpu.vector_load %arg14[%get3A_639, %get3A_640, %get3A_641] {strides = array<i32>} : memref<3x128x32xf32, #tpu.memory_space<vmem>>, vector<1x1x16xf32>,
          %get3A_643 = vector.shape_cast %get3A_642 : vector<1x1x16xf32> to vector<16xf32>
          %mul3A_644 = vector.broadcast %squeeze3A_638 : f32 to vector<16xf32>
          %mul3A_645 = arith.mulf %get3A_643, %mul3A_644 : vector<16xf32>
          %swap3A_646 = arith.index_cast %rem3A_126 : i32 to index
          %swap3A_647 = arith.index_cast %add3A_636 : i32 to index
          %swap3A_648 = arith.constant 0 : index
          %swap3A_649 = tpu.vector_load %arg14[%swap3A_646, %swap3A_647, %swap3A_648] {strides = array<i32>} : memref<3x128x32xf32, #tpu.memory_space<vmem>>, vector<1x1x16xf32>,
          %swap3A_650 = vector.shape_cast %swap3A_649 : vector<1x1x16xf32> to vector<16xf32>
          %swap3A_651 = vector.shape_cast %mul3A_645 : vector<16xf32> to vector<1x1x16xf32>
          tpu.vector_store %arg14[%swap3A_646, %swap3A_647, %swap3A_648], %swap3A_651 {strides = array<i32>} : memref<3x128x32xf32, #tpu.memory_space<vmem>>, vector<1x1x16xf32>,
          %get3A_652 = arith.index_cast %rem3A_126 : i32 to index
          %get3A_653 = arith.index_cast %add3A_636 : i32 to index
          %get3A_654 = arith.constant 16 : index
          %get3A_655 = tpu.vector_load %arg14[%get3A_652, %get3A_653, %get3A_654] {strides = array<i32>} : memref<3x128x32xf32, #tpu.memory_space<vmem>>, vector<1x1x16xf32>,
          %get3A_656 = vector.shape_cast %get3A_655 : vector<1x1x16xf32> to vector<16xf32>
          %mul3A_657 = vector.broadcast %squeeze3A_638 : f32 to vector<16xf32>
          %mul3A_658 = arith.mulf %get3A_656, %mul3A_657 : vector<16xf32>
          %swap3A_659 = arith.index_cast %rem3A_126 : i32 to index
          %swap3A_660 = arith.index_cast %add3A_636 : i32 to index
          %swap3A_661 = arith.constant 16 : index
          %swap3A_662 = tpu.vector_load %arg14[%swap3A_659, %swap3A_660, %swap3A_661] {strides = array<i32>} : memref<3x128x32xf32, #tpu.memory_space<vmem>>, vector<1x1x16xf32>,
          %swap3A_663 = vector.shape_cast %swap3A_662 : vector<1x1x16xf32> to vector<16xf32>
          %swap3A_664 = vector.shape_cast %mul3A_658 : vector<16xf32> to vector<1x1x16xf32>
          tpu.vector_store %arg14[%swap3A_659, %swap3A_660, %swap3A_661], %swap3A_664 {strides = array<i32>} : memref<3x128x32xf32, #tpu.memory_space<vmem>>, vector<1x1x16xf32>,
          %mul3A_665 = arith.constant 16 : i32
          %mul3A_666 = arith.muli %scan3A_182, %mul3A_665 : i32
          %add3A_667 = arith.constant 15 : i32
          %add3A_668 = arith.addi %mul3A_666, %add3A_667 : i32
          %slice3A_669 = vector.extract_strided_slice %get3A_187 {offsets = [15], sizes = [1], strides = [1]} : vector<16xf32> to vector<1xf32>
          %squeeze3A_670 = vector.extract %slice3A_669[0] : f32 from vector<1xf32>
          %get3A_671 = arith.index_cast %rem3A_126 : i32 to index
          %get3A_672 = arith.index_cast %add3A_668 : i32 to index
          %get3A_673 = arith.constant 0 : index
          %get3A_674 = tpu.vector_load %arg14[%get3A_671, %get3A_672, %get3A_673] {strides = array<i32>} : memref<3x128x32xf32, #tpu.memory_space<vmem>>, vector<1x1x16xf32>,
          %get3A_675 = vector.shape_cast %get3A_674 : vector<1x1x16xf32> to vector<16xf32>
          %mul3A_676 = vector.broadcast %squeeze3A_670 : f32 to vector<16xf32>
          %mul3A_677 = arith.mulf %get3A_675, %mul3A_676 : vector<16xf32>
          %swap3A_678 = arith.index_cast %rem3A_126 : i32 to index
          %swap3A_679 = arith.index_cast %add3A_668 : i32 to index
          %swap3A_680 = arith.constant 0 : index
          %swap3A_681 = tpu.vector_load %arg14[%swap3A_678, %swap3A_679, %swap3A_680] {strides = array<i32>} : memref<3x128x32xf32, #tpu.memory_space<vmem>>, vector<1x1x16xf32>,
          %swap3A_682 = vector.shape_cast %swap3A_681 : vector<1x1x16xf32> to vector<16xf32>
          %swap3A_683 = vector.shape_cast %mul3A_677 : vector<16xf32> to vector<1x1x16xf32>
          tpu.vector_store %arg14[%swap3A_678, %swap3A_679, %swap3A_680], %swap3A_683 {strides = array<i32>} : memref<3x128x32xf32, #tpu.memory_space<vmem>>, vector<1x1x16xf32>,
          %get3A_684 = arith.index_cast %rem3A_126 : i32 to index
          %get3A_685 = arith.index_cast %add3A_668 : i32 to index
          %get3A_686 = arith.constant 16 : index
          %get3A_687 = tpu.vector_load %arg14[%get3A_684, %get3A_685, %get3A_686] {strides = array<i32>} : memref<3x128x32xf32, #tpu.memory_space<vmem>>, vector<1x1x16xf32>,
          %get3A_688 = vector.shape_cast %get3A_687 : vector<1x1x16xf32> to vector<16xf32>
          %mul3A_689 = vector.broadcast %squeeze3A_670 : f32 to vector<16xf32>
          %mul3A_690 = arith.mulf %get3A_688, %mul3A_689 : vector<16xf32>
          %swap3A_691 = arith.index_cast %rem3A_126 : i32 to index
          %swap3A_692 = arith.index_cast %add3A_668 : i32 to index
          %swap3A_693 = arith.constant 16 : index
          %swap3A_694 = tpu.vector_load %arg14[%swap3A_691, %swap3A_692, %swap3A_693] {strides = array<i32>} : memref<3x128x32xf32, #tpu.memory_space<vmem>>, vector<1x1x16xf32>,
          %swap3A_695 = vector.shape_cast %swap3A_694 : vector<1x1x16xf32> to vector<16xf32>
          %swap3A_696 = vector.shape_cast %mul3A_690 : vector<16xf32> to vector<1x1x16xf32>
          tpu.vector_store %arg14[%swap3A_691, %swap3A_692, %swap3A_693], %swap3A_696 {strides = array<i32>} : memref<3x128x32xf32, #tpu.memory_space<vmem>>, vector<1x1x16xf32>,
        }
        %scan3A_167 = arith.constant 8 : i32
        %dma_start3A_168 = arith.constant 0 : i32
        %dma_start3A_169 = arith.constant 0 : i32
        %dma_start3A_170 = tpu.memref_slice %arg14[%rem3A_126, %dma_start3A_168, %dma_start3A_169] : memref<3x128x32xf32, #tpu.memory_space<vmem>> -> memref<1x128x32xf32, #tpu.memory_space<vmem>>
        %dma_start3A_171 = tpu.memref_squeeze %dma_start3A_170 : memref<1x128x32xf32, #tpu.memory_space<vmem>> -> memref<128x32xf32, #tpu.memory_space<vmem>>
        %dma_start3A_172 = arith.constant 0 : i32
        %dma_start3A_173 = tpu.memref_slice %arg12[%rem3A_126, %dma_start3A_172] : memref<3x128xi32, #tpu.memory_space<vmem>> -> memref<1x128xi32, #tpu.memory_space<vmem>>
        %dma_start3A_174 = tpu.memref_squeeze %dma_start3A_173 : memref<1x128xi32, #tpu.memory_space<vmem>> -> memref<128xi32, #tpu.memory_space<vmem>>
        %dma_start3A_175 = arith.constant 0 : i32
        %dma_start3A_176 = arith.constant 0 : i32
        %dma_start3A_177 = tpu.memref_slice %arg15[%dma_start3A_175, %dma_start3A_176] : memref<50048x32xf32, #tpu.memory_space<vmem_shared>> -> memref<50048x32xf32, #tpu.memory_space<vmem_shared>>
        %dma_start3A_178 = tpu.memref_slice %arg18[%rem3A_126] : memref<3x!tpu.dma_semaphore, #tpu.memory_space<semaphore_mem>> -> memref<1x!tpu.dma_semaphore, #tpu.memory_space<semaphore_mem>>
        %dma_start3A_179 = tpu.memref_squeeze %dma_start3A_178 : memref<1x!tpu.dma_semaphore, #tpu.memory_space<semaphore_mem>> -> memref<!tpu.dma_semaphore, #tpu.memory_space<semaphore_mem>>
        tpu.enqueue_indirect_dma source(%dma_start3A_171 : memref<128x32xf32, #tpu.memory_space<vmem>>) target(%dma_start3A_177 : memref<50048x32xf32, #tpu.memory_space<vmem_shared>>) offsets(%dma_start3A_174 : memref<128xi32, #tpu.memory_space<vmem>>) semaphore(%dma_start3A_179 : memref<!tpu.dma_semaphore, #tpu.memory_space<semaphore_mem>>) {add = true}
        %add3A_180 = arith.constant 1 : i32
        %add3A_181 = arith.addi %scan3A_123, %add3A_180 : i32
        scf.yield %add3A_181, %max3A_142 : i32, i32
      }
      %scan3A_121 = arith.constant 8 : i32
      scf.yield %scan3A_120#0, %scan3A_120#1 : i32, i32
    }
    %scan3A_38 = arith.constant 98 : i32
    %sub3A = arith.constant 2 : i32
    %sub3A_39 = arith.subi %scan3A_37#0, %sub3A : i32
    %ge3A = arith.constant 0 : i32
    %ge3A_40 = arith.cmpi sge, %sub3A_39, %ge3A : i32
    %ge3A_41 = arith.cmpi sge, %sub3A_39, %scan3A_37#1 : i32
    %and3A = arith.andi %ge3A_40, %ge3A_41 : i1
    %convert_element_type3A = arith.extui %and3A : i1 to i32
    %cond3A = arith.constant 0 : i32
    %cond3A_42 = arith.cmpi ne, %convert_element_type3A, %cond3A : i32
    scf.if %cond3A_42 {
      %rem3A = arith.constant 3 : i32
      %rem3A_61 = arith.remsi %sub3A_39, %rem3A : i32
      %rem3A_62 = arith.constant 3 : i32
      %rem3A_63 = arith.remsi %sub3A_39, %rem3A_62 : i32
      %rem3A_64 = arith.constant 3 : i32
      %rem3A_65 = arith.remsi %sub3A_39, %rem3A_64 : i32
      %dma_wait3A = arith.constant 0 : i32
      %dma_wait3A_66 = arith.constant 0 : i32
      %dma_wait3A_67 = tpu.memref_slice %arg14[%rem3A_61, %dma_wait3A, %dma_wait3A_66] : memref<3x128x32xf32, #tpu.memory_space<vmem>> -> memref<1x128x32xf32, #tpu.memory_space<vmem>>
      %dma_wait3A_68 = tpu.memref_squeeze %dma_wait3A_67 : memref<1x128x32xf32, #tpu.memory_space<vmem>> -> memref<128x32xf32, #tpu.memory_space<vmem>>
      %dma_wait3A_69 = arith.constant 0 : i32
      %dma_wait3A_70 = tpu.memref_slice %arg12[%rem3A_63, %dma_wait3A_69] : memref<3x128xi32, #tpu.memory_space<vmem>> -> memref<1x128xi32, #tpu.memory_space<vmem>>
      %dma_wait3A_71 = tpu.memref_squeeze %dma_wait3A_70 : memref<1x128xi32, #tpu.memory_space<vmem>> -> memref<128xi32, #tpu.memory_space<vmem>>
      %dma_wait3A_72 = arith.constant 0 : i32
      %dma_wait3A_73 = arith.constant 0 : i32
      %dma_wait3A_74 = tpu.memref_slice %arg15[%dma_wait3A_72, %dma_wait3A_73] : memref<50048x32xf32, #tpu.memory_space<vmem_shared>> -> memref<50048x32xf32, #tpu.memory_space<vmem_shared>>
      %dma_wait3A_75 = tpu.memref_slice %arg18[%rem3A_65] : memref<3x!tpu.dma_semaphore, #tpu.memory_space<semaphore_mem>> -> memref<1x!tpu.dma_semaphore, #tpu.memory_space<semaphore_mem>>
      %dma_wait3A_76 = tpu.memref_squeeze %dma_wait3A_75 : memref<1x!tpu.dma_semaphore, #tpu.memory_space<semaphore_mem>> -> memref<!tpu.dma_semaphore, #tpu.memory_space<semaphore_mem>>
      tpu.wait_indirect_dma semaphore(%dma_wait3A_76 : memref<!tpu.dma_semaphore, #tpu.memory_space<semaphore_mem>>) src(%dma_wait3A_68 : memref<128x32xf32, #tpu.memory_space<vmem>>) dst(%dma_wait3A_74 : memref<50048x32xf32, #tpu.memory_space<vmem_shared>>)
    } else {
    }
    %add3A_43 = arith.constant 1 : i32
    %add3A_44 = arith.addi %sub3A_39, %add3A_43 : i32
    %max3A = arith.maxsi %scan3A_37#1, %add3A_44 : i32
    %sub3A_45 = arith.constant 1 : i32
    %sub3A_46 = arith.subi %scan3A_37#0, %sub3A_45 : i32
    %ge3A_47 = arith.constant 0 : i32
    %ge3A_48 = arith.cmpi sge, %sub3A_46, %ge3A_47 : i32
    %ge3A_49 = arith.cmpi sge, %sub3A_46, %max3A : i32
    %and3A_50 = arith.andi %ge3A_48, %ge3A_49 : i1
    %convert_element_type3A_51 = arith.extui %and3A_50 : i1 to i32
    %cond3A_52 = arith.constant 0 : i32
    %cond3A_53 = arith.cmpi ne, %convert_element_type3A_51, %cond3A_52 : i32
    scf.if %cond3A_53 {
      %rem3A = arith.constant 3 : i32
      %rem3A_61 = arith.remsi %sub3A_46, %rem3A : i32
      %rem3A_62 = arith.constant 3 : i32
      %rem3A_63 = arith.remsi %sub3A_46, %rem3A_62 : i32
      %rem3A_64 = arith.constant 3 : i32
      %rem3A_65 = arith.remsi %sub3A_46, %rem3A_64 : i32
      %dma_wait3A = arith.constant 0 : i32
      %dma_wait3A_66 = arith.constant 0 : i32
      %dma_wait3A_67 = tpu.memref_slice %arg14[%rem3A_61, %dma_wait3A, %dma_wait3A_66] : memref<3x128x32xf32, #tpu.memory_space<vmem>> -> memref<1x128x32xf32, #tpu.memory_space<vmem>>
      %dma_wait3A_68 = tpu.memref_squeeze %dma_wait3A_67 : memref<1x128x32xf32, #tpu.memory_space<vmem>> -> memref<128x32xf32, #tpu.memory_space<vmem>>
      %dma_wait3A_69 = arith.constant 0 : i32
      %dma_wait3A_70 = tpu.memref_slice %arg12[%rem3A_63, %dma_wait3A_69] : memref<3x128xi32, #tpu.memory_space<vmem>> -> memref<1x128xi32, #tpu.memory_space<vmem>>
      %dma_wait3A_71 = tpu.memref_squeeze %dma_wait3A_70 : memref<1x128xi32, #tpu.memory_space<vmem>> -> memref<128xi32, #tpu.memory_space<vmem>>
      %dma_wait3A_72 = arith.constant 0 : i32
      %dma_wait3A_73 = arith.constant 0 : i32
      %dma_wait3A_74 = tpu.memref_slice %arg15[%dma_wait3A_72, %dma_wait3A_73] : memref<50048x32xf32, #tpu.memory_space<vmem_shared>> -> memref<50048x32xf32, #tpu.memory_space<vmem_shared>>
      %dma_wait3A_75 = tpu.memref_slice %arg18[%rem3A_65] : memref<3x!tpu.dma_semaphore, #tpu.memory_space<semaphore_mem>> -> memref<1x!tpu.dma_semaphore, #tpu.memory_space<semaphore_mem>>
      %dma_wait3A_76 = tpu.memref_squeeze %dma_wait3A_75 : memref<1x!tpu.dma_semaphore, #tpu.memory_space<semaphore_mem>> -> memref<!tpu.dma_semaphore, #tpu.memory_space<semaphore_mem>>
      tpu.wait_indirect_dma semaphore(%dma_wait3A_76 : memref<!tpu.dma_semaphore, #tpu.memory_space<semaphore_mem>>) src(%dma_wait3A_68 : memref<128x32xf32, #tpu.memory_space<vmem>>) dst(%dma_wait3A_74 : memref<50048x32xf32, #tpu.memory_space<vmem_shared>>)
    } else {
    }
    %add3A_54 = arith.constant 1 : i32
    %add3A_55 = arith.addi %sub3A_46, %add3A_54 : i32
    %max3A_56 = arith.maxsi %max3A, %add3A_55 : i32
    %barrier3A_57 = arith.constant 0 : index
    tpu.barrier barrier_id(%barrier3A_57)
    %mul3A_58 = arith.constant 50048 : i32
    %mul3A_59 = arith.muli %arg0, %mul3A_58 : i32
    %add3A_60 = arith.addi %mul3A_59, %mul3A_2 : i32
    "tpu.region"() ({
      %run_scoped3A = tpu.sem_alloc : memref<!tpu.dma_semaphore, #tpu.memory_space<semaphore_mem>>
      %dma_start3A_61 = arith.constant 0 : i32
      %dma_start3A_62 = tpu.memref_slice %arg7[%add3A_60, %dma_start3A_61] : memref<100096x32xf32, #tpu.memory_space<hbm>> -> memref<3128x32xf32, #tpu.memory_space<hbm>>
      %dma_start3A_63 = arith.constant 0 : i32
      %dma_start3A_64 = tpu.memref_slice %arg15[%mul3A_2, %dma_start3A_63] : memref<50048x32xf32, #tpu.memory_space<vmem_shared>> -> memref<3128x32xf32, #tpu.memory_space<vmem_shared>>
      tpu.enqueue_dma source(%dma_start3A_64 : memref<3128x32xf32, #tpu.memory_space<vmem_shared>>) target(%dma_start3A_62 : memref<3128x32xf32, #tpu.memory_space<hbm>>) target_semaphore(%run_scoped3A : memref<!tpu.dma_semaphore, #tpu.memory_space<semaphore_mem>>)
      %dma_wait3A = arith.constant 0 : i32
      %dma_wait3A_65 = tpu.memref_slice %arg7[%add3A_60, %dma_wait3A] : memref<100096x32xf32, #tpu.memory_space<hbm>> -> memref<3128x32xf32, #tpu.memory_space<hbm>>
      %dma_wait3A_66 = arith.constant 0 : i32
      %dma_wait3A_67 = tpu.memref_slice %arg15[%mul3A_2, %dma_wait3A_66] : memref<50048x32xf32, #tpu.memory_space<vmem_shared>> -> memref<3128x32xf32, #tpu.memory_space<vmem_shared>>
      tpu.wait_dma2 semaphore(%run_scoped3A : memref<!tpu.dma_semaphore, #tpu.memory_space<semaphore_mem>>) src(%dma_wait3A_67 : memref<3128x32xf32, #tpu.memory_space<vmem_shared>>) dst(%dma_wait3A_65 : memref<3128x32xf32, #tpu.memory_space<hbm>>)
      tpu.yield
    }) : () -> ()
    return
  }
}

#map = affine_map<(d0, d1) -> (0, 0)>
#map1 = affine_map<(d0, d1) -> (0)>
module attributes {stable_mosaic.version = 14 : i64} {
  func.func @_layer_body(%arg0: i32, %arg1: i32, %arg2: memref<100096x32xf32, #tpu.memory_space<hbm>>, %arg3: memref<1605632xi32, #tpu.memory_space<hbm>>, %arg4: memref<1605632xi32, #tpu.memory_space<hbm>>, %arg5: memref<1605632xf32, #tpu.memory_space<hbm>>, %arg6: memref<50048x32xf32, #tpu.memory_space<hbm>>, %arg7: memref<100096x32xf32, #tpu.memory_space<hbm>>, %arg8: memref<2x1024xi32, #tpu.memory_space<vmem>>, %arg9: memref<2x1024xi32, #tpu.memory_space<vmem>>, %arg10: memref<2x1024xf32, #tpu.memory_space<vmem>>, %arg11: memref<3x128xi32, #tpu.memory_space<vmem>>, %arg12: memref<3x128xi32, #tpu.memory_space<vmem>>, %arg13: memref<3x128xf32, #tpu.memory_space<vmem>>, %arg14: memref<3x128x32xf32, #tpu.memory_space<vmem>>, %arg15: memref<50048x32xf32, #tpu.memory_space<vmem_shared>>, %arg16: memref<!tpu.dma_semaphore, #tpu.memory_space<semaphore_mem>>, %arg17: memref<3x!tpu.dma_semaphore, #tpu.memory_space<semaphore_mem>>, %arg18: memref<3x!tpu.dma_semaphore, #tpu.memory_space<semaphore_mem>>) attributes {dimension_semantics = [#tpu.dimension_semantics<core_parallel>, #tpu.dimension_semantics<subcore_parallel>], iteration_bounds = array<i64: 2, 16>, scalar_prefetch = 0 : i64, scratch_operands = 11 : i64, tpu.core_type = #tpu.core_type<sc_vector_subcore>, window_params = [{transform_indices = #map}, {transform_indices = #map1}, {transform_indices = #map1}, {transform_indices = #map1}, {transform_indices = #map}, {transform_indices = #map}]} {
    %mul3A = arith.constant 50000 : i32
    %mul3A_0 = arith.muli %arg0, %mul3A : i32
    %mul3A_1 = arith.constant 3128 : i32
    %mul3A_2 = arith.muli %arg1, %mul3A_1 : i32
    "tpu.region"() ({
      %run_scoped3A = tpu.sem_alloc : memref<!tpu.dma_semaphore, #tpu.memory_space<semaphore_mem>>
      %dma_start3A_61 = arith.constant 0 : i32
      %dma_start3A_62 = tpu.memref_slice %arg15[%mul3A_2, %dma_start3A_61] : memref<50048x32xf32, #tpu.memory_space<vmem_shared>> -> memref<3128x32xf32, #tpu.memory_space<vmem_shared>>
      %dma_start3A_63 = arith.constant 0 : i32
      %dma_start3A_64 = tpu.memref_slice %arg6[%mul3A_2, %dma_start3A_63] : memref<50048x32xf32, #tpu.memory_space<hbm>> -> memref<3128x32xf32, #tpu.memory_space<hbm>>
      tpu.enqueue_dma source(%dma_start3A_64 : memref<3128x32xf32, #tpu.memory_space<hbm>>) target(%dma_start3A_62 : memref<3128x32xf32, #tpu.memory_space<vmem_shared>>) target_semaphore(%run_scoped3A : memref<!tpu.dma_semaphore, #tpu.memory_space<semaphore_mem>>)
      %dma_wait3A = arith.constant 0 : i32
      %dma_wait3A_65 = tpu.memref_slice %arg15[%mul3A_2, %dma_wait3A] : memref<50048x32xf32, #tpu.memory_space<vmem_shared>> -> memref<3128x32xf32, #tpu.memory_space<vmem_shared>>
      %dma_wait3A_66 = arith.constant 0 : i32
      %dma_wait3A_67 = tpu.memref_slice %arg6[%mul3A_2, %dma_wait3A_66] : memref<50048x32xf32, #tpu.memory_space<hbm>> -> memref<3128x32xf32, #tpu.memory_space<hbm>>
      tpu.wait_dma2 semaphore(%run_scoped3A : memref<!tpu.dma_semaphore, #tpu.memory_space<semaphore_mem>>) src(%dma_wait3A_67 : memref<3128x32xf32, #tpu.memory_space<hbm>>) dst(%dma_wait3A_65 : memref<3128x32xf32, #tpu.memory_space<vmem_shared>>)
      tpu.yield
    }) : () -> ()
    %barrier3A = arith.constant 0 : index
    tpu.barrier barrier_id(%barrier3A)
    %mul3A_3 = arith.constant 100352 : i32
    %mul3A_4 = arith.muli %arg1, %mul3A_3 : i32
    %iota3A = tpu.iota {dimensions = array<i32: 0>} : vector<16xi32>
    %add3A = arith.constant 0 : i32
    %add3A_5 = arith.addi %mul3A_4, %add3A : i32
    %dma_start3A = arith.constant 0 : i32
    %dma_start3A_6 = arith.constant 0 : i32
    %dma_start3A_7 = tpu.memref_slice %arg8[%dma_start3A, %dma_start3A_6] : memref<2x1024xi32, #tpu.memory_space<vmem>> -> memref<1x1024xi32, #tpu.memory_space<vmem>>
    %dma_start3A_8 = tpu.memref_squeeze %dma_start3A_7 : memref<1x1024xi32, #tpu.memory_space<vmem>> -> memref<1024xi32, #tpu.memory_space<vmem>>
    %dma_start3A_9 = tpu.memref_slice %arg3[%add3A_5] : memref<1605632xi32, #tpu.memory_space<hbm>> -> memref<1024xi32, #tpu.memory_space<hbm>>
    %dma_start3A_10 = arith.constant 0 : i32
    %dma_start3A_11 = tpu.memref_slice %arg8[%dma_start3A, %dma_start3A_10] : memref<2x1024xi32, #tpu.memory_space<vmem>> -> memref<1x1024xi32, #tpu.memory_space<vmem>>
    %dma_start3A_12 = tpu.memref_squeeze %dma_start3A_11 : memref<1x1024xi32, #tpu.memory_space<vmem>> -> memref<1024xi32, #tpu.memory_space<vmem>>
    %dma_start3A_13 = tpu.memref_slice %arg3[%add3A_5] : memref<1605632xi32, #tpu.memory_space<hbm>> -> memref<1024xi32, #tpu.memory_space<hbm>>
    tpu.enqueue_dma source(%dma_start3A_13 : memref<1024xi32, #tpu.memory_space<hbm>>) target(%dma_start3A_12 : memref<1024xi32, #tpu.memory_space<vmem>>) target_semaphore(%arg16 : memref<!tpu.dma_semaphore, #tpu.memory_space<semaphore_mem>>)
    %dma_start3A_14 = arith.constant 0 : i32
    %dma_start3A_15 = arith.constant 0 : i32
    %dma_start3A_16 = tpu.memref_slice %arg9[%dma_start3A_14, %dma_start3A_15] : memref<2x1024xi32, #tpu.memory_space<vmem>> -> memref<1x1024xi32, #tpu.memory_space<vmem>>
    %dma_start3A_17 = tpu.memref_squeeze %dma_start3A_16 : memref<1x1024xi32, #tpu.memory_space<vmem>> -> memref<1024xi32, #tpu.memory_space<vmem>>
    %dma_start3A_18 = tpu.memref_slice %arg4[%add3A_5] : memref<1605632xi32, #tpu.memory_space<hbm>> -> memref<1024xi32, #tpu.memory_space<hbm>>
    %dma_start3A_19 = arith.constant 0 : i32
    %dma_start3A_20 = tpu.memref_slice %arg9[%dma_start3A_14, %dma_start3A_19] : memref<2x1024xi32, #tpu.memory_space<vmem>> -> memref<1x1024xi32, #tpu.memory_space<vmem>>
    %dma_start3A_21 = tpu.memref_squeeze %dma_start3A_20 : memref<1x1024xi32, #tpu.memory_space<vmem>> -> memref<1024xi32, #tpu.memory_space<vmem>>
    %dma_start3A_22 = tpu.memref_slice %arg4[%add3A_5] : memref<1605632xi32, #tpu.memory_space<hbm>> -> memref<1024xi32, #tpu.memory_space<hbm>>
    tpu.enqueue_dma source(%dma_start3A_22 : memref<1024xi32, #tpu.memory_space<hbm>>) target(%dma_start3A_21 : memref<1024xi32, #tpu.memory_space<vmem>>) target_semaphore(%arg16 : memref<!tpu.dma_semaphore, #tpu.memory_space<semaphore_mem>>)
    %dma_start3A_23 = arith.constant 0 : i32
    %dma_start3A_24 = arith.constant 0 : i32
    %dma_start3A_25 = tpu.memref_slice %arg10[%dma_start3A_23, %dma_start3A_24] : memref<2x1024xf32, #tpu.memory_space<vmem>> -> memref<1x1024xf32, #tpu.memory_space<vmem>>
    %dma_start3A_26 = tpu.memref_squeeze %dma_start3A_25 : memref<1x1024xf32, #tpu.memory_space<vmem>> -> memref<1024xf32, #tpu.memory_space<vmem>>
    %dma_start3A_27 = tpu.memref_slice %arg5[%add3A_5] : memref<1605632xf32, #tpu.memory_space<hbm>> -> memref<1024xf32, #tpu.memory_space<hbm>>
    %dma_start3A_28 = arith.constant 0 : i32
    %dma_start3A_29 = tpu.memref_slice %arg10[%dma_start3A_23, %dma_start3A_28] : memref<2x1024xf32, #tpu.memory_space<vmem>> -> memref<1x1024xf32, #tpu.memory_space<vmem>>
    %dma_start3A_30 = tpu.memref_squeeze %dma_start3A_29 : memref<1x1024xf32, #tpu.memory_space<vmem>> -> memref<1024xf32, #tpu.memory_space<vmem>>
    %dma_start3A_31 = tpu.memref_slice %arg5[%add3A_5] : memref<1605632xf32, #tpu.memory_space<hbm>> -> memref<1024xf32, #tpu.memory_space<hbm>>
    tpu.enqueue_dma source(%dma_start3A_31 : memref<1024xf32, #tpu.memory_space<hbm>>) target(%dma_start3A_30 : memref<1024xf32, #tpu.memory_space<vmem>>) target_semaphore(%arg16 : memref<!tpu.dma_semaphore, #tpu.memory_space<semaphore_mem>>)
    %scan3A = arith.constant 0 : i32
    %scan3A_32 = arith.constant 0 : i32
    %scan3A_33 = arith.constant 0 : i32
    %scan3A_34 = arith.constant 98 : i32
    %scan3A_35 = arith.addi %scan3A_33, %scan3A_34 : i32
    %scan3A_36 = arith.constant 1 : i32
    %scan3A_37:2 = scf.for %scan3A_61 = %scan3A_33 to %scan3A_35 step %scan3A_36 iter_args(%scan3A_62 = %scan3A, %scan3A_63 = %scan3A_32) -> (i32, i32)  : i32 {
      %rem3A = arith.constant 2 : i32
      %rem3A_64 = arith.remsi %scan3A_61, %rem3A : i32
      %dma_wait3A = arith.constant 0 : i32
      %dma_wait3A_65 = tpu.memref_slice %arg8[%rem3A_64, %dma_wait3A] : memref<2x1024xi32, #tpu.memory_space<vmem>> -> memref<1x1024xi32, #tpu.memory_space<vmem>>
      %dma_wait3A_66 = tpu.memref_squeeze %dma_wait3A_65 : memref<1x1024xi32, #tpu.memory_space<vmem>> -> memref<1024xi32, #tpu.memory_space<vmem>>
      %dma_wait3A_67 = tpu.memref_slice %arg3[%mul3A_4] : memref<1605632xi32, #tpu.memory_space<hbm>> -> memref<1024xi32, #tpu.memory_space<hbm>>
      %dma_wait3A_68 = arith.constant 0 : i32
      %dma_wait3A_69 = tpu.memref_slice %arg8[%rem3A_64, %dma_wait3A_68] : memref<2x1024xi32, #tpu.memory_space<vmem>> -> memref<1x1024xi32, #tpu.memory_space<vmem>>
      %dma_wait3A_70 = tpu.memref_squeeze %dma_wait3A_69 : memref<1x1024xi32, #tpu.memory_space<vmem>> -> memref<1024xi32, #tpu.memory_space<vmem>>
      %dma_wait3A_71 = tpu.memref_slice %arg3[%mul3A_4] : memref<1605632xi32, #tpu.memory_space<hbm>> -> memref<1024xi32, #tpu.memory_space<hbm>>
      tpu.wait_dma2 semaphore(%arg16 : memref<!tpu.dma_semaphore, #tpu.memory_space<semaphore_mem>>) src(%dma_wait3A_71 : memref<1024xi32, #tpu.memory_space<hbm>>) dst(%dma_wait3A_70 : memref<1024xi32, #tpu.memory_space<vmem>>)
      %dma_wait3A_72 = arith.constant 0 : i32
      %dma_wait3A_73 = tpu.memref_slice %arg9[%rem3A_64, %dma_wait3A_72] : memref<2x1024xi32, #tpu.memory_space<vmem>> -> memref<1x1024xi32, #tpu.memory_space<vmem>>
      %dma_wait3A_74 = tpu.memref_squeeze %dma_wait3A_73 : memref<1x1024xi32, #tpu.memory_space<vmem>> -> memref<1024xi32, #tpu.memory_space<vmem>>
      %dma_wait3A_75 = tpu.memref_slice %arg4[%mul3A_4] : memref<1605632xi32, #tpu.memory_space<hbm>> -> memref<1024xi32, #tpu.memory_space<hbm>>
      %dma_wait3A_76 = arith.constant 0 : i32
      %dma_wait3A_77 = tpu.memref_slice %arg9[%rem3A_64, %dma_wait3A_76] : memref<2x1024xi32, #tpu.memory_space<vmem>> -> memref<1x1024xi32, #tpu.memory_space<vmem>>
      %dma_wait3A_78 = tpu.memref_squeeze %dma_wait3A_77 : memref<1x1024xi32, #tpu.memory_space<vmem>> -> memref<1024xi32, #tpu.memory_space<vmem>>
      %dma_wait3A_79 = tpu.memref_slice %arg4[%mul3A_4] : memref<1605632xi32, #tpu.memory_space<hbm>> -> memref<1024xi32, #tpu.memory_space<hbm>>
      tpu.wait_dma2 semaphore(%arg16 : memref<!tpu.dma_semaphore, #tpu.memory_space<semaphore_mem>>) src(%dma_wait3A_79 : memref<1024xi32, #tpu.memory_space<hbm>>) dst(%dma_wait3A_78 : memref<1024xi32, #tpu.memory_space<vmem>>)
      %dma_wait3A_80 = arith.constant 0 : i32
      %dma_wait3A_81 = tpu.memref_slice %arg10[%rem3A_64, %dma_wait3A_80] : memref<2x1024xf32, #tpu.memory_space<vmem>> -> memref<1x1024xf32, #tpu.memory_space<vmem>>
      %dma_wait3A_82 = tpu.memref_squeeze %dma_wait3A_81 : memref<1x1024xf32, #tpu.memory_space<vmem>> -> memref<1024xf32, #tpu.memory_space<vmem>>
      %dma_wait3A_83 = tpu.memref_slice %arg5[%mul3A_4] : memref<1605632xf32, #tpu.memory_space<hbm>> -> memref<1024xf32, #tpu.memory_space<hbm>>
      %dma_wait3A_84 = arith.constant 0 : i32
      %dma_wait3A_85 = tpu.memref_slice %arg10[%rem3A_64, %dma_wait3A_84] : memref<2x1024xf32, #tpu.memory_space<vmem>> -> memref<1x1024xf32, #tpu.memory_space<vmem>>
      %dma_wait3A_86 = tpu.memref_squeeze %dma_wait3A_85 : memref<1x1024xf32, #tpu.memory_space<vmem>> -> memref<1024xf32, #tpu.memory_space<vmem>>
      %dma_wait3A_87 = tpu.memref_slice %arg5[%mul3A_4] : memref<1605632xf32, #tpu.memory_space<hbm>> -> memref<1024xf32, #tpu.memory_space<hbm>>
      tpu.wait_dma2 semaphore(%arg16 : memref<!tpu.dma_semaphore, #tpu.memory_space<semaphore_mem>>) src(%dma_wait3A_87 : memref<1024xf32, #tpu.memory_space<hbm>>) dst(%dma_wait3A_86 : memref<1024xf32, #tpu.memory_space<vmem>>)
      %add3A_88 = arith.constant 1 : i32
      %add3A_89 = arith.addi %scan3A_61, %add3A_88 : i32
      %lt3A = arith.constant 98 : i32
      %lt3A_90 = arith.cmpi slt, %add3A_89, %lt3A : i32
      %convert_element_type3A_91 = arith.extui %lt3A_90 : i1 to i32
      %cond3A_92 = arith.constant 0 : i32
      %cond3A_93 = arith.cmpi ne, %convert_element_type3A_91, %cond3A_92 : i32
      scf.if %cond3A_93 {
        %add3A_122 = arith.constant 1 : i32
        %add3A_123 = arith.addi %scan3A_61, %add3A_122 : i32
        %sub3A_124 = arith.constant 1 : i32
        %sub3A_125 = arith.subi %sub3A_124, %rem3A_64 : i32
        %mul3A_126 = arith.constant 1024 : i32
        %mul3A_127 = arith.muli %add3A_123, %mul3A_126 : i32
        %add3A_128 = arith.addi %mul3A_4, %mul3A_127 : i32
        %dma_start3A_129 = arith.constant 0 : i32
        %dma_start3A_130 = tpu.memref_slice %arg8[%sub3A_125, %dma_start3A_129] : memref<2x1024xi32, #tpu.memory_space<vmem>> -> memref<1x1024xi32, #tpu.memory_space<vmem>>
        %dma_start3A_131 = tpu.memref_squeeze %dma_start3A_130 : memref<1x1024xi32, #tpu.memory_space<vmem>> -> memref<1024xi32, #tpu.memory_space<vmem>>
        %dma_start3A_132 = tpu.memref_slice %arg3[%add3A_128] : memref<1605632xi32, #tpu.memory_space<hbm>> -> memref<1024xi32, #tpu.memory_space<hbm>>
        %dma_start3A_133 = arith.constant 0 : i32
        %dma_start3A_134 = tpu.memref_slice %arg8[%sub3A_125, %dma_start3A_133] : memref<2x1024xi32, #tpu.memory_space<vmem>> -> memref<1x1024xi32, #tpu.memory_space<vmem>>
        %dma_start3A_135 = tpu.memref_squeeze %dma_start3A_134 : memref<1x1024xi32, #tpu.memory_space<vmem>> -> memref<1024xi32, #tpu.memory_space<vmem>>
        %dma_start3A_136 = tpu.memref_slice %arg3[%add3A_128] : memref<1605632xi32, #tpu.memory_space<hbm>> -> memref<1024xi32, #tpu.memory_space<hbm>>
        tpu.enqueue_dma source(%dma_start3A_136 : memref<1024xi32, #tpu.memory_space<hbm>>) target(%dma_start3A_135 : memref<1024xi32, #tpu.memory_space<vmem>>) target_semaphore(%arg16 : memref<!tpu.dma_semaphore, #tpu.memory_space<semaphore_mem>>)
        %dma_start3A_137 = arith.constant 0 : i32
        %dma_start3A_138 = tpu.memref_slice %arg9[%sub3A_125, %dma_start3A_137] : memref<2x1024xi32, #tpu.memory_space<vmem>> -> memref<1x1024xi32, #tpu.memory_space<vmem>>
        %dma_start3A_139 = tpu.memref_squeeze %dma_start3A_138 : memref<1x1024xi32, #tpu.memory_space<vmem>> -> memref<1024xi32, #tpu.memory_space<vmem>>
        %dma_start3A_140 = tpu.memref_slice %arg4[%add3A_128] : memref<1605632xi32, #tpu.memory_space<hbm>> -> memref<1024xi32, #tpu.memory_space<hbm>>
        %dma_start3A_141 = arith.constant 0 : i32
        %dma_start3A_142 = tpu.memref_slice %arg9[%sub3A_125, %dma_start3A_141] : memref<2x1024xi32, #tpu.memory_space<vmem>> -> memref<1x1024xi32, #tpu.memory_space<vmem>>
        %dma_start3A_143 = tpu.memref_squeeze %dma_start3A_142 : memref<1x1024xi32, #tpu.memory_space<vmem>> -> memref<1024xi32, #tpu.memory_space<vmem>>
        %dma_start3A_144 = tpu.memref_slice %arg4[%add3A_128] : memref<1605632xi32, #tpu.memory_space<hbm>> -> memref<1024xi32, #tpu.memory_space<hbm>>
        tpu.enqueue_dma source(%dma_start3A_144 : memref<1024xi32, #tpu.memory_space<hbm>>) target(%dma_start3A_143 : memref<1024xi32, #tpu.memory_space<vmem>>) target_semaphore(%arg16 : memref<!tpu.dma_semaphore, #tpu.memory_space<semaphore_mem>>)
        %dma_start3A_145 = arith.constant 0 : i32
        %dma_start3A_146 = tpu.memref_slice %arg10[%sub3A_125, %dma_start3A_145] : memref<2x1024xf32, #tpu.memory_space<vmem>> -> memref<1x1024xf32, #tpu.memory_space<vmem>>
        %dma_start3A_147 = tpu.memref_squeeze %dma_start3A_146 : memref<1x1024xf32, #tpu.memory_space<vmem>> -> memref<1024xf32, #tpu.memory_space<vmem>>
        %dma_start3A_148 = tpu.memref_slice %arg5[%add3A_128] : memref<1605632xf32, #tpu.memory_space<hbm>> -> memref<1024xf32, #tpu.memory_space<hbm>>
        %dma_start3A_149 = arith.constant 0 : i32
        %dma_start3A_150 = tpu.memref_slice %arg10[%sub3A_125, %dma_start3A_149] : memref<2x1024xf32, #tpu.memory_space<vmem>> -> memref<1x1024xf32, #tpu.memory_space<vmem>>
        %dma_start3A_151 = tpu.memref_squeeze %dma_start3A_150 : memref<1x1024xf32, #tpu.memory_space<vmem>> -> memref<1024xf32, #tpu.memory_space<vmem>>
        %dma_start3A_152 = tpu.memref_slice %arg5[%add3A_128] : memref<1605632xf32, #tpu.memory_space<hbm>> -> memref<1024xf32, #tpu.memory_space<hbm>>
        tpu.enqueue_dma source(%dma_start3A_152 : memref<1024xf32, #tpu.memory_space<hbm>>) target(%dma_start3A_151 : memref<1024xf32, #tpu.memory_space<vmem>>) target_semaphore(%arg16 : memref<!tpu.dma_semaphore, #tpu.memory_space<semaphore_mem>>)
      } else {
      }
      %rem3A_94 = arith.constant 3 : i32
      %rem3A_95 = arith.remsi %scan3A_62, %rem3A_94 : i32
      %scan3A_96 = arith.constant 0 : i32
      %scan3A_97 = arith.constant 0 : i32
      %scan3A_98 = arith.constant 8 : i32
      %scan3A_99 = arith.addi %scan3A_97, %scan3A_98 : i32
      %scan3A_100 = arith.constant 1 : i32
      scf.for %scan3A_122 = %scan3A_97 to %scan3A_99 step %scan3A_100  : i32 {
        %mul3A_123 = arith.constant 16 : i32
        %mul3A_124 = arith.muli %scan3A_122, %mul3A_123 : i32
        %add3A_125 = arith.constant 0 : i32
        %add3A_126 = arith.addi %add3A_125, %mul3A_124 : i32
        %mul3A_127 = arith.constant 16 : i32
        %mul3A_128 = arith.muli %scan3A_122, %mul3A_127 : i32
        %get3A = arith.index_cast %rem3A_64 : i32 to index
        %get3A_129 = arith.index_cast %add3A_126 : i32 to index
        %get3A_130 = tpu.vector_load %arg8[%get3A, %get3A_129] {strides = array<i32>} : memref<2x1024xi32, #tpu.memory_space<vmem>>, vector<1x16xi32>,
        %get3A_131 = vector.shape_cast %get3A_130 : vector<1x16xi32> to vector<16xi32>
        %get3A_132 = arith.index_cast %rem3A_64 : i32 to index
        %get3A_133 = arith.index_cast %add3A_126 : i32 to index
        %get3A_134 = tpu.vector_load %arg9[%get3A_132, %get3A_133] {strides = array<i32>} : memref<2x1024xi32, #tpu.memory_space<vmem>>, vector<1x16xi32>,
        %get3A_135 = vector.shape_cast %get3A_134 : vector<1x16xi32> to vector<16xi32>
        %get3A_136 = arith.index_cast %rem3A_64 : i32 to index
        %get3A_137 = arith.index_cast %add3A_126 : i32 to index
        %get3A_138 = tpu.vector_load %arg10[%get3A_136, %get3A_137] {strides = array<i32>} : memref<2x1024xf32, #tpu.memory_space<vmem>>, vector<1x16xf32>,
        %get3A_139 = vector.shape_cast %get3A_138 : vector<1x16xf32> to vector<16xf32>
        %ge3A_140 = arith.constant 50000 : i32
        %ge3A_141 = vector.broadcast %ge3A_140 : i32 to vector<16xi32>
        %ge3A_142 = arith.cmpi sge, %get3A_131, %ge3A_141 : vector<16xi32>
        %add3A_143 = arith.constant 48 : i32
        %add3A_144 = vector.broadcast %add3A_143 : i32 to vector<16xi32>
        %add3A_145 = arith.addi %get3A_131, %add3A_144 : vector<16xi32>
        %select_n3A = arith.select %ge3A_142, %add3A_145, %get3A_131 : vector<16xi1>, vector<16xi32>
        %swap3A = arith.index_cast %rem3A_95 : i32 to index
        %swap3A_146 = arith.index_cast %mul3A_128 : i32 to index
        %swap3A_147 = tpu.vector_load %arg11[%swap3A, %swap3A_146] {strides = array<i32>} : memref<3x128xi32, #tpu.memory_space<vmem>>, vector<1x16xi32>,
        %swap3A_148 = vector.shape_cast %swap3A_147 : vector<1x16xi32> to vector<16xi32>
        %swap3A_149 = vector.shape_cast %select_n3A : vector<16xi32> to vector<1x16xi32>
        tpu.vector_store %arg11[%swap3A, %swap3A_146], %swap3A_149 {strides = array<i32>} : memref<3x128xi32, #tpu.memory_space<vmem>>, vector<1x16xi32>,
        %sub3A_150 = vector.broadcast %mul3A_0 : i32 to vector<16xi32>
        %sub3A_151 = arith.subi %get3A_135, %sub3A_150 : vector<16xi32>
        %ge3A_152 = arith.constant 0 : i32
        %ge3A_153 = vector.broadcast %ge3A_152 : i32 to vector<16xi32>
        %ge3A_154 = arith.cmpi sge, %sub3A_151, %ge3A_153 : vector<16xi32>
        %lt3A_155 = arith.constant 50000 : i32
        %lt3A_156 = vector.broadcast %lt3A_155 : i32 to vector<16xi32>
        %lt3A_157 = arith.cmpi slt, %sub3A_151, %lt3A_156 : vector<16xi32>
        %and3A_158 = arith.andi %ge3A_154, %lt3A_157 : vector<16xi1>
        %add3A_159 = vector.broadcast %scan3A_122 : i32 to vector<16xi32>
        %add3A_160 = arith.addi %iota3A, %add3A_159 : vector<16xi32>
        %and3A_161 = arith.constant 31 : i32
        %and3A_162 = vector.broadcast %and3A_161 : i32 to vector<16xi32>
        %and3A_163 = arith.andi %add3A_160, %and3A_162 : vector<16xi32>
        %add3A_164 = arith.constant 50000 : i32
        %add3A_165 = vector.broadcast %add3A_164 : i32 to vector<16xi32>
        %add3A_166 = arith.addi %add3A_165, %and3A_163 : vector<16xi32>
        %select_n3A_167 = arith.select %and3A_158, %sub3A_151, %add3A_166 : vector<16xi1>, vector<16xi32>
        %swap3A_168 = arith.index_cast %rem3A_95 : i32 to index
        %swap3A_169 = arith.index_cast %mul3A_128 : i32 to index
        %swap3A_170 = tpu.vector_load %arg12[%swap3A_168, %swap3A_169] {strides = array<i32>} : memref<3x128xi32, #tpu.memory_space<vmem>>, vector<1x16xi32>,
        %swap3A_171 = vector.shape_cast %swap3A_170 : vector<1x16xi32> to vector<16xi32>
        %swap3A_172 = vector.shape_cast %select_n3A_167 : vector<16xi32> to vector<1x16xi32>
        tpu.vector_store %arg12[%swap3A_168, %swap3A_169], %swap3A_172 {strides = array<i32>} : memref<3x128xi32, #tpu.memory_space<vmem>>, vector<1x16xi32>,
        %jit3A = arith.constant 0.000000e+00 : f32
        %broadcast_in_dim3A = vector.broadcast %jit3A : f32 to vector<16xf32>
        %select_n3A_173 = arith.select %and3A_158, %get3A_139, %broadcast_in_dim3A : vector<16xi1>, vector<16xf32>
        %swap3A_174 = arith.index_cast %rem3A_95 : i32 to index
        %swap3A_175 = arith.index_cast %mul3A_128 : i32 to index
        %swap3A_176 = tpu.vector_load %arg13[%swap3A_174, %swap3A_175] {strides = array<i32>} : memref<3x128xf32, #tpu.memory_space<vmem>>, vector<1x16xf32>,
        %swap3A_177 = vector.shape_cast %swap3A_176 : vector<1x16xf32> to vector<16xf32>
        %swap3A_178 = vector.shape_cast %select_n3A_173 : vector<16xf32> to vector<1x16xf32>
        tpu.vector_store %arg13[%swap3A_174, %swap3A_175], %swap3A_178 {strides = array<i32>} : memref<3x128xf32, #tpu.memory_space<vmem>>, vector<1x16xf32>,
      }
      %scan3A_101 = arith.constant 8 : i32
      %rem3A_102 = arith.constant 3 : i32
      %rem3A_103 = arith.remsi %scan3A_62, %rem3A_102 : i32
      %dma_start3A_104 = arith.constant 0 : i32
      %dma_start3A_105 = arith.constant 0 : i32
      %dma_start3A_106 = tpu.memref_slice %arg14[%rem3A_103, %dma_start3A_104, %dma_start3A_105] : memref<3x128x32xf32, #tpu.memory_space<vmem>> -> memref<1x128x32xf32, #tpu.memory_space<vmem>>
      %dma_start3A_107 = tpu.memref_squeeze %dma_start3A_106 : memref<1x128x32xf32, #tpu.memory_space<vmem>> -> memref<128x32xf32, #tpu.memory_space<vmem>>
      %dma_start3A_108 = arith.constant 0 : i32
      %dma_start3A_109 = tpu.memref_slice %arg11[%rem3A_103, %dma_start3A_108] : memref<3x128xi32, #tpu.memory_space<vmem>> -> memref<1x128xi32, #tpu.memory_space<vmem>>
      %dma_start3A_110 = tpu.memref_squeeze %dma_start3A_109 : memref<1x128xi32, #tpu.memory_space<vmem>> -> memref<128xi32, #tpu.memory_space<vmem>>
      %dma_start3A_111 = arith.constant 0 : i32
      %dma_start3A_112 = arith.constant 0 : i32
      %dma_start3A_113 = tpu.memref_slice %arg2[%dma_start3A_111, %dma_start3A_112] : memref<100096x32xf32, #tpu.memory_space<hbm>> -> memref<100096x32xf32, #tpu.memory_space<hbm>>
      %dma_start3A_114 = tpu.memref_slice %arg17[%rem3A_103] : memref<3x!tpu.dma_semaphore, #tpu.memory_space<semaphore_mem>> -> memref<1x!tpu.dma_semaphore, #tpu.memory_space<semaphore_mem>>
      %dma_start3A_115 = tpu.memref_squeeze %dma_start3A_114 : memref<1x!tpu.dma_semaphore, #tpu.memory_space<semaphore_mem>> -> memref<!tpu.dma_semaphore, #tpu.memory_space<semaphore_mem>>
      tpu.enqueue_indirect_dma source(%dma_start3A_113 : memref<100096x32xf32, #tpu.memory_space<hbm>>) target(%dma_start3A_107 : memref<128x32xf32, #tpu.memory_space<vmem>>) offsets(%dma_start3A_110 : memref<128xi32, #tpu.memory_space<vmem>>) semaphore(%dma_start3A_115 : memref<!tpu.dma_semaphore, #tpu.memory_space<semaphore_mem>>)
      %scan3A_116 = arith.constant 0 : i32
      %scan3A_117 = arith.constant 8 : i32
      %scan3A_118 = arith.addi %scan3A_116, %scan3A_117 : i32
      %scan3A_119 = arith.constant 1 : i32
      %scan3A_120:2 = scf.for %scan3A_122 = %scan3A_116 to %scan3A_118 step %scan3A_119 iter_args(%scan3A_123 = %scan3A_62, %scan3A_124 = %scan3A_63) -> (i32, i32)  : i32 {
        %rem3A_125 = arith.constant 3 : i32
        %rem3A_126 = arith.remsi %scan3A_123, %rem3A_125 : i32
        %add3A_127 = arith.constant 1 : i32
        %add3A_128 = arith.addi %scan3A_123, %add3A_127 : i32
        %rem3A_129 = arith.constant 3 : i32
        %rem3A_130 = arith.remsi %add3A_128, %rem3A_129 : i32
        %sub3A_131 = arith.constant 2 : i32
        %sub3A_132 = arith.subi %scan3A_123, %sub3A_131 : i32
        %ge3A_133 = arith.constant 0 : i32
        %ge3A_134 = arith.cmpi sge, %sub3A_132, %ge3A_133 : i32
        %ge3A_135 = arith.cmpi sge, %sub3A_132, %scan3A_124 : i32
        %and3A_136 = arith.andi %ge3A_134, %ge3A_135 : i1
        %convert_element_type3A_137 = arith.extui %and3A_136 : i1 to i32
        %cond3A_138 = arith.constant 0 : i32
        %cond3A_139 = arith.cmpi ne, %convert_element_type3A_137, %cond3A_138 : i32
        scf.if %cond3A_139 {
          %rem3A_182 = arith.constant 3 : i32
          %rem3A_183 = arith.remsi %sub3A_132, %rem3A_182 : i32
          %rem3A_184 = arith.constant 3 : i32
          %rem3A_185 = arith.remsi %sub3A_132, %rem3A_184 : i32
          %rem3A_186 = arith.constant 3 : i32
          %rem3A_187 = arith.remsi %sub3A_132, %rem3A_186 : i32
          %dma_wait3A_188 = arith.constant 0 : i32
          %dma_wait3A_189 = arith.constant 0 : i32
          %dma_wait3A_190 = tpu.memref_slice %arg14[%rem3A_183, %dma_wait3A_188, %dma_wait3A_189] : memref<3x128x32xf32, #tpu.memory_space<vmem>> -> memref<1x128x32xf32, #tpu.memory_space<vmem>>
          %dma_wait3A_191 = tpu.memref_squeeze %dma_wait3A_190 : memref<1x128x32xf32, #tpu.memory_space<vmem>> -> memref<128x32xf32, #tpu.memory_space<vmem>>
          %dma_wait3A_192 = arith.constant 0 : i32
          %dma_wait3A_193 = tpu.memref_slice %arg12[%rem3A_185, %dma_wait3A_192] : memref<3x128xi32, #tpu.memory_space<vmem>> -> memref<1x128xi32, #tpu.memory_space<vmem>>
          %dma_wait3A_194 = tpu.memref_squeeze %dma_wait3A_193 : memref<1x128xi32, #tpu.memory_space<vmem>> -> memref<128xi32, #tpu.memory_space<vmem>>
          %dma_wait3A_195 = arith.constant 0 : i32
          %dma_wait3A_196 = arith.constant 0 : i32
          %dma_wait3A_197 = tpu.memref_slice %arg15[%dma_wait3A_195, %dma_wait3A_196] : memref<50048x32xf32, #tpu.memory_space<vmem_shared>> -> memref<50048x32xf32, #tpu.memory_space<vmem_shared>>
          %dma_wait3A_198 = tpu.memref_slice %arg18[%rem3A_187] : memref<3x!tpu.dma_semaphore, #tpu.memory_space<semaphore_mem>> -> memref<1x!tpu.dma_semaphore, #tpu.memory_space<semaphore_mem>>
          %dma_wait3A_199 = tpu.memref_squeeze %dma_wait3A_198 : memref<1x!tpu.dma_semaphore, #tpu.memory_space<semaphore_mem>> -> memref<!tpu.dma_semaphore, #tpu.memory_space<semaphore_mem>>
          tpu.wait_indirect_dma semaphore(%dma_wait3A_199 : memref<!tpu.dma_semaphore, #tpu.memory_space<semaphore_mem>>) src(%dma_wait3A_191 : memref<128x32xf32, #tpu.memory_space<vmem>>) dst(%dma_wait3A_197 : memref<50048x32xf32, #tpu.memory_space<vmem_shared>>)
        } else {
        }
        %add3A_140 = arith.constant 1 : i32
        %add3A_141 = arith.addi %sub3A_132, %add3A_140 : i32
        %max3A_142 = arith.maxsi %scan3A_124, %add3A_141 : i32
        %add3A_143 = arith.constant 1 : i32
        %add3A_144 = arith.addi %scan3A_122, %add3A_143 : i32
        %lt3A_145 = arith.constant 8 : i32
        %lt3A_146 = arith.cmpi slt, %add3A_144, %lt3A_145 : i32
        %convert_element_type3A_147 = arith.extui %lt3A_146 : i1 to i32
        %cond3A_148 = arith.constant 0 : i32
        %cond3A_149 = arith.cmpi ne, %convert_element_type3A_147, %cond3A_148 : i32
        scf.if %cond3A_149 {
          %add3A_182 = arith.constant 1 : i32
          %add3A_183 = arith.addi %scan3A_122, %add3A_182 : i32
          %scan3A_184 = arith.constant 0 : i32
          %scan3A_185 = arith.constant 0 : i32
          %scan3A_186 = arith.constant 8 : i32
          %scan3A_187 = arith.addi %scan3A_185, %scan3A_186 : i32
          %scan3A_188 = arith.constant 1 : i32
          scf.for %scan3A_202 = %scan3A_185 to %scan3A_187 step %scan3A_188  : i32 {
            %mul3A_203 = arith.constant 128 : i32
            %mul3A_204 = arith.muli %add3A_183, %mul3A_203 : i32
            %mul3A_205 = arith.constant 16 : i32
            %mul3A_206 = arith.muli %scan3A_202, %mul3A_205 : i32
            %add3A_207 = arith.addi %mul3A_204, %mul3A_206 : i32
            %mul3A_208 = arith.constant 16 : i32
            %mul3A_209 = arith.muli %scan3A_202, %mul3A_208 : i32
            %get3A = arith.index_cast %rem3A_64 : i32 to index
            %get3A_210 = arith.index_cast %add3A_207 : i32 to index
            %get3A_211 = tpu.vector_load %arg8[%get3A, %get3A_210] {strides = array<i32>} : memref<2x1024xi32, #tpu.memory_space<vmem>>, vector<1x16xi32>,
            %get3A_212 = vector.shape_cast %get3A_211 : vector<1x16xi32> to vector<16xi32>
            %get3A_213 = arith.index_cast %rem3A_64 : i32 to index
            %get3A_214 = arith.index_cast %add3A_207 : i32 to index
            %get3A_215 = tpu.vector_load %arg9[%get3A_213, %get3A_214] {strides = array<i32>} : memref<2x1024xi32, #tpu.memory_space<vmem>>, vector<1x16xi32>,
            %get3A_216 = vector.shape_cast %get3A_215 : vector<1x16xi32> to vector<16xi32>
            %get3A_217 = arith.index_cast %rem3A_64 : i32 to index
            %get3A_218 = arith.index_cast %add3A_207 : i32 to index
            %get3A_219 = tpu.vector_load %arg10[%get3A_217, %get3A_218] {strides = array<i32>} : memref<2x1024xf32, #tpu.memory_space<vmem>>, vector<1x16xf32>,
            %get3A_220 = vector.shape_cast %get3A_219 : vector<1x16xf32> to vector<16xf32>
            %ge3A_221 = arith.constant 50000 : i32
            %ge3A_222 = vector.broadcast %ge3A_221 : i32 to vector<16xi32>
            %ge3A_223 = arith.cmpi sge, %get3A_212, %ge3A_222 : vector<16xi32>
            %add3A_224 = arith.constant 48 : i32
            %add3A_225 = vector.broadcast %add3A_224 : i32 to vector<16xi32>
            %add3A_226 = arith.addi %get3A_212, %add3A_225 : vector<16xi32>
            %select_n3A = arith.select %ge3A_223, %add3A_226, %get3A_212 : vector<16xi1>, vector<16xi32>
            %swap3A = arith.index_cast %rem3A_130 : i32 to index
            %swap3A_227 = arith.index_cast %mul3A_209 : i32 to index
            %swap3A_228 = tpu.vector_load %arg11[%swap3A, %swap3A_227] {strides = array<i32>} : memref<3x128xi32, #tpu.memory_space<vmem>>, vector<1x16xi32>,
            %swap3A_229 = vector.shape_cast %swap3A_228 : vector<1x16xi32> to vector<16xi32>
            %swap3A_230 = vector.shape_cast %select_n3A : vector<16xi32> to vector<1x16xi32>
            tpu.vector_store %arg11[%swap3A, %swap3A_227], %swap3A_230 {strides = array<i32>} : memref<3x128xi32, #tpu.memory_space<vmem>>, vector<1x16xi32>,
            %sub3A_231 = vector.broadcast %mul3A_0 : i32 to vector<16xi32>
            %sub3A_232 = arith.subi %get3A_216, %sub3A_231 : vector<16xi32>
            %ge3A_233 = arith.constant 0 : i32
            %ge3A_234 = vector.broadcast %ge3A_233 : i32 to vector<16xi32>
            %ge3A_235 = arith.cmpi sge, %sub3A_232, %ge3A_234 : vector<16xi32>
            %lt3A_236 = arith.constant 50000 : i32
            %lt3A_237 = vector.broadcast %lt3A_236 : i32 to vector<16xi32>
            %lt3A_238 = arith.cmpi slt, %sub3A_232, %lt3A_237 : vector<16xi32>
            %and3A_239 = arith.andi %ge3A_235, %lt3A_238 : vector<16xi1>
            %add3A_240 = vector.broadcast %scan3A_202 : i32 to vector<16xi32>
            %add3A_241 = arith.addi %iota3A, %add3A_240 : vector<16xi32>
            %and3A_242 = arith.constant 31 : i32
            %and3A_243 = vector.broadcast %and3A_242 : i32 to vector<16xi32>
            %and3A_244 = arith.andi %add3A_241, %and3A_243 : vector<16xi32>
            %add3A_245 = arith.constant 50000 : i32
            %add3A_246 = vector.broadcast %add3A_245 : i32 to vector<16xi32>
            %add3A_247 = arith.addi %add3A_246, %and3A_244 : vector<16xi32>
            %select_n3A_248 = arith.select %and3A_239, %sub3A_232, %add3A_247 : vector<16xi1>, vector<16xi32>
            %swap3A_249 = arith.index_cast %rem3A_130 : i32 to index
            %swap3A_250 = arith.index_cast %mul3A_209 : i32 to index
            %swap3A_251 = tpu.vector_load %arg12[%swap3A_249, %swap3A_250] {strides = array<i32>} : memref<3x128xi32, #tpu.memory_space<vmem>>, vector<1x16xi32>,
            %swap3A_252 = vector.shape_cast %swap3A_251 : vector<1x16xi32> to vector<16xi32>
            %swap3A_253 = vector.shape_cast %select_n3A_248 : vector<16xi32> to vector<1x16xi32>
            tpu.vector_store %arg12[%swap3A_249, %swap3A_250], %swap3A_253 {strides = array<i32>} : memref<3x128xi32, #tpu.memory_space<vmem>>, vector<1x16xi32>,
            %jit3A = arith.constant 0.000000e+00 : f32
            %broadcast_in_dim3A = vector.broadcast %jit3A : f32 to vector<16xf32>
            %select_n3A_254 = arith.select %and3A_239, %get3A_220, %broadcast_in_dim3A : vector<16xi1>, vector<16xf32>
            %swap3A_255 = arith.index_cast %rem3A_130 : i32 to index
            %swap3A_256 = arith.index_cast %mul3A_209 : i32 to index
            %swap3A_257 = tpu.vector_load %arg13[%swap3A_255, %swap3A_256] {strides = array<i32>} : memref<3x128xf32, #tpu.memory_space<vmem>>, vector<1x16xf32>,
            %swap3A_258 = vector.shape_cast %swap3A_257 : vector<1x16xf32> to vector<16xf32>
            %swap3A_259 = vector.shape_cast %select_n3A_254 : vector<16xf32> to vector<1x16xf32>
            tpu.vector_store %arg13[%swap3A_255, %swap3A_256], %swap3A_259 {strides = array<i32>} : memref<3x128xf32, #tpu.memory_space<vmem>>, vector<1x16xf32>,
          }
          %scan3A_189 = arith.constant 8 : i32
          %dma_start3A_190 = arith.constant 0 : i32
          %dma_start3A_191 = arith.constant 0 : i32
          %dma_start3A_192 = tpu.memref_slice %arg14[%rem3A_130, %dma_start3A_190, %dma_start3A_191] : memref<3x128x32xf32, #tpu.memory_space<vmem>> -> memref<1x128x32xf32, #tpu.memory_space<vmem>>
          %dma_start3A_193 = tpu.memref_squeeze %dma_start3A_192 : memref<1x128x32xf32, #tpu.memory_space<vmem>> -> memref<128x32xf32, #tpu.memory_space<vmem>>
          %dma_start3A_194 = arith.constant 0 : i32
          %dma_start3A_195 = tpu.memref_slice %arg11[%rem3A_130, %dma_start3A_194] : memref<3x128xi32, #tpu.memory_space<vmem>> -> memref<1x128xi32, #tpu.memory_space<vmem>>
          %dma_start3A_196 = tpu.memref_squeeze %dma_start3A_195 : memref<1x128xi32, #tpu.memory_space<vmem>> -> memref<128xi32, #tpu.memory_space<vmem>>
          %dma_start3A_197 = arith.constant 0 : i32
          %dma_start3A_198 = arith.constant 0 : i32
          %dma_start3A_199 = tpu.memref_slice %arg2[%dma_start3A_197, %dma_start3A_198] : memref<100096x32xf32, #tpu.memory_space<hbm>> -> memref<100096x32xf32, #tpu.memory_space<hbm>>
          %dma_start3A_200 = tpu.memref_slice %arg17[%rem3A_130] : memref<3x!tpu.dma_semaphore, #tpu.memory_space<semaphore_mem>> -> memref<1x!tpu.dma_semaphore, #tpu.memory_space<semaphore_mem>>
          %dma_start3A_201 = tpu.memref_squeeze %dma_start3A_200 : memref<1x!tpu.dma_semaphore, #tpu.memory_space<semaphore_mem>> -> memref<!tpu.dma_semaphore, #tpu.memory_space<semaphore_mem>>
          tpu.enqueue_indirect_dma source(%dma_start3A_199 : memref<100096x32xf32, #tpu.memory_space<hbm>>) target(%dma_start3A_193 : memref<128x32xf32, #tpu.memory_space<vmem>>) offsets(%dma_start3A_196 : memref<128xi32, #tpu.memory_space<vmem>>) semaphore(%dma_start3A_201 : memref<!tpu.dma_semaphore, #tpu.memory_space<semaphore_mem>>)
        } else {
        }
        %dma_wait3A_150 = arith.constant 0 : i32
        %dma_wait3A_151 = arith.constant 0 : i32
        %dma_wait3A_152 = tpu.memref_slice %arg14[%rem3A_126, %dma_wait3A_150, %dma_wait3A_151] : memref<3x128x32xf32, #tpu.memory_space<vmem>> -> memref<1x128x32xf32, #tpu.memory_space<vmem>>
        %dma_wait3A_153 = tpu.memref_squeeze %dma_wait3A_152 : memref<1x128x32xf32, #tpu.memory_space<vmem>> -> memref<128x32xf32, #tpu.memory_space<vmem>>
        %dma_wait3A_154 = arith.constant 0 : i32
        %dma_wait3A_155 = tpu.memref_slice %arg11[%rem3A_126, %dma_wait3A_154] : memref<3x128xi32, #tpu.memory_space<vmem>> -> memref<1x128xi32, #tpu.memory_space<vmem>>
        %dma_wait3A_156 = tpu.memref_squeeze %dma_wait3A_155 : memref<1x128xi32, #tpu.memory_space<vmem>> -> memref<128xi32, #tpu.memory_space<vmem>>
        %dma_wait3A_157 = arith.constant 0 : i32
        %dma_wait3A_158 = arith.constant 0 : i32
        %dma_wait3A_159 = tpu.memref_slice %arg2[%dma_wait3A_157, %dma_wait3A_158] : memref<100096x32xf32, #tpu.memory_space<hbm>> -> memref<100096x32xf32, #tpu.memory_space<hbm>>
        %dma_wait3A_160 = tpu.memref_slice %arg17[%rem3A_126] : memref<3x!tpu.dma_semaphore, #tpu.memory_space<semaphore_mem>> -> memref<1x!tpu.dma_semaphore, #tpu.memory_space<semaphore_mem>>
        %dma_wait3A_161 = tpu.memref_squeeze %dma_wait3A_160 : memref<1x!tpu.dma_semaphore, #tpu.memory_space<semaphore_mem>> -> memref<!tpu.dma_semaphore, #tpu.memory_space<semaphore_mem>>
        tpu.wait_indirect_dma semaphore(%dma_wait3A_161 : memref<!tpu.dma_semaphore, #tpu.memory_space<semaphore_mem>>) src(%dma_wait3A_159 : memref<100096x32xf32, #tpu.memory_space<hbm>>) dst(%dma_wait3A_153 : memref<128x32xf32, #tpu.memory_space<vmem>>)
        %scan3A_162 = arith.constant 0 : i32
        %scan3A_163 = arith.constant 0 : i32
        %scan3A_164 = arith.constant 8 : i32
        %scan3A_165 = arith.addi %scan3A_163, %scan3A_164 : i32
        %scan3A_166 = arith.constant 1 : i32
        scf.for %scan3A_182 = %scan3A_163 to %scan3A_165 step %scan3A_166  : i32 {
          %mul3A_183 = arith.constant 16 : i32
          %mul3A_184 = arith.muli %scan3A_182, %mul3A_183 : i32
          %get3A = arith.index_cast %rem3A_126 : i32 to index
          %get3A_185 = arith.index_cast %mul3A_184 : i32 to index
          %get3A_186 = tpu.vector_load %arg13[%get3A, %get3A_185] {strides = array<i32>} : memref<3x128xf32, #tpu.memory_space<vmem>>, vector<1x16xf32>,
          %get3A_187 = vector.shape_cast %get3A_186 : vector<1x16xf32> to vector<16xf32>
          %mul3A_188 = arith.constant 16 : i32
          %mul3A_189 = arith.muli %scan3A_182, %mul3A_188 : i32
          %add3A_190 = arith.constant 0 : i32
          %add3A_191 = arith.addi %mul3A_189, %add3A_190 : i32
          %slice3A = vector.extract_strided_slice %get3A_187 {offsets = [0], sizes = [1], strides = [1]} : vector<16xf32> to vector<1xf32>
          %squeeze3A = vector.extract %slice3A[0] : f32 from vector<1xf32>
          %get3A_192 = arith.index_cast %rem3A_126 : i32 to index
          %get3A_193 = arith.index_cast %add3A_191 : i32 to index
          %get3A_194 = arith.constant 0 : index
          %get3A_195 = tpu.vector_load %arg14[%get3A_192, %get3A_193, %get3A_194] {strides = array<i32>} : memref<3x128x32xf32, #tpu.memory_space<vmem>>, vector<1x1x16xf32>,
          %get3A_196 = vector.shape_cast %get3A_195 : vector<1x1x16xf32> to vector<16xf32>
          %mul3A_197 = vector.broadcast %squeeze3A : f32 to vector<16xf32>
          %mul3A_198 = arith.mulf %get3A_196, %mul3A_197 : vector<16xf32>
          %swap3A = arith.index_cast %rem3A_126 : i32 to index
          %swap3A_199 = arith.index_cast %add3A_191 : i32 to index
          %swap3A_200 = arith.constant 0 : index
          %swap3A_201 = tpu.vector_load %arg14[%swap3A, %swap3A_199, %swap3A_200] {strides = array<i32>} : memref<3x128x32xf32, #tpu.memory_space<vmem>>, vector<1x1x16xf32>,
          %swap3A_202 = vector.shape_cast %swap3A_201 : vector<1x1x16xf32> to vector<16xf32>
          %swap3A_203 = vector.shape_cast %mul3A_198 : vector<16xf32> to vector<1x1x16xf32>
          tpu.vector_store %arg14[%swap3A, %swap3A_199, %swap3A_200], %swap3A_203 {strides = array<i32>} : memref<3x128x32xf32, #tpu.memory_space<vmem>>, vector<1x1x16xf32>,
          %get3A_204 = arith.index_cast %rem3A_126 : i32 to index
          %get3A_205 = arith.index_cast %add3A_191 : i32 to index
          %get3A_206 = arith.constant 16 : index
          %get3A_207 = tpu.vector_load %arg14[%get3A_204, %get3A_205, %get3A_206] {strides = array<i32>} : memref<3x128x32xf32, #tpu.memory_space<vmem>>, vector<1x1x16xf32>,
          %get3A_208 = vector.shape_cast %get3A_207 : vector<1x1x16xf32> to vector<16xf32>
          %mul3A_209 = vector.broadcast %squeeze3A : f32 to vector<16xf32>
          %mul3A_210 = arith.mulf %get3A_208, %mul3A_209 : vector<16xf32>
          %swap3A_211 = arith.index_cast %rem3A_126 : i32 to index
          %swap3A_212 = arith.index_cast %add3A_191 : i32 to index
          %swap3A_213 = arith.constant 16 : index
          %swap3A_214 = tpu.vector_load %arg14[%swap3A_211, %swap3A_212, %swap3A_213] {strides = array<i32>} : memref<3x128x32xf32, #tpu.memory_space<vmem>>, vector<1x1x16xf32>,
          %swap3A_215 = vector.shape_cast %swap3A_214 : vector<1x1x16xf32> to vector<16xf32>
          %swap3A_216 = vector.shape_cast %mul3A_210 : vector<16xf32> to vector<1x1x16xf32>
          tpu.vector_store %arg14[%swap3A_211, %swap3A_212, %swap3A_213], %swap3A_216 {strides = array<i32>} : memref<3x128x32xf32, #tpu.memory_space<vmem>>, vector<1x1x16xf32>,
          %mul3A_217 = arith.constant 16 : i32
          %mul3A_218 = arith.muli %scan3A_182, %mul3A_217 : i32
          %add3A_219 = arith.constant 1 : i32
          %add3A_220 = arith.addi %mul3A_218, %add3A_219 : i32
          %slice3A_221 = vector.extract_strided_slice %get3A_187 {offsets = [1], sizes = [1], strides = [1]} : vector<16xf32> to vector<1xf32>
          %squeeze3A_222 = vector.extract %slice3A_221[0] : f32 from vector<1xf32>
          %get3A_223 = arith.index_cast %rem3A_126 : i32 to index
          %get3A_224 = arith.index_cast %add3A_220 : i32 to index
          %get3A_225 = arith.constant 0 : index
          %get3A_226 = tpu.vector_load %arg14[%get3A_223, %get3A_224, %get3A_225] {strides = array<i32>} : memref<3x128x32xf32, #tpu.memory_space<vmem>>, vector<1x1x16xf32>,
          %get3A_227 = vector.shape_cast %get3A_226 : vector<1x1x16xf32> to vector<16xf32>
          %mul3A_228 = vector.broadcast %squeeze3A_222 : f32 to vector<16xf32>
          %mul3A_229 = arith.mulf %get3A_227, %mul3A_228 : vector<16xf32>
          %swap3A_230 = arith.index_cast %rem3A_126 : i32 to index
          %swap3A_231 = arith.index_cast %add3A_220 : i32 to index
          %swap3A_232 = arith.constant 0 : index
          %swap3A_233 = tpu.vector_load %arg14[%swap3A_230, %swap3A_231, %swap3A_232] {strides = array<i32>} : memref<3x128x32xf32, #tpu.memory_space<vmem>>, vector<1x1x16xf32>,
          %swap3A_234 = vector.shape_cast %swap3A_233 : vector<1x1x16xf32> to vector<16xf32>
          %swap3A_235 = vector.shape_cast %mul3A_229 : vector<16xf32> to vector<1x1x16xf32>
          tpu.vector_store %arg14[%swap3A_230, %swap3A_231, %swap3A_232], %swap3A_235 {strides = array<i32>} : memref<3x128x32xf32, #tpu.memory_space<vmem>>, vector<1x1x16xf32>,
          %get3A_236 = arith.index_cast %rem3A_126 : i32 to index
          %get3A_237 = arith.index_cast %add3A_220 : i32 to index
          %get3A_238 = arith.constant 16 : index
          %get3A_239 = tpu.vector_load %arg14[%get3A_236, %get3A_237, %get3A_238] {strides = array<i32>} : memref<3x128x32xf32, #tpu.memory_space<vmem>>, vector<1x1x16xf32>,
          %get3A_240 = vector.shape_cast %get3A_239 : vector<1x1x16xf32> to vector<16xf32>
          %mul3A_241 = vector.broadcast %squeeze3A_222 : f32 to vector<16xf32>
          %mul3A_242 = arith.mulf %get3A_240, %mul3A_241 : vector<16xf32>
          %swap3A_243 = arith.index_cast %rem3A_126 : i32 to index
          %swap3A_244 = arith.index_cast %add3A_220 : i32 to index
          %swap3A_245 = arith.constant 16 : index
          %swap3A_246 = tpu.vector_load %arg14[%swap3A_243, %swap3A_244, %swap3A_245] {strides = array<i32>} : memref<3x128x32xf32, #tpu.memory_space<vmem>>, vector<1x1x16xf32>,
          %swap3A_247 = vector.shape_cast %swap3A_246 : vector<1x1x16xf32> to vector<16xf32>
          %swap3A_248 = vector.shape_cast %mul3A_242 : vector<16xf32> to vector<1x1x16xf32>
          tpu.vector_store %arg14[%swap3A_243, %swap3A_244, %swap3A_245], %swap3A_248 {strides = array<i32>} : memref<3x128x32xf32, #tpu.memory_space<vmem>>, vector<1x1x16xf32>,
          %mul3A_249 = arith.constant 16 : i32
          %mul3A_250 = arith.muli %scan3A_182, %mul3A_249 : i32
          %add3A_251 = arith.constant 2 : i32
          %add3A_252 = arith.addi %mul3A_250, %add3A_251 : i32
          %slice3A_253 = vector.extract_strided_slice %get3A_187 {offsets = [2], sizes = [1], strides = [1]} : vector<16xf32> to vector<1xf32>
          %squeeze3A_254 = vector.extract %slice3A_253[0] : f32 from vector<1xf32>
          %get3A_255 = arith.index_cast %rem3A_126 : i32 to index
          %get3A_256 = arith.index_cast %add3A_252 : i32 to index
          %get3A_257 = arith.constant 0 : index
          %get3A_258 = tpu.vector_load %arg14[%get3A_255, %get3A_256, %get3A_257] {strides = array<i32>} : memref<3x128x32xf32, #tpu.memory_space<vmem>>, vector<1x1x16xf32>,
          %get3A_259 = vector.shape_cast %get3A_258 : vector<1x1x16xf32> to vector<16xf32>
          %mul3A_260 = vector.broadcast %squeeze3A_254 : f32 to vector<16xf32>
          %mul3A_261 = arith.mulf %get3A_259, %mul3A_260 : vector<16xf32>
          %swap3A_262 = arith.index_cast %rem3A_126 : i32 to index
          %swap3A_263 = arith.index_cast %add3A_252 : i32 to index
          %swap3A_264 = arith.constant 0 : index
          %swap3A_265 = tpu.vector_load %arg14[%swap3A_262, %swap3A_263, %swap3A_264] {strides = array<i32>} : memref<3x128x32xf32, #tpu.memory_space<vmem>>, vector<1x1x16xf32>,
          %swap3A_266 = vector.shape_cast %swap3A_265 : vector<1x1x16xf32> to vector<16xf32>
          %swap3A_267 = vector.shape_cast %mul3A_261 : vector<16xf32> to vector<1x1x16xf32>
          tpu.vector_store %arg14[%swap3A_262, %swap3A_263, %swap3A_264], %swap3A_267 {strides = array<i32>} : memref<3x128x32xf32, #tpu.memory_space<vmem>>, vector<1x1x16xf32>,
          %get3A_268 = arith.index_cast %rem3A_126 : i32 to index
          %get3A_269 = arith.index_cast %add3A_252 : i32 to index
          %get3A_270 = arith.constant 16 : index
          %get3A_271 = tpu.vector_load %arg14[%get3A_268, %get3A_269, %get3A_270] {strides = array<i32>} : memref<3x128x32xf32, #tpu.memory_space<vmem>>, vector<1x1x16xf32>,
          %get3A_272 = vector.shape_cast %get3A_271 : vector<1x1x16xf32> to vector<16xf32>
          %mul3A_273 = vector.broadcast %squeeze3A_254 : f32 to vector<16xf32>
          %mul3A_274 = arith.mulf %get3A_272, %mul3A_273 : vector<16xf32>
          %swap3A_275 = arith.index_cast %rem3A_126 : i32 to index
          %swap3A_276 = arith.index_cast %add3A_252 : i32 to index
          %swap3A_277 = arith.constant 16 : index
          %swap3A_278 = tpu.vector_load %arg14[%swap3A_275, %swap3A_276, %swap3A_277] {strides = array<i32>} : memref<3x128x32xf32, #tpu.memory_space<vmem>>, vector<1x1x16xf32>,
          %swap3A_279 = vector.shape_cast %swap3A_278 : vector<1x1x16xf32> to vector<16xf32>
          %swap3A_280 = vector.shape_cast %mul3A_274 : vector<16xf32> to vector<1x1x16xf32>
          tpu.vector_store %arg14[%swap3A_275, %swap3A_276, %swap3A_277], %swap3A_280 {strides = array<i32>} : memref<3x128x32xf32, #tpu.memory_space<vmem>>, vector<1x1x16xf32>,
          %mul3A_281 = arith.constant 16 : i32
          %mul3A_282 = arith.muli %scan3A_182, %mul3A_281 : i32
          %add3A_283 = arith.constant 3 : i32
          %add3A_284 = arith.addi %mul3A_282, %add3A_283 : i32
          %slice3A_285 = vector.extract_strided_slice %get3A_187 {offsets = [3], sizes = [1], strides = [1]} : vector<16xf32> to vector<1xf32>
          %squeeze3A_286 = vector.extract %slice3A_285[0] : f32 from vector<1xf32>
          %get3A_287 = arith.index_cast %rem3A_126 : i32 to index
          %get3A_288 = arith.index_cast %add3A_284 : i32 to index
          %get3A_289 = arith.constant 0 : index
          %get3A_290 = tpu.vector_load %arg14[%get3A_287, %get3A_288, %get3A_289] {strides = array<i32>} : memref<3x128x32xf32, #tpu.memory_space<vmem>>, vector<1x1x16xf32>,
          %get3A_291 = vector.shape_cast %get3A_290 : vector<1x1x16xf32> to vector<16xf32>
          %mul3A_292 = vector.broadcast %squeeze3A_286 : f32 to vector<16xf32>
          %mul3A_293 = arith.mulf %get3A_291, %mul3A_292 : vector<16xf32>
          %swap3A_294 = arith.index_cast %rem3A_126 : i32 to index
          %swap3A_295 = arith.index_cast %add3A_284 : i32 to index
          %swap3A_296 = arith.constant 0 : index
          %swap3A_297 = tpu.vector_load %arg14[%swap3A_294, %swap3A_295, %swap3A_296] {strides = array<i32>} : memref<3x128x32xf32, #tpu.memory_space<vmem>>, vector<1x1x16xf32>,
          %swap3A_298 = vector.shape_cast %swap3A_297 : vector<1x1x16xf32> to vector<16xf32>
          %swap3A_299 = vector.shape_cast %mul3A_293 : vector<16xf32> to vector<1x1x16xf32>
          tpu.vector_store %arg14[%swap3A_294, %swap3A_295, %swap3A_296], %swap3A_299 {strides = array<i32>} : memref<3x128x32xf32, #tpu.memory_space<vmem>>, vector<1x1x16xf32>,
          %get3A_300 = arith.index_cast %rem3A_126 : i32 to index
          %get3A_301 = arith.index_cast %add3A_284 : i32 to index
          %get3A_302 = arith.constant 16 : index
          %get3A_303 = tpu.vector_load %arg14[%get3A_300, %get3A_301, %get3A_302] {strides = array<i32>} : memref<3x128x32xf32, #tpu.memory_space<vmem>>, vector<1x1x16xf32>,
          %get3A_304 = vector.shape_cast %get3A_303 : vector<1x1x16xf32> to vector<16xf32>
          %mul3A_305 = vector.broadcast %squeeze3A_286 : f32 to vector<16xf32>
          %mul3A_306 = arith.mulf %get3A_304, %mul3A_305 : vector<16xf32>
          %swap3A_307 = arith.index_cast %rem3A_126 : i32 to index
          %swap3A_308 = arith.index_cast %add3A_284 : i32 to index
          %swap3A_309 = arith.constant 16 : index
          %swap3A_310 = tpu.vector_load %arg14[%swap3A_307, %swap3A_308, %swap3A_309] {strides = array<i32>} : memref<3x128x32xf32, #tpu.memory_space<vmem>>, vector<1x1x16xf32>,
          %swap3A_311 = vector.shape_cast %swap3A_310 : vector<1x1x16xf32> to vector<16xf32>
          %swap3A_312 = vector.shape_cast %mul3A_306 : vector<16xf32> to vector<1x1x16xf32>
          tpu.vector_store %arg14[%swap3A_307, %swap3A_308, %swap3A_309], %swap3A_312 {strides = array<i32>} : memref<3x128x32xf32, #tpu.memory_space<vmem>>, vector<1x1x16xf32>,
          %mul3A_313 = arith.constant 16 : i32
          %mul3A_314 = arith.muli %scan3A_182, %mul3A_313 : i32
          %add3A_315 = arith.constant 4 : i32
          %add3A_316 = arith.addi %mul3A_314, %add3A_315 : i32
          %slice3A_317 = vector.extract_strided_slice %get3A_187 {offsets = [4], sizes = [1], strides = [1]} : vector<16xf32> to vector<1xf32>
          %squeeze3A_318 = vector.extract %slice3A_317[0] : f32 from vector<1xf32>
          %get3A_319 = arith.index_cast %rem3A_126 : i32 to index
          %get3A_320 = arith.index_cast %add3A_316 : i32 to index
          %get3A_321 = arith.constant 0 : index
          %get3A_322 = tpu.vector_load %arg14[%get3A_319, %get3A_320, %get3A_321] {strides = array<i32>} : memref<3x128x32xf32, #tpu.memory_space<vmem>>, vector<1x1x16xf32>,
          %get3A_323 = vector.shape_cast %get3A_322 : vector<1x1x16xf32> to vector<16xf32>
          %mul3A_324 = vector.broadcast %squeeze3A_318 : f32 to vector<16xf32>
          %mul3A_325 = arith.mulf %get3A_323, %mul3A_324 : vector<16xf32>
          %swap3A_326 = arith.index_cast %rem3A_126 : i32 to index
          %swap3A_327 = arith.index_cast %add3A_316 : i32 to index
          %swap3A_328 = arith.constant 0 : index
          %swap3A_329 = tpu.vector_load %arg14[%swap3A_326, %swap3A_327, %swap3A_328] {strides = array<i32>} : memref<3x128x32xf32, #tpu.memory_space<vmem>>, vector<1x1x16xf32>,
          %swap3A_330 = vector.shape_cast %swap3A_329 : vector<1x1x16xf32> to vector<16xf32>
          %swap3A_331 = vector.shape_cast %mul3A_325 : vector<16xf32> to vector<1x1x16xf32>
          tpu.vector_store %arg14[%swap3A_326, %swap3A_327, %swap3A_328], %swap3A_331 {strides = array<i32>} : memref<3x128x32xf32, #tpu.memory_space<vmem>>, vector<1x1x16xf32>,
          %get3A_332 = arith.index_cast %rem3A_126 : i32 to index
          %get3A_333 = arith.index_cast %add3A_316 : i32 to index
          %get3A_334 = arith.constant 16 : index
          %get3A_335 = tpu.vector_load %arg14[%get3A_332, %get3A_333, %get3A_334] {strides = array<i32>} : memref<3x128x32xf32, #tpu.memory_space<vmem>>, vector<1x1x16xf32>,
          %get3A_336 = vector.shape_cast %get3A_335 : vector<1x1x16xf32> to vector<16xf32>
          %mul3A_337 = vector.broadcast %squeeze3A_318 : f32 to vector<16xf32>
          %mul3A_338 = arith.mulf %get3A_336, %mul3A_337 : vector<16xf32>
          %swap3A_339 = arith.index_cast %rem3A_126 : i32 to index
          %swap3A_340 = arith.index_cast %add3A_316 : i32 to index
          %swap3A_341 = arith.constant 16 : index
          %swap3A_342 = tpu.vector_load %arg14[%swap3A_339, %swap3A_340, %swap3A_341] {strides = array<i32>} : memref<3x128x32xf32, #tpu.memory_space<vmem>>, vector<1x1x16xf32>,
          %swap3A_343 = vector.shape_cast %swap3A_342 : vector<1x1x16xf32> to vector<16xf32>
          %swap3A_344 = vector.shape_cast %mul3A_338 : vector<16xf32> to vector<1x1x16xf32>
          tpu.vector_store %arg14[%swap3A_339, %swap3A_340, %swap3A_341], %swap3A_344 {strides = array<i32>} : memref<3x128x32xf32, #tpu.memory_space<vmem>>, vector<1x1x16xf32>,
          %mul3A_345 = arith.constant 16 : i32
          %mul3A_346 = arith.muli %scan3A_182, %mul3A_345 : i32
          %add3A_347 = arith.constant 5 : i32
          %add3A_348 = arith.addi %mul3A_346, %add3A_347 : i32
          %slice3A_349 = vector.extract_strided_slice %get3A_187 {offsets = [5], sizes = [1], strides = [1]} : vector<16xf32> to vector<1xf32>
          %squeeze3A_350 = vector.extract %slice3A_349[0] : f32 from vector<1xf32>
          %get3A_351 = arith.index_cast %rem3A_126 : i32 to index
          %get3A_352 = arith.index_cast %add3A_348 : i32 to index
          %get3A_353 = arith.constant 0 : index
          %get3A_354 = tpu.vector_load %arg14[%get3A_351, %get3A_352, %get3A_353] {strides = array<i32>} : memref<3x128x32xf32, #tpu.memory_space<vmem>>, vector<1x1x16xf32>,
          %get3A_355 = vector.shape_cast %get3A_354 : vector<1x1x16xf32> to vector<16xf32>
          %mul3A_356 = vector.broadcast %squeeze3A_350 : f32 to vector<16xf32>
          %mul3A_357 = arith.mulf %get3A_355, %mul3A_356 : vector<16xf32>
          %swap3A_358 = arith.index_cast %rem3A_126 : i32 to index
          %swap3A_359 = arith.index_cast %add3A_348 : i32 to index
          %swap3A_360 = arith.constant 0 : index
          %swap3A_361 = tpu.vector_load %arg14[%swap3A_358, %swap3A_359, %swap3A_360] {strides = array<i32>} : memref<3x128x32xf32, #tpu.memory_space<vmem>>, vector<1x1x16xf32>,
          %swap3A_362 = vector.shape_cast %swap3A_361 : vector<1x1x16xf32> to vector<16xf32>
          %swap3A_363 = vector.shape_cast %mul3A_357 : vector<16xf32> to vector<1x1x16xf32>
          tpu.vector_store %arg14[%swap3A_358, %swap3A_359, %swap3A_360], %swap3A_363 {strides = array<i32>} : memref<3x128x32xf32, #tpu.memory_space<vmem>>, vector<1x1x16xf32>,
          %get3A_364 = arith.index_cast %rem3A_126 : i32 to index
          %get3A_365 = arith.index_cast %add3A_348 : i32 to index
          %get3A_366 = arith.constant 16 : index
          %get3A_367 = tpu.vector_load %arg14[%get3A_364, %get3A_365, %get3A_366] {strides = array<i32>} : memref<3x128x32xf32, #tpu.memory_space<vmem>>, vector<1x1x16xf32>,
          %get3A_368 = vector.shape_cast %get3A_367 : vector<1x1x16xf32> to vector<16xf32>
          %mul3A_369 = vector.broadcast %squeeze3A_350 : f32 to vector<16xf32>
          %mul3A_370 = arith.mulf %get3A_368, %mul3A_369 : vector<16xf32>
          %swap3A_371 = arith.index_cast %rem3A_126 : i32 to index
          %swap3A_372 = arith.index_cast %add3A_348 : i32 to index
          %swap3A_373 = arith.constant 16 : index
          %swap3A_374 = tpu.vector_load %arg14[%swap3A_371, %swap3A_372, %swap3A_373] {strides = array<i32>} : memref<3x128x32xf32, #tpu.memory_space<vmem>>, vector<1x1x16xf32>,
          %swap3A_375 = vector.shape_cast %swap3A_374 : vector<1x1x16xf32> to vector<16xf32>
          %swap3A_376 = vector.shape_cast %mul3A_370 : vector<16xf32> to vector<1x1x16xf32>
          tpu.vector_store %arg14[%swap3A_371, %swap3A_372, %swap3A_373], %swap3A_376 {strides = array<i32>} : memref<3x128x32xf32, #tpu.memory_space<vmem>>, vector<1x1x16xf32>,
          %mul3A_377 = arith.constant 16 : i32
          %mul3A_378 = arith.muli %scan3A_182, %mul3A_377 : i32
          %add3A_379 = arith.constant 6 : i32
          %add3A_380 = arith.addi %mul3A_378, %add3A_379 : i32
          %slice3A_381 = vector.extract_strided_slice %get3A_187 {offsets = [6], sizes = [1], strides = [1]} : vector<16xf32> to vector<1xf32>
          %squeeze3A_382 = vector.extract %slice3A_381[0] : f32 from vector<1xf32>
          %get3A_383 = arith.index_cast %rem3A_126 : i32 to index
          %get3A_384 = arith.index_cast %add3A_380 : i32 to index
          %get3A_385 = arith.constant 0 : index
          %get3A_386 = tpu.vector_load %arg14[%get3A_383, %get3A_384, %get3A_385] {strides = array<i32>} : memref<3x128x32xf32, #tpu.memory_space<vmem>>, vector<1x1x16xf32>,
          %get3A_387 = vector.shape_cast %get3A_386 : vector<1x1x16xf32> to vector<16xf32>
          %mul3A_388 = vector.broadcast %squeeze3A_382 : f32 to vector<16xf32>
          %mul3A_389 = arith.mulf %get3A_387, %mul3A_388 : vector<16xf32>
          %swap3A_390 = arith.index_cast %rem3A_126 : i32 to index
          %swap3A_391 = arith.index_cast %add3A_380 : i32 to index
          %swap3A_392 = arith.constant 0 : index
          %swap3A_393 = tpu.vector_load %arg14[%swap3A_390, %swap3A_391, %swap3A_392] {strides = array<i32>} : memref<3x128x32xf32, #tpu.memory_space<vmem>>, vector<1x1x16xf32>,
          %swap3A_394 = vector.shape_cast %swap3A_393 : vector<1x1x16xf32> to vector<16xf32>
          %swap3A_395 = vector.shape_cast %mul3A_389 : vector<16xf32> to vector<1x1x16xf32>
          tpu.vector_store %arg14[%swap3A_390, %swap3A_391, %swap3A_392], %swap3A_395 {strides = array<i32>} : memref<3x128x32xf32, #tpu.memory_space<vmem>>, vector<1x1x16xf32>,
          %get3A_396 = arith.index_cast %rem3A_126 : i32 to index
          %get3A_397 = arith.index_cast %add3A_380 : i32 to index
          %get3A_398 = arith.constant 16 : index
          %get3A_399 = tpu.vector_load %arg14[%get3A_396, %get3A_397, %get3A_398] {strides = array<i32>} : memref<3x128x32xf32, #tpu.memory_space<vmem>>, vector<1x1x16xf32>,
          %get3A_400 = vector.shape_cast %get3A_399 : vector<1x1x16xf32> to vector<16xf32>
          %mul3A_401 = vector.broadcast %squeeze3A_382 : f32 to vector<16xf32>
          %mul3A_402 = arith.mulf %get3A_400, %mul3A_401 : vector<16xf32>
          %swap3A_403 = arith.index_cast %rem3A_126 : i32 to index
          %swap3A_404 = arith.index_cast %add3A_380 : i32 to index
          %swap3A_405 = arith.constant 16 : index
          %swap3A_406 = tpu.vector_load %arg14[%swap3A_403, %swap3A_404, %swap3A_405] {strides = array<i32>} : memref<3x128x32xf32, #tpu.memory_space<vmem>>, vector<1x1x16xf32>,
          %swap3A_407 = vector.shape_cast %swap3A_406 : vector<1x1x16xf32> to vector<16xf32>
          %swap3A_408 = vector.shape_cast %mul3A_402 : vector<16xf32> to vector<1x1x16xf32>
          tpu.vector_store %arg14[%swap3A_403, %swap3A_404, %swap3A_405], %swap3A_408 {strides = array<i32>} : memref<3x128x32xf32, #tpu.memory_space<vmem>>, vector<1x1x16xf32>,
          %mul3A_409 = arith.constant 16 : i32
          %mul3A_410 = arith.muli %scan3A_182, %mul3A_409 : i32
          %add3A_411 = arith.constant 7 : i32
          %add3A_412 = arith.addi %mul3A_410, %add3A_411 : i32
          %slice3A_413 = vector.extract_strided_slice %get3A_187 {offsets = [7], sizes = [1], strides = [1]} : vector<16xf32> to vector<1xf32>
          %squeeze3A_414 = vector.extract %slice3A_413[0] : f32 from vector<1xf32>
          %get3A_415 = arith.index_cast %rem3A_126 : i32 to index
          %get3A_416 = arith.index_cast %add3A_412 : i32 to index
          %get3A_417 = arith.constant 0 : index
          %get3A_418 = tpu.vector_load %arg14[%get3A_415, %get3A_416, %get3A_417] {strides = array<i32>} : memref<3x128x32xf32, #tpu.memory_space<vmem>>, vector<1x1x16xf32>,
          %get3A_419 = vector.shape_cast %get3A_418 : vector<1x1x16xf32> to vector<16xf32>
          %mul3A_420 = vector.broadcast %squeeze3A_414 : f32 to vector<16xf32>
          %mul3A_421 = arith.mulf %get3A_419, %mul3A_420 : vector<16xf32>
          %swap3A_422 = arith.index_cast %rem3A_126 : i32 to index
          %swap3A_423 = arith.index_cast %add3A_412 : i32 to index
          %swap3A_424 = arith.constant 0 : index
          %swap3A_425 = tpu.vector_load %arg14[%swap3A_422, %swap3A_423, %swap3A_424] {strides = array<i32>} : memref<3x128x32xf32, #tpu.memory_space<vmem>>, vector<1x1x16xf32>,
          %swap3A_426 = vector.shape_cast %swap3A_425 : vector<1x1x16xf32> to vector<16xf32>
          %swap3A_427 = vector.shape_cast %mul3A_421 : vector<16xf32> to vector<1x1x16xf32>
          tpu.vector_store %arg14[%swap3A_422, %swap3A_423, %swap3A_424], %swap3A_427 {strides = array<i32>} : memref<3x128x32xf32, #tpu.memory_space<vmem>>, vector<1x1x16xf32>,
          %get3A_428 = arith.index_cast %rem3A_126 : i32 to index
          %get3A_429 = arith.index_cast %add3A_412 : i32 to index
          %get3A_430 = arith.constant 16 : index
          %get3A_431 = tpu.vector_load %arg14[%get3A_428, %get3A_429, %get3A_430] {strides = array<i32>} : memref<3x128x32xf32, #tpu.memory_space<vmem>>, vector<1x1x16xf32>,
          %get3A_432 = vector.shape_cast %get3A_431 : vector<1x1x16xf32> to vector<16xf32>
          %mul3A_433 = vector.broadcast %squeeze3A_414 : f32 to vector<16xf32>
          %mul3A_434 = arith.mulf %get3A_432, %mul3A_433 : vector<16xf32>
          %swap3A_435 = arith.index_cast %rem3A_126 : i32 to index
          %swap3A_436 = arith.index_cast %add3A_412 : i32 to index
          %swap3A_437 = arith.constant 16 : index
          %swap3A_438 = tpu.vector_load %arg14[%swap3A_435, %swap3A_436, %swap3A_437] {strides = array<i32>} : memref<3x128x32xf32, #tpu.memory_space<vmem>>, vector<1x1x16xf32>,
          %swap3A_439 = vector.shape_cast %swap3A_438 : vector<1x1x16xf32> to vector<16xf32>
          %swap3A_440 = vector.shape_cast %mul3A_434 : vector<16xf32> to vector<1x1x16xf32>
          tpu.vector_store %arg14[%swap3A_435, %swap3A_436, %swap3A_437], %swap3A_440 {strides = array<i32>} : memref<3x128x32xf32, #tpu.memory_space<vmem>>, vector<1x1x16xf32>,
          %mul3A_441 = arith.constant 16 : i32
          %mul3A_442 = arith.muli %scan3A_182, %mul3A_441 : i32
          %add3A_443 = arith.constant 8 : i32
          %add3A_444 = arith.addi %mul3A_442, %add3A_443 : i32
          %slice3A_445 = vector.extract_strided_slice %get3A_187 {offsets = [8], sizes = [1], strides = [1]} : vector<16xf32> to vector<1xf32>
          %squeeze3A_446 = vector.extract %slice3A_445[0] : f32 from vector<1xf32>
          %get3A_447 = arith.index_cast %rem3A_126 : i32 to index
          %get3A_448 = arith.index_cast %add3A_444 : i32 to index
          %get3A_449 = arith.constant 0 : index
          %get3A_450 = tpu.vector_load %arg14[%get3A_447, %get3A_448, %get3A_449] {strides = array<i32>} : memref<3x128x32xf32, #tpu.memory_space<vmem>>, vector<1x1x16xf32>,
          %get3A_451 = vector.shape_cast %get3A_450 : vector<1x1x16xf32> to vector<16xf32>
          %mul3A_452 = vector.broadcast %squeeze3A_446 : f32 to vector<16xf32>
          %mul3A_453 = arith.mulf %get3A_451, %mul3A_452 : vector<16xf32>
          %swap3A_454 = arith.index_cast %rem3A_126 : i32 to index
          %swap3A_455 = arith.index_cast %add3A_444 : i32 to index
          %swap3A_456 = arith.constant 0 : index
          %swap3A_457 = tpu.vector_load %arg14[%swap3A_454, %swap3A_455, %swap3A_456] {strides = array<i32>} : memref<3x128x32xf32, #tpu.memory_space<vmem>>, vector<1x1x16xf32>,
          %swap3A_458 = vector.shape_cast %swap3A_457 : vector<1x1x16xf32> to vector<16xf32>
          %swap3A_459 = vector.shape_cast %mul3A_453 : vector<16xf32> to vector<1x1x16xf32>
          tpu.vector_store %arg14[%swap3A_454, %swap3A_455, %swap3A_456], %swap3A_459 {strides = array<i32>} : memref<3x128x32xf32, #tpu.memory_space<vmem>>, vector<1x1x16xf32>,
          %get3A_460 = arith.index_cast %rem3A_126 : i32 to index
          %get3A_461 = arith.index_cast %add3A_444 : i32 to index
          %get3A_462 = arith.constant 16 : index
          %get3A_463 = tpu.vector_load %arg14[%get3A_460, %get3A_461, %get3A_462] {strides = array<i32>} : memref<3x128x32xf32, #tpu.memory_space<vmem>>, vector<1x1x16xf32>,
          %get3A_464 = vector.shape_cast %get3A_463 : vector<1x1x16xf32> to vector<16xf32>
          %mul3A_465 = vector.broadcast %squeeze3A_446 : f32 to vector<16xf32>
          %mul3A_466 = arith.mulf %get3A_464, %mul3A_465 : vector<16xf32>
          %swap3A_467 = arith.index_cast %rem3A_126 : i32 to index
          %swap3A_468 = arith.index_cast %add3A_444 : i32 to index
          %swap3A_469 = arith.constant 16 : index
          %swap3A_470 = tpu.vector_load %arg14[%swap3A_467, %swap3A_468, %swap3A_469] {strides = array<i32>} : memref<3x128x32xf32, #tpu.memory_space<vmem>>, vector<1x1x16xf32>,
          %swap3A_471 = vector.shape_cast %swap3A_470 : vector<1x1x16xf32> to vector<16xf32>
          %swap3A_472 = vector.shape_cast %mul3A_466 : vector<16xf32> to vector<1x1x16xf32>
          tpu.vector_store %arg14[%swap3A_467, %swap3A_468, %swap3A_469], %swap3A_472 {strides = array<i32>} : memref<3x128x32xf32, #tpu.memory_space<vmem>>, vector<1x1x16xf32>,
          %mul3A_473 = arith.constant 16 : i32
          %mul3A_474 = arith.muli %scan3A_182, %mul3A_473 : i32
          %add3A_475 = arith.constant 9 : i32
          %add3A_476 = arith.addi %mul3A_474, %add3A_475 : i32
          %slice3A_477 = vector.extract_strided_slice %get3A_187 {offsets = [9], sizes = [1], strides = [1]} : vector<16xf32> to vector<1xf32>
          %squeeze3A_478 = vector.extract %slice3A_477[0] : f32 from vector<1xf32>
          %get3A_479 = arith.index_cast %rem3A_126 : i32 to index
          %get3A_480 = arith.index_cast %add3A_476 : i32 to index
          %get3A_481 = arith.constant 0 : index
          %get3A_482 = tpu.vector_load %arg14[%get3A_479, %get3A_480, %get3A_481] {strides = array<i32>} : memref<3x128x32xf32, #tpu.memory_space<vmem>>, vector<1x1x16xf32>,
          %get3A_483 = vector.shape_cast %get3A_482 : vector<1x1x16xf32> to vector<16xf32>
          %mul3A_484 = vector.broadcast %squeeze3A_478 : f32 to vector<16xf32>
          %mul3A_485 = arith.mulf %get3A_483, %mul3A_484 : vector<16xf32>
          %swap3A_486 = arith.index_cast %rem3A_126 : i32 to index
          %swap3A_487 = arith.index_cast %add3A_476 : i32 to index
          %swap3A_488 = arith.constant 0 : index
          %swap3A_489 = tpu.vector_load %arg14[%swap3A_486, %swap3A_487, %swap3A_488] {strides = array<i32>} : memref<3x128x32xf32, #tpu.memory_space<vmem>>, vector<1x1x16xf32>,
          %swap3A_490 = vector.shape_cast %swap3A_489 : vector<1x1x16xf32> to vector<16xf32>
          %swap3A_491 = vector.shape_cast %mul3A_485 : vector<16xf32> to vector<1x1x16xf32>
          tpu.vector_store %arg14[%swap3A_486, %swap3A_487, %swap3A_488], %swap3A_491 {strides = array<i32>} : memref<3x128x32xf32, #tpu.memory_space<vmem>>, vector<1x1x16xf32>,
          %get3A_492 = arith.index_cast %rem3A_126 : i32 to index
          %get3A_493 = arith.index_cast %add3A_476 : i32 to index
          %get3A_494 = arith.constant 16 : index
          %get3A_495 = tpu.vector_load %arg14[%get3A_492, %get3A_493, %get3A_494] {strides = array<i32>} : memref<3x128x32xf32, #tpu.memory_space<vmem>>, vector<1x1x16xf32>,
          %get3A_496 = vector.shape_cast %get3A_495 : vector<1x1x16xf32> to vector<16xf32>
          %mul3A_497 = vector.broadcast %squeeze3A_478 : f32 to vector<16xf32>
          %mul3A_498 = arith.mulf %get3A_496, %mul3A_497 : vector<16xf32>
          %swap3A_499 = arith.index_cast %rem3A_126 : i32 to index
          %swap3A_500 = arith.index_cast %add3A_476 : i32 to index
          %swap3A_501 = arith.constant 16 : index
          %swap3A_502 = tpu.vector_load %arg14[%swap3A_499, %swap3A_500, %swap3A_501] {strides = array<i32>} : memref<3x128x32xf32, #tpu.memory_space<vmem>>, vector<1x1x16xf32>,
          %swap3A_503 = vector.shape_cast %swap3A_502 : vector<1x1x16xf32> to vector<16xf32>
          %swap3A_504 = vector.shape_cast %mul3A_498 : vector<16xf32> to vector<1x1x16xf32>
          tpu.vector_store %arg14[%swap3A_499, %swap3A_500, %swap3A_501], %swap3A_504 {strides = array<i32>} : memref<3x128x32xf32, #tpu.memory_space<vmem>>, vector<1x1x16xf32>,
          %mul3A_505 = arith.constant 16 : i32
          %mul3A_506 = arith.muli %scan3A_182, %mul3A_505 : i32
          %add3A_507 = arith.constant 10 : i32
          %add3A_508 = arith.addi %mul3A_506, %add3A_507 : i32
          %slice3A_509 = vector.extract_strided_slice %get3A_187 {offsets = [10], sizes = [1], strides = [1]} : vector<16xf32> to vector<1xf32>
          %squeeze3A_510 = vector.extract %slice3A_509[0] : f32 from vector<1xf32>
          %get3A_511 = arith.index_cast %rem3A_126 : i32 to index
          %get3A_512 = arith.index_cast %add3A_508 : i32 to index
          %get3A_513 = arith.constant 0 : index
          %get3A_514 = tpu.vector_load %arg14[%get3A_511, %get3A_512, %get3A_513] {strides = array<i32>} : memref<3x128x32xf32, #tpu.memory_space<vmem>>, vector<1x1x16xf32>,
          %get3A_515 = vector.shape_cast %get3A_514 : vector<1x1x16xf32> to vector<16xf32>
          %mul3A_516 = vector.broadcast %squeeze3A_510 : f32 to vector<16xf32>
          %mul3A_517 = arith.mulf %get3A_515, %mul3A_516 : vector<16xf32>
          %swap3A_518 = arith.index_cast %rem3A_126 : i32 to index
          %swap3A_519 = arith.index_cast %add3A_508 : i32 to index
          %swap3A_520 = arith.constant 0 : index
          %swap3A_521 = tpu.vector_load %arg14[%swap3A_518, %swap3A_519, %swap3A_520] {strides = array<i32>} : memref<3x128x32xf32, #tpu.memory_space<vmem>>, vector<1x1x16xf32>,
          %swap3A_522 = vector.shape_cast %swap3A_521 : vector<1x1x16xf32> to vector<16xf32>
          %swap3A_523 = vector.shape_cast %mul3A_517 : vector<16xf32> to vector<1x1x16xf32>
          tpu.vector_store %arg14[%swap3A_518, %swap3A_519, %swap3A_520], %swap3A_523 {strides = array<i32>} : memref<3x128x32xf32, #tpu.memory_space<vmem>>, vector<1x1x16xf32>,
          %get3A_524 = arith.index_cast %rem3A_126 : i32 to index
          %get3A_525 = arith.index_cast %add3A_508 : i32 to index
          %get3A_526 = arith.constant 16 : index
          %get3A_527 = tpu.vector_load %arg14[%get3A_524, %get3A_525, %get3A_526] {strides = array<i32>} : memref<3x128x32xf32, #tpu.memory_space<vmem>>, vector<1x1x16xf32>,
          %get3A_528 = vector.shape_cast %get3A_527 : vector<1x1x16xf32> to vector<16xf32>
          %mul3A_529 = vector.broadcast %squeeze3A_510 : f32 to vector<16xf32>
          %mul3A_530 = arith.mulf %get3A_528, %mul3A_529 : vector<16xf32>
          %swap3A_531 = arith.index_cast %rem3A_126 : i32 to index
          %swap3A_532 = arith.index_cast %add3A_508 : i32 to index
          %swap3A_533 = arith.constant 16 : index
          %swap3A_534 = tpu.vector_load %arg14[%swap3A_531, %swap3A_532, %swap3A_533] {strides = array<i32>} : memref<3x128x32xf32, #tpu.memory_space<vmem>>, vector<1x1x16xf32>,
          %swap3A_535 = vector.shape_cast %swap3A_534 : vector<1x1x16xf32> to vector<16xf32>
          %swap3A_536 = vector.shape_cast %mul3A_530 : vector<16xf32> to vector<1x1x16xf32>
          tpu.vector_store %arg14[%swap3A_531, %swap3A_532, %swap3A_533], %swap3A_536 {strides = array<i32>} : memref<3x128x32xf32, #tpu.memory_space<vmem>>, vector<1x1x16xf32>,
          %mul3A_537 = arith.constant 16 : i32
          %mul3A_538 = arith.muli %scan3A_182, %mul3A_537 : i32
          %add3A_539 = arith.constant 11 : i32
          %add3A_540 = arith.addi %mul3A_538, %add3A_539 : i32
          %slice3A_541 = vector.extract_strided_slice %get3A_187 {offsets = [11], sizes = [1], strides = [1]} : vector<16xf32> to vector<1xf32>
          %squeeze3A_542 = vector.extract %slice3A_541[0] : f32 from vector<1xf32>
          %get3A_543 = arith.index_cast %rem3A_126 : i32 to index
          %get3A_544 = arith.index_cast %add3A_540 : i32 to index
          %get3A_545 = arith.constant 0 : index
          %get3A_546 = tpu.vector_load %arg14[%get3A_543, %get3A_544, %get3A_545] {strides = array<i32>} : memref<3x128x32xf32, #tpu.memory_space<vmem>>, vector<1x1x16xf32>,
          %get3A_547 = vector.shape_cast %get3A_546 : vector<1x1x16xf32> to vector<16xf32>
          %mul3A_548 = vector.broadcast %squeeze3A_542 : f32 to vector<16xf32>
          %mul3A_549 = arith.mulf %get3A_547, %mul3A_548 : vector<16xf32>
          %swap3A_550 = arith.index_cast %rem3A_126 : i32 to index
          %swap3A_551 = arith.index_cast %add3A_540 : i32 to index
          %swap3A_552 = arith.constant 0 : index
          %swap3A_553 = tpu.vector_load %arg14[%swap3A_550, %swap3A_551, %swap3A_552] {strides = array<i32>} : memref<3x128x32xf32, #tpu.memory_space<vmem>>, vector<1x1x16xf32>,
          %swap3A_554 = vector.shape_cast %swap3A_553 : vector<1x1x16xf32> to vector<16xf32>
          %swap3A_555 = vector.shape_cast %mul3A_549 : vector<16xf32> to vector<1x1x16xf32>
          tpu.vector_store %arg14[%swap3A_550, %swap3A_551, %swap3A_552], %swap3A_555 {strides = array<i32>} : memref<3x128x32xf32, #tpu.memory_space<vmem>>, vector<1x1x16xf32>,
          %get3A_556 = arith.index_cast %rem3A_126 : i32 to index
          %get3A_557 = arith.index_cast %add3A_540 : i32 to index
          %get3A_558 = arith.constant 16 : index
          %get3A_559 = tpu.vector_load %arg14[%get3A_556, %get3A_557, %get3A_558] {strides = array<i32>} : memref<3x128x32xf32, #tpu.memory_space<vmem>>, vector<1x1x16xf32>,
          %get3A_560 = vector.shape_cast %get3A_559 : vector<1x1x16xf32> to vector<16xf32>
          %mul3A_561 = vector.broadcast %squeeze3A_542 : f32 to vector<16xf32>
          %mul3A_562 = arith.mulf %get3A_560, %mul3A_561 : vector<16xf32>
          %swap3A_563 = arith.index_cast %rem3A_126 : i32 to index
          %swap3A_564 = arith.index_cast %add3A_540 : i32 to index
          %swap3A_565 = arith.constant 16 : index
          %swap3A_566 = tpu.vector_load %arg14[%swap3A_563, %swap3A_564, %swap3A_565] {strides = array<i32>} : memref<3x128x32xf32, #tpu.memory_space<vmem>>, vector<1x1x16xf32>,
          %swap3A_567 = vector.shape_cast %swap3A_566 : vector<1x1x16xf32> to vector<16xf32>
          %swap3A_568 = vector.shape_cast %mul3A_562 : vector<16xf32> to vector<1x1x16xf32>
          tpu.vector_store %arg14[%swap3A_563, %swap3A_564, %swap3A_565], %swap3A_568 {strides = array<i32>} : memref<3x128x32xf32, #tpu.memory_space<vmem>>, vector<1x1x16xf32>,
          %mul3A_569 = arith.constant 16 : i32
          %mul3A_570 = arith.muli %scan3A_182, %mul3A_569 : i32
          %add3A_571 = arith.constant 12 : i32
          %add3A_572 = arith.addi %mul3A_570, %add3A_571 : i32
          %slice3A_573 = vector.extract_strided_slice %get3A_187 {offsets = [12], sizes = [1], strides = [1]} : vector<16xf32> to vector<1xf32>
          %squeeze3A_574 = vector.extract %slice3A_573[0] : f32 from vector<1xf32>
          %get3A_575 = arith.index_cast %rem3A_126 : i32 to index
          %get3A_576 = arith.index_cast %add3A_572 : i32 to index
          %get3A_577 = arith.constant 0 : index
          %get3A_578 = tpu.vector_load %arg14[%get3A_575, %get3A_576, %get3A_577] {strides = array<i32>} : memref<3x128x32xf32, #tpu.memory_space<vmem>>, vector<1x1x16xf32>,
          %get3A_579 = vector.shape_cast %get3A_578 : vector<1x1x16xf32> to vector<16xf32>
          %mul3A_580 = vector.broadcast %squeeze3A_574 : f32 to vector<16xf32>
          %mul3A_581 = arith.mulf %get3A_579, %mul3A_580 : vector<16xf32>
          %swap3A_582 = arith.index_cast %rem3A_126 : i32 to index
          %swap3A_583 = arith.index_cast %add3A_572 : i32 to index
          %swap3A_584 = arith.constant 0 : index
          %swap3A_585 = tpu.vector_load %arg14[%swap3A_582, %swap3A_583, %swap3A_584] {strides = array<i32>} : memref<3x128x32xf32, #tpu.memory_space<vmem>>, vector<1x1x16xf32>,
          %swap3A_586 = vector.shape_cast %swap3A_585 : vector<1x1x16xf32> to vector<16xf32>
          %swap3A_587 = vector.shape_cast %mul3A_581 : vector<16xf32> to vector<1x1x16xf32>
          tpu.vector_store %arg14[%swap3A_582, %swap3A_583, %swap3A_584], %swap3A_587 {strides = array<i32>} : memref<3x128x32xf32, #tpu.memory_space<vmem>>, vector<1x1x16xf32>,
          %get3A_588 = arith.index_cast %rem3A_126 : i32 to index
          %get3A_589 = arith.index_cast %add3A_572 : i32 to index
          %get3A_590 = arith.constant 16 : index
          %get3A_591 = tpu.vector_load %arg14[%get3A_588, %get3A_589, %get3A_590] {strides = array<i32>} : memref<3x128x32xf32, #tpu.memory_space<vmem>>, vector<1x1x16xf32>,
          %get3A_592 = vector.shape_cast %get3A_591 : vector<1x1x16xf32> to vector<16xf32>
          %mul3A_593 = vector.broadcast %squeeze3A_574 : f32 to vector<16xf32>
          %mul3A_594 = arith.mulf %get3A_592, %mul3A_593 : vector<16xf32>
          %swap3A_595 = arith.index_cast %rem3A_126 : i32 to index
          %swap3A_596 = arith.index_cast %add3A_572 : i32 to index
          %swap3A_597 = arith.constant 16 : index
          %swap3A_598 = tpu.vector_load %arg14[%swap3A_595, %swap3A_596, %swap3A_597] {strides = array<i32>} : memref<3x128x32xf32, #tpu.memory_space<vmem>>, vector<1x1x16xf32>,
          %swap3A_599 = vector.shape_cast %swap3A_598 : vector<1x1x16xf32> to vector<16xf32>
          %swap3A_600 = vector.shape_cast %mul3A_594 : vector<16xf32> to vector<1x1x16xf32>
          tpu.vector_store %arg14[%swap3A_595, %swap3A_596, %swap3A_597], %swap3A_600 {strides = array<i32>} : memref<3x128x32xf32, #tpu.memory_space<vmem>>, vector<1x1x16xf32>,
          %mul3A_601 = arith.constant 16 : i32
          %mul3A_602 = arith.muli %scan3A_182, %mul3A_601 : i32
          %add3A_603 = arith.constant 13 : i32
          %add3A_604 = arith.addi %mul3A_602, %add3A_603 : i32
          %slice3A_605 = vector.extract_strided_slice %get3A_187 {offsets = [13], sizes = [1], strides = [1]} : vector<16xf32> to vector<1xf32>
          %squeeze3A_606 = vector.extract %slice3A_605[0] : f32 from vector<1xf32>
          %get3A_607 = arith.index_cast %rem3A_126 : i32 to index
          %get3A_608 = arith.index_cast %add3A_604 : i32 to index
          %get3A_609 = arith.constant 0 : index
          %get3A_610 = tpu.vector_load %arg14[%get3A_607, %get3A_608, %get3A_609] {strides = array<i32>} : memref<3x128x32xf32, #tpu.memory_space<vmem>>, vector<1x1x16xf32>,
          %get3A_611 = vector.shape_cast %get3A_610 : vector<1x1x16xf32> to vector<16xf32>
          %mul3A_612 = vector.broadcast %squeeze3A_606 : f32 to vector<16xf32>
          %mul3A_613 = arith.mulf %get3A_611, %mul3A_612 : vector<16xf32>
          %swap3A_614 = arith.index_cast %rem3A_126 : i32 to index
          %swap3A_615 = arith.index_cast %add3A_604 : i32 to index
          %swap3A_616 = arith.constant 0 : index
          %swap3A_617 = tpu.vector_load %arg14[%swap3A_614, %swap3A_615, %swap3A_616] {strides = array<i32>} : memref<3x128x32xf32, #tpu.memory_space<vmem>>, vector<1x1x16xf32>,
          %swap3A_618 = vector.shape_cast %swap3A_617 : vector<1x1x16xf32> to vector<16xf32>
          %swap3A_619 = vector.shape_cast %mul3A_613 : vector<16xf32> to vector<1x1x16xf32>
          tpu.vector_store %arg14[%swap3A_614, %swap3A_615, %swap3A_616], %swap3A_619 {strides = array<i32>} : memref<3x128x32xf32, #tpu.memory_space<vmem>>, vector<1x1x16xf32>,
          %get3A_620 = arith.index_cast %rem3A_126 : i32 to index
          %get3A_621 = arith.index_cast %add3A_604 : i32 to index
          %get3A_622 = arith.constant 16 : index
          %get3A_623 = tpu.vector_load %arg14[%get3A_620, %get3A_621, %get3A_622] {strides = array<i32>} : memref<3x128x32xf32, #tpu.memory_space<vmem>>, vector<1x1x16xf32>,
          %get3A_624 = vector.shape_cast %get3A_623 : vector<1x1x16xf32> to vector<16xf32>
          %mul3A_625 = vector.broadcast %squeeze3A_606 : f32 to vector<16xf32>
          %mul3A_626 = arith.mulf %get3A_624, %mul3A_625 : vector<16xf32>
          %swap3A_627 = arith.index_cast %rem3A_126 : i32 to index
          %swap3A_628 = arith.index_cast %add3A_604 : i32 to index
          %swap3A_629 = arith.constant 16 : index
          %swap3A_630 = tpu.vector_load %arg14[%swap3A_627, %swap3A_628, %swap3A_629] {strides = array<i32>} : memref<3x128x32xf32, #tpu.memory_space<vmem>>, vector<1x1x16xf32>,
          %swap3A_631 = vector.shape_cast %swap3A_630 : vector<1x1x16xf32> to vector<16xf32>
          %swap3A_632 = vector.shape_cast %mul3A_626 : vector<16xf32> to vector<1x1x16xf32>
          tpu.vector_store %arg14[%swap3A_627, %swap3A_628, %swap3A_629], %swap3A_632 {strides = array<i32>} : memref<3x128x32xf32, #tpu.memory_space<vmem>>, vector<1x1x16xf32>,
          %mul3A_633 = arith.constant 16 : i32
          %mul3A_634 = arith.muli %scan3A_182, %mul3A_633 : i32
          %add3A_635 = arith.constant 14 : i32
          %add3A_636 = arith.addi %mul3A_634, %add3A_635 : i32
          %slice3A_637 = vector.extract_strided_slice %get3A_187 {offsets = [14], sizes = [1], strides = [1]} : vector<16xf32> to vector<1xf32>
          %squeeze3A_638 = vector.extract %slice3A_637[0] : f32 from vector<1xf32>
          %get3A_639 = arith.index_cast %rem3A_126 : i32 to index
          %get3A_640 = arith.index_cast %add3A_636 : i32 to index
          %get3A_641 = arith.constant 0 : index
          %get3A_642 = tpu.vector_load %arg14[%get3A_639, %get3A_640, %get3A_641] {strides = array<i32>} : memref<3x128x32xf32, #tpu.memory_space<vmem>>, vector<1x1x16xf32>,
          %get3A_643 = vector.shape_cast %get3A_642 : vector<1x1x16xf32> to vector<16xf32>
          %mul3A_644 = vector.broadcast %squeeze3A_638 : f32 to vector<16xf32>
          %mul3A_645 = arith.mulf %get3A_643, %mul3A_644 : vector<16xf32>
          %swap3A_646 = arith.index_cast %rem3A_126 : i32 to index
          %swap3A_647 = arith.index_cast %add3A_636 : i32 to index
          %swap3A_648 = arith.constant 0 : index
          %swap3A_649 = tpu.vector_load %arg14[%swap3A_646, %swap3A_647, %swap3A_648] {strides = array<i32>} : memref<3x128x32xf32, #tpu.memory_space<vmem>>, vector<1x1x16xf32>,
          %swap3A_650 = vector.shape_cast %swap3A_649 : vector<1x1x16xf32> to vector<16xf32>
          %swap3A_651 = vector.shape_cast %mul3A_645 : vector<16xf32> to vector<1x1x16xf32>
          tpu.vector_store %arg14[%swap3A_646, %swap3A_647, %swap3A_648], %swap3A_651 {strides = array<i32>} : memref<3x128x32xf32, #tpu.memory_space<vmem>>, vector<1x1x16xf32>,
          %get3A_652 = arith.index_cast %rem3A_126 : i32 to index
          %get3A_653 = arith.index_cast %add3A_636 : i32 to index
          %get3A_654 = arith.constant 16 : index
          %get3A_655 = tpu.vector_load %arg14[%get3A_652, %get3A_653, %get3A_654] {strides = array<i32>} : memref<3x128x32xf32, #tpu.memory_space<vmem>>, vector<1x1x16xf32>,
          %get3A_656 = vector.shape_cast %get3A_655 : vector<1x1x16xf32> to vector<16xf32>
          %mul3A_657 = vector.broadcast %squeeze3A_638 : f32 to vector<16xf32>
          %mul3A_658 = arith.mulf %get3A_656, %mul3A_657 : vector<16xf32>
          %swap3A_659 = arith.index_cast %rem3A_126 : i32 to index
          %swap3A_660 = arith.index_cast %add3A_636 : i32 to index
          %swap3A_661 = arith.constant 16 : index
          %swap3A_662 = tpu.vector_load %arg14[%swap3A_659, %swap3A_660, %swap3A_661] {strides = array<i32>} : memref<3x128x32xf32, #tpu.memory_space<vmem>>, vector<1x1x16xf32>,
          %swap3A_663 = vector.shape_cast %swap3A_662 : vector<1x1x16xf32> to vector<16xf32>
          %swap3A_664 = vector.shape_cast %mul3A_658 : vector<16xf32> to vector<1x1x16xf32>
          tpu.vector_store %arg14[%swap3A_659, %swap3A_660, %swap3A_661], %swap3A_664 {strides = array<i32>} : memref<3x128x32xf32, #tpu.memory_space<vmem>>, vector<1x1x16xf32>,
          %mul3A_665 = arith.constant 16 : i32
          %mul3A_666 = arith.muli %scan3A_182, %mul3A_665 : i32
          %add3A_667 = arith.constant 15 : i32
          %add3A_668 = arith.addi %mul3A_666, %add3A_667 : i32
          %slice3A_669 = vector.extract_strided_slice %get3A_187 {offsets = [15], sizes = [1], strides = [1]} : vector<16xf32> to vector<1xf32>
          %squeeze3A_670 = vector.extract %slice3A_669[0] : f32 from vector<1xf32>
          %get3A_671 = arith.index_cast %rem3A_126 : i32 to index
          %get3A_672 = arith.index_cast %add3A_668 : i32 to index
          %get3A_673 = arith.constant 0 : index
          %get3A_674 = tpu.vector_load %arg14[%get3A_671, %get3A_672, %get3A_673] {strides = array<i32>} : memref<3x128x32xf32, #tpu.memory_space<vmem>>, vector<1x1x16xf32>,
          %get3A_675 = vector.shape_cast %get3A_674 : vector<1x1x16xf32> to vector<16xf32>
          %mul3A_676 = vector.broadcast %squeeze3A_670 : f32 to vector<16xf32>
          %mul3A_677 = arith.mulf %get3A_675, %mul3A_676 : vector<16xf32>
          %swap3A_678 = arith.index_cast %rem3A_126 : i32 to index
          %swap3A_679 = arith.index_cast %add3A_668 : i32 to index
          %swap3A_680 = arith.constant 0 : index
          %swap3A_681 = tpu.vector_load %arg14[%swap3A_678, %swap3A_679, %swap3A_680] {strides = array<i32>} : memref<3x128x32xf32, #tpu.memory_space<vmem>>, vector<1x1x16xf32>,
          %swap3A_682 = vector.shape_cast %swap3A_681 : vector<1x1x16xf32> to vector<16xf32>
          %swap3A_683 = vector.shape_cast %mul3A_677 : vector<16xf32> to vector<1x1x16xf32>
          tpu.vector_store %arg14[%swap3A_678, %swap3A_679, %swap3A_680], %swap3A_683 {strides = array<i32>} : memref<3x128x32xf32, #tpu.memory_space<vmem>>, vector<1x1x16xf32>,
          %get3A_684 = arith.index_cast %rem3A_126 : i32 to index
          %get3A_685 = arith.index_cast %add3A_668 : i32 to index
          %get3A_686 = arith.constant 16 : index
          %get3A_687 = tpu.vector_load %arg14[%get3A_684, %get3A_685, %get3A_686] {strides = array<i32>} : memref<3x128x32xf32, #tpu.memory_space<vmem>>, vector<1x1x16xf32>,
          %get3A_688 = vector.shape_cast %get3A_687 : vector<1x1x16xf32> to vector<16xf32>
          %mul3A_689 = vector.broadcast %squeeze3A_670 : f32 to vector<16xf32>
          %mul3A_690 = arith.mulf %get3A_688, %mul3A_689 : vector<16xf32>
          %swap3A_691 = arith.index_cast %rem3A_126 : i32 to index
          %swap3A_692 = arith.index_cast %add3A_668 : i32 to index
          %swap3A_693 = arith.constant 16 : index
          %swap3A_694 = tpu.vector_load %arg14[%swap3A_691, %swap3A_692, %swap3A_693] {strides = array<i32>} : memref<3x128x32xf32, #tpu.memory_space<vmem>>, vector<1x1x16xf32>,
          %swap3A_695 = vector.shape_cast %swap3A_694 : vector<1x1x16xf32> to vector<16xf32>
          %swap3A_696 = vector.shape_cast %mul3A_690 : vector<16xf32> to vector<1x1x16xf32>
          tpu.vector_store %arg14[%swap3A_691, %swap3A_692, %swap3A_693], %swap3A_696 {strides = array<i32>} : memref<3x128x32xf32, #tpu.memory_space<vmem>>, vector<1x1x16xf32>,
        }
        %scan3A_167 = arith.constant 8 : i32
        %dma_start3A_168 = arith.constant 0 : i32
        %dma_start3A_169 = arith.constant 0 : i32
        %dma_start3A_170 = tpu.memref_slice %arg14[%rem3A_126, %dma_start3A_168, %dma_start3A_169] : memref<3x128x32xf32, #tpu.memory_space<vmem>> -> memref<1x128x32xf32, #tpu.memory_space<vmem>>
        %dma_start3A_171 = tpu.memref_squeeze %dma_start3A_170 : memref<1x128x32xf32, #tpu.memory_space<vmem>> -> memref<128x32xf32, #tpu.memory_space<vmem>>
        %dma_start3A_172 = arith.constant 0 : i32
        %dma_start3A_173 = tpu.memref_slice %arg12[%rem3A_126, %dma_start3A_172] : memref<3x128xi32, #tpu.memory_space<vmem>> -> memref<1x128xi32, #tpu.memory_space<vmem>>
        %dma_start3A_174 = tpu.memref_squeeze %dma_start3A_173 : memref<1x128xi32, #tpu.memory_space<vmem>> -> memref<128xi32, #tpu.memory_space<vmem>>
        %dma_start3A_175 = arith.constant 0 : i32
        %dma_start3A_176 = arith.constant 0 : i32
        %dma_start3A_177 = tpu.memref_slice %arg15[%dma_start3A_175, %dma_start3A_176] : memref<50048x32xf32, #tpu.memory_space<vmem_shared>> -> memref<50048x32xf32, #tpu.memory_space<vmem_shared>>
        %dma_start3A_178 = tpu.memref_slice %arg18[%rem3A_126] : memref<3x!tpu.dma_semaphore, #tpu.memory_space<semaphore_mem>> -> memref<1x!tpu.dma_semaphore, #tpu.memory_space<semaphore_mem>>
        %dma_start3A_179 = tpu.memref_squeeze %dma_start3A_178 : memref<1x!tpu.dma_semaphore, #tpu.memory_space<semaphore_mem>> -> memref<!tpu.dma_semaphore, #tpu.memory_space<semaphore_mem>>
        tpu.enqueue_indirect_dma source(%dma_start3A_171 : memref<128x32xf32, #tpu.memory_space<vmem>>) target(%dma_start3A_177 : memref<50048x32xf32, #tpu.memory_space<vmem_shared>>) offsets(%dma_start3A_174 : memref<128xi32, #tpu.memory_space<vmem>>) semaphore(%dma_start3A_179 : memref<!tpu.dma_semaphore, #tpu.memory_space<semaphore_mem>>) {add = true}
        %add3A_180 = arith.constant 1 : i32
        %add3A_181 = arith.addi %scan3A_123, %add3A_180 : i32
        scf.yield %add3A_181, %max3A_142 : i32, i32
      }
      %scan3A_121 = arith.constant 8 : i32
      scf.yield %scan3A_120#0, %scan3A_120#1 : i32, i32
    }
    %scan3A_38 = arith.constant 98 : i32
    %sub3A = arith.constant 2 : i32
    %sub3A_39 = arith.subi %scan3A_37#0, %sub3A : i32
    %ge3A = arith.constant 0 : i32
    %ge3A_40 = arith.cmpi sge, %sub3A_39, %ge3A : i32
    %ge3A_41 = arith.cmpi sge, %sub3A_39, %scan3A_37#1 : i32
    %and3A = arith.andi %ge3A_40, %ge3A_41 : i1
    %convert_element_type3A = arith.extui %and3A : i1 to i32
    %cond3A = arith.constant 0 : i32
    %cond3A_42 = arith.cmpi ne, %convert_element_type3A, %cond3A : i32
    scf.if %cond3A_42 {
      %rem3A = arith.constant 3 : i32
      %rem3A_61 = arith.remsi %sub3A_39, %rem3A : i32
      %rem3A_62 = arith.constant 3 : i32
      %rem3A_63 = arith.remsi %sub3A_39, %rem3A_62 : i32
      %rem3A_64 = arith.constant 3 : i32
      %rem3A_65 = arith.remsi %sub3A_39, %rem3A_64 : i32
      %dma_wait3A = arith.constant 0 : i32
      %dma_wait3A_66 = arith.constant 0 : i32
      %dma_wait3A_67 = tpu.memref_slice %arg14[%rem3A_61, %dma_wait3A, %dma_wait3A_66] : memref<3x128x32xf32, #tpu.memory_space<vmem>> -> memref<1x128x32xf32, #tpu.memory_space<vmem>>
      %dma_wait3A_68 = tpu.memref_squeeze %dma_wait3A_67 : memref<1x128x32xf32, #tpu.memory_space<vmem>> -> memref<128x32xf32, #tpu.memory_space<vmem>>
      %dma_wait3A_69 = arith.constant 0 : i32
      %dma_wait3A_70 = tpu.memref_slice %arg12[%rem3A_63, %dma_wait3A_69] : memref<3x128xi32, #tpu.memory_space<vmem>> -> memref<1x128xi32, #tpu.memory_space<vmem>>
      %dma_wait3A_71 = tpu.memref_squeeze %dma_wait3A_70 : memref<1x128xi32, #tpu.memory_space<vmem>> -> memref<128xi32, #tpu.memory_space<vmem>>
      %dma_wait3A_72 = arith.constant 0 : i32
      %dma_wait3A_73 = arith.constant 0 : i32
      %dma_wait3A_74 = tpu.memref_slice %arg15[%dma_wait3A_72, %dma_wait3A_73] : memref<50048x32xf32, #tpu.memory_space<vmem_shared>> -> memref<50048x32xf32, #tpu.memory_space<vmem_shared>>
      %dma_wait3A_75 = tpu.memref_slice %arg18[%rem3A_65] : memref<3x!tpu.dma_semaphore, #tpu.memory_space<semaphore_mem>> -> memref<1x!tpu.dma_semaphore, #tpu.memory_space<semaphore_mem>>
      %dma_wait3A_76 = tpu.memref_squeeze %dma_wait3A_75 : memref<1x!tpu.dma_semaphore, #tpu.memory_space<semaphore_mem>> -> memref<!tpu.dma_semaphore, #tpu.memory_space<semaphore_mem>>
      tpu.wait_indirect_dma semaphore(%dma_wait3A_76 : memref<!tpu.dma_semaphore, #tpu.memory_space<semaphore_mem>>) src(%dma_wait3A_68 : memref<128x32xf32, #tpu.memory_space<vmem>>) dst(%dma_wait3A_74 : memref<50048x32xf32, #tpu.memory_space<vmem_shared>>)
    } else {
    }
    %add3A_43 = arith.constant 1 : i32
    %add3A_44 = arith.addi %sub3A_39, %add3A_43 : i32
    %max3A = arith.maxsi %scan3A_37#1, %add3A_44 : i32
    %sub3A_45 = arith.constant 1 : i32
    %sub3A_46 = arith.subi %scan3A_37#0, %sub3A_45 : i32
    %ge3A_47 = arith.constant 0 : i32
    %ge3A_48 = arith.cmpi sge, %sub3A_46, %ge3A_47 : i32
    %ge3A_49 = arith.cmpi sge, %sub3A_46, %max3A : i32
    %and3A_50 = arith.andi %ge3A_48, %ge3A_49 : i1
    %convert_element_type3A_51 = arith.extui %and3A_50 : i1 to i32
    %cond3A_52 = arith.constant 0 : i32
    %cond3A_53 = arith.cmpi ne, %convert_element_type3A_51, %cond3A_52 : i32
    scf.if %cond3A_53 {
      %rem3A = arith.constant 3 : i32
      %rem3A_61 = arith.remsi %sub3A_46, %rem3A : i32
      %rem3A_62 = arith.constant 3 : i32
      %rem3A_63 = arith.remsi %sub3A_46, %rem3A_62 : i32
      %rem3A_64 = arith.constant 3 : i32
      %rem3A_65 = arith.remsi %sub3A_46, %rem3A_64 : i32
      %dma_wait3A = arith.constant 0 : i32
      %dma_wait3A_66 = arith.constant 0 : i32
      %dma_wait3A_67 = tpu.memref_slice %arg14[%rem3A_61, %dma_wait3A, %dma_wait3A_66] : memref<3x128x32xf32, #tpu.memory_space<vmem>> -> memref<1x128x32xf32, #tpu.memory_space<vmem>>
      %dma_wait3A_68 = tpu.memref_squeeze %dma_wait3A_67 : memref<1x128x32xf32, #tpu.memory_space<vmem>> -> memref<128x32xf32, #tpu.memory_space<vmem>>
      %dma_wait3A_69 = arith.constant 0 : i32
      %dma_wait3A_70 = tpu.memref_slice %arg12[%rem3A_63, %dma_wait3A_69] : memref<3x128xi32, #tpu.memory_space<vmem>> -> memref<1x128xi32, #tpu.memory_space<vmem>>
      %dma_wait3A_71 = tpu.memref_squeeze %dma_wait3A_70 : memref<1x128xi32, #tpu.memory_space<vmem>> -> memref<128xi32, #tpu.memory_space<vmem>>
      %dma_wait3A_72 = arith.constant 0 : i32
      %dma_wait3A_73 = arith.constant 0 : i32
      %dma_wait3A_74 = tpu.memref_slice %arg15[%dma_wait3A_72, %dma_wait3A_73] : memref<50048x32xf32, #tpu.memory_space<vmem_shared>> -> memref<50048x32xf32, #tpu.memory_space<vmem_shared>>
      %dma_wait3A_75 = tpu.memref_slice %arg18[%rem3A_65] : memref<3x!tpu.dma_semaphore, #tpu.memory_space<semaphore_mem>> -> memref<1x!tpu.dma_semaphore, #tpu.memory_space<semaphore_mem>>
      %dma_wait3A_76 = tpu.memref_squeeze %dma_wait3A_75 : memref<1x!tpu.dma_semaphore, #tpu.memory_space<semaphore_mem>> -> memref<!tpu.dma_semaphore, #tpu.memory_space<semaphore_mem>>
      tpu.wait_indirect_dma semaphore(%dma_wait3A_76 : memref<!tpu.dma_semaphore, #tpu.memory_space<semaphore_mem>>) src(%dma_wait3A_68 : memref<128x32xf32, #tpu.memory_space<vmem>>) dst(%dma_wait3A_74 : memref<50048x32xf32, #tpu.memory_space<vmem_shared>>)
    } else {
    }
    %add3A_54 = arith.constant 1 : i32
    %add3A_55 = arith.addi %sub3A_46, %add3A_54 : i32
    %max3A_56 = arith.maxsi %max3A, %add3A_55 : i32
    %barrier3A_57 = arith.constant 0 : index
    tpu.barrier barrier_id(%barrier3A_57)
    %mul3A_58 = arith.constant 50048 : i32
    %mul3A_59 = arith.muli %arg0, %mul3A_58 : i32
    %add3A_60 = arith.addi %mul3A_59, %mul3A_2 : i32
    "tpu.region"() ({
      %run_scoped3A = tpu.sem_alloc : memref<!tpu.dma_semaphore, #tpu.memory_space<semaphore_mem>>
      %dma_start3A_61 = arith.constant 0 : i32
      %dma_start3A_62 = tpu.memref_slice %arg7[%add3A_60, %dma_start3A_61] : memref<100096x32xf32, #tpu.memory_space<hbm>> -> memref<3128x32xf32, #tpu.memory_space<hbm>>
      %dma_start3A_63 = arith.constant 0 : i32
      %dma_start3A_64 = tpu.memref_slice %arg15[%mul3A_2, %dma_start3A_63] : memref<50048x32xf32, #tpu.memory_space<vmem_shared>> -> memref<3128x32xf32, #tpu.memory_space<vmem_shared>>
      tpu.enqueue_dma source(%dma_start3A_64 : memref<3128x32xf32, #tpu.memory_space<vmem_shared>>) target(%dma_start3A_62 : memref<3128x32xf32, #tpu.memory_space<hbm>>) target_semaphore(%run_scoped3A : memref<!tpu.dma_semaphore, #tpu.memory_space<semaphore_mem>>)
      %dma_wait3A = arith.constant 0 : i32
      %dma_wait3A_65 = tpu.memref_slice %arg7[%add3A_60, %dma_wait3A] : memref<100096x32xf32, #tpu.memory_space<hbm>> -> memref<3128x32xf32, #tpu.memory_space<hbm>>
      %dma_wait3A_66 = arith.constant 0 : i32
      %dma_wait3A_67 = tpu.memref_slice %arg15[%mul3A_2, %dma_wait3A_66] : memref<50048x32xf32, #tpu.memory_space<vmem_shared>> -> memref<3128x32xf32, #tpu.memory_space<vmem_shared>>
      tpu.wait_dma2 semaphore(%run_scoped3A : memref<!tpu.dma_semaphore, #tpu.memory_space<semaphore_mem>>) src(%dma_wait3A_67 : memref<3128x32xf32, #tpu.memory_space<vmem_shared>>) dst(%dma_wait3A_65 : memref<3128x32xf32, #tpu.memory_space<hbm>>)
      tpu.yield
    }) : () -> ()
    return
  }
}

#map = affine_map<(d0, d1) -> (0, 0)>
#map1 = affine_map<(d0, d1) -> (0)>
module attributes {stable_mosaic.version = 14 : i64} {
  func.func @_layer_body(%arg0: i32, %arg1: i32, %arg2: memref<100096x32xf32, #tpu.memory_space<hbm>>, %arg3: memref<1605632xi32, #tpu.memory_space<hbm>>, %arg4: memref<1605632xi32, #tpu.memory_space<hbm>>, %arg5: memref<1605632xf32, #tpu.memory_space<hbm>>, %arg6: memref<50048x32xf32, #tpu.memory_space<hbm>>, %arg7: memref<100096x32xf32, #tpu.memory_space<hbm>>, %arg8: memref<2x1024xi32, #tpu.memory_space<vmem>>, %arg9: memref<2x1024xi32, #tpu.memory_space<vmem>>, %arg10: memref<2x1024xf32, #tpu.memory_space<vmem>>, %arg11: memref<3x128xi32, #tpu.memory_space<vmem>>, %arg12: memref<3x128xi32, #tpu.memory_space<vmem>>, %arg13: memref<3x128xf32, #tpu.memory_space<vmem>>, %arg14: memref<3x128x32xf32, #tpu.memory_space<vmem>>, %arg15: memref<50048x32xf32, #tpu.memory_space<vmem_shared>>, %arg16: memref<!tpu.dma_semaphore, #tpu.memory_space<semaphore_mem>>, %arg17: memref<3x!tpu.dma_semaphore, #tpu.memory_space<semaphore_mem>>, %arg18: memref<3x!tpu.dma_semaphore, #tpu.memory_space<semaphore_mem>>) attributes {dimension_semantics = [#tpu.dimension_semantics<core_parallel>, #tpu.dimension_semantics<subcore_parallel>], iteration_bounds = array<i64: 2, 16>, scalar_prefetch = 0 : i64, scratch_operands = 11 : i64, tpu.core_type = #tpu.core_type<sc_vector_subcore>, window_params = [{transform_indices = #map}, {transform_indices = #map1}, {transform_indices = #map1}, {transform_indices = #map1}, {transform_indices = #map}, {transform_indices = #map}]} {
    %mul3A = arith.constant 50000 : i32
    %mul3A_0 = arith.muli %arg0, %mul3A : i32
    %mul3A_1 = arith.constant 3128 : i32
    %mul3A_2 = arith.muli %arg1, %mul3A_1 : i32
    "tpu.region"() ({
      %run_scoped3A = tpu.sem_alloc : memref<!tpu.dma_semaphore, #tpu.memory_space<semaphore_mem>>
      %dma_start3A_61 = arith.constant 0 : i32
      %dma_start3A_62 = tpu.memref_slice %arg15[%mul3A_2, %dma_start3A_61] : memref<50048x32xf32, #tpu.memory_space<vmem_shared>> -> memref<3128x32xf32, #tpu.memory_space<vmem_shared>>
      %dma_start3A_63 = arith.constant 0 : i32
      %dma_start3A_64 = tpu.memref_slice %arg6[%mul3A_2, %dma_start3A_63] : memref<50048x32xf32, #tpu.memory_space<hbm>> -> memref<3128x32xf32, #tpu.memory_space<hbm>>
      tpu.enqueue_dma source(%dma_start3A_64 : memref<3128x32xf32, #tpu.memory_space<hbm>>) target(%dma_start3A_62 : memref<3128x32xf32, #tpu.memory_space<vmem_shared>>) target_semaphore(%run_scoped3A : memref<!tpu.dma_semaphore, #tpu.memory_space<semaphore_mem>>)
      %dma_wait3A = arith.constant 0 : i32
      %dma_wait3A_65 = tpu.memref_slice %arg15[%mul3A_2, %dma_wait3A] : memref<50048x32xf32, #tpu.memory_space<vmem_shared>> -> memref<3128x32xf32, #tpu.memory_space<vmem_shared>>
      %dma_wait3A_66 = arith.constant 0 : i32
      %dma_wait3A_67 = tpu.memref_slice %arg6[%mul3A_2, %dma_wait3A_66] : memref<50048x32xf32, #tpu.memory_space<hbm>> -> memref<3128x32xf32, #tpu.memory_space<hbm>>
      tpu.wait_dma2 semaphore(%run_scoped3A : memref<!tpu.dma_semaphore, #tpu.memory_space<semaphore_mem>>) src(%dma_wait3A_67 : memref<3128x32xf32, #tpu.memory_space<hbm>>) dst(%dma_wait3A_65 : memref<3128x32xf32, #tpu.memory_space<vmem_shared>>)
      tpu.yield
    }) : () -> ()
    %barrier3A = arith.constant 0 : index
    tpu.barrier barrier_id(%barrier3A)
    %mul3A_3 = arith.constant 100352 : i32
    %mul3A_4 = arith.muli %arg1, %mul3A_3 : i32
    %iota3A = tpu.iota {dimensions = array<i32: 0>} : vector<16xi32>
    %add3A = arith.constant 0 : i32
    %add3A_5 = arith.addi %mul3A_4, %add3A : i32
    %dma_start3A = arith.constant 0 : i32
    %dma_start3A_6 = arith.constant 0 : i32
    %dma_start3A_7 = tpu.memref_slice %arg8[%dma_start3A, %dma_start3A_6] : memref<2x1024xi32, #tpu.memory_space<vmem>> -> memref<1x1024xi32, #tpu.memory_space<vmem>>
    %dma_start3A_8 = tpu.memref_squeeze %dma_start3A_7 : memref<1x1024xi32, #tpu.memory_space<vmem>> -> memref<1024xi32, #tpu.memory_space<vmem>>
    %dma_start3A_9 = tpu.memref_slice %arg3[%add3A_5] : memref<1605632xi32, #tpu.memory_space<hbm>> -> memref<1024xi32, #tpu.memory_space<hbm>>
    %dma_start3A_10 = arith.constant 0 : i32
    %dma_start3A_11 = tpu.memref_slice %arg8[%dma_start3A, %dma_start3A_10] : memref<2x1024xi32, #tpu.memory_space<vmem>> -> memref<1x1024xi32, #tpu.memory_space<vmem>>
    %dma_start3A_12 = tpu.memref_squeeze %dma_start3A_11 : memref<1x1024xi32, #tpu.memory_space<vmem>> -> memref<1024xi32, #tpu.memory_space<vmem>>
    %dma_start3A_13 = tpu.memref_slice %arg3[%add3A_5] : memref<1605632xi32, #tpu.memory_space<hbm>> -> memref<1024xi32, #tpu.memory_space<hbm>>
    tpu.enqueue_dma source(%dma_start3A_13 : memref<1024xi32, #tpu.memory_space<hbm>>) target(%dma_start3A_12 : memref<1024xi32, #tpu.memory_space<vmem>>) target_semaphore(%arg16 : memref<!tpu.dma_semaphore, #tpu.memory_space<semaphore_mem>>)
    %dma_start3A_14 = arith.constant 0 : i32
    %dma_start3A_15 = arith.constant 0 : i32
    %dma_start3A_16 = tpu.memref_slice %arg9[%dma_start3A_14, %dma_start3A_15] : memref<2x1024xi32, #tpu.memory_space<vmem>> -> memref<1x1024xi32, #tpu.memory_space<vmem>>
    %dma_start3A_17 = tpu.memref_squeeze %dma_start3A_16 : memref<1x1024xi32, #tpu.memory_space<vmem>> -> memref<1024xi32, #tpu.memory_space<vmem>>
    %dma_start3A_18 = tpu.memref_slice %arg4[%add3A_5] : memref<1605632xi32, #tpu.memory_space<hbm>> -> memref<1024xi32, #tpu.memory_space<hbm>>
    %dma_start3A_19 = arith.constant 0 : i32
    %dma_start3A_20 = tpu.memref_slice %arg9[%dma_start3A_14, %dma_start3A_19] : memref<2x1024xi32, #tpu.memory_space<vmem>> -> memref<1x1024xi32, #tpu.memory_space<vmem>>
    %dma_start3A_21 = tpu.memref_squeeze %dma_start3A_20 : memref<1x1024xi32, #tpu.memory_space<vmem>> -> memref<1024xi32, #tpu.memory_space<vmem>>
    %dma_start3A_22 = tpu.memref_slice %arg4[%add3A_5] : memref<1605632xi32, #tpu.memory_space<hbm>> -> memref<1024xi32, #tpu.memory_space<hbm>>
    tpu.enqueue_dma source(%dma_start3A_22 : memref<1024xi32, #tpu.memory_space<hbm>>) target(%dma_start3A_21 : memref<1024xi32, #tpu.memory_space<vmem>>) target_semaphore(%arg16 : memref<!tpu.dma_semaphore, #tpu.memory_space<semaphore_mem>>)
    %dma_start3A_23 = arith.constant 0 : i32
    %dma_start3A_24 = arith.constant 0 : i32
    %dma_start3A_25 = tpu.memref_slice %arg10[%dma_start3A_23, %dma_start3A_24] : memref<2x1024xf32, #tpu.memory_space<vmem>> -> memref<1x1024xf32, #tpu.memory_space<vmem>>
    %dma_start3A_26 = tpu.memref_squeeze %dma_start3A_25 : memref<1x1024xf32, #tpu.memory_space<vmem>> -> memref<1024xf32, #tpu.memory_space<vmem>>
    %dma_start3A_27 = tpu.memref_slice %arg5[%add3A_5] : memref<1605632xf32, #tpu.memory_space<hbm>> -> memref<1024xf32, #tpu.memory_space<hbm>>
    %dma_start3A_28 = arith.constant 0 : i32
    %dma_start3A_29 = tpu.memref_slice %arg10[%dma_start3A_23, %dma_start3A_28] : memref<2x1024xf32, #tpu.memory_space<vmem>> -> memref<1x1024xf32, #tpu.memory_space<vmem>>
    %dma_start3A_30 = tpu.memref_squeeze %dma_start3A_29 : memref<1x1024xf32, #tpu.memory_space<vmem>> -> memref<1024xf32, #tpu.memory_space<vmem>>
    %dma_start3A_31 = tpu.memref_slice %arg5[%add3A_5] : memref<1605632xf32, #tpu.memory_space<hbm>> -> memref<1024xf32, #tpu.memory_space<hbm>>
    tpu.enqueue_dma source(%dma_start3A_31 : memref<1024xf32, #tpu.memory_space<hbm>>) target(%dma_start3A_30 : memref<1024xf32, #tpu.memory_space<vmem>>) target_semaphore(%arg16 : memref<!tpu.dma_semaphore, #tpu.memory_space<semaphore_mem>>)
    %scan3A = arith.constant 0 : i32
    %scan3A_32 = arith.constant 0 : i32
    %scan3A_33 = arith.constant 0 : i32
    %scan3A_34 = arith.constant 98 : i32
    %scan3A_35 = arith.addi %scan3A_33, %scan3A_34 : i32
    %scan3A_36 = arith.constant 1 : i32
    %scan3A_37:2 = scf.for %scan3A_61 = %scan3A_33 to %scan3A_35 step %scan3A_36 iter_args(%scan3A_62 = %scan3A, %scan3A_63 = %scan3A_32) -> (i32, i32)  : i32 {
      %rem3A = arith.constant 2 : i32
      %rem3A_64 = arith.remsi %scan3A_61, %rem3A : i32
      %dma_wait3A = arith.constant 0 : i32
      %dma_wait3A_65 = tpu.memref_slice %arg8[%rem3A_64, %dma_wait3A] : memref<2x1024xi32, #tpu.memory_space<vmem>> -> memref<1x1024xi32, #tpu.memory_space<vmem>>
      %dma_wait3A_66 = tpu.memref_squeeze %dma_wait3A_65 : memref<1x1024xi32, #tpu.memory_space<vmem>> -> memref<1024xi32, #tpu.memory_space<vmem>>
      %dma_wait3A_67 = tpu.memref_slice %arg3[%mul3A_4] : memref<1605632xi32, #tpu.memory_space<hbm>> -> memref<1024xi32, #tpu.memory_space<hbm>>
      %dma_wait3A_68 = arith.constant 0 : i32
      %dma_wait3A_69 = tpu.memref_slice %arg8[%rem3A_64, %dma_wait3A_68] : memref<2x1024xi32, #tpu.memory_space<vmem>> -> memref<1x1024xi32, #tpu.memory_space<vmem>>
      %dma_wait3A_70 = tpu.memref_squeeze %dma_wait3A_69 : memref<1x1024xi32, #tpu.memory_space<vmem>> -> memref<1024xi32, #tpu.memory_space<vmem>>
      %dma_wait3A_71 = tpu.memref_slice %arg3[%mul3A_4] : memref<1605632xi32, #tpu.memory_space<hbm>> -> memref<1024xi32, #tpu.memory_space<hbm>>
      tpu.wait_dma2 semaphore(%arg16 : memref<!tpu.dma_semaphore, #tpu.memory_space<semaphore_mem>>) src(%dma_wait3A_71 : memref<1024xi32, #tpu.memory_space<hbm>>) dst(%dma_wait3A_70 : memref<1024xi32, #tpu.memory_space<vmem>>)
      %dma_wait3A_72 = arith.constant 0 : i32
      %dma_wait3A_73 = tpu.memref_slice %arg9[%rem3A_64, %dma_wait3A_72] : memref<2x1024xi32, #tpu.memory_space<vmem>> -> memref<1x1024xi32, #tpu.memory_space<vmem>>
      %dma_wait3A_74 = tpu.memref_squeeze %dma_wait3A_73 : memref<1x1024xi32, #tpu.memory_space<vmem>> -> memref<1024xi32, #tpu.memory_space<vmem>>
      %dma_wait3A_75 = tpu.memref_slice %arg4[%mul3A_4] : memref<1605632xi32, #tpu.memory_space<hbm>> -> memref<1024xi32, #tpu.memory_space<hbm>>
      %dma_wait3A_76 = arith.constant 0 : i32
      %dma_wait3A_77 = tpu.memref_slice %arg9[%rem3A_64, %dma_wait3A_76] : memref<2x1024xi32, #tpu.memory_space<vmem>> -> memref<1x1024xi32, #tpu.memory_space<vmem>>
      %dma_wait3A_78 = tpu.memref_squeeze %dma_wait3A_77 : memref<1x1024xi32, #tpu.memory_space<vmem>> -> memref<1024xi32, #tpu.memory_space<vmem>>
      %dma_wait3A_79 = tpu.memref_slice %arg4[%mul3A_4] : memref<1605632xi32, #tpu.memory_space<hbm>> -> memref<1024xi32, #tpu.memory_space<hbm>>
      tpu.wait_dma2 semaphore(%arg16 : memref<!tpu.dma_semaphore, #tpu.memory_space<semaphore_mem>>) src(%dma_wait3A_79 : memref<1024xi32, #tpu.memory_space<hbm>>) dst(%dma_wait3A_78 : memref<1024xi32, #tpu.memory_space<vmem>>)
      %dma_wait3A_80 = arith.constant 0 : i32
      %dma_wait3A_81 = tpu.memref_slice %arg10[%rem3A_64, %dma_wait3A_80] : memref<2x1024xf32, #tpu.memory_space<vmem>> -> memref<1x1024xf32, #tpu.memory_space<vmem>>
      %dma_wait3A_82 = tpu.memref_squeeze %dma_wait3A_81 : memref<1x1024xf32, #tpu.memory_space<vmem>> -> memref<1024xf32, #tpu.memory_space<vmem>>
      %dma_wait3A_83 = tpu.memref_slice %arg5[%mul3A_4] : memref<1605632xf32, #tpu.memory_space<hbm>> -> memref<1024xf32, #tpu.memory_space<hbm>>
      %dma_wait3A_84 = arith.constant 0 : i32
      %dma_wait3A_85 = tpu.memref_slice %arg10[%rem3A_64, %dma_wait3A_84] : memref<2x1024xf32, #tpu.memory_space<vmem>> -> memref<1x1024xf32, #tpu.memory_space<vmem>>
      %dma_wait3A_86 = tpu.memref_squeeze %dma_wait3A_85 : memref<1x1024xf32, #tpu.memory_space<vmem>> -> memref<1024xf32, #tpu.memory_space<vmem>>
      %dma_wait3A_87 = tpu.memref_slice %arg5[%mul3A_4] : memref<1605632xf32, #tpu.memory_space<hbm>> -> memref<1024xf32, #tpu.memory_space<hbm>>
      tpu.wait_dma2 semaphore(%arg16 : memref<!tpu.dma_semaphore, #tpu.memory_space<semaphore_mem>>) src(%dma_wait3A_87 : memref<1024xf32, #tpu.memory_space<hbm>>) dst(%dma_wait3A_86 : memref<1024xf32, #tpu.memory_space<vmem>>)
      %add3A_88 = arith.constant 1 : i32
      %add3A_89 = arith.addi %scan3A_61, %add3A_88 : i32
      %lt3A = arith.constant 98 : i32
      %lt3A_90 = arith.cmpi slt, %add3A_89, %lt3A : i32
      %convert_element_type3A_91 = arith.extui %lt3A_90 : i1 to i32
      %cond3A_92 = arith.constant 0 : i32
      %cond3A_93 = arith.cmpi ne, %convert_element_type3A_91, %cond3A_92 : i32
      scf.if %cond3A_93 {
        %add3A_122 = arith.constant 1 : i32
        %add3A_123 = arith.addi %scan3A_61, %add3A_122 : i32
        %sub3A_124 = arith.constant 1 : i32
        %sub3A_125 = arith.subi %sub3A_124, %rem3A_64 : i32
        %mul3A_126 = arith.constant 1024 : i32
        %mul3A_127 = arith.muli %add3A_123, %mul3A_126 : i32
        %add3A_128 = arith.addi %mul3A_4, %mul3A_127 : i32
        %dma_start3A_129 = arith.constant 0 : i32
        %dma_start3A_130 = tpu.memref_slice %arg8[%sub3A_125, %dma_start3A_129] : memref<2x1024xi32, #tpu.memory_space<vmem>> -> memref<1x1024xi32, #tpu.memory_space<vmem>>
        %dma_start3A_131 = tpu.memref_squeeze %dma_start3A_130 : memref<1x1024xi32, #tpu.memory_space<vmem>> -> memref<1024xi32, #tpu.memory_space<vmem>>
        %dma_start3A_132 = tpu.memref_slice %arg3[%add3A_128] : memref<1605632xi32, #tpu.memory_space<hbm>> -> memref<1024xi32, #tpu.memory_space<hbm>>
        %dma_start3A_133 = arith.constant 0 : i32
        %dma_start3A_134 = tpu.memref_slice %arg8[%sub3A_125, %dma_start3A_133] : memref<2x1024xi32, #tpu.memory_space<vmem>> -> memref<1x1024xi32, #tpu.memory_space<vmem>>
        %dma_start3A_135 = tpu.memref_squeeze %dma_start3A_134 : memref<1x1024xi32, #tpu.memory_space<vmem>> -> memref<1024xi32, #tpu.memory_space<vmem>>
        %dma_start3A_136 = tpu.memref_slice %arg3[%add3A_128] : memref<1605632xi32, #tpu.memory_space<hbm>> -> memref<1024xi32, #tpu.memory_space<hbm>>
        tpu.enqueue_dma source(%dma_start3A_136 : memref<1024xi32, #tpu.memory_space<hbm>>) target(%dma_start3A_135 : memref<1024xi32, #tpu.memory_space<vmem>>) target_semaphore(%arg16 : memref<!tpu.dma_semaphore, #tpu.memory_space<semaphore_mem>>)
        %dma_start3A_137 = arith.constant 0 : i32
        %dma_start3A_138 = tpu.memref_slice %arg9[%sub3A_125, %dma_start3A_137] : memref<2x1024xi32, #tpu.memory_space<vmem>> -> memref<1x1024xi32, #tpu.memory_space<vmem>>
        %dma_start3A_139 = tpu.memref_squeeze %dma_start3A_138 : memref<1x1024xi32, #tpu.memory_space<vmem>> -> memref<1024xi32, #tpu.memory_space<vmem>>
        %dma_start3A_140 = tpu.memref_slice %arg4[%add3A_128] : memref<1605632xi32, #tpu.memory_space<hbm>> -> memref<1024xi32, #tpu.memory_space<hbm>>
        %dma_start3A_141 = arith.constant 0 : i32
        %dma_start3A_142 = tpu.memref_slice %arg9[%sub3A_125, %dma_start3A_141] : memref<2x1024xi32, #tpu.memory_space<vmem>> -> memref<1x1024xi32, #tpu.memory_space<vmem>>
        %dma_start3A_143 = tpu.memref_squeeze %dma_start3A_142 : memref<1x1024xi32, #tpu.memory_space<vmem>> -> memref<1024xi32, #tpu.memory_space<vmem>>
        %dma_start3A_144 = tpu.memref_slice %arg4[%add3A_128] : memref<1605632xi32, #tpu.memory_space<hbm>> -> memref<1024xi32, #tpu.memory_space<hbm>>
        tpu.enqueue_dma source(%dma_start3A_144 : memref<1024xi32, #tpu.memory_space<hbm>>) target(%dma_start3A_143 : memref<1024xi32, #tpu.memory_space<vmem>>) target_semaphore(%arg16 : memref<!tpu.dma_semaphore, #tpu.memory_space<semaphore_mem>>)
        %dma_start3A_145 = arith.constant 0 : i32
        %dma_start3A_146 = tpu.memref_slice %arg10[%sub3A_125, %dma_start3A_145] : memref<2x1024xf32, #tpu.memory_space<vmem>> -> memref<1x1024xf32, #tpu.memory_space<vmem>>
        %dma_start3A_147 = tpu.memref_squeeze %dma_start3A_146 : memref<1x1024xf32, #tpu.memory_space<vmem>> -> memref<1024xf32, #tpu.memory_space<vmem>>
        %dma_start3A_148 = tpu.memref_slice %arg5[%add3A_128] : memref<1605632xf32, #tpu.memory_space<hbm>> -> memref<1024xf32, #tpu.memory_space<hbm>>
        %dma_start3A_149 = arith.constant 0 : i32
        %dma_start3A_150 = tpu.memref_slice %arg10[%sub3A_125, %dma_start3A_149] : memref<2x1024xf32, #tpu.memory_space<vmem>> -> memref<1x1024xf32, #tpu.memory_space<vmem>>
        %dma_start3A_151 = tpu.memref_squeeze %dma_start3A_150 : memref<1x1024xf32, #tpu.memory_space<vmem>> -> memref<1024xf32, #tpu.memory_space<vmem>>
        %dma_start3A_152 = tpu.memref_slice %arg5[%add3A_128] : memref<1605632xf32, #tpu.memory_space<hbm>> -> memref<1024xf32, #tpu.memory_space<hbm>>
        tpu.enqueue_dma source(%dma_start3A_152 : memref<1024xf32, #tpu.memory_space<hbm>>) target(%dma_start3A_151 : memref<1024xf32, #tpu.memory_space<vmem>>) target_semaphore(%arg16 : memref<!tpu.dma_semaphore, #tpu.memory_space<semaphore_mem>>)
      } else {
      }
      %rem3A_94 = arith.constant 3 : i32
      %rem3A_95 = arith.remsi %scan3A_62, %rem3A_94 : i32
      %scan3A_96 = arith.constant 0 : i32
      %scan3A_97 = arith.constant 0 : i32
      %scan3A_98 = arith.constant 8 : i32
      %scan3A_99 = arith.addi %scan3A_97, %scan3A_98 : i32
      %scan3A_100 = arith.constant 1 : i32
      scf.for %scan3A_122 = %scan3A_97 to %scan3A_99 step %scan3A_100  : i32 {
        %mul3A_123 = arith.constant 16 : i32
        %mul3A_124 = arith.muli %scan3A_122, %mul3A_123 : i32
        %add3A_125 = arith.constant 0 : i32
        %add3A_126 = arith.addi %add3A_125, %mul3A_124 : i32
        %mul3A_127 = arith.constant 16 : i32
        %mul3A_128 = arith.muli %scan3A_122, %mul3A_127 : i32
        %get3A = arith.index_cast %rem3A_64 : i32 to index
        %get3A_129 = arith.index_cast %add3A_126 : i32 to index
        %get3A_130 = tpu.vector_load %arg8[%get3A, %get3A_129] {strides = array<i32>} : memref<2x1024xi32, #tpu.memory_space<vmem>>, vector<1x16xi32>,
        %get3A_131 = vector.shape_cast %get3A_130 : vector<1x16xi32> to vector<16xi32>
        %get3A_132 = arith.index_cast %rem3A_64 : i32 to index
        %get3A_133 = arith.index_cast %add3A_126 : i32 to index
        %get3A_134 = tpu.vector_load %arg9[%get3A_132, %get3A_133] {strides = array<i32>} : memref<2x1024xi32, #tpu.memory_space<vmem>>, vector<1x16xi32>,
        %get3A_135 = vector.shape_cast %get3A_134 : vector<1x16xi32> to vector<16xi32>
        %get3A_136 = arith.index_cast %rem3A_64 : i32 to index
        %get3A_137 = arith.index_cast %add3A_126 : i32 to index
        %get3A_138 = tpu.vector_load %arg10[%get3A_136, %get3A_137] {strides = array<i32>} : memref<2x1024xf32, #tpu.memory_space<vmem>>, vector<1x16xf32>,
        %get3A_139 = vector.shape_cast %get3A_138 : vector<1x16xf32> to vector<16xf32>
        %ge3A_140 = arith.constant 50000 : i32
        %ge3A_141 = vector.broadcast %ge3A_140 : i32 to vector<16xi32>
        %ge3A_142 = arith.cmpi sge, %get3A_131, %ge3A_141 : vector<16xi32>
        %add3A_143 = arith.constant 48 : i32
        %add3A_144 = vector.broadcast %add3A_143 : i32 to vector<16xi32>
        %add3A_145 = arith.addi %get3A_131, %add3A_144 : vector<16xi32>
        %select_n3A = arith.select %ge3A_142, %add3A_145, %get3A_131 : vector<16xi1>, vector<16xi32>
        %swap3A = arith.index_cast %rem3A_95 : i32 to index
        %swap3A_146 = arith.index_cast %mul3A_128 : i32 to index
        %swap3A_147 = tpu.vector_load %arg11[%swap3A, %swap3A_146] {strides = array<i32>} : memref<3x128xi32, #tpu.memory_space<vmem>>, vector<1x16xi32>,
        %swap3A_148 = vector.shape_cast %swap3A_147 : vector<1x16xi32> to vector<16xi32>
        %swap3A_149 = vector.shape_cast %select_n3A : vector<16xi32> to vector<1x16xi32>
        tpu.vector_store %arg11[%swap3A, %swap3A_146], %swap3A_149 {strides = array<i32>} : memref<3x128xi32, #tpu.memory_space<vmem>>, vector<1x16xi32>,
        %sub3A_150 = vector.broadcast %mul3A_0 : i32 to vector<16xi32>
        %sub3A_151 = arith.subi %get3A_135, %sub3A_150 : vector<16xi32>
        %ge3A_152 = arith.constant 0 : i32
        %ge3A_153 = vector.broadcast %ge3A_152 : i32 to vector<16xi32>
        %ge3A_154 = arith.cmpi sge, %sub3A_151, %ge3A_153 : vector<16xi32>
        %lt3A_155 = arith.constant 50000 : i32
        %lt3A_156 = vector.broadcast %lt3A_155 : i32 to vector<16xi32>
        %lt3A_157 = arith.cmpi slt, %sub3A_151, %lt3A_156 : vector<16xi32>
        %and3A_158 = arith.andi %ge3A_154, %lt3A_157 : vector<16xi1>
        %add3A_159 = vector.broadcast %scan3A_122 : i32 to vector<16xi32>
        %add3A_160 = arith.addi %iota3A, %add3A_159 : vector<16xi32>
        %and3A_161 = arith.constant 31 : i32
        %and3A_162 = vector.broadcast %and3A_161 : i32 to vector<16xi32>
        %and3A_163 = arith.andi %add3A_160, %and3A_162 : vector<16xi32>
        %add3A_164 = arith.constant 50000 : i32
        %add3A_165 = vector.broadcast %add3A_164 : i32 to vector<16xi32>
        %add3A_166 = arith.addi %add3A_165, %and3A_163 : vector<16xi32>
        %select_n3A_167 = arith.select %and3A_158, %sub3A_151, %add3A_166 : vector<16xi1>, vector<16xi32>
        %swap3A_168 = arith.index_cast %rem3A_95 : i32 to index
        %swap3A_169 = arith.index_cast %mul3A_128 : i32 to index
        %swap3A_170 = tpu.vector_load %arg12[%swap3A_168, %swap3A_169] {strides = array<i32>} : memref<3x128xi32, #tpu.memory_space<vmem>>, vector<1x16xi32>,
        %swap3A_171 = vector.shape_cast %swap3A_170 : vector<1x16xi32> to vector<16xi32>
        %swap3A_172 = vector.shape_cast %select_n3A_167 : vector<16xi32> to vector<1x16xi32>
        tpu.vector_store %arg12[%swap3A_168, %swap3A_169], %swap3A_172 {strides = array<i32>} : memref<3x128xi32, #tpu.memory_space<vmem>>, vector<1x16xi32>,
        %jit3A = arith.constant 0.000000e+00 : f32
        %broadcast_in_dim3A = vector.broadcast %jit3A : f32 to vector<16xf32>
        %select_n3A_173 = arith.select %and3A_158, %get3A_139, %broadcast_in_dim3A : vector<16xi1>, vector<16xf32>
        %swap3A_174 = arith.index_cast %rem3A_95 : i32 to index
        %swap3A_175 = arith.index_cast %mul3A_128 : i32 to index
        %swap3A_176 = tpu.vector_load %arg13[%swap3A_174, %swap3A_175] {strides = array<i32>} : memref<3x128xf32, #tpu.memory_space<vmem>>, vector<1x16xf32>,
        %swap3A_177 = vector.shape_cast %swap3A_176 : vector<1x16xf32> to vector<16xf32>
        %swap3A_178 = vector.shape_cast %select_n3A_173 : vector<16xf32> to vector<1x16xf32>
        tpu.vector_store %arg13[%swap3A_174, %swap3A_175], %swap3A_178 {strides = array<i32>} : memref<3x128xf32, #tpu.memory_space<vmem>>, vector<1x16xf32>,
      }
      %scan3A_101 = arith.constant 8 : i32
      %rem3A_102 = arith.constant 3 : i32
      %rem3A_103 = arith.remsi %scan3A_62, %rem3A_102 : i32
      %dma_start3A_104 = arith.constant 0 : i32
      %dma_start3A_105 = arith.constant 0 : i32
      %dma_start3A_106 = tpu.memref_slice %arg14[%rem3A_103, %dma_start3A_104, %dma_start3A_105] : memref<3x128x32xf32, #tpu.memory_space<vmem>> -> memref<1x128x32xf32, #tpu.memory_space<vmem>>
      %dma_start3A_107 = tpu.memref_squeeze %dma_start3A_106 : memref<1x128x32xf32, #tpu.memory_space<vmem>> -> memref<128x32xf32, #tpu.memory_space<vmem>>
      %dma_start3A_108 = arith.constant 0 : i32
      %dma_start3A_109 = tpu.memref_slice %arg11[%rem3A_103, %dma_start3A_108] : memref<3x128xi32, #tpu.memory_space<vmem>> -> memref<1x128xi32, #tpu.memory_space<vmem>>
      %dma_start3A_110 = tpu.memref_squeeze %dma_start3A_109 : memref<1x128xi32, #tpu.memory_space<vmem>> -> memref<128xi32, #tpu.memory_space<vmem>>
      %dma_start3A_111 = arith.constant 0 : i32
      %dma_start3A_112 = arith.constant 0 : i32
      %dma_start3A_113 = tpu.memref_slice %arg2[%dma_start3A_111, %dma_start3A_112] : memref<100096x32xf32, #tpu.memory_space<hbm>> -> memref<100096x32xf32, #tpu.memory_space<hbm>>
      %dma_start3A_114 = tpu.memref_slice %arg17[%rem3A_103] : memref<3x!tpu.dma_semaphore, #tpu.memory_space<semaphore_mem>> -> memref<1x!tpu.dma_semaphore, #tpu.memory_space<semaphore_mem>>
      %dma_start3A_115 = tpu.memref_squeeze %dma_start3A_114 : memref<1x!tpu.dma_semaphore, #tpu.memory_space<semaphore_mem>> -> memref<!tpu.dma_semaphore, #tpu.memory_space<semaphore_mem>>
      tpu.enqueue_indirect_dma source(%dma_start3A_113 : memref<100096x32xf32, #tpu.memory_space<hbm>>) target(%dma_start3A_107 : memref<128x32xf32, #tpu.memory_space<vmem>>) offsets(%dma_start3A_110 : memref<128xi32, #tpu.memory_space<vmem>>) semaphore(%dma_start3A_115 : memref<!tpu.dma_semaphore, #tpu.memory_space<semaphore_mem>>)
      %scan3A_116 = arith.constant 0 : i32
      %scan3A_117 = arith.constant 8 : i32
      %scan3A_118 = arith.addi %scan3A_116, %scan3A_117 : i32
      %scan3A_119 = arith.constant 1 : i32
      %scan3A_120:2 = scf.for %scan3A_122 = %scan3A_116 to %scan3A_118 step %scan3A_119 iter_args(%scan3A_123 = %scan3A_62, %scan3A_124 = %scan3A_63) -> (i32, i32)  : i32 {
        %rem3A_125 = arith.constant 3 : i32
        %rem3A_126 = arith.remsi %scan3A_123, %rem3A_125 : i32
        %add3A_127 = arith.constant 1 : i32
        %add3A_128 = arith.addi %scan3A_123, %add3A_127 : i32
        %rem3A_129 = arith.constant 3 : i32
        %rem3A_130 = arith.remsi %add3A_128, %rem3A_129 : i32
        %sub3A_131 = arith.constant 2 : i32
        %sub3A_132 = arith.subi %scan3A_123, %sub3A_131 : i32
        %ge3A_133 = arith.constant 0 : i32
        %ge3A_134 = arith.cmpi sge, %sub3A_132, %ge3A_133 : i32
        %ge3A_135 = arith.cmpi sge, %sub3A_132, %scan3A_124 : i32
        %and3A_136 = arith.andi %ge3A_134, %ge3A_135 : i1
        %convert_element_type3A_137 = arith.extui %and3A_136 : i1 to i32
        %cond3A_138 = arith.constant 0 : i32
        %cond3A_139 = arith.cmpi ne, %convert_element_type3A_137, %cond3A_138 : i32
        scf.if %cond3A_139 {
          %rem3A_182 = arith.constant 3 : i32
          %rem3A_183 = arith.remsi %sub3A_132, %rem3A_182 : i32
          %rem3A_184 = arith.constant 3 : i32
          %rem3A_185 = arith.remsi %sub3A_132, %rem3A_184 : i32
          %rem3A_186 = arith.constant 3 : i32
          %rem3A_187 = arith.remsi %sub3A_132, %rem3A_186 : i32
          %dma_wait3A_188 = arith.constant 0 : i32
          %dma_wait3A_189 = arith.constant 0 : i32
          %dma_wait3A_190 = tpu.memref_slice %arg14[%rem3A_183, %dma_wait3A_188, %dma_wait3A_189] : memref<3x128x32xf32, #tpu.memory_space<vmem>> -> memref<1x128x32xf32, #tpu.memory_space<vmem>>
          %dma_wait3A_191 = tpu.memref_squeeze %dma_wait3A_190 : memref<1x128x32xf32, #tpu.memory_space<vmem>> -> memref<128x32xf32, #tpu.memory_space<vmem>>
          %dma_wait3A_192 = arith.constant 0 : i32
          %dma_wait3A_193 = tpu.memref_slice %arg12[%rem3A_185, %dma_wait3A_192] : memref<3x128xi32, #tpu.memory_space<vmem>> -> memref<1x128xi32, #tpu.memory_space<vmem>>
          %dma_wait3A_194 = tpu.memref_squeeze %dma_wait3A_193 : memref<1x128xi32, #tpu.memory_space<vmem>> -> memref<128xi32, #tpu.memory_space<vmem>>
          %dma_wait3A_195 = arith.constant 0 : i32
          %dma_wait3A_196 = arith.constant 0 : i32
          %dma_wait3A_197 = tpu.memref_slice %arg15[%dma_wait3A_195, %dma_wait3A_196] : memref<50048x32xf32, #tpu.memory_space<vmem_shared>> -> memref<50048x32xf32, #tpu.memory_space<vmem_shared>>
          %dma_wait3A_198 = tpu.memref_slice %arg18[%rem3A_187] : memref<3x!tpu.dma_semaphore, #tpu.memory_space<semaphore_mem>> -> memref<1x!tpu.dma_semaphore, #tpu.memory_space<semaphore_mem>>
          %dma_wait3A_199 = tpu.memref_squeeze %dma_wait3A_198 : memref<1x!tpu.dma_semaphore, #tpu.memory_space<semaphore_mem>> -> memref<!tpu.dma_semaphore, #tpu.memory_space<semaphore_mem>>
          tpu.wait_indirect_dma semaphore(%dma_wait3A_199 : memref<!tpu.dma_semaphore, #tpu.memory_space<semaphore_mem>>) src(%dma_wait3A_191 : memref<128x32xf32, #tpu.memory_space<vmem>>) dst(%dma_wait3A_197 : memref<50048x32xf32, #tpu.memory_space<vmem_shared>>)
        } else {
        }
        %add3A_140 = arith.constant 1 : i32
        %add3A_141 = arith.addi %sub3A_132, %add3A_140 : i32
        %max3A_142 = arith.maxsi %scan3A_124, %add3A_141 : i32
        %add3A_143 = arith.constant 1 : i32
        %add3A_144 = arith.addi %scan3A_122, %add3A_143 : i32
        %lt3A_145 = arith.constant 8 : i32
        %lt3A_146 = arith.cmpi slt, %add3A_144, %lt3A_145 : i32
        %convert_element_type3A_147 = arith.extui %lt3A_146 : i1 to i32
        %cond3A_148 = arith.constant 0 : i32
        %cond3A_149 = arith.cmpi ne, %convert_element_type3A_147, %cond3A_148 : i32
        scf.if %cond3A_149 {
          %add3A_182 = arith.constant 1 : i32
          %add3A_183 = arith.addi %scan3A_122, %add3A_182 : i32
          %scan3A_184 = arith.constant 0 : i32
          %scan3A_185 = arith.constant 0 : i32
          %scan3A_186 = arith.constant 8 : i32
          %scan3A_187 = arith.addi %scan3A_185, %scan3A_186 : i32
          %scan3A_188 = arith.constant 1 : i32
          scf.for %scan3A_202 = %scan3A_185 to %scan3A_187 step %scan3A_188  : i32 {
            %mul3A_203 = arith.constant 128 : i32
            %mul3A_204 = arith.muli %add3A_183, %mul3A_203 : i32
            %mul3A_205 = arith.constant 16 : i32
            %mul3A_206 = arith.muli %scan3A_202, %mul3A_205 : i32
            %add3A_207 = arith.addi %mul3A_204, %mul3A_206 : i32
            %mul3A_208 = arith.constant 16 : i32
            %mul3A_209 = arith.muli %scan3A_202, %mul3A_208 : i32
            %get3A = arith.index_cast %rem3A_64 : i32 to index
            %get3A_210 = arith.index_cast %add3A_207 : i32 to index
            %get3A_211 = tpu.vector_load %arg8[%get3A, %get3A_210] {strides = array<i32>} : memref<2x1024xi32, #tpu.memory_space<vmem>>, vector<1x16xi32>,
            %get3A_212 = vector.shape_cast %get3A_211 : vector<1x16xi32> to vector<16xi32>
            %get3A_213 = arith.index_cast %rem3A_64 : i32 to index
            %get3A_214 = arith.index_cast %add3A_207 : i32 to index
            %get3A_215 = tpu.vector_load %arg9[%get3A_213, %get3A_214] {strides = array<i32>} : memref<2x1024xi32, #tpu.memory_space<vmem>>, vector<1x16xi32>,
            %get3A_216 = vector.shape_cast %get3A_215 : vector<1x16xi32> to vector<16xi32>
            %get3A_217 = arith.index_cast %rem3A_64 : i32 to index
            %get3A_218 = arith.index_cast %add3A_207 : i32 to index
            %get3A_219 = tpu.vector_load %arg10[%get3A_217, %get3A_218] {strides = array<i32>} : memref<2x1024xf32, #tpu.memory_space<vmem>>, vector<1x16xf32>,
            %get3A_220 = vector.shape_cast %get3A_219 : vector<1x16xf32> to vector<16xf32>
            %ge3A_221 = arith.constant 50000 : i32
            %ge3A_222 = vector.broadcast %ge3A_221 : i32 to vector<16xi32>
            %ge3A_223 = arith.cmpi sge, %get3A_212, %ge3A_222 : vector<16xi32>
            %add3A_224 = arith.constant 48 : i32
            %add3A_225 = vector.broadcast %add3A_224 : i32 to vector<16xi32>
            %add3A_226 = arith.addi %get3A_212, %add3A_225 : vector<16xi32>
            %select_n3A = arith.select %ge3A_223, %add3A_226, %get3A_212 : vector<16xi1>, vector<16xi32>
            %swap3A = arith.index_cast %rem3A_130 : i32 to index
            %swap3A_227 = arith.index_cast %mul3A_209 : i32 to index
            %swap3A_228 = tpu.vector_load %arg11[%swap3A, %swap3A_227] {strides = array<i32>} : memref<3x128xi32, #tpu.memory_space<vmem>>, vector<1x16xi32>,
            %swap3A_229 = vector.shape_cast %swap3A_228 : vector<1x16xi32> to vector<16xi32>
            %swap3A_230 = vector.shape_cast %select_n3A : vector<16xi32> to vector<1x16xi32>
            tpu.vector_store %arg11[%swap3A, %swap3A_227], %swap3A_230 {strides = array<i32>} : memref<3x128xi32, #tpu.memory_space<vmem>>, vector<1x16xi32>,
            %sub3A_231 = vector.broadcast %mul3A_0 : i32 to vector<16xi32>
            %sub3A_232 = arith.subi %get3A_216, %sub3A_231 : vector<16xi32>
            %ge3A_233 = arith.constant 0 : i32
            %ge3A_234 = vector.broadcast %ge3A_233 : i32 to vector<16xi32>
            %ge3A_235 = arith.cmpi sge, %sub3A_232, %ge3A_234 : vector<16xi32>
            %lt3A_236 = arith.constant 50000 : i32
            %lt3A_237 = vector.broadcast %lt3A_236 : i32 to vector<16xi32>
            %lt3A_238 = arith.cmpi slt, %sub3A_232, %lt3A_237 : vector<16xi32>
            %and3A_239 = arith.andi %ge3A_235, %lt3A_238 : vector<16xi1>
            %add3A_240 = vector.broadcast %scan3A_202 : i32 to vector<16xi32>
            %add3A_241 = arith.addi %iota3A, %add3A_240 : vector<16xi32>
            %and3A_242 = arith.constant 31 : i32
            %and3A_243 = vector.broadcast %and3A_242 : i32 to vector<16xi32>
            %and3A_244 = arith.andi %add3A_241, %and3A_243 : vector<16xi32>
            %add3A_245 = arith.constant 50000 : i32
            %add3A_246 = vector.broadcast %add3A_245 : i32 to vector<16xi32>
            %add3A_247 = arith.addi %add3A_246, %and3A_244 : vector<16xi32>
            %select_n3A_248 = arith.select %and3A_239, %sub3A_232, %add3A_247 : vector<16xi1>, vector<16xi32>
            %swap3A_249 = arith.index_cast %rem3A_130 : i32 to index
            %swap3A_250 = arith.index_cast %mul3A_209 : i32 to index
            %swap3A_251 = tpu.vector_load %arg12[%swap3A_249, %swap3A_250] {strides = array<i32>} : memref<3x128xi32, #tpu.memory_space<vmem>>, vector<1x16xi32>,
            %swap3A_252 = vector.shape_cast %swap3A_251 : vector<1x16xi32> to vector<16xi32>
            %swap3A_253 = vector.shape_cast %select_n3A_248 : vector<16xi32> to vector<1x16xi32>
            tpu.vector_store %arg12[%swap3A_249, %swap3A_250], %swap3A_253 {strides = array<i32>} : memref<3x128xi32, #tpu.memory_space<vmem>>, vector<1x16xi32>,
            %jit3A = arith.constant 0.000000e+00 : f32
            %broadcast_in_dim3A = vector.broadcast %jit3A : f32 to vector<16xf32>
            %select_n3A_254 = arith.select %and3A_239, %get3A_220, %broadcast_in_dim3A : vector<16xi1>, vector<16xf32>
            %swap3A_255 = arith.index_cast %rem3A_130 : i32 to index
            %swap3A_256 = arith.index_cast %mul3A_209 : i32 to index
            %swap3A_257 = tpu.vector_load %arg13[%swap3A_255, %swap3A_256] {strides = array<i32>} : memref<3x128xf32, #tpu.memory_space<vmem>>, vector<1x16xf32>,
            %swap3A_258 = vector.shape_cast %swap3A_257 : vector<1x16xf32> to vector<16xf32>
            %swap3A_259 = vector.shape_cast %select_n3A_254 : vector<16xf32> to vector<1x16xf32>
            tpu.vector_store %arg13[%swap3A_255, %swap3A_256], %swap3A_259 {strides = array<i32>} : memref<3x128xf32, #tpu.memory_space<vmem>>, vector<1x16xf32>,
          }
          %scan3A_189 = arith.constant 8 : i32
          %dma_start3A_190 = arith.constant 0 : i32
          %dma_start3A_191 = arith.constant 0 : i32
          %dma_start3A_192 = tpu.memref_slice %arg14[%rem3A_130, %dma_start3A_190, %dma_start3A_191] : memref<3x128x32xf32, #tpu.memory_space<vmem>> -> memref<1x128x32xf32, #tpu.memory_space<vmem>>
          %dma_start3A_193 = tpu.memref_squeeze %dma_start3A_192 : memref<1x128x32xf32, #tpu.memory_space<vmem>> -> memref<128x32xf32, #tpu.memory_space<vmem>>
          %dma_start3A_194 = arith.constant 0 : i32
          %dma_start3A_195 = tpu.memref_slice %arg11[%rem3A_130, %dma_start3A_194] : memref<3x128xi32, #tpu.memory_space<vmem>> -> memref<1x128xi32, #tpu.memory_space<vmem>>
          %dma_start3A_196 = tpu.memref_squeeze %dma_start3A_195 : memref<1x128xi32, #tpu.memory_space<vmem>> -> memref<128xi32, #tpu.memory_space<vmem>>
          %dma_start3A_197 = arith.constant 0 : i32
          %dma_start3A_198 = arith.constant 0 : i32
          %dma_start3A_199 = tpu.memref_slice %arg2[%dma_start3A_197, %dma_start3A_198] : memref<100096x32xf32, #tpu.memory_space<hbm>> -> memref<100096x32xf32, #tpu.memory_space<hbm>>
          %dma_start3A_200 = tpu.memref_slice %arg17[%rem3A_130] : memref<3x!tpu.dma_semaphore, #tpu.memory_space<semaphore_mem>> -> memref<1x!tpu.dma_semaphore, #tpu.memory_space<semaphore_mem>>
          %dma_start3A_201 = tpu.memref_squeeze %dma_start3A_200 : memref<1x!tpu.dma_semaphore, #tpu.memory_space<semaphore_mem>> -> memref<!tpu.dma_semaphore, #tpu.memory_space<semaphore_mem>>
          tpu.enqueue_indirect_dma source(%dma_start3A_199 : memref<100096x32xf32, #tpu.memory_space<hbm>>) target(%dma_start3A_193 : memref<128x32xf32, #tpu.memory_space<vmem>>) offsets(%dma_start3A_196 : memref<128xi32, #tpu.memory_space<vmem>>) semaphore(%dma_start3A_201 : memref<!tpu.dma_semaphore, #tpu.memory_space<semaphore_mem>>)
        } else {
        }
        %dma_wait3A_150 = arith.constant 0 : i32
        %dma_wait3A_151 = arith.constant 0 : i32
        %dma_wait3A_152 = tpu.memref_slice %arg14[%rem3A_126, %dma_wait3A_150, %dma_wait3A_151] : memref<3x128x32xf32, #tpu.memory_space<vmem>> -> memref<1x128x32xf32, #tpu.memory_space<vmem>>
        %dma_wait3A_153 = tpu.memref_squeeze %dma_wait3A_152 : memref<1x128x32xf32, #tpu.memory_space<vmem>> -> memref<128x32xf32, #tpu.memory_space<vmem>>
        %dma_wait3A_154 = arith.constant 0 : i32
        %dma_wait3A_155 = tpu.memref_slice %arg11[%rem3A_126, %dma_wait3A_154] : memref<3x128xi32, #tpu.memory_space<vmem>> -> memref<1x128xi32, #tpu.memory_space<vmem>>
        %dma_wait3A_156 = tpu.memref_squeeze %dma_wait3A_155 : memref<1x128xi32, #tpu.memory_space<vmem>> -> memref<128xi32, #tpu.memory_space<vmem>>
        %dma_wait3A_157 = arith.constant 0 : i32
        %dma_wait3A_158 = arith.constant 0 : i32
        %dma_wait3A_159 = tpu.memref_slice %arg2[%dma_wait3A_157, %dma_wait3A_158] : memref<100096x32xf32, #tpu.memory_space<hbm>> -> memref<100096x32xf32, #tpu.memory_space<hbm>>
        %dma_wait3A_160 = tpu.memref_slice %arg17[%rem3A_126] : memref<3x!tpu.dma_semaphore, #tpu.memory_space<semaphore_mem>> -> memref<1x!tpu.dma_semaphore, #tpu.memory_space<semaphore_mem>>
        %dma_wait3A_161 = tpu.memref_squeeze %dma_wait3A_160 : memref<1x!tpu.dma_semaphore, #tpu.memory_space<semaphore_mem>> -> memref<!tpu.dma_semaphore, #tpu.memory_space<semaphore_mem>>
        tpu.wait_indirect_dma semaphore(%dma_wait3A_161 : memref<!tpu.dma_semaphore, #tpu.memory_space<semaphore_mem>>) src(%dma_wait3A_159 : memref<100096x32xf32, #tpu.memory_space<hbm>>) dst(%dma_wait3A_153 : memref<128x32xf32, #tpu.memory_space<vmem>>)
        %scan3A_162 = arith.constant 0 : i32
        %scan3A_163 = arith.constant 0 : i32
        %scan3A_164 = arith.constant 8 : i32
        %scan3A_165 = arith.addi %scan3A_163, %scan3A_164 : i32
        %scan3A_166 = arith.constant 1 : i32
        scf.for %scan3A_182 = %scan3A_163 to %scan3A_165 step %scan3A_166  : i32 {
          %mul3A_183 = arith.constant 16 : i32
          %mul3A_184 = arith.muli %scan3A_182, %mul3A_183 : i32
          %get3A = arith.index_cast %rem3A_126 : i32 to index
          %get3A_185 = arith.index_cast %mul3A_184 : i32 to index
          %get3A_186 = tpu.vector_load %arg13[%get3A, %get3A_185] {strides = array<i32>} : memref<3x128xf32, #tpu.memory_space<vmem>>, vector<1x16xf32>,
          %get3A_187 = vector.shape_cast %get3A_186 : vector<1x16xf32> to vector<16xf32>
          %mul3A_188 = arith.constant 16 : i32
          %mul3A_189 = arith.muli %scan3A_182, %mul3A_188 : i32
          %add3A_190 = arith.constant 0 : i32
          %add3A_191 = arith.addi %mul3A_189, %add3A_190 : i32
          %slice3A = vector.extract_strided_slice %get3A_187 {offsets = [0], sizes = [1], strides = [1]} : vector<16xf32> to vector<1xf32>
          %squeeze3A = vector.extract %slice3A[0] : f32 from vector<1xf32>
          %get3A_192 = arith.index_cast %rem3A_126 : i32 to index
          %get3A_193 = arith.index_cast %add3A_191 : i32 to index
          %get3A_194 = arith.constant 0 : index
          %get3A_195 = tpu.vector_load %arg14[%get3A_192, %get3A_193, %get3A_194] {strides = array<i32>} : memref<3x128x32xf32, #tpu.memory_space<vmem>>, vector<1x1x16xf32>,
          %get3A_196 = vector.shape_cast %get3A_195 : vector<1x1x16xf32> to vector<16xf32>
          %mul3A_197 = vector.broadcast %squeeze3A : f32 to vector<16xf32>
          %mul3A_198 = arith.mulf %get3A_196, %mul3A_197 : vector<16xf32>
          %swap3A = arith.index_cast %rem3A_126 : i32 to index
          %swap3A_199 = arith.index_cast %add3A_191 : i32 to index
          %swap3A_200 = arith.constant 0 : index
          %swap3A_201 = tpu.vector_load %arg14[%swap3A, %swap3A_199, %swap3A_200] {strides = array<i32>} : memref<3x128x32xf32, #tpu.memory_space<vmem>>, vector<1x1x16xf32>,
          %swap3A_202 = vector.shape_cast %swap3A_201 : vector<1x1x16xf32> to vector<16xf32>
          %swap3A_203 = vector.shape_cast %mul3A_198 : vector<16xf32> to vector<1x1x16xf32>
          tpu.vector_store %arg14[%swap3A, %swap3A_199, %swap3A_200], %swap3A_203 {strides = array<i32>} : memref<3x128x32xf32, #tpu.memory_space<vmem>>, vector<1x1x16xf32>,
          %get3A_204 = arith.index_cast %rem3A_126 : i32 to index
          %get3A_205 = arith.index_cast %add3A_191 : i32 to index
          %get3A_206 = arith.constant 16 : index
          %get3A_207 = tpu.vector_load %arg14[%get3A_204, %get3A_205, %get3A_206] {strides = array<i32>} : memref<3x128x32xf32, #tpu.memory_space<vmem>>, vector<1x1x16xf32>,
          %get3A_208 = vector.shape_cast %get3A_207 : vector<1x1x16xf32> to vector<16xf32>
          %mul3A_209 = vector.broadcast %squeeze3A : f32 to vector<16xf32>
          %mul3A_210 = arith.mulf %get3A_208, %mul3A_209 : vector<16xf32>
          %swap3A_211 = arith.index_cast %rem3A_126 : i32 to index
          %swap3A_212 = arith.index_cast %add3A_191 : i32 to index
          %swap3A_213 = arith.constant 16 : index
          %swap3A_214 = tpu.vector_load %arg14[%swap3A_211, %swap3A_212, %swap3A_213] {strides = array<i32>} : memref<3x128x32xf32, #tpu.memory_space<vmem>>, vector<1x1x16xf32>,
          %swap3A_215 = vector.shape_cast %swap3A_214 : vector<1x1x16xf32> to vector<16xf32>
          %swap3A_216 = vector.shape_cast %mul3A_210 : vector<16xf32> to vector<1x1x16xf32>
          tpu.vector_store %arg14[%swap3A_211, %swap3A_212, %swap3A_213], %swap3A_216 {strides = array<i32>} : memref<3x128x32xf32, #tpu.memory_space<vmem>>, vector<1x1x16xf32>,
          %mul3A_217 = arith.constant 16 : i32
          %mul3A_218 = arith.muli %scan3A_182, %mul3A_217 : i32
          %add3A_219 = arith.constant 1 : i32
          %add3A_220 = arith.addi %mul3A_218, %add3A_219 : i32
          %slice3A_221 = vector.extract_strided_slice %get3A_187 {offsets = [1], sizes = [1], strides = [1]} : vector<16xf32> to vector<1xf32>
          %squeeze3A_222 = vector.extract %slice3A_221[0] : f32 from vector<1xf32>
          %get3A_223 = arith.index_cast %rem3A_126 : i32 to index
          %get3A_224 = arith.index_cast %add3A_220 : i32 to index
          %get3A_225 = arith.constant 0 : index
          %get3A_226 = tpu.vector_load %arg14[%get3A_223, %get3A_224, %get3A_225] {strides = array<i32>} : memref<3x128x32xf32, #tpu.memory_space<vmem>>, vector<1x1x16xf32>,
          %get3A_227 = vector.shape_cast %get3A_226 : vector<1x1x16xf32> to vector<16xf32>
          %mul3A_228 = vector.broadcast %squeeze3A_222 : f32 to vector<16xf32>
          %mul3A_229 = arith.mulf %get3A_227, %mul3A_228 : vector<16xf32>
          %swap3A_230 = arith.index_cast %rem3A_126 : i32 to index
          %swap3A_231 = arith.index_cast %add3A_220 : i32 to index
          %swap3A_232 = arith.constant 0 : index
          %swap3A_233 = tpu.vector_load %arg14[%swap3A_230, %swap3A_231, %swap3A_232] {strides = array<i32>} : memref<3x128x32xf32, #tpu.memory_space<vmem>>, vector<1x1x16xf32>,
          %swap3A_234 = vector.shape_cast %swap3A_233 : vector<1x1x16xf32> to vector<16xf32>
          %swap3A_235 = vector.shape_cast %mul3A_229 : vector<16xf32> to vector<1x1x16xf32>
          tpu.vector_store %arg14[%swap3A_230, %swap3A_231, %swap3A_232], %swap3A_235 {strides = array<i32>} : memref<3x128x32xf32, #tpu.memory_space<vmem>>, vector<1x1x16xf32>,
          %get3A_236 = arith.index_cast %rem3A_126 : i32 to index
          %get3A_237 = arith.index_cast %add3A_220 : i32 to index
          %get3A_238 = arith.constant 16 : index
          %get3A_239 = tpu.vector_load %arg14[%get3A_236, %get3A_237, %get3A_238] {strides = array<i32>} : memref<3x128x32xf32, #tpu.memory_space<vmem>>, vector<1x1x16xf32>,
          %get3A_240 = vector.shape_cast %get3A_239 : vector<1x1x16xf32> to vector<16xf32>
          %mul3A_241 = vector.broadcast %squeeze3A_222 : f32 to vector<16xf32>
          %mul3A_242 = arith.mulf %get3A_240, %mul3A_241 : vector<16xf32>
          %swap3A_243 = arith.index_cast %rem3A_126 : i32 to index
          %swap3A_244 = arith.index_cast %add3A_220 : i32 to index
          %swap3A_245 = arith.constant 16 : index
          %swap3A_246 = tpu.vector_load %arg14[%swap3A_243, %swap3A_244, %swap3A_245] {strides = array<i32>} : memref<3x128x32xf32, #tpu.memory_space<vmem>>, vector<1x1x16xf32>,
          %swap3A_247 = vector.shape_cast %swap3A_246 : vector<1x1x16xf32> to vector<16xf32>
          %swap3A_248 = vector.shape_cast %mul3A_242 : vector<16xf32> to vector<1x1x16xf32>
          tpu.vector_store %arg14[%swap3A_243, %swap3A_244, %swap3A_245], %swap3A_248 {strides = array<i32>} : memref<3x128x32xf32, #tpu.memory_space<vmem>>, vector<1x1x16xf32>,
          %mul3A_249 = arith.constant 16 : i32
          %mul3A_250 = arith.muli %scan3A_182, %mul3A_249 : i32
          %add3A_251 = arith.constant 2 : i32
          %add3A_252 = arith.addi %mul3A_250, %add3A_251 : i32
          %slice3A_253 = vector.extract_strided_slice %get3A_187 {offsets = [2], sizes = [1], strides = [1]} : vector<16xf32> to vector<1xf32>
          %squeeze3A_254 = vector.extract %slice3A_253[0] : f32 from vector<1xf32>
          %get3A_255 = arith.index_cast %rem3A_126 : i32 to index
          %get3A_256 = arith.index_cast %add3A_252 : i32 to index
          %get3A_257 = arith.constant 0 : index
          %get3A_258 = tpu.vector_load %arg14[%get3A_255, %get3A_256, %get3A_257] {strides = array<i32>} : memref<3x128x32xf32, #tpu.memory_space<vmem>>, vector<1x1x16xf32>,
          %get3A_259 = vector.shape_cast %get3A_258 : vector<1x1x16xf32> to vector<16xf32>
          %mul3A_260 = vector.broadcast %squeeze3A_254 : f32 to vector<16xf32>
          %mul3A_261 = arith.mulf %get3A_259, %mul3A_260 : vector<16xf32>
          %swap3A_262 = arith.index_cast %rem3A_126 : i32 to index
          %swap3A_263 = arith.index_cast %add3A_252 : i32 to index
          %swap3A_264 = arith.constant 0 : index
          %swap3A_265 = tpu.vector_load %arg14[%swap3A_262, %swap3A_263, %swap3A_264] {strides = array<i32>} : memref<3x128x32xf32, #tpu.memory_space<vmem>>, vector<1x1x16xf32>,
          %swap3A_266 = vector.shape_cast %swap3A_265 : vector<1x1x16xf32> to vector<16xf32>
          %swap3A_267 = vector.shape_cast %mul3A_261 : vector<16xf32> to vector<1x1x16xf32>
          tpu.vector_store %arg14[%swap3A_262, %swap3A_263, %swap3A_264], %swap3A_267 {strides = array<i32>} : memref<3x128x32xf32, #tpu.memory_space<vmem>>, vector<1x1x16xf32>,
          %get3A_268 = arith.index_cast %rem3A_126 : i32 to index
          %get3A_269 = arith.index_cast %add3A_252 : i32 to index
          %get3A_270 = arith.constant 16 : index
          %get3A_271 = tpu.vector_load %arg14[%get3A_268, %get3A_269, %get3A_270] {strides = array<i32>} : memref<3x128x32xf32, #tpu.memory_space<vmem>>, vector<1x1x16xf32>,
          %get3A_272 = vector.shape_cast %get3A_271 : vector<1x1x16xf32> to vector<16xf32>
          %mul3A_273 = vector.broadcast %squeeze3A_254 : f32 to vector<16xf32>
          %mul3A_274 = arith.mulf %get3A_272, %mul3A_273 : vector<16xf32>
          %swap3A_275 = arith.index_cast %rem3A_126 : i32 to index
          %swap3A_276 = arith.index_cast %add3A_252 : i32 to index
          %swap3A_277 = arith.constant 16 : index
          %swap3A_278 = tpu.vector_load %arg14[%swap3A_275, %swap3A_276, %swap3A_277] {strides = array<i32>} : memref<3x128x32xf32, #tpu.memory_space<vmem>>, vector<1x1x16xf32>,
          %swap3A_279 = vector.shape_cast %swap3A_278 : vector<1x1x16xf32> to vector<16xf32>
          %swap3A_280 = vector.shape_cast %mul3A_274 : vector<16xf32> to vector<1x1x16xf32>
          tpu.vector_store %arg14[%swap3A_275, %swap3A_276, %swap3A_277], %swap3A_280 {strides = array<i32>} : memref<3x128x32xf32, #tpu.memory_space<vmem>>, vector<1x1x16xf32>,
          %mul3A_281 = arith.constant 16 : i32
          %mul3A_282 = arith.muli %scan3A_182, %mul3A_281 : i32
          %add3A_283 = arith.constant 3 : i32
          %add3A_284 = arith.addi %mul3A_282, %add3A_283 : i32
          %slice3A_285 = vector.extract_strided_slice %get3A_187 {offsets = [3], sizes = [1], strides = [1]} : vector<16xf32> to vector<1xf32>
          %squeeze3A_286 = vector.extract %slice3A_285[0] : f32 from vector<1xf32>
          %get3A_287 = arith.index_cast %rem3A_126 : i32 to index
          %get3A_288 = arith.index_cast %add3A_284 : i32 to index
          %get3A_289 = arith.constant 0 : index
          %get3A_290 = tpu.vector_load %arg14[%get3A_287, %get3A_288, %get3A_289] {strides = array<i32>} : memref<3x128x32xf32, #tpu.memory_space<vmem>>, vector<1x1x16xf32>,
          %get3A_291 = vector.shape_cast %get3A_290 : vector<1x1x16xf32> to vector<16xf32>
          %mul3A_292 = vector.broadcast %squeeze3A_286 : f32 to vector<16xf32>
          %mul3A_293 = arith.mulf %get3A_291, %mul3A_292 : vector<16xf32>
          %swap3A_294 = arith.index_cast %rem3A_126 : i32 to index
          %swap3A_295 = arith.index_cast %add3A_284 : i32 to index
          %swap3A_296 = arith.constant 0 : index
          %swap3A_297 = tpu.vector_load %arg14[%swap3A_294, %swap3A_295, %swap3A_296] {strides = array<i32>} : memref<3x128x32xf32, #tpu.memory_space<vmem>>, vector<1x1x16xf32>,
          %swap3A_298 = vector.shape_cast %swap3A_297 : vector<1x1x16xf32> to vector<16xf32>
          %swap3A_299 = vector.shape_cast %mul3A_293 : vector<16xf32> to vector<1x1x16xf32>
          tpu.vector_store %arg14[%swap3A_294, %swap3A_295, %swap3A_296], %swap3A_299 {strides = array<i32>} : memref<3x128x32xf32, #tpu.memory_space<vmem>>, vector<1x1x16xf32>,
          %get3A_300 = arith.index_cast %rem3A_126 : i32 to index
          %get3A_301 = arith.index_cast %add3A_284 : i32 to index
          %get3A_302 = arith.constant 16 : index
          %get3A_303 = tpu.vector_load %arg14[%get3A_300, %get3A_301, %get3A_302] {strides = array<i32>} : memref<3x128x32xf32, #tpu.memory_space<vmem>>, vector<1x1x16xf32>,
          %get3A_304 = vector.shape_cast %get3A_303 : vector<1x1x16xf32> to vector<16xf32>
          %mul3A_305 = vector.broadcast %squeeze3A_286 : f32 to vector<16xf32>
          %mul3A_306 = arith.mulf %get3A_304, %mul3A_305 : vector<16xf32>
          %swap3A_307 = arith.index_cast %rem3A_126 : i32 to index
          %swap3A_308 = arith.index_cast %add3A_284 : i32 to index
          %swap3A_309 = arith.constant 16 : index
          %swap3A_310 = tpu.vector_load %arg14[%swap3A_307, %swap3A_308, %swap3A_309] {strides = array<i32>} : memref<3x128x32xf32, #tpu.memory_space<vmem>>, vector<1x1x16xf32>,
          %swap3A_311 = vector.shape_cast %swap3A_310 : vector<1x1x16xf32> to vector<16xf32>
          %swap3A_312 = vector.shape_cast %mul3A_306 : vector<16xf32> to vector<1x1x16xf32>
          tpu.vector_store %arg14[%swap3A_307, %swap3A_308, %swap3A_309], %swap3A_312 {strides = array<i32>} : memref<3x128x32xf32, #tpu.memory_space<vmem>>, vector<1x1x16xf32>,
          %mul3A_313 = arith.constant 16 : i32
          %mul3A_314 = arith.muli %scan3A_182, %mul3A_313 : i32
          %add3A_315 = arith.constant 4 : i32
          %add3A_316 = arith.addi %mul3A_314, %add3A_315 : i32
          %slice3A_317 = vector.extract_strided_slice %get3A_187 {offsets = [4], sizes = [1], strides = [1]} : vector<16xf32> to vector<1xf32>
          %squeeze3A_318 = vector.extract %slice3A_317[0] : f32 from vector<1xf32>
          %get3A_319 = arith.index_cast %rem3A_126 : i32 to index
          %get3A_320 = arith.index_cast %add3A_316 : i32 to index
          %get3A_321 = arith.constant 0 : index
          %get3A_322 = tpu.vector_load %arg14[%get3A_319, %get3A_320, %get3A_321] {strides = array<i32>} : memref<3x128x32xf32, #tpu.memory_space<vmem>>, vector<1x1x16xf32>,
          %get3A_323 = vector.shape_cast %get3A_322 : vector<1x1x16xf32> to vector<16xf32>
          %mul3A_324 = vector.broadcast %squeeze3A_318 : f32 to vector<16xf32>
          %mul3A_325 = arith.mulf %get3A_323, %mul3A_324 : vector<16xf32>
          %swap3A_326 = arith.index_cast %rem3A_126 : i32 to index
          %swap3A_327 = arith.index_cast %add3A_316 : i32 to index
          %swap3A_328 = arith.constant 0 : index
          %swap3A_329 = tpu.vector_load %arg14[%swap3A_326, %swap3A_327, %swap3A_328] {strides = array<i32>} : memref<3x128x32xf32, #tpu.memory_space<vmem>>, vector<1x1x16xf32>,
          %swap3A_330 = vector.shape_cast %swap3A_329 : vector<1x1x16xf32> to vector<16xf32>
          %swap3A_331 = vector.shape_cast %mul3A_325 : vector<16xf32> to vector<1x1x16xf32>
          tpu.vector_store %arg14[%swap3A_326, %swap3A_327, %swap3A_328], %swap3A_331 {strides = array<i32>} : memref<3x128x32xf32, #tpu.memory_space<vmem>>, vector<1x1x16xf32>,
          %get3A_332 = arith.index_cast %rem3A_126 : i32 to index
          %get3A_333 = arith.index_cast %add3A_316 : i32 to index
          %get3A_334 = arith.constant 16 : index
          %get3A_335 = tpu.vector_load %arg14[%get3A_332, %get3A_333, %get3A_334] {strides = array<i32>} : memref<3x128x32xf32, #tpu.memory_space<vmem>>, vector<1x1x16xf32>,
          %get3A_336 = vector.shape_cast %get3A_335 : vector<1x1x16xf32> to vector<16xf32>
          %mul3A_337 = vector.broadcast %squeeze3A_318 : f32 to vector<16xf32>
          %mul3A_338 = arith.mulf %get3A_336, %mul3A_337 : vector<16xf32>
          %swap3A_339 = arith.index_cast %rem3A_126 : i32 to index
          %swap3A_340 = arith.index_cast %add3A_316 : i32 to index
          %swap3A_341 = arith.constant 16 : index
          %swap3A_342 = tpu.vector_load %arg14[%swap3A_339, %swap3A_340, %swap3A_341] {strides = array<i32>} : memref<3x128x32xf32, #tpu.memory_space<vmem>>, vector<1x1x16xf32>,
          %swap3A_343 = vector.shape_cast %swap3A_342 : vector<1x1x16xf32> to vector<16xf32>
          %swap3A_344 = vector.shape_cast %mul3A_338 : vector<16xf32> to vector<1x1x16xf32>
          tpu.vector_store %arg14[%swap3A_339, %swap3A_340, %swap3A_341], %swap3A_344 {strides = array<i32>} : memref<3x128x32xf32, #tpu.memory_space<vmem>>, vector<1x1x16xf32>,
          %mul3A_345 = arith.constant 16 : i32
          %mul3A_346 = arith.muli %scan3A_182, %mul3A_345 : i32
          %add3A_347 = arith.constant 5 : i32
          %add3A_348 = arith.addi %mul3A_346, %add3A_347 : i32
          %slice3A_349 = vector.extract_strided_slice %get3A_187 {offsets = [5], sizes = [1], strides = [1]} : vector<16xf32> to vector<1xf32>
          %squeeze3A_350 = vector.extract %slice3A_349[0] : f32 from vector<1xf32>
          %get3A_351 = arith.index_cast %rem3A_126 : i32 to index
          %get3A_352 = arith.index_cast %add3A_348 : i32 to index
          %get3A_353 = arith.constant 0 : index
          %get3A_354 = tpu.vector_load %arg14[%get3A_351, %get3A_352, %get3A_353] {strides = array<i32>} : memref<3x128x32xf32, #tpu.memory_space<vmem>>, vector<1x1x16xf32>,
          %get3A_355 = vector.shape_cast %get3A_354 : vector<1x1x16xf32> to vector<16xf32>
          %mul3A_356 = vector.broadcast %squeeze3A_350 : f32 to vector<16xf32>
          %mul3A_357 = arith.mulf %get3A_355, %mul3A_356 : vector<16xf32>
          %swap3A_358 = arith.index_cast %rem3A_126 : i32 to index
          %swap3A_359 = arith.index_cast %add3A_348 : i32 to index
          %swap3A_360 = arith.constant 0 : index
          %swap3A_361 = tpu.vector_load %arg14[%swap3A_358, %swap3A_359, %swap3A_360] {strides = array<i32>} : memref<3x128x32xf32, #tpu.memory_space<vmem>>, vector<1x1x16xf32>,
          %swap3A_362 = vector.shape_cast %swap3A_361 : vector<1x1x16xf32> to vector<16xf32>
          %swap3A_363 = vector.shape_cast %mul3A_357 : vector<16xf32> to vector<1x1x16xf32>
          tpu.vector_store %arg14[%swap3A_358, %swap3A_359, %swap3A_360], %swap3A_363 {strides = array<i32>} : memref<3x128x32xf32, #tpu.memory_space<vmem>>, vector<1x1x16xf32>,
          %get3A_364 = arith.index_cast %rem3A_126 : i32 to index
          %get3A_365 = arith.index_cast %add3A_348 : i32 to index
          %get3A_366 = arith.constant 16 : index
          %get3A_367 = tpu.vector_load %arg14[%get3A_364, %get3A_365, %get3A_366] {strides = array<i32>} : memref<3x128x32xf32, #tpu.memory_space<vmem>>, vector<1x1x16xf32>,
          %get3A_368 = vector.shape_cast %get3A_367 : vector<1x1x16xf32> to vector<16xf32>
          %mul3A_369 = vector.broadcast %squeeze3A_350 : f32 to vector<16xf32>
          %mul3A_370 = arith.mulf %get3A_368, %mul3A_369 : vector<16xf32>
          %swap3A_371 = arith.index_cast %rem3A_126 : i32 to index
          %swap3A_372 = arith.index_cast %add3A_348 : i32 to index
          %swap3A_373 = arith.constant 16 : index
          %swap3A_374 = tpu.vector_load %arg14[%swap3A_371, %swap3A_372, %swap3A_373] {strides = array<i32>} : memref<3x128x32xf32, #tpu.memory_space<vmem>>, vector<1x1x16xf32>,
          %swap3A_375 = vector.shape_cast %swap3A_374 : vector<1x1x16xf32> to vector<16xf32>
          %swap3A_376 = vector.shape_cast %mul3A_370 : vector<16xf32> to vector<1x1x16xf32>
          tpu.vector_store %arg14[%swap3A_371, %swap3A_372, %swap3A_373], %swap3A_376 {strides = array<i32>} : memref<3x128x32xf32, #tpu.memory_space<vmem>>, vector<1x1x16xf32>,
          %mul3A_377 = arith.constant 16 : i32
          %mul3A_378 = arith.muli %scan3A_182, %mul3A_377 : i32
          %add3A_379 = arith.constant 6 : i32
          %add3A_380 = arith.addi %mul3A_378, %add3A_379 : i32
          %slice3A_381 = vector.extract_strided_slice %get3A_187 {offsets = [6], sizes = [1], strides = [1]} : vector<16xf32> to vector<1xf32>
          %squeeze3A_382 = vector.extract %slice3A_381[0] : f32 from vector<1xf32>
          %get3A_383 = arith.index_cast %rem3A_126 : i32 to index
          %get3A_384 = arith.index_cast %add3A_380 : i32 to index
          %get3A_385 = arith.constant 0 : index
          %get3A_386 = tpu.vector_load %arg14[%get3A_383, %get3A_384, %get3A_385] {strides = array<i32>} : memref<3x128x32xf32, #tpu.memory_space<vmem>>, vector<1x1x16xf32>,
          %get3A_387 = vector.shape_cast %get3A_386 : vector<1x1x16xf32> to vector<16xf32>
          %mul3A_388 = vector.broadcast %squeeze3A_382 : f32 to vector<16xf32>
          %mul3A_389 = arith.mulf %get3A_387, %mul3A_388 : vector<16xf32>
          %swap3A_390 = arith.index_cast %rem3A_126 : i32 to index
          %swap3A_391 = arith.index_cast %add3A_380 : i32 to index
          %swap3A_392 = arith.constant 0 : index
          %swap3A_393 = tpu.vector_load %arg14[%swap3A_390, %swap3A_391, %swap3A_392] {strides = array<i32>} : memref<3x128x32xf32, #tpu.memory_space<vmem>>, vector<1x1x16xf32>,
          %swap3A_394 = vector.shape_cast %swap3A_393 : vector<1x1x16xf32> to vector<16xf32>
          %swap3A_395 = vector.shape_cast %mul3A_389 : vector<16xf32> to vector<1x1x16xf32>
          tpu.vector_store %arg14[%swap3A_390, %swap3A_391, %swap3A_392], %swap3A_395 {strides = array<i32>} : memref<3x128x32xf32, #tpu.memory_space<vmem>>, vector<1x1x16xf32>,
          %get3A_396 = arith.index_cast %rem3A_126 : i32 to index
          %get3A_397 = arith.index_cast %add3A_380 : i32 to index
          %get3A_398 = arith.constant 16 : index
          %get3A_399 = tpu.vector_load %arg14[%get3A_396, %get3A_397, %get3A_398] {strides = array<i32>} : memref<3x128x32xf32, #tpu.memory_space<vmem>>, vector<1x1x16xf32>,
          %get3A_400 = vector.shape_cast %get3A_399 : vector<1x1x16xf32> to vector<16xf32>
          %mul3A_401 = vector.broadcast %squeeze3A_382 : f32 to vector<16xf32>
          %mul3A_402 = arith.mulf %get3A_400, %mul3A_401 : vector<16xf32>
          %swap3A_403 = arith.index_cast %rem3A_126 : i32 to index
          %swap3A_404 = arith.index_cast %add3A_380 : i32 to index
          %swap3A_405 = arith.constant 16 : index
          %swap3A_406 = tpu.vector_load %arg14[%swap3A_403, %swap3A_404, %swap3A_405] {strides = array<i32>} : memref<3x128x32xf32, #tpu.memory_space<vmem>>, vector<1x1x16xf32>,
          %swap3A_407 = vector.shape_cast %swap3A_406 : vector<1x1x16xf32> to vector<16xf32>
          %swap3A_408 = vector.shape_cast %mul3A_402 : vector<16xf32> to vector<1x1x16xf32>
          tpu.vector_store %arg14[%swap3A_403, %swap3A_404, %swap3A_405], %swap3A_408 {strides = array<i32>} : memref<3x128x32xf32, #tpu.memory_space<vmem>>, vector<1x1x16xf32>,
          %mul3A_409 = arith.constant 16 : i32
          %mul3A_410 = arith.muli %scan3A_182, %mul3A_409 : i32
          %add3A_411 = arith.constant 7 : i32
          %add3A_412 = arith.addi %mul3A_410, %add3A_411 : i32
          %slice3A_413 = vector.extract_strided_slice %get3A_187 {offsets = [7], sizes = [1], strides = [1]} : vector<16xf32> to vector<1xf32>
          %squeeze3A_414 = vector.extract %slice3A_413[0] : f32 from vector<1xf32>
          %get3A_415 = arith.index_cast %rem3A_126 : i32 to index
          %get3A_416 = arith.index_cast %add3A_412 : i32 to index
          %get3A_417 = arith.constant 0 : index
          %get3A_418 = tpu.vector_load %arg14[%get3A_415, %get3A_416, %get3A_417] {strides = array<i32>} : memref<3x128x32xf32, #tpu.memory_space<vmem>>, vector<1x1x16xf32>,
          %get3A_419 = vector.shape_cast %get3A_418 : vector<1x1x16xf32> to vector<16xf32>
          %mul3A_420 = vector.broadcast %squeeze3A_414 : f32 to vector<16xf32>
          %mul3A_421 = arith.mulf %get3A_419, %mul3A_420 : vector<16xf32>
          %swap3A_422 = arith.index_cast %rem3A_126 : i32 to index
          %swap3A_423 = arith.index_cast %add3A_412 : i32 to index
          %swap3A_424 = arith.constant 0 : index
          %swap3A_425 = tpu.vector_load %arg14[%swap3A_422, %swap3A_423, %swap3A_424] {strides = array<i32>} : memref<3x128x32xf32, #tpu.memory_space<vmem>>, vector<1x1x16xf32>,
          %swap3A_426 = vector.shape_cast %swap3A_425 : vector<1x1x16xf32> to vector<16xf32>
          %swap3A_427 = vector.shape_cast %mul3A_421 : vector<16xf32> to vector<1x1x16xf32>
          tpu.vector_store %arg14[%swap3A_422, %swap3A_423, %swap3A_424], %swap3A_427 {strides = array<i32>} : memref<3x128x32xf32, #tpu.memory_space<vmem>>, vector<1x1x16xf32>,
          %get3A_428 = arith.index_cast %rem3A_126 : i32 to index
          %get3A_429 = arith.index_cast %add3A_412 : i32 to index
          %get3A_430 = arith.constant 16 : index
          %get3A_431 = tpu.vector_load %arg14[%get3A_428, %get3A_429, %get3A_430] {strides = array<i32>} : memref<3x128x32xf32, #tpu.memory_space<vmem>>, vector<1x1x16xf32>,
          %get3A_432 = vector.shape_cast %get3A_431 : vector<1x1x16xf32> to vector<16xf32>
          %mul3A_433 = vector.broadcast %squeeze3A_414 : f32 to vector<16xf32>
          %mul3A_434 = arith.mulf %get3A_432, %mul3A_433 : vector<16xf32>
          %swap3A_435 = arith.index_cast %rem3A_126 : i32 to index
          %swap3A_436 = arith.index_cast %add3A_412 : i32 to index
          %swap3A_437 = arith.constant 16 : index
          %swap3A_438 = tpu.vector_load %arg14[%swap3A_435, %swap3A_436, %swap3A_437] {strides = array<i32>} : memref<3x128x32xf32, #tpu.memory_space<vmem>>, vector<1x1x16xf32>,
          %swap3A_439 = vector.shape_cast %swap3A_438 : vector<1x1x16xf32> to vector<16xf32>
          %swap3A_440 = vector.shape_cast %mul3A_434 : vector<16xf32> to vector<1x1x16xf32>
          tpu.vector_store %arg14[%swap3A_435, %swap3A_436, %swap3A_437], %swap3A_440 {strides = array<i32>} : memref<3x128x32xf32, #tpu.memory_space<vmem>>, vector<1x1x16xf32>,
          %mul3A_441 = arith.constant 16 : i32
          %mul3A_442 = arith.muli %scan3A_182, %mul3A_441 : i32
          %add3A_443 = arith.constant 8 : i32
          %add3A_444 = arith.addi %mul3A_442, %add3A_443 : i32
          %slice3A_445 = vector.extract_strided_slice %get3A_187 {offsets = [8], sizes = [1], strides = [1]} : vector<16xf32> to vector<1xf32>
          %squeeze3A_446 = vector.extract %slice3A_445[0] : f32 from vector<1xf32>
          %get3A_447 = arith.index_cast %rem3A_126 : i32 to index
          %get3A_448 = arith.index_cast %add3A_444 : i32 to index
          %get3A_449 = arith.constant 0 : index
          %get3A_450 = tpu.vector_load %arg14[%get3A_447, %get3A_448, %get3A_449] {strides = array<i32>} : memref<3x128x32xf32, #tpu.memory_space<vmem>>, vector<1x1x16xf32>,
          %get3A_451 = vector.shape_cast %get3A_450 : vector<1x1x16xf32> to vector<16xf32>
          %mul3A_452 = vector.broadcast %squeeze3A_446 : f32 to vector<16xf32>
          %mul3A_453 = arith.mulf %get3A_451, %mul3A_452 : vector<16xf32>
          %swap3A_454 = arith.index_cast %rem3A_126 : i32 to index
          %swap3A_455 = arith.index_cast %add3A_444 : i32 to index
          %swap3A_456 = arith.constant 0 : index
          %swap3A_457 = tpu.vector_load %arg14[%swap3A_454, %swap3A_455, %swap3A_456] {strides = array<i32>} : memref<3x128x32xf32, #tpu.memory_space<vmem>>, vector<1x1x16xf32>,
          %swap3A_458 = vector.shape_cast %swap3A_457 : vector<1x1x16xf32> to vector<16xf32>
          %swap3A_459 = vector.shape_cast %mul3A_453 : vector<16xf32> to vector<1x1x16xf32>
          tpu.vector_store %arg14[%swap3A_454, %swap3A_455, %swap3A_456], %swap3A_459 {strides = array<i32>} : memref<3x128x32xf32, #tpu.memory_space<vmem>>, vector<1x1x16xf32>,
          %get3A_460 = arith.index_cast %rem3A_126 : i32 to index
          %get3A_461 = arith.index_cast %add3A_444 : i32 to index
          %get3A_462 = arith.constant 16 : index
          %get3A_463 = tpu.vector_load %arg14[%get3A_460, %get3A_461, %get3A_462] {strides = array<i32>} : memref<3x128x32xf32, #tpu.memory_space<vmem>>, vector<1x1x16xf32>,
          %get3A_464 = vector.shape_cast %get3A_463 : vector<1x1x16xf32> to vector<16xf32>
          %mul3A_465 = vector.broadcast %squeeze3A_446 : f32 to vector<16xf32>
          %mul3A_466 = arith.mulf %get3A_464, %mul3A_465 : vector<16xf32>
          %swap3A_467 = arith.index_cast %rem3A_126 : i32 to index
          %swap3A_468 = arith.index_cast %add3A_444 : i32 to index
          %swap3A_469 = arith.constant 16 : index
          %swap3A_470 = tpu.vector_load %arg14[%swap3A_467, %swap3A_468, %swap3A_469] {strides = array<i32>} : memref<3x128x32xf32, #tpu.memory_space<vmem>>, vector<1x1x16xf32>,
          %swap3A_471 = vector.shape_cast %swap3A_470 : vector<1x1x16xf32> to vector<16xf32>
          %swap3A_472 = vector.shape_cast %mul3A_466 : vector<16xf32> to vector<1x1x16xf32>
          tpu.vector_store %arg14[%swap3A_467, %swap3A_468, %swap3A_469], %swap3A_472 {strides = array<i32>} : memref<3x128x32xf32, #tpu.memory_space<vmem>>, vector<1x1x16xf32>,
          %mul3A_473 = arith.constant 16 : i32
          %mul3A_474 = arith.muli %scan3A_182, %mul3A_473 : i32
          %add3A_475 = arith.constant 9 : i32
          %add3A_476 = arith.addi %mul3A_474, %add3A_475 : i32
          %slice3A_477 = vector.extract_strided_slice %get3A_187 {offsets = [9], sizes = [1], strides = [1]} : vector<16xf32> to vector<1xf32>
          %squeeze3A_478 = vector.extract %slice3A_477[0] : f32 from vector<1xf32>
          %get3A_479 = arith.index_cast %rem3A_126 : i32 to index
          %get3A_480 = arith.index_cast %add3A_476 : i32 to index
          %get3A_481 = arith.constant 0 : index
          %get3A_482 = tpu.vector_load %arg14[%get3A_479, %get3A_480, %get3A_481] {strides = array<i32>} : memref<3x128x32xf32, #tpu.memory_space<vmem>>, vector<1x1x16xf32>,
          %get3A_483 = vector.shape_cast %get3A_482 : vector<1x1x16xf32> to vector<16xf32>
          %mul3A_484 = vector.broadcast %squeeze3A_478 : f32 to vector<16xf32>
          %mul3A_485 = arith.mulf %get3A_483, %mul3A_484 : vector<16xf32>
          %swap3A_486 = arith.index_cast %rem3A_126 : i32 to index
          %swap3A_487 = arith.index_cast %add3A_476 : i32 to index
          %swap3A_488 = arith.constant 0 : index
          %swap3A_489 = tpu.vector_load %arg14[%swap3A_486, %swap3A_487, %swap3A_488] {strides = array<i32>} : memref<3x128x32xf32, #tpu.memory_space<vmem>>, vector<1x1x16xf32>,
          %swap3A_490 = vector.shape_cast %swap3A_489 : vector<1x1x16xf32> to vector<16xf32>
          %swap3A_491 = vector.shape_cast %mul3A_485 : vector<16xf32> to vector<1x1x16xf32>
          tpu.vector_store %arg14[%swap3A_486, %swap3A_487, %swap3A_488], %swap3A_491 {strides = array<i32>} : memref<3x128x32xf32, #tpu.memory_space<vmem>>, vector<1x1x16xf32>,
          %get3A_492 = arith.index_cast %rem3A_126 : i32 to index
          %get3A_493 = arith.index_cast %add3A_476 : i32 to index
          %get3A_494 = arith.constant 16 : index
          %get3A_495 = tpu.vector_load %arg14[%get3A_492, %get3A_493, %get3A_494] {strides = array<i32>} : memref<3x128x32xf32, #tpu.memory_space<vmem>>, vector<1x1x16xf32>,
          %get3A_496 = vector.shape_cast %get3A_495 : vector<1x1x16xf32> to vector<16xf32>
          %mul3A_497 = vector.broadcast %squeeze3A_478 : f32 to vector<16xf32>
          %mul3A_498 = arith.mulf %get3A_496, %mul3A_497 : vector<16xf32>
          %swap3A_499 = arith.index_cast %rem3A_126 : i32 to index
          %swap3A_500 = arith.index_cast %add3A_476 : i32 to index
          %swap3A_501 = arith.constant 16 : index
          %swap3A_502 = tpu.vector_load %arg14[%swap3A_499, %swap3A_500, %swap3A_501] {strides = array<i32>} : memref<3x128x32xf32, #tpu.memory_space<vmem>>, vector<1x1x16xf32>,
          %swap3A_503 = vector.shape_cast %swap3A_502 : vector<1x1x16xf32> to vector<16xf32>
          %swap3A_504 = vector.shape_cast %mul3A_498 : vector<16xf32> to vector<1x1x16xf32>
          tpu.vector_store %arg14[%swap3A_499, %swap3A_500, %swap3A_501], %swap3A_504 {strides = array<i32>} : memref<3x128x32xf32, #tpu.memory_space<vmem>>, vector<1x1x16xf32>,
          %mul3A_505 = arith.constant 16 : i32
          %mul3A_506 = arith.muli %scan3A_182, %mul3A_505 : i32
          %add3A_507 = arith.constant 10 : i32
          %add3A_508 = arith.addi %mul3A_506, %add3A_507 : i32
          %slice3A_509 = vector.extract_strided_slice %get3A_187 {offsets = [10], sizes = [1], strides = [1]} : vector<16xf32> to vector<1xf32>
          %squeeze3A_510 = vector.extract %slice3A_509[0] : f32 from vector<1xf32>
          %get3A_511 = arith.index_cast %rem3A_126 : i32 to index
          %get3A_512 = arith.index_cast %add3A_508 : i32 to index
          %get3A_513 = arith.constant 0 : index
          %get3A_514 = tpu.vector_load %arg14[%get3A_511, %get3A_512, %get3A_513] {strides = array<i32>} : memref<3x128x32xf32, #tpu.memory_space<vmem>>, vector<1x1x16xf32>,
          %get3A_515 = vector.shape_cast %get3A_514 : vector<1x1x16xf32> to vector<16xf32>
          %mul3A_516 = vector.broadcast %squeeze3A_510 : f32 to vector<16xf32>
          %mul3A_517 = arith.mulf %get3A_515, %mul3A_516 : vector<16xf32>
          %swap3A_518 = arith.index_cast %rem3A_126 : i32 to index
          %swap3A_519 = arith.index_cast %add3A_508 : i32 to index
          %swap3A_520 = arith.constant 0 : index
          %swap3A_521 = tpu.vector_load %arg14[%swap3A_518, %swap3A_519, %swap3A_520] {strides = array<i32>} : memref<3x128x32xf32, #tpu.memory_space<vmem>>, vector<1x1x16xf32>,
          %swap3A_522 = vector.shape_cast %swap3A_521 : vector<1x1x16xf32> to vector<16xf32>
          %swap3A_523 = vector.shape_cast %mul3A_517 : vector<16xf32> to vector<1x1x16xf32>
          tpu.vector_store %arg14[%swap3A_518, %swap3A_519, %swap3A_520], %swap3A_523 {strides = array<i32>} : memref<3x128x32xf32, #tpu.memory_space<vmem>>, vector<1x1x16xf32>,
          %get3A_524 = arith.index_cast %rem3A_126 : i32 to index
          %get3A_525 = arith.index_cast %add3A_508 : i32 to index
          %get3A_526 = arith.constant 16 : index
          %get3A_527 = tpu.vector_load %arg14[%get3A_524, %get3A_525, %get3A_526] {strides = array<i32>} : memref<3x128x32xf32, #tpu.memory_space<vmem>>, vector<1x1x16xf32>,
          %get3A_528 = vector.shape_cast %get3A_527 : vector<1x1x16xf32> to vector<16xf32>
          %mul3A_529 = vector.broadcast %squeeze3A_510 : f32 to vector<16xf32>
          %mul3A_530 = arith.mulf %get3A_528, %mul3A_529 : vector<16xf32>
          %swap3A_531 = arith.index_cast %rem3A_126 : i32 to index
          %swap3A_532 = arith.index_cast %add3A_508 : i32 to index
          %swap3A_533 = arith.constant 16 : index
          %swap3A_534 = tpu.vector_load %arg14[%swap3A_531, %swap3A_532, %swap3A_533] {strides = array<i32>} : memref<3x128x32xf32, #tpu.memory_space<vmem>>, vector<1x1x16xf32>,
          %swap3A_535 = vector.shape_cast %swap3A_534 : vector<1x1x16xf32> to vector<16xf32>
          %swap3A_536 = vector.shape_cast %mul3A_530 : vector<16xf32> to vector<1x1x16xf32>
          tpu.vector_store %arg14[%swap3A_531, %swap3A_532, %swap3A_533], %swap3A_536 {strides = array<i32>} : memref<3x128x32xf32, #tpu.memory_space<vmem>>, vector<1x1x16xf32>,
          %mul3A_537 = arith.constant 16 : i32
          %mul3A_538 = arith.muli %scan3A_182, %mul3A_537 : i32
          %add3A_539 = arith.constant 11 : i32
          %add3A_540 = arith.addi %mul3A_538, %add3A_539 : i32
          %slice3A_541 = vector.extract_strided_slice %get3A_187 {offsets = [11], sizes = [1], strides = [1]} : vector<16xf32> to vector<1xf32>
          %squeeze3A_542 = vector.extract %slice3A_541[0] : f32 from vector<1xf32>
          %get3A_543 = arith.index_cast %rem3A_126 : i32 to index
          %get3A_544 = arith.index_cast %add3A_540 : i32 to index
          %get3A_545 = arith.constant 0 : index
          %get3A_546 = tpu.vector_load %arg14[%get3A_543, %get3A_544, %get3A_545] {strides = array<i32>} : memref<3x128x32xf32, #tpu.memory_space<vmem>>, vector<1x1x16xf32>,
          %get3A_547 = vector.shape_cast %get3A_546 : vector<1x1x16xf32> to vector<16xf32>
          %mul3A_548 = vector.broadcast %squeeze3A_542 : f32 to vector<16xf32>
          %mul3A_549 = arith.mulf %get3A_547, %mul3A_548 : vector<16xf32>
          %swap3A_550 = arith.index_cast %rem3A_126 : i32 to index
          %swap3A_551 = arith.index_cast %add3A_540 : i32 to index
          %swap3A_552 = arith.constant 0 : index
          %swap3A_553 = tpu.vector_load %arg14[%swap3A_550, %swap3A_551, %swap3A_552] {strides = array<i32>} : memref<3x128x32xf32, #tpu.memory_space<vmem>>, vector<1x1x16xf32>,
          %swap3A_554 = vector.shape_cast %swap3A_553 : vector<1x1x16xf32> to vector<16xf32>
          %swap3A_555 = vector.shape_cast %mul3A_549 : vector<16xf32> to vector<1x1x16xf32>
          tpu.vector_store %arg14[%swap3A_550, %swap3A_551, %swap3A_552], %swap3A_555 {strides = array<i32>} : memref<3x128x32xf32, #tpu.memory_space<vmem>>, vector<1x1x16xf32>,
          %get3A_556 = arith.index_cast %rem3A_126 : i32 to index
          %get3A_557 = arith.index_cast %add3A_540 : i32 to index
          %get3A_558 = arith.constant 16 : index
          %get3A_559 = tpu.vector_load %arg14[%get3A_556, %get3A_557, %get3A_558] {strides = array<i32>} : memref<3x128x32xf32, #tpu.memory_space<vmem>>, vector<1x1x16xf32>,
          %get3A_560 = vector.shape_cast %get3A_559 : vector<1x1x16xf32> to vector<16xf32>
          %mul3A_561 = vector.broadcast %squeeze3A_542 : f32 to vector<16xf32>
          %mul3A_562 = arith.mulf %get3A_560, %mul3A_561 : vector<16xf32>
          %swap3A_563 = arith.index_cast %rem3A_126 : i32 to index
          %swap3A_564 = arith.index_cast %add3A_540 : i32 to index
          %swap3A_565 = arith.constant 16 : index
          %swap3A_566 = tpu.vector_load %arg14[%swap3A_563, %swap3A_564, %swap3A_565] {strides = array<i32>} : memref<3x128x32xf32, #tpu.memory_space<vmem>>, vector<1x1x16xf32>,
          %swap3A_567 = vector.shape_cast %swap3A_566 : vector<1x1x16xf32> to vector<16xf32>
          %swap3A_568 = vector.shape_cast %mul3A_562 : vector<16xf32> to vector<1x1x16xf32>
          tpu.vector_store %arg14[%swap3A_563, %swap3A_564, %swap3A_565], %swap3A_568 {strides = array<i32>} : memref<3x128x32xf32, #tpu.memory_space<vmem>>, vector<1x1x16xf32>,
          %mul3A_569 = arith.constant 16 : i32
          %mul3A_570 = arith.muli %scan3A_182, %mul3A_569 : i32
          %add3A_571 = arith.constant 12 : i32
          %add3A_572 = arith.addi %mul3A_570, %add3A_571 : i32
          %slice3A_573 = vector.extract_strided_slice %get3A_187 {offsets = [12], sizes = [1], strides = [1]} : vector<16xf32> to vector<1xf32>
          %squeeze3A_574 = vector.extract %slice3A_573[0] : f32 from vector<1xf32>
          %get3A_575 = arith.index_cast %rem3A_126 : i32 to index
          %get3A_576 = arith.index_cast %add3A_572 : i32 to index
          %get3A_577 = arith.constant 0 : index
          %get3A_578 = tpu.vector_load %arg14[%get3A_575, %get3A_576, %get3A_577] {strides = array<i32>} : memref<3x128x32xf32, #tpu.memory_space<vmem>>, vector<1x1x16xf32>,
          %get3A_579 = vector.shape_cast %get3A_578 : vector<1x1x16xf32> to vector<16xf32>
          %mul3A_580 = vector.broadcast %squeeze3A_574 : f32 to vector<16xf32>
          %mul3A_581 = arith.mulf %get3A_579, %mul3A_580 : vector<16xf32>
          %swap3A_582 = arith.index_cast %rem3A_126 : i32 to index
          %swap3A_583 = arith.index_cast %add3A_572 : i32 to index
          %swap3A_584 = arith.constant 0 : index
          %swap3A_585 = tpu.vector_load %arg14[%swap3A_582, %swap3A_583, %swap3A_584] {strides = array<i32>} : memref<3x128x32xf32, #tpu.memory_space<vmem>>, vector<1x1x16xf32>,
          %swap3A_586 = vector.shape_cast %swap3A_585 : vector<1x1x16xf32> to vector<16xf32>
          %swap3A_587 = vector.shape_cast %mul3A_581 : vector<16xf32> to vector<1x1x16xf32>
          tpu.vector_store %arg14[%swap3A_582, %swap3A_583, %swap3A_584], %swap3A_587 {strides = array<i32>} : memref<3x128x32xf32, #tpu.memory_space<vmem>>, vector<1x1x16xf32>,
          %get3A_588 = arith.index_cast %rem3A_126 : i32 to index
          %get3A_589 = arith.index_cast %add3A_572 : i32 to index
          %get3A_590 = arith.constant 16 : index
          %get3A_591 = tpu.vector_load %arg14[%get3A_588, %get3A_589, %get3A_590] {strides = array<i32>} : memref<3x128x32xf32, #tpu.memory_space<vmem>>, vector<1x1x16xf32>,
          %get3A_592 = vector.shape_cast %get3A_591 : vector<1x1x16xf32> to vector<16xf32>
          %mul3A_593 = vector.broadcast %squeeze3A_574 : f32 to vector<16xf32>
          %mul3A_594 = arith.mulf %get3A_592, %mul3A_593 : vector<16xf32>
          %swap3A_595 = arith.index_cast %rem3A_126 : i32 to index
          %swap3A_596 = arith.index_cast %add3A_572 : i32 to index
          %swap3A_597 = arith.constant 16 : index
          %swap3A_598 = tpu.vector_load %arg14[%swap3A_595, %swap3A_596, %swap3A_597] {strides = array<i32>} : memref<3x128x32xf32, #tpu.memory_space<vmem>>, vector<1x1x16xf32>,
          %swap3A_599 = vector.shape_cast %swap3A_598 : vector<1x1x16xf32> to vector<16xf32>
          %swap3A_600 = vector.shape_cast %mul3A_594 : vector<16xf32> to vector<1x1x16xf32>
          tpu.vector_store %arg14[%swap3A_595, %swap3A_596, %swap3A_597], %swap3A_600 {strides = array<i32>} : memref<3x128x32xf32, #tpu.memory_space<vmem>>, vector<1x1x16xf32>,
          %mul3A_601 = arith.constant 16 : i32
          %mul3A_602 = arith.muli %scan3A_182, %mul3A_601 : i32
          %add3A_603 = arith.constant 13 : i32
          %add3A_604 = arith.addi %mul3A_602, %add3A_603 : i32
          %slice3A_605 = vector.extract_strided_slice %get3A_187 {offsets = [13], sizes = [1], strides = [1]} : vector<16xf32> to vector<1xf32>
          %squeeze3A_606 = vector.extract %slice3A_605[0] : f32 from vector<1xf32>
          %get3A_607 = arith.index_cast %rem3A_126 : i32 to index
          %get3A_608 = arith.index_cast %add3A_604 : i32 to index
          %get3A_609 = arith.constant 0 : index
          %get3A_610 = tpu.vector_load %arg14[%get3A_607, %get3A_608, %get3A_609] {strides = array<i32>} : memref<3x128x32xf32, #tpu.memory_space<vmem>>, vector<1x1x16xf32>,
          %get3A_611 = vector.shape_cast %get3A_610 : vector<1x1x16xf32> to vector<16xf32>
          %mul3A_612 = vector.broadcast %squeeze3A_606 : f32 to vector<16xf32>
          %mul3A_613 = arith.mulf %get3A_611, %mul3A_612 : vector<16xf32>
          %swap3A_614 = arith.index_cast %rem3A_126 : i32 to index
          %swap3A_615 = arith.index_cast %add3A_604 : i32 to index
          %swap3A_616 = arith.constant 0 : index
          %swap3A_617 = tpu.vector_load %arg14[%swap3A_614, %swap3A_615, %swap3A_616] {strides = array<i32>} : memref<3x128x32xf32, #tpu.memory_space<vmem>>, vector<1x1x16xf32>,
          %swap3A_618 = vector.shape_cast %swap3A_617 : vector<1x1x16xf32> to vector<16xf32>
          %swap3A_619 = vector.shape_cast %mul3A_613 : vector<16xf32> to vector<1x1x16xf32>
          tpu.vector_store %arg14[%swap3A_614, %swap3A_615, %swap3A_616], %swap3A_619 {strides = array<i32>} : memref<3x128x32xf32, #tpu.memory_space<vmem>>, vector<1x1x16xf32>,
          %get3A_620 = arith.index_cast %rem3A_126 : i32 to index
          %get3A_621 = arith.index_cast %add3A_604 : i32 to index
          %get3A_622 = arith.constant 16 : index
          %get3A_623 = tpu.vector_load %arg14[%get3A_620, %get3A_621, %get3A_622] {strides = array<i32>} : memref<3x128x32xf32, #tpu.memory_space<vmem>>, vector<1x1x16xf32>,
          %get3A_624 = vector.shape_cast %get3A_623 : vector<1x1x16xf32> to vector<16xf32>
          %mul3A_625 = vector.broadcast %squeeze3A_606 : f32 to vector<16xf32>
          %mul3A_626 = arith.mulf %get3A_624, %mul3A_625 : vector<16xf32>
          %swap3A_627 = arith.index_cast %rem3A_126 : i32 to index
          %swap3A_628 = arith.index_cast %add3A_604 : i32 to index
          %swap3A_629 = arith.constant 16 : index
          %swap3A_630 = tpu.vector_load %arg14[%swap3A_627, %swap3A_628, %swap3A_629] {strides = array<i32>} : memref<3x128x32xf32, #tpu.memory_space<vmem>>, vector<1x1x16xf32>,
          %swap3A_631 = vector.shape_cast %swap3A_630 : vector<1x1x16xf32> to vector<16xf32>
          %swap3A_632 = vector.shape_cast %mul3A_626 : vector<16xf32> to vector<1x1x16xf32>
          tpu.vector_store %arg14[%swap3A_627, %swap3A_628, %swap3A_629], %swap3A_632 {strides = array<i32>} : memref<3x128x32xf32, #tpu.memory_space<vmem>>, vector<1x1x16xf32>,
          %mul3A_633 = arith.constant 16 : i32
          %mul3A_634 = arith.muli %scan3A_182, %mul3A_633 : i32
          %add3A_635 = arith.constant 14 : i32
          %add3A_636 = arith.addi %mul3A_634, %add3A_635 : i32
          %slice3A_637 = vector.extract_strided_slice %get3A_187 {offsets = [14], sizes = [1], strides = [1]} : vector<16xf32> to vector<1xf32>
          %squeeze3A_638 = vector.extract %slice3A_637[0] : f32 from vector<1xf32>
          %get3A_639 = arith.index_cast %rem3A_126 : i32 to index
          %get3A_640 = arith.index_cast %add3A_636 : i32 to index
          %get3A_641 = arith.constant 0 : index
          %get3A_642 = tpu.vector_load %arg14[%get3A_639, %get3A_640, %get3A_641] {strides = array<i32>} : memref<3x128x32xf32, #tpu.memory_space<vmem>>, vector<1x1x16xf32>,
          %get3A_643 = vector.shape_cast %get3A_642 : vector<1x1x16xf32> to vector<16xf32>
          %mul3A_644 = vector.broadcast %squeeze3A_638 : f32 to vector<16xf32>
          %mul3A_645 = arith.mulf %get3A_643, %mul3A_644 : vector<16xf32>
          %swap3A_646 = arith.index_cast %rem3A_126 : i32 to index
          %swap3A_647 = arith.index_cast %add3A_636 : i32 to index
          %swap3A_648 = arith.constant 0 : index
          %swap3A_649 = tpu.vector_load %arg14[%swap3A_646, %swap3A_647, %swap3A_648] {strides = array<i32>} : memref<3x128x32xf32, #tpu.memory_space<vmem>>, vector<1x1x16xf32>,
          %swap3A_650 = vector.shape_cast %swap3A_649 : vector<1x1x16xf32> to vector<16xf32>
          %swap3A_651 = vector.shape_cast %mul3A_645 : vector<16xf32> to vector<1x1x16xf32>
          tpu.vector_store %arg14[%swap3A_646, %swap3A_647, %swap3A_648], %swap3A_651 {strides = array<i32>} : memref<3x128x32xf32, #tpu.memory_space<vmem>>, vector<1x1x16xf32>,
          %get3A_652 = arith.index_cast %rem3A_126 : i32 to index
          %get3A_653 = arith.index_cast %add3A_636 : i32 to index
          %get3A_654 = arith.constant 16 : index
          %get3A_655 = tpu.vector_load %arg14[%get3A_652, %get3A_653, %get3A_654] {strides = array<i32>} : memref<3x128x32xf32, #tpu.memory_space<vmem>>, vector<1x1x16xf32>,
          %get3A_656 = vector.shape_cast %get3A_655 : vector<1x1x16xf32> to vector<16xf32>
          %mul3A_657 = vector.broadcast %squeeze3A_638 : f32 to vector<16xf32>
          %mul3A_658 = arith.mulf %get3A_656, %mul3A_657 : vector<16xf32>
          %swap3A_659 = arith.index_cast %rem3A_126 : i32 to index
          %swap3A_660 = arith.index_cast %add3A_636 : i32 to index
          %swap3A_661 = arith.constant 16 : index
          %swap3A_662 = tpu.vector_load %arg14[%swap3A_659, %swap3A_660, %swap3A_661] {strides = array<i32>} : memref<3x128x32xf32, #tpu.memory_space<vmem>>, vector<1x1x16xf32>,
          %swap3A_663 = vector.shape_cast %swap3A_662 : vector<1x1x16xf32> to vector<16xf32>
          %swap3A_664 = vector.shape_cast %mul3A_658 : vector<16xf32> to vector<1x1x16xf32>
          tpu.vector_store %arg14[%swap3A_659, %swap3A_660, %swap3A_661], %swap3A_664 {strides = array<i32>} : memref<3x128x32xf32, #tpu.memory_space<vmem>>, vector<1x1x16xf32>,
          %mul3A_665 = arith.constant 16 : i32
          %mul3A_666 = arith.muli %scan3A_182, %mul3A_665 : i32
          %add3A_667 = arith.constant 15 : i32
          %add3A_668 = arith.addi %mul3A_666, %add3A_667 : i32
          %slice3A_669 = vector.extract_strided_slice %get3A_187 {offsets = [15], sizes = [1], strides = [1]} : vector<16xf32> to vector<1xf32>
          %squeeze3A_670 = vector.extract %slice3A_669[0] : f32 from vector<1xf32>
          %get3A_671 = arith.index_cast %rem3A_126 : i32 to index
          %get3A_672 = arith.index_cast %add3A_668 : i32 to index
          %get3A_673 = arith.constant 0 : index
          %get3A_674 = tpu.vector_load %arg14[%get3A_671, %get3A_672, %get3A_673] {strides = array<i32>} : memref<3x128x32xf32, #tpu.memory_space<vmem>>, vector<1x1x16xf32>,
          %get3A_675 = vector.shape_cast %get3A_674 : vector<1x1x16xf32> to vector<16xf32>
          %mul3A_676 = vector.broadcast %squeeze3A_670 : f32 to vector<16xf32>
          %mul3A_677 = arith.mulf %get3A_675, %mul3A_676 : vector<16xf32>
          %swap3A_678 = arith.index_cast %rem3A_126 : i32 to index
          %swap3A_679 = arith.index_cast %add3A_668 : i32 to index
          %swap3A_680 = arith.constant 0 : index
          %swap3A_681 = tpu.vector_load %arg14[%swap3A_678, %swap3A_679, %swap3A_680] {strides = array<i32>} : memref<3x128x32xf32, #tpu.memory_space<vmem>>, vector<1x1x16xf32>,
          %swap3A_682 = vector.shape_cast %swap3A_681 : vector<1x1x16xf32> to vector<16xf32>
          %swap3A_683 = vector.shape_cast %mul3A_677 : vector<16xf32> to vector<1x1x16xf32>
          tpu.vector_store %arg14[%swap3A_678, %swap3A_679, %swap3A_680], %swap3A_683 {strides = array<i32>} : memref<3x128x32xf32, #tpu.memory_space<vmem>>, vector<1x1x16xf32>,
          %get3A_684 = arith.index_cast %rem3A_126 : i32 to index
          %get3A_685 = arith.index_cast %add3A_668 : i32 to index
          %get3A_686 = arith.constant 16 : index
          %get3A_687 = tpu.vector_load %arg14[%get3A_684, %get3A_685, %get3A_686] {strides = array<i32>} : memref<3x128x32xf32, #tpu.memory_space<vmem>>, vector<1x1x16xf32>,
          %get3A_688 = vector.shape_cast %get3A_687 : vector<1x1x16xf32> to vector<16xf32>
          %mul3A_689 = vector.broadcast %squeeze3A_670 : f32 to vector<16xf32>
          %mul3A_690 = arith.mulf %get3A_688, %mul3A_689 : vector<16xf32>
          %swap3A_691 = arith.index_cast %rem3A_126 : i32 to index
          %swap3A_692 = arith.index_cast %add3A_668 : i32 to index
          %swap3A_693 = arith.constant 16 : index
          %swap3A_694 = tpu.vector_load %arg14[%swap3A_691, %swap3A_692, %swap3A_693] {strides = array<i32>} : memref<3x128x32xf32, #tpu.memory_space<vmem>>, vector<1x1x16xf32>,
          %swap3A_695 = vector.shape_cast %swap3A_694 : vector<1x1x16xf32> to vector<16xf32>
          %swap3A_696 = vector.shape_cast %mul3A_690 : vector<16xf32> to vector<1x1x16xf32>
          tpu.vector_store %arg14[%swap3A_691, %swap3A_692, %swap3A_693], %swap3A_696 {strides = array<i32>} : memref<3x128x32xf32, #tpu.memory_space<vmem>>, vector<1x1x16xf32>,
        }
        %scan3A_167 = arith.constant 8 : i32
        %dma_start3A_168 = arith.constant 0 : i32
        %dma_start3A_169 = arith.constant 0 : i32
        %dma_start3A_170 = tpu.memref_slice %arg14[%rem3A_126, %dma_start3A_168, %dma_start3A_169] : memref<3x128x32xf32, #tpu.memory_space<vmem>> -> memref<1x128x32xf32, #tpu.memory_space<vmem>>
        %dma_start3A_171 = tpu.memref_squeeze %dma_start3A_170 : memref<1x128x32xf32, #tpu.memory_space<vmem>> -> memref<128x32xf32, #tpu.memory_space<vmem>>
        %dma_start3A_172 = arith.constant 0 : i32
        %dma_start3A_173 = tpu.memref_slice %arg12[%rem3A_126, %dma_start3A_172] : memref<3x128xi32, #tpu.memory_space<vmem>> -> memref<1x128xi32, #tpu.memory_space<vmem>>
        %dma_start3A_174 = tpu.memref_squeeze %dma_start3A_173 : memref<1x128xi32, #tpu.memory_space<vmem>> -> memref<128xi32, #tpu.memory_space<vmem>>
        %dma_start3A_175 = arith.constant 0 : i32
        %dma_start3A_176 = arith.constant 0 : i32
        %dma_start3A_177 = tpu.memref_slice %arg15[%dma_start3A_175, %dma_start3A_176] : memref<50048x32xf32, #tpu.memory_space<vmem_shared>> -> memref<50048x32xf32, #tpu.memory_space<vmem_shared>>
        %dma_start3A_178 = tpu.memref_slice %arg18[%rem3A_126] : memref<3x!tpu.dma_semaphore, #tpu.memory_space<semaphore_mem>> -> memref<1x!tpu.dma_semaphore, #tpu.memory_space<semaphore_mem>>
        %dma_start3A_179 = tpu.memref_squeeze %dma_start3A_178 : memref<1x!tpu.dma_semaphore, #tpu.memory_space<semaphore_mem>> -> memref<!tpu.dma_semaphore, #tpu.memory_space<semaphore_mem>>
        tpu.enqueue_indirect_dma source(%dma_start3A_171 : memref<128x32xf32, #tpu.memory_space<vmem>>) target(%dma_start3A_177 : memref<50048x32xf32, #tpu.memory_space<vmem_shared>>) offsets(%dma_start3A_174 : memref<128xi32, #tpu.memory_space<vmem>>) semaphore(%dma_start3A_179 : memref<!tpu.dma_semaphore, #tpu.memory_space<semaphore_mem>>) {add = true}
        %add3A_180 = arith.constant 1 : i32
        %add3A_181 = arith.addi %scan3A_123, %add3A_180 : i32
        scf.yield %add3A_181, %max3A_142 : i32, i32
      }
      %scan3A_121 = arith.constant 8 : i32
      scf.yield %scan3A_120#0, %scan3A_120#1 : i32, i32
    }
    %scan3A_38 = arith.constant 98 : i32
    %sub3A = arith.constant 2 : i32
    %sub3A_39 = arith.subi %scan3A_37#0, %sub3A : i32
    %ge3A = arith.constant 0 : i32
    %ge3A_40 = arith.cmpi sge, %sub3A_39, %ge3A : i32
    %ge3A_41 = arith.cmpi sge, %sub3A_39, %scan3A_37#1 : i32
    %and3A = arith.andi %ge3A_40, %ge3A_41 : i1
    %convert_element_type3A = arith.extui %and3A : i1 to i32
    %cond3A = arith.constant 0 : i32
    %cond3A_42 = arith.cmpi ne, %convert_element_type3A, %cond3A : i32
    scf.if %cond3A_42 {
      %rem3A = arith.constant 3 : i32
      %rem3A_61 = arith.remsi %sub3A_39, %rem3A : i32
      %rem3A_62 = arith.constant 3 : i32
      %rem3A_63 = arith.remsi %sub3A_39, %rem3A_62 : i32
      %rem3A_64 = arith.constant 3 : i32
      %rem3A_65 = arith.remsi %sub3A_39, %rem3A_64 : i32
      %dma_wait3A = arith.constant 0 : i32
      %dma_wait3A_66 = arith.constant 0 : i32
      %dma_wait3A_67 = tpu.memref_slice %arg14[%rem3A_61, %dma_wait3A, %dma_wait3A_66] : memref<3x128x32xf32, #tpu.memory_space<vmem>> -> memref<1x128x32xf32, #tpu.memory_space<vmem>>
      %dma_wait3A_68 = tpu.memref_squeeze %dma_wait3A_67 : memref<1x128x32xf32, #tpu.memory_space<vmem>> -> memref<128x32xf32, #tpu.memory_space<vmem>>
      %dma_wait3A_69 = arith.constant 0 : i32
      %dma_wait3A_70 = tpu.memref_slice %arg12[%rem3A_63, %dma_wait3A_69] : memref<3x128xi32, #tpu.memory_space<vmem>> -> memref<1x128xi32, #tpu.memory_space<vmem>>
      %dma_wait3A_71 = tpu.memref_squeeze %dma_wait3A_70 : memref<1x128xi32, #tpu.memory_space<vmem>> -> memref<128xi32, #tpu.memory_space<vmem>>
      %dma_wait3A_72 = arith.constant 0 : i32
      %dma_wait3A_73 = arith.constant 0 : i32
      %dma_wait3A_74 = tpu.memref_slice %arg15[%dma_wait3A_72, %dma_wait3A_73] : memref<50048x32xf32, #tpu.memory_space<vmem_shared>> -> memref<50048x32xf32, #tpu.memory_space<vmem_shared>>
      %dma_wait3A_75 = tpu.memref_slice %arg18[%rem3A_65] : memref<3x!tpu.dma_semaphore, #tpu.memory_space<semaphore_mem>> -> memref<1x!tpu.dma_semaphore, #tpu.memory_space<semaphore_mem>>
      %dma_wait3A_76 = tpu.memref_squeeze %dma_wait3A_75 : memref<1x!tpu.dma_semaphore, #tpu.memory_space<semaphore_mem>> -> memref<!tpu.dma_semaphore, #tpu.memory_space<semaphore_mem>>
      tpu.wait_indirect_dma semaphore(%dma_wait3A_76 : memref<!tpu.dma_semaphore, #tpu.memory_space<semaphore_mem>>) src(%dma_wait3A_68 : memref<128x32xf32, #tpu.memory_space<vmem>>) dst(%dma_wait3A_74 : memref<50048x32xf32, #tpu.memory_space<vmem_shared>>)
    } else {
    }
    %add3A_43 = arith.constant 1 : i32
    %add3A_44 = arith.addi %sub3A_39, %add3A_43 : i32
    %max3A = arith.maxsi %scan3A_37#1, %add3A_44 : i32
    %sub3A_45 = arith.constant 1 : i32
    %sub3A_46 = arith.subi %scan3A_37#0, %sub3A_45 : i32
    %ge3A_47 = arith.constant 0 : i32
    %ge3A_48 = arith.cmpi sge, %sub3A_46, %ge3A_47 : i32
    %ge3A_49 = arith.cmpi sge, %sub3A_46, %max3A : i32
    %and3A_50 = arith.andi %ge3A_48, %ge3A_49 : i1
    %convert_element_type3A_51 = arith.extui %and3A_50 : i1 to i32
    %cond3A_52 = arith.constant 0 : i32
    %cond3A_53 = arith.cmpi ne, %convert_element_type3A_51, %cond3A_52 : i32
    scf.if %cond3A_53 {
      %rem3A = arith.constant 3 : i32
      %rem3A_61 = arith.remsi %sub3A_46, %rem3A : i32
      %rem3A_62 = arith.constant 3 : i32
      %rem3A_63 = arith.remsi %sub3A_46, %rem3A_62 : i32
      %rem3A_64 = arith.constant 3 : i32
      %rem3A_65 = arith.remsi %sub3A_46, %rem3A_64 : i32
      %dma_wait3A = arith.constant 0 : i32
      %dma_wait3A_66 = arith.constant 0 : i32
      %dma_wait3A_67 = tpu.memref_slice %arg14[%rem3A_61, %dma_wait3A, %dma_wait3A_66] : memref<3x128x32xf32, #tpu.memory_space<vmem>> -> memref<1x128x32xf32, #tpu.memory_space<vmem>>
      %dma_wait3A_68 = tpu.memref_squeeze %dma_wait3A_67 : memref<1x128x32xf32, #tpu.memory_space<vmem>> -> memref<128x32xf32, #tpu.memory_space<vmem>>
      %dma_wait3A_69 = arith.constant 0 : i32
      %dma_wait3A_70 = tpu.memref_slice %arg12[%rem3A_63, %dma_wait3A_69] : memref<3x128xi32, #tpu.memory_space<vmem>> -> memref<1x128xi32, #tpu.memory_space<vmem>>
      %dma_wait3A_71 = tpu.memref_squeeze %dma_wait3A_70 : memref<1x128xi32, #tpu.memory_space<vmem>> -> memref<128xi32, #tpu.memory_space<vmem>>
      %dma_wait3A_72 = arith.constant 0 : i32
      %dma_wait3A_73 = arith.constant 0 : i32
      %dma_wait3A_74 = tpu.memref_slice %arg15[%dma_wait3A_72, %dma_wait3A_73] : memref<50048x32xf32, #tpu.memory_space<vmem_shared>> -> memref<50048x32xf32, #tpu.memory_space<vmem_shared>>
      %dma_wait3A_75 = tpu.memref_slice %arg18[%rem3A_65] : memref<3x!tpu.dma_semaphore, #tpu.memory_space<semaphore_mem>> -> memref<1x!tpu.dma_semaphore, #tpu.memory_space<semaphore_mem>>
      %dma_wait3A_76 = tpu.memref_squeeze %dma_wait3A_75 : memref<1x!tpu.dma_semaphore, #tpu.memory_space<semaphore_mem>> -> memref<!tpu.dma_semaphore, #tpu.memory_space<semaphore_mem>>
      tpu.wait_indirect_dma semaphore(%dma_wait3A_76 : memref<!tpu.dma_semaphore, #tpu.memory_space<semaphore_mem>>) src(%dma_wait3A_68 : memref<128x32xf32, #tpu.memory_space<vmem>>) dst(%dma_wait3A_74 : memref<50048x32xf32, #tpu.memory_space<vmem_shared>>)
    } else {
    }
    %add3A_54 = arith.constant 1 : i32
    %add3A_55 = arith.addi %sub3A_46, %add3A_54 : i32
    %max3A_56 = arith.maxsi %max3A, %add3A_55 : i32
    %barrier3A_57 = arith.constant 0 : index
    tpu.barrier barrier_id(%barrier3A_57)
    %mul3A_58 = arith.constant 50048 : i32
    %mul3A_59 = arith.muli %arg0, %mul3A_58 : i32
    %add3A_60 = arith.addi %mul3A_59, %mul3A_2 : i32
    "tpu.region"() ({
      %run_scoped3A = tpu.sem_alloc : memref<!tpu.dma_semaphore, #tpu.memory_space<semaphore_mem>>
      %dma_start3A_61 = arith.constant 0 : i32
      %dma_start3A_62 = tpu.memref_slice %arg7[%add3A_60, %dma_start3A_61] : memref<100096x32xf32, #tpu.memory_space<hbm>> -> memref<3128x32xf32, #tpu.memory_space<hbm>>
      %dma_start3A_63 = arith.constant 0 : i32
      %dma_start3A_64 = tpu.memref_slice %arg15[%mul3A_2, %dma_start3A_63] : memref<50048x32xf32, #tpu.memory_space<vmem_shared>> -> memref<3128x32xf32, #tpu.memory_space<vmem_shared>>
      tpu.enqueue_dma source(%dma_start3A_64 : memref<3128x32xf32, #tpu.memory_space<vmem_shared>>) target(%dma_start3A_62 : memref<3128x32xf32, #tpu.memory_space<hbm>>) target_semaphore(%run_scoped3A : memref<!tpu.dma_semaphore, #tpu.memory_space<semaphore_mem>>)
      %dma_wait3A = arith.constant 0 : i32
      %dma_wait3A_65 = tpu.memref_slice %arg7[%add3A_60, %dma_wait3A] : memref<100096x32xf32, #tpu.memory_space<hbm>> -> memref<3128x32xf32, #tpu.memory_space<hbm>>
      %dma_wait3A_66 = arith.constant 0 : i32
      %dma_wait3A_67 = tpu.memref_slice %arg15[%mul3A_2, %dma_wait3A_66] : memref<50048x32xf32, #tpu.memory_space<vmem_shared>> -> memref<3128x32xf32, #tpu.memory_space<vmem_shared>>
      tpu.wait_dma2 semaphore(%run_scoped3A : memref<!tpu.dma_semaphore, #tpu.memory_space<semaphore_mem>>) src(%dma_wait3A_67 : memref<3128x32xf32, #tpu.memory_space<vmem_shared>>) dst(%dma_wait3A_65 : memref<3128x32xf32, #tpu.memory_space<hbm>>)
      tpu.yield
    }) : () -> ()
    return
  }
}

module attributes {stable_mosaic.version = 14 : i64} {
  func.func @_mean3_body(%arg0: i32, %arg1: memref<2000x32xf32, #tpu.memory_space<vmem>>, %arg2: memref<2000x32xf32, #tpu.memory_space<vmem>>, %arg3: memref<2000x32xf32, #tpu.memory_space<vmem>>, %arg4: memref<2000x32xf32, #tpu.memory_space<vmem>>) attributes {dimension_semantics = [#tpu.dimension_semantics<arbitrary>], iteration_bounds = array<i64: 25>, scalar_prefetch = 0 : i64, scratch_operands = 0 : i64, tpu.core_type = #tpu.core_type<tc>, window_params = [{transform_indices = @transform_0, window_bounds = array<i64: 2000, 32>}, {transform_indices = @transform_1, window_bounds = array<i64: 2000, 32>}, {transform_indices = @transform_2, window_bounds = array<i64: 2000, 32>}, {transform_indices = @transform_3, window_bounds = array<i64: 2000, 32>}]} {
    %get3A = arith.constant 0 : index
    %get3A_0 = arith.constant 0 : index
    %get3A_1 = vector.load %arg1[%get3A, %get3A_0] : memref<2000x32xf32, #tpu.memory_space<vmem>>, vector<2000x32xf32>
    %get3A_2 = arith.constant 0 : index
    %get3A_3 = arith.constant 0 : index
    %get3A_4 = vector.load %arg2[%get3A_2, %get3A_3] : memref<2000x32xf32, #tpu.memory_space<vmem>>, vector<2000x32xf32>
    %add3A = arith.addf %get3A_1, %get3A_4 : vector<2000x32xf32>
    %get3A_5 = arith.constant 0 : index
    %get3A_6 = arith.constant 0 : index
    %get3A_7 = vector.load %arg3[%get3A_5, %get3A_6] : memref<2000x32xf32, #tpu.memory_space<vmem>>, vector<2000x32xf32>
    %add3A_8 = arith.addf %add3A, %get3A_7 : vector<2000x32xf32>
    %mul3A = arith.constant 0.333333343 : f32
    %mul3A_9 = vector.broadcast %mul3A : f32 to vector<2000x32xf32>
    %mul3A_10 = arith.mulf %add3A_8, %mul3A_9 : vector<2000x32xf32>
    %swap3A = arith.constant 0 : index
    %swap3A_11 = arith.constant 0 : index
    %swap3A_12 = vector.load %arg4[%swap3A, %swap3A_11] : memref<2000x32xf32, #tpu.memory_space<vmem>>, vector<2000x32xf32>
    tpu.vector_store %arg4[%swap3A, %swap3A_11], %mul3A_10 {strides = array<i32>} : memref<2000x32xf32, #tpu.memory_space<vmem>>, vector<2000x32xf32>,
    return
  }
  func.func @transform_0(%arg0: i32) -> (i32, i32) {
    %c0_i32 = arith.constant 0 : i32
    %c0_i32_0 = arith.constant 0 : i32
    return %arg0, %c0_i32 : i32, i32
  }
  func.func @transform_1(%arg0: i32) -> (i32, i32) {
    %c0_i32 = arith.constant 0 : i32
    %c0_i32_0 = arith.constant 0 : i32
    return %arg0, %c0_i32 : i32, i32
  }
  func.func @transform_2(%arg0: i32) -> (i32, i32) {
    %c0_i32 = arith.constant 0 : i32
    %c0_i32_0 = arith.constant 0 : i32
    return %arg0, %c0_i32 : i32, i32
  }
  func.func @transform_3(%arg0: i32) -> (i32, i32) {
    %c0_i32 = arith.constant 0 : i32
    %c0_i32_0 = arith.constant 0 : i32
    return %arg0, %c0_i32 : i32, i32
  }
}

</mosaic_0001>

<sc_bundles>
// kernel: kernel.10.cloned.1.call-start
scs
__scs_entry_jumppad:
0x0: {  	(pc) =	sbr.rel $0x88, $3  }
0x1: {  	(tag) =	ssettag $0x0;
	lr =	simm.s32 $0x1  }
0x2: {  	[smem:$0x3F9D] =	sst lr;
	_ =	strace $0xD0000000  }
0x3: {  	_ = 	snop  }
0x4: {  	_ = 	snop  }
0x5: {  	_ = 	snop  }
0x6: {  	_ = 	snop  }
0x7: {  	_ = 	snop  }
__scs_overlays_trampoline_lowered:
0x8: {  	[smem:$0x3FAC] =	sst s0  }
0x9: {  	[smem:$0x3FAD] =	sst s1  }
0xa: {  	[smem:$0x3FAE] =	sst s2  }
0xb: {  	[smem:$0x3FAF] =	sst s3  }
0xc: {  	[smem:$0x3FB0] =	sst s4  }
0xd: {  	[smem:$0x3FB1] =	sst s5  }
0xe: {  	[smem:$0x3FB2] =	sst s6  }
0xf: {  	[smem:$0x3FB3] =	sst s7  }
0x10: {  	[smem:$0x3FB4] =	sst s8  }
0x11: {  	[smem:$0x3FB5] =	sst s9;
	s0 =	simm.s32 @!p0 $0x0  }
0x12: {  	s1 =	sld [smem:$0x3F9B];
	s0 =	simm.s32 @p0 $0x1  }
0x13: {  	[smem:$0x3FB6] =	sst s0;
	s0 =	simm.s32 @!p1 $0x0  }
0x14: {  	s2 =	sld [smem:$0x3F9A];
	s0 =	simm.s32 @p1 $0x1  }
0x15: {  	[smem:$0x3FB7] =	sst s0;
	s0 =	simm.s32 @!p2 $0x0  }
0x16: {  	s3 =	sld [smem:$0x3FDB];
	s0 =	simm.s32 @p2 $0x1  }
0x17: {  	s4 =	simm.s32 $0x1BF5;
	[smem:$0x3FB9] =	sst s0  }
0x18: {  	s0 =	sld [smem:$0x3F9C];
	_ =	swait.ge [sflag:s4], $0x0  }
0x19: {  	s7 =	sld [smem:$0x3F9D]  }
0x1a: {  	s8 =	sadd.s32 $0xFFFFE003, lr  }
0x1b: {  	s9 =	sadd.s32 $0xFFFFFEF7, lr;
	s5 =	simm.s32 $0xFFFFFFFF;
	p2 =	slt.u32 s8, $0xFFFFF086  }
0x1c: {  	p1 =	slt.u32 s9, $0xF7A;
	s5 =	simm.s32 @!p2 $0x0  }
0x1d: {  	s5 =	simm.s32 @p1 $0x1;
	p0 =	seq.s32 s7, s2  }
0x1e: {  	s7 =	smul.u32 @!p0 $0xF7A, s2;
	p2 =	seq.s32 @!p0 s5, $0x0  }
0x1f: {  	s9 =	smul.u32 $0xF7A, s1;
	s8 =	simm.s32 @!p0 $0x1BF5;
	p2 =	por !p2, p0  }
0x20: {  	[sflag:s8] =	ssyncset.s32 @!p0 $0xFFFFF086;
	s6 =	sadd.s32 @!p0 s3, s7;
	s7 =	simm.s32 @!p0 $0x108  }
0x21: {  	s3 =	sadd.s32 s3, s9;
	s6 =	sadd.s32 @!p0 $0x88, s6;
	s7 =	simm.s32 @p2 $0x1082  }
0x22: {  	[simem:s7], [sflag:s8] =	dma.local @!p0 [hbm:s6], $0xF7A  }
0x23: {  	s9 =	sor.u32 $0xD0000000, s2;
	s6 =	simm.s32 $0x108;
	_ =	swait.ge @!p0 [sflag:s8], $0x0  }
0x24: {  	s3 =	sadd.s32 $0x88, s3;
	s6 =	simm.s32 @!p1 $0x1082;
	[sflag:s4] =	ssyncset.s32 $0xFFFFF086  }
0x25: {  	[simem:s6], [sflag:s4] =	dma.local [hbm:s3], $0xF7A  }
0x26: {  	[smem:$0x3F9D] =	sst s1;
	(tag) =	ssettag s2;
	_ =	strace s9  }
0x27: {  	s1 =	sld [smem:$0x3FAD]  }
0x28: {  	s2 =	sld [smem:$0x3FAE]  }
0x29: {  	s4 =	sld [smem:$0x3FB0]  }
0x2a: {  	p0 =	seq.s32 s5, $0x0;
	s5 =	sld [smem:$0x3FB1]  }
0x2b: {  	s6 =	sld [smem:$0x3FB2]  }
0x2c: {  	s7 =	sld [smem:$0x3FB3]  }
0x2d: {  	s3 =	simm.s32 $0x108;
	s8 =	sld [smem:$0x3FB4]  }
0x2e: {  	s3 =	simm.s32 @!p0 $0x1082;
	s9 =	sld [smem:$0x3FB5]  }
0x2f: {  	lr =	sadd.s32 s0, s3;
	s0 =	sld [smem:$0x3FAC]  }
0x30: {  	s3 =	sld [smem:$0x3FAF]  }
0x31: {  	[smem:$0x3FB8] =	sst s10  }
0x32: {  	s10 =	sld [smem:$0x3FB6];
	_ =	sdelay $0x3  }
0x33: {  	p0 =	seq.s32 s10, $0x1;
	s10 =	sld [smem:$0x3FB8];
	_ =	sdelay $0x3  }
0x34: {  	[smem:$0x3FB8] =	sst s10  }
0x35: {  	s10 =	sld [smem:$0x3FB7];
	_ =	sdelay $0x3  }
0x36: {  	p1 =	seq.s32 s10, $0x1;
	s10 =	sld [smem:$0x3FB8];
	_ =	sdelay $0x3  }
0x37: {  	[smem:$0x3FB8] =	sst s10  }
0x38: {  	s10 =	sld [smem:$0x3FB9]  }
0x39: {  	_ = 	snop;
	(pc) =	sbr.ind lr, $3  }
0x3a: {  	_ = 	snop  }
0x3b: {  	_ = 	snop  }
0x3c: {  	p2 =	seq.s32 s10, $0x1;
	s10 =	sld [smem:$0x3FB8]  }
0x3d: {  	_ =	shalt  }
0x3e: {  	_ =	shalt  }
0x3f: {  	_ =	shalt  }
0x40: {  	_ =	shalt  }
0x41: {  	_ =	shalt  }
0x42: {  	_ =	shalt  }
0x43: {  	_ =	shalt  }
0x44: {  	_ =	shalt  }
0x45: {  	_ =	shalt  }
0x46: {  	_ =	shalt  }
0x47: {  	_ =	shalt  }
0x48: {  	_ =	shalt  }
0x49: {  	_ =	shalt  }
0x4a: {  	_ =	shalt  }
0x4b: {  	_ =	shalt  }
0x4c: {  	_ =	shalt  }
0x4d: {  	_ =	shalt  }
0x4e: {  	_ =	shalt  }
0x4f: {  	_ =	shalt  }
0x50: {  	_ =	shalt  }
0x51: {  	_ =	shalt  }
0x52: {  	_ =	shalt  }
0x53: {  	_ =	shalt  }
0x54: {  	_ =	shalt  }
0x55: {  	_ =	shalt  }
0x56: {  	_ =	shalt  }
0x57: {  	_ =	shalt  }
0x58: {  	_ =	shalt  }
0x59: {  	_ =	shalt  }
0x5a: {  	_ =	shalt  }
0x5b: {  	_ =	shalt  }
0x5c: {  	_ =	shalt  }
0x5d: {  	_ =	shalt  }
0x5e: {  	_ =	shalt  }
0x5f: {  	_ =	shalt  }
0x60: {  	_ =	shalt  }
0x61: {  	_ =	shalt  }
0x62: {  	_ =	shalt  }
0x63: {  	_ =	shalt  }
0x64: {  	_ =	shalt  }
0x65: {  	_ =	shalt  }
0x66: {  	_ =	shalt  }
0x67: {  	_ =	shalt  }
0x68: {  	_ =	shalt  }
0x69: {  	_ =	shalt  }
0x6a: {  	_ =	shalt  }
0x6b: {  	_ =	shalt  }
0x6c: {  	_ =	shalt  }
0x6d: {  	_ =	shalt  }
0x6e: {  	_ =	shalt  }
0x6f: {  	_ =	shalt  }
0x70: {  	_ =	shalt  }
0x71: {  	_ =	shalt  }
0x72: {  	_ =	shalt  }
0x73: {  	_ =	shalt  }
0x74: {  	_ =	shalt  }
0x75: {  	_ =	shalt  }
0x76: {  	_ =	shalt  }
0x77: {  	_ =	shalt  }
0x78: {  	_ =	shalt  }
0x79: {  	_ =	shalt  }
0x7a: {  	_ =	shalt  }
0x7b: {  	_ =	shalt  }
0x7c: {  	_ =	shalt  }
0x7d: {  	_ =	shalt  }
0x7e: {  	_ =	shalt  }
0x7f: {  	_ =	shalt  }
0x80: {  	_ =	shalt  }
0x81: {  	_ =	shalt  }
0x82: {  	_ =	shalt  }
0x83: {  	_ =	shalt  }
0x84: {  	_ =	shalt  }
0x85: {  	_ =	shalt  }
0x86: {  	_ =	shalt  }
0x87: {  	_ =	shalt  }
.Lfunc_end0:
.L_simem_size_0:
called_computation.1_lowered:
.L_overlay_start_0:
0x88: {  	s2 =	sld [smem:$0x3FD9]  }
0x89: {  	s3 =	sld [smem:$0x3FFE];
	_ =	sdelay $0x1  }
0x8a: {  	s1 =	srdreg.scid  }
0x8b: {  	s0 =	sand.u32 $0x1, s1  }
0x8c: {  	s14 =	sshll.u32 s0, $0xA;
	s2 =	sadd.s32 s3, s2  }
0x8d: {  	s2 =	sadd.s32 s2, s14  }
0x8e: {  	[smem:$0x3FC4] =	sst s2  }
0x8f: {  	_ = 	snop  }
0x90: {  	s2 =	sld [smem:$0x3FD0];
	_ =	sdelay $0x2  }
0x91: {  	s15 =	simm.s32 $0xA;
	s4 =	simm.s32 $0x10  }
0x92: {  	[smem:s4], [sflag:s15] =	dma.local [hbm:s2], $0x1  }
0x93: {  	_ =	swait.eq [sflag:s15], $0x1  }
0x94: {  	[sflag:s15] =	ssyncset.done $0x0  }
0x95: {  	[sflag:s15] =	ssyncadd.s32 $0xFFFFFFFF  }
0x96: {  	s16 =	sld [smem:$0x11];
	(tm) =	ssettm $0x1  }
0x97: {  	s17 =	sld [smem:$0x3FFB];
	_ =	sdelay $0x3  }
0x98: {  	_ =	strace s17  }
0x99: {  	s3 =	sld [smem:$0x3FFC];
	_ =	sdelay $0x3  }
0x9a: {  	_ =	strace s3  }
0x9b: {  	s3 =	sld [smem:$0x3FFD];
	_ =	sdelay $0x3  }
0x9c: {  	_ =	strace s3  }
0x9d: {  	_ =	strace $0x8FFFFFFF  }
0x9e: {  	s18 =	sld [smem:$0x3FDB];
	_ =	sdelay $0x1  }
0x9f: {  	s19 =	simm.s32 $_scs_section_size  }
0xa0: {  	s5 =	simm.s32 $_size__tile_overlayer_lowered;
	s6 =	simm.s32 $_tile_overlayer_lowered  }
0xa1: {  	s22 =	simm.s32 $0x1BFF;
	s21 =	sshll.u32 s6, $0x1;
	s3 =	sadd.s32 s19, s18  }
0xa2: {  	s7 =	simm.s32 $0x0;
	s20 =	sshll.u32 s5, $0x1;
	s5 =	sadd.s32 s21, s3  }
0xa3: {  	[timem:s7], [sflag:s22] =	dma.local [hbm:s5], s20  }
0xa4: {  	_ =	swait.ge [sflag:s22], s20  }
0xa5: {  	s4 =	ssub.s32 $0x0, s20;
	[sflag:s22] =	ssyncset.done $0x0  }
0xa6: {  	[sflag:s22] =	ssyncadd.s32 s4;
	_ =	sdelay $0x1  }
0xa7: {  	s23 =	simm.s32 $0x1B8B  }
0xa8: {  	_ =	swait.ge [sflag:s23], $0x1  }
0xa9: {  	[sflag:s23] =	ssyncset.done $0x0  }
0xaa: {  	s25 =	simm.s32 $0x1B8E;
	s24 =	sld [smem:$0x3FFE];
	[sflag:s23] =	ssyncadd.s32 $0xFFFFFFFF  }
0xab: {  	s26 =	simm.s32 $execute0_lowered;
	[smem:$0x3FD2] =	sst s25  }
0xac: {  	s5 =	sshll.u32 s26, $0x1;
	_ =	strace $0x80000049;
	[dreg:$0x1] =	wrdreg $0xFFFFFFFF  }
0xad: {  	s28 =	simm.s32 $_size_execute0_lowered;
	s3 =	sadd.s32 s3, s5;
	[dreg:$0x0] =	wrdreg $0x0  }
0xae: {  	s5 =	sshll.u32 s28, $0x1;
	[dreg:$0x2] =	wrdreg s3  }
0xaf: {  	[dreg:$0x3] =	wrdreg s5  }
0xb0: {  	[dreg:$0x4] =	wrdreg $0xC0  }
0xb1: {  	_ =	task [dreg:s7], $0x5FFFF  }
0xb2: {  	[dreg:$0x1] =	wrdreg $0xFFFFFFFF  }
0xb3: {  	[dreg:$0x0] =	wrdreg $0x60  }
0xb4: {  	[dreg:$0x2] =	wrdreg s24  }
0xb5: {  	[dreg:$0x3] =	wrdreg s16  }
0xb6: {  	[dreg:$0x4] =	wrdreg $0x4C800  }
0xb7: {  	[dreg:$0x5] =	wrdreg $0x9  }
0xb8: {  	_ =	task.clear_ibuf [dreg:s7], $0x6FFFF;
	_ =	strace $0x90000049  }
0xb9: {  	s29 =	simm.s32 $0x9;
	_ =	strace $0x8000004B  }
0xba: {  	_ =	swait.ge [sflag:s29], $0x1  }
0xbb: {  	[sflag:s29] =	ssyncadd.s32 $0xFFFFFFFF  }
0xbc: {  	_ =	strace $0x9000004B  }
0xbd: {  	_ =	sfence  }
0xbe: {  	s30 =	sld [smem:$0x0];
	_ =	sdelay $0x2  }
0xbf: {  	s31 =	sshll.u32 s1, $0xD;
	s1 =	sshrl.u32 s1, $0x2  }
0xc0: {  	s3 =	sand.u32 $0x4000, s31;
	s1 =	sadd.s32 s1, s30  }
0xc1: {  	s0 =	sor.u32 s3, s0;
	s1 =	sshll.u32 s1, $0x11  }
0xc2: {  	s0 =	sor.u32 s1, s0  }
0xc3: {  	s0 =	sadd.s32 $0x8F2B, s0  }
0xc4: {  	[sflag:s0] =	ssyncadd.remote.s32 $0x1  }
0xc5: {  	_ =	sfence.sel $0xFFFF  }
0xc6: {  	[dreg:$0x0] =	wrdreg $0xFFFFFFFF;
	(pc) =	sbr.abs _section_cstart, $3  }
0xc7: {  	[dreg:$0x1] =	wrdreg $0xFFFFFFFF  }
0xc8: {  	_ =	task.clear_ibuf [dreg:s7], $0x2FFFF;
	_ =	strace $0x9FFFFFFF  }
0xc9: {  	(tm) =	ssettm $0x7FFFFFFF  }
tec
execute0_lowered:
.L_overlay_start_1:
0x0: {  	(tag) =	ssettag $0x1  }
0x1: {  	s0 =	rddreg [dreg:$0x0]  }
0x2: {  	s2 =	rddreg [dreg:$0x1]  }
0x3: {  	s1 =	rddreg [dreg:$0x2];
	s3 =	simm.s32 $0x0;
	s5 =	srdreg.scid  }
0x4: {  	s13 =	stileid.u32;
	s17 =	simm.s32 $0x8;
	s20 =	simm.s32 $0x1  }
0x5: {  	s21 =	simm.s32 $0x80;
	s22 =	simm.s32 $0x0;
	s9 =	smul.u32 $0x30E0, s13  }
0x6: {  	[smem:$0x7FF] =	sst s3;
	s8 =	sand.u32 $0x1, s5;
	s26 =	smul.u32 $0x18700, s13  }
0x7: {  	s4 =	sadd.s32 $0x95400, s0;
	s5 =	sadd.s32 $0x33400, s0;
	s10 =	smul.u32 $0x30E00, s8  }
0x8: {  	s6 =	sadd.s32 $0x2400, s0;
	s7 =	sadd.s32 $0x64400, s0;
	s12 =	smul.u32 $0xC350, s8  }
0x9: {  	_ =	strace $0x8000004A;
	s11 =	ssub.s32 $0x2, s8;
	s8 =	smul.u32 $0x18800, s13  }
0xa: {  	s13 =	sshll.u32 s13, $0x6;
	s24 =	sadd.s32 s9, s10;
	s10 =	sshrl.u32 s26, $0x3  }
0xb: {  	s25 =	sshrl.u32 s11, $0x1;
	s29 =	sshrl.u32 s8, $0x3;
	s2 =	sadd.s32 s2, s10  }
0xc: {  	s28 =	sadd.s32 s26, s1;
	s30 =	sadd.s32 s5, s29;
	[dreg:$0x4] =	wrdreg s2  }
0xd: {  	s9 =	ssub.s32 s11, s25;
	s31 =	sadd.s32 s6, s29;
	[dreg:$0x5] =	wrdreg s30  }
0xe: {  	s0 =	sadd.s32 s24, s0;
	[dreg:$0x6] =	wrdreg s31;
	s2 =	sadd.s32 s7, s29  }
0xf: {  	v1 =	vlaneseq.u32;
	s16 =	sshrl.u32 s28, $0x3;
	s0 =	sadd.s32 $0xF7000, s0;
	[dreg:$0x7] =	wrdreg s2  }
0x10: {  	v1 =	vor.u32 $0xC350, v1;
	v0 =	vmov s12;
	s10 =	sor.u32 $0x1C08, s13;
	s15 =	smax.u32 s9, $0x1;
	[dreg:$0x8] =	wrdreg s0  }
.LBB2_1:
0x11: {  	s0 =	rddreg [dreg:$0x4]  }
0x12: {  	[spmem:s16], [sflag:s10] =	dma.local [hbm:s0], $0x30E0  }
0x13: {  	_ =	swait.ge [sflag:s17], $0x30E0  }
0x14: {  	[sflag:s17] =	ssyncset.done $0x0  }
0x15: {  	[sflag:s17] =	ssyncadd.s32 $0xFFFFCF20  }
0x16: {  	[bflag:$0x0] =	sbarrier.arrive $0xFFFF  }
0x17: {  	s2 =	simm.s32 $0x800;
	s28 =	rddreg [dreg:$0x5]  }
0x18: {  	[tilespmem:s3], [sflag:$0x1] =	stream.linear.gather [hbm4b:s28+s3], $0x400, $0x38;
	[tilespmem:$0x1D380] =	vst v63  }
0x19: {  	s31 =	simm.s32 $0x1000;
	s24 =	simm.s32 $0x0;
	s29 =	rddreg [dreg:$0x6]  }
0x1a: {  	[tilespmem:s2], [sflag:$0x1] =	stream.linear.gather [hbm4b:s29+s3], $0x400, $0x38;
	[tilespmem:$0x1D380] =	vst v63  }
0x1b: {  	s23 =	simm.s32 $0x0;
	s0 =	simm.s32 $0x0;
	s30 =	rddreg [dreg:$0x7]  }
0x1c: {  	[tilespmem:s31], [sflag:$0x1] =	stream.linear.gather [hbm4b:s30+s3], $0x400, $0x38;
	[tilespmem:$0x1D380] =	vst v63  }
.LBB2_3:
0x1d: {  	_ =	swait.ge [sflag:s20], $0x400  }
0x1e: {  	[sflag:s20] =	ssyncset.done $0x0  }
0x1f: {  	[sflag:s20] =	ssyncadd.s32 $0xFFFFFC00  }
0x20: {  	s2 =	smov.u32 s23;
	_ =	swait.ge [sflag:s20], $0x400  }
0x21: {  	s23 =	sadd.s32 $0x1, s23;
	p0 =	seq.s32 s2, $0x61;
	[sflag:s20] =	ssyncset.done $0x0  }
0x22: {  	s9 =	sshll.u32 @!p0 s23, $0xA;
	s2 =	sshll.u32 @!p0 s2, $0xA;
	[sflag:s20] =	ssyncadd.s32 $0xFFFFFC00  }
0x23: {  	s13 =	simm.s32 @!p0 $0x0;
	s9 =	sadd.s32 @!p0 s8, s9;
	_ =	swait.ge [sflag:s20], $0x400  }
0x24: {  	s2 =	sand.u32 @!p0 $0x400, s2;
	s9 =	sshrl.u32 @!p0 s9, $0x3;
	[sflag:s20] =	ssyncset.done $0x0  }
0x25: {  	s11 =	sxor.u32 @!p0 $0x400, s2;
	s12 =	sadd.s32 @!p0 s5, s9;
	[sflag:s20] =	ssyncadd.s32 $0xFFFFFC00  }
0x26: {  	[tilespmem:s11], [sflag:$0x1] =	stream.linear.gather @!p0 [hbm4b:s12+s13], $0x400, $0x38;
	[tilespmem:$0x1D380] =	vst v63  }
0x27: {  	s18 =	smulhi.u32 $0x55555556, s24;
	s11 =	sxor.u32 @!p0 $0xC00, s2;
	s12 =	sadd.s32 @!p0 s6, s9  }
0x28: {  	[tilespmem:s11], [sflag:$0x1] =	stream.linear.gather @!p0 [hbm4b:s12+s13], $0x400, $0x38;
	[tilespmem:$0x1D380] =	vst v63  }
0x29: {  	s19 =	sshra.s32 s24, $0x1F;
	s9 =	sadd.s32 @!p0 s7, s9;
	s11 =	sxor.u32 @!p0 $0x1400, s2  }
0x2a: {  	[tilespmem:s11], [sflag:$0x1] =	stream.linear.gather @!p0 [hbm4b:s9+s13], $0x400, $0x38;
	[tilespmem:$0x1D380] =	vst v63  }
0x2b: {  	s11 =	smul.u32 $0x55555556, s19;
	_ =	sdelay $0x1  }
0x2c: {  	s2 =	simm.s32 @p0 $0x400;
	s9 =	sadd.s32 s11, s18  }
0x2d: {  	s25 =	sor.u32 $0x800, s2;
	v3 =	vmov s2;
	s26 =	sshrl.u32 s9, $0x1F  }
0x2e: {  	v2 =	vmov s25;
	s9 =	sadd.s32 s26, s9  }
0x2f: {  	s9 =	smul.u32 $0x3, s9  }
0x30: {  	s28 =	sor.u32 $0x1000, s2  }
0x31: {  	s14 =	simm.s32 $0x0;
	v6 =	vmov s28;
	s9 =	ssub.s32 s24, s9  }
0x32: {  	v9 =	vld.idx.msk [tilespmem:v3+s14+$0x0 ss:$0x1], $0xffff;
	s29 =	sshll.u32 s9, $0x9  }
0x33: {  	v8 =	vld.idx.msk [tilespmem:v2+s14+$0x0 ss:$0x1], $0xffff;
	s30 =	sshra.s32 s29, $0x2  }
0x34: {  	s11 =	sadd.s32 $0x1800, s30  }
0x35: {  	s31 =	sadd.s32 $0x1980, s30;
	v7 =	vmov s11  }
0x36: {  	v10 =	vld.idx.msk [tilespmem:v6+s14+$0x0 ss:$0x1], $0xffff;
	s12 =	sadd.s32 $0x1B00, s30;
	v4 =	vmov s31  }
0x37: {  	v5 =	vmov s12  }
0x38: {  	vm0 =	vgt.s32 v9, $0xC34F;
	v11 =	vadd.s32 $0x30, v9;
	v8 =	vsub.s32 v8, v0;
	s12 =	simm.s32 $0x0  }
0x39: {  	v9 =	vsel vm0, v11, v9;
	vm15 =	vlt.u32 v8, $0xC350;
	v11 =	vadd.s32 s12, v1  }
0x3a: {  	v8 =	vsel vm15, v8, v11;
	[tilespmem:v7+s14+$0x0 ss:$0x1] =	vst.idx.msk $0xffff, v9  }
0x3b: {  	v9 =	vnsel vm15, $0x0, v10;
	[tilespmem:v4+s14+$0x0 ss:$0x1] =	vst.idx.msk $0xffff, v8  }
0x3c: {  	s13 =	simm.s32 $0x10;
	[tilespmem:v5+s14+$0x0 ss:$0x1] =	vst.idx.msk $0xffff, v9  }
0x3d: {  	v9 =	vld.idx.msk [tilespmem:v2+s13+$0x0 ss:$0x1], $0xffff  }
0x3e: {  	s14 =	simm.s32 $0x80;
	v8 =	vld.idx.msk [tilespmem:v3+s13+$0x0 ss:$0x1], $0xffff  }
.LBB2_4:
0x3f: {  	p0 =	sne.s32 s14, $0x1C0;
	v10 =	vld.idx.msk [tilespmem:v6+s13+$0x0 ss:$0x1], $0xffff;
	_ =	sdelay $0x4  }
0x40: {  	s12 =	sadd.s32 $0x1, s12;
	v9 =	vsub.s32 v9, v0;
	vm0 =	vgt.s32 v8, $0xC34F;
	v11 =	vadd.s32 $0x30, v8  }
0x41: {  	v8 =	vsel vm0, v11, v8;
	vm0 =	vlt.u32 v9, $0xC350;
	v11 =	vadd.s32 s12, v1  }
.Ltmp0:
0x42: {  	[tilespmem:v7+s13+$0x0 ss:$0x1] =	vst.idx.msk $0xffff, v8;
	v8 =	vsel vm0, v9, v11;
	v9 =	vnsel vm0, $0x0, v10;
	(pc) =	sbr.rel @p0 .LBB2_4-.Ltmp0, $4  }
0x43: {  	[tilespmem:v4+s13+$0x0 ss:$0x1] =	vst.idx.msk $0xffff, v8  }
0x44: {  	[tilespmem:v5+s13+$0x0 ss:$0x1] =	vst.idx.msk $0xffff, v9;
	s13 =	sshra.s32 s14, $0x2  }
0x45: {  	v9 =	vld.idx.msk [tilespmem:v2+s13+$0x0 ss:$0x1], $0xffff  }
0x46: {  	s14 =	sadd.s32 $0x40, s14;
	v8 =	vld.idx.msk [tilespmem:v3+s13+$0x0 ss:$0x1], $0xffff  }
0x47: {  	_ =	sdelay $0x3  }
0x48: {  	v2 =	vld.idx.msk [tilespmem:v6+s13+$0x0 ss:$0x1], $0xffff;
	_ =	sdelay $0x1  }
0x49: {  	s12 =	sadd.s32 $0x1, s12;
	v62 =	vsub.s32 v9, v0;
	vm0 =	vgt.s32 v8, $0xC34F;
	v3 =	vadd.s32 $0x30, v8  }
0x4a: {  	v63 =	vadd.s32 s12, v1;
	vm15 =	vlt.u32 v62, $0xC350;
	v3 =	vsel vm0, v3, v8  }
0x4b: {  	s26 =	sshll.u32 s9, $0xE;
	s28 =	sadd.s32 $0x2, s9;
	[tilespmem:v7+s13+$0x0 ss:$0x1] =	vst.idx.msk $0xffff, v3;
	v3 =	vsel vm15, v62, v63  }
0x4c: {  	s29 =	sadd.s32 $0x880, s2;
	s30 =	sadd.s32 $0x1080, s2;
	s12 =	sshra.s32 s26, $0x2;
	v2 =	vnsel vm15, $0x0, v2;
	[tilespmem:v4+s13+$0x0 ss:$0x1] =	vst.idx.msk $0xffff, v3  }
0x4d: {  	s31 =	simm.s32 $0x0;
	s26 =	sadd.s32 $0x80, s2;
	s12 =	sadd.s32 $0x1C80, s12;
	[tilespmem:v5+s13+$0x0 ss:$0x1] =	vst.idx.msk $0xffff, v2  }
0x4e: {  	[tilespmem:s12], [sflag:s28] =	stream.indirect.gather [hbm4b:s4+s21], $0x20, s11, s21, $0xb8;
	[tilespmem:$0x1D380] =	vst v63  }
.LBB2_6:
0x4f: {  	s2 =	sadd.s32 $0xFFFFFFFE, s24  }
0x50: {  	p0 =	slt.s32 s2, $0x0  }
0x51: {  	p1 =	slt.s32 @!p0 s2, s0  }
0x52: {  	p0 =	por p1, p0  }
0x53: {  	s18 =	smov.u32 s0;
	s0 =	smulhi.u32 @!p0 $0xAAAAAAAB, s2;
	_ =	sdelay $0x1  }
0x54: {  	s0 =	sshrl.u32 @!p0 s0, $0x1  }
0x55: {  	s0 =	smul.u32 @!p0 $0x3, s0  }
0x56: {  	p1 =	seq.s32 s31, $0x7  }
.Ltmp1:
0x57: {  	s0 =	ssub.s32 @!p0 s2, s0;
	(pc) =	sbr.rel @p1 .LBB2_10-.Ltmp1, $4  }
0x58: {  	s0 =	sadd.s32 @!p0 $0x5, s0  }
0x59: {  	_ =	swait.ge @!p0 [sflag:s0], $0x1000  }
0x5a: {  	[sflag:s0] =	ssyncset.done @!p0 $0x0  }
0x5b: {  	s25 =	smov.u32 s24;
	s24 =	sadd.s32 $0x1, s24;
	[sflag:s0] =	ssyncadd.s32 @!p0 $0xFFFFF000  }
0x5c: {  	s0 =	smulhi.u32 $0x55555556, s24;
	s2 =	sshra.s32 s24, $0x1F  }
0x5d: {  	s2 =	smul.u32 $0x55555556, s2;
	_ =	sdelay $0x1  }
0x5e: {  	s0 =	sadd.s32 s2, s0  }
0x5f: {  	v2 =	vmov s29;
	s2 =	sshrl.u32 s0, $0x1F  }
0x60: {  	v5 =	vmov s26;
	s0 =	sadd.s32 s2, s0  }
0x61: {  	s0 =	smul.u32 $0x3, s0;
	_ =	sdelay $0x1  }
0x62: {  	v6 =	vmov s30;
	s12 =	simm.s32 $0x0;
	s0 =	ssub.s32 s24, s0  }
0x63: {  	v8 =	vld.idx.msk [tilespmem:v2+s12+$0x0 ss:$0x1], $0xffff;
	s28 =	sshll.u32 s0, $0x9  }
0x64: {  	v9 =	vld.idx.msk [tilespmem:v5+s12+$0x0 ss:$0x1], $0xffff;
	s9 =	sshra.s32 s28, $0x2  }
0x65: {  	s2 =	sadd.s32 $0x1800, s9  }
0x66: {  	s11 =	sadd.s32 $0x1980, s9;
	v7 =	vmov s2  }
0x67: {  	v10 =	vld.idx.msk [tilespmem:v6+s12+$0x0 ss:$0x1], $0xffff;
	s9 =	sadd.s32 $0x1B00, s9;
	v3 =	vmov s11  }
0x68: {  	v4 =	vmov s9  }
0x69: {  	vm0 =	vgt.s32 v9, $0xC34F;
	v11 =	vadd.s32 $0x30, v9;
	v8 =	vsub.s32 v8, v0;
	s9 =	simm.s32 $0x0  }
0x6a: {  	v9 =	vsel vm0, v11, v9;
	vm15 =	vlt.u32 v8, $0xC350;
	v11 =	vadd.s32 s9, v1  }
0x6b: {  	v8 =	vsel vm15, v8, v11;
	[tilespmem:v7+s12+$0x0 ss:$0x1] =	vst.idx.msk $0xffff, v9  }
0x6c: {  	v9 =	vnsel vm15, $0x0, v10;
	[tilespmem:v3+s12+$0x0 ss:$0x1] =	vst.idx.msk $0xffff, v8  }
0x6d: {  	s11 =	simm.s32 $0x10;
	[tilespmem:v4+s12+$0x0 ss:$0x1] =	vst.idx.msk $0xffff, v9  }
0x6e: {  	v9 =	vld.idx.msk [tilespmem:v2+s11+$0x0 ss:$0x1], $0xffff  }
0x6f: {  	s12 =	simm.s32 $0x80;
	v8 =	vld.idx.msk [tilespmem:v5+s11+$0x0 ss:$0x1], $0xffff  }
.LBB2_8:
0x70: {  	p0 =	sne.s32 s12, $0x1C0;
	v10 =	vld.idx.msk [tilespmem:v6+s11+$0x0 ss:$0x1], $0xffff;
	_ =	sdelay $0x4  }
0x71: {  	s9 =	sadd.s32 $0x1, s9;
	v9 =	vsub.s32 v9, v0;
	vm0 =	vgt.s32 v8, $0xC34F;
	v11 =	vadd.s32 $0x30, v8  }
0x72: {  	v8 =	vsel vm0, v11, v8;
	vm0 =	vlt.u32 v9, $0xC350;
	v11 =	vadd.s32 s9, v1  }
.Ltmp2:
0x73: {  	[tilespmem:v7+s11+$0x0 ss:$0x1] =	vst.idx.msk $0xffff, v8;
	v8 =	vsel vm0, v9, v11;
	v9 =	vnsel vm0, $0x0, v10;
	(pc) =	sbr.rel @p0 .LBB2_8-.Ltmp2, $4  }
0x74: {  	[tilespmem:v3+s11+$0x0 ss:$0x1] =	vst.idx.msk $0xffff, v8  }
0x75: {  	[tilespmem:v4+s11+$0x0 ss:$0x1] =	vst.idx.msk $0xffff, v9;
	s11 =	sshra.s32 s12, $0x2  }
0x76: {  	v9 =	vld.idx.msk [tilespmem:v2+s11+$0x0 ss:$0x1], $0xffff  }
0x77: {  	s12 =	sadd.s32 $0x40, s12;
	v8 =	vld.idx.msk [tilespmem:v5+s11+$0x0 ss:$0x1], $0xffff  }
0x78: {  	_ =	sdelay $0x3  }
0x79: {  	v2 =	vld.idx.msk [tilespmem:v6+s11+$0x0 ss:$0x1], $0xffff;
	_ =	sdelay $0x1  }
0x7a: {  	s9 =	sadd.s32 $0x1, s9;
	v61 =	vsub.s32 v9, v0;
	vm0 =	vgt.s32 v8, $0xC34F;
	v5 =	vadd.s32 $0x30, v8  }
0x7b: {  	v62 =	vadd.s32 s9, v1;
	vm15 =	vlt.u32 v61, $0xC350;
	v5 =	vsel vm0, v5, v8  }
0x7c: {  	s19 =	sshll.u32 s0, $0xE;
	v63 =	vsel vm15, v61, v62;
	[tilespmem:v7+s11+$0x0 ss:$0x1] =	vst.idx.msk $0xffff, v5  }
0x7d: {  	s9 =	sshra.s32 s19, $0x2;
	v2 =	vnsel vm15, $0x0, v2;
	[tilespmem:v3+s11+$0x0 ss:$0x1] =	vst.idx.msk $0xffff, v63  }
0x7e: {  	s28 =	sadd.s32 $0x2, s0;
	s9 =	sadd.s32 $0x1C80, s9;
	[tilespmem:v4+s11+$0x0 ss:$0x1] =	vst.idx.msk $0xffff, v2  }
0x7f: {  	[tilespmem:s9], [sflag:s28] =	stream.indirect.gather [hbm4b:s4+s21], $0x20, s2, s21, $0xb8;
	[tilespmem:$0x1D380] =	vst v63  }
.LBB2_10:
0x80: {  	s0 =	smulhi.u32 $0x55555556, s25;
	s2 =	sshra.s32 s25, $0x1F  }
0x81: {  	s2 =	smul.u32 $0x55555556, s2;
	_ =	sdelay $0x1  }
0x82: {  	s0 =	sadd.s32 s2, s0  }
0x83: {  	s2 =	sshrl.u32 s0, $0x1F  }
0x84: {  	s0 =	sadd.s32 s2, s0  }
0x85: {  	s0 =	smul.u32 $0x3, s0;
	_ =	sdelay $0x1  }
0x86: {  	s2 =	ssub.s32 s25, s0  }
0x87: {  	s0 =	sadd.s32 $0x2, s2  }
0x88: {  	s9 =	sshll.u32 s2, $0xE;
	_ =	swait.ge [sflag:s0], $0x1000  }
0x89: {  	s11 =	sshra.s32 s9, $0x2;
	[sflag:s0] =	ssyncset.done $0x0  }
0x8a: {  	s19 =	sadd.s32 $0x1D80, s11;
	[sflag:s0] =	ssyncadd.s32 $0xFFFFF000  }
0x8b: {  	v8 =	vld [tilespmem:s19+$0xFFFFFFA0]  }
0x8c: {  	s13 =	sshll.u32 s2, $0x9;
	v5 =	vld [tilespmem:s19+$0xFFFFFFF0]  }
0x8d: {  	s9 =	sshra.s32 s13, $0x2;
	v2 =	vld [tilespmem:s19+$0xFFFFFF60]  }
0x8e: {  	s0 =	sadd.s32 $0x1B00, s9;
	v9 =	vld [tilespmem:s19+$0xFFFFFFD0]  }
0x8f: {  	v6 =	vmov s0;
	v10 =	vld [tilespmem:s19+$0x80]  }
0x90: {  	v13 =	vld [tilespmem:s19+$0xFFFFFF10]  }
0x91: {  	v17 =	vld [tilespmem:s19+$0xE0]  }
0x92: {  	v12 =	vld [tilespmem:s19+$0xFFFFFF40]  }
0x93: {  	s14 =	simm.s32 $0x0;
	v4 =	vld [tilespmem:s19+$0xFFFFFF90]  }
0x94: {  	v3 =	vld.idx.msk [tilespmem:v6+s14+$0x0 ss:$0x1], $0xffff  }
0x95: {  	v11 =	vld [tilespmem:s19+$0xFFFFFFC0]  }
0x96: {  	v15 =	vld [tilespmem:s19+$0xFFFFFF00]  }
0x97: {  	v14 =	vld [tilespmem:s19+$0xD0]  }
0x98: {  	v24 =	vld [tilespmem:s19+$0xC0]  }
0x99: {  	v21 =	vld [tilespmem:s19+$0x90];
	v20 =	vbroadcast v3, $0x0;
	v7 =	vbroadcast v3, $0xF  }
0x9a: {  	s28 =	sadd.s32 $0xFFFFFFFF, s25;
	s31 =	sadd.s32 $0x1, s31;
	v23 =	vld [tilespmem:s19+$0xFFFFFF50];
	v22 =	vbroadcast v3, $0x2;
	v18 =	vbroadcast v3, $0xE  }
0x9b: {  	s12 =	simm.s32 $0x40;
	p0 =	sgt.s32 s18, s28;
	s0 =	smov.u32 s28;
	v19 =	vld [tilespmem:s19+$0xB0];
	v16 =	vbroadcast v3, $0xC;
	v26 =	vmul.f32 v20, v15  }
0x9c: {  	s11 =	sadd.s32 $0x1C80, s11;
	s13 =	smov.u32 s19;
	s0 =	smov.u32 @p0 s18;
	v15 =	vbroadcast v3, $0xD;
	v25 =	vmul.f32 v12, v22;
	v12 =	vld [tilespmem:s19+$0x60]  }
.LBB2_11:
0x9d: {  	p0 =	sne.s32 s12, $0x1C0  }
0x9e: {  	[tilespmem:s19+$0xFFFFFF00] =	vst v26;
	v26 =	vld [tilespmem:s19+$0xFFFFFFB0];
	v24 =	vmul.f32 v24, v18;
	v17 =	vmul.f32 v17, v7;
	s13 =	sadd.s32 $0x200, s13;
	s14 =	smov.u32 s12;
	s12 =	sadd.s32 $0x40, s12  }
0x9f: {  	[tilespmem:s19+$0xFFFFFF40] =	vst v25;
	v25 =	vbroadcast v3, $0xA;
	v21 =	vmul.f32 v21, v16;
	v27 =	vld [tilespmem:s19+$0xA0]  }
0xa0: {  	v13 =	vmul.f32 v13, v20;
	v20 =	vmul.f32 v23, v22;
	v22 =	vld [tilespmem:s19+$0x70];
	[tilespmem:s19+$0xE0] =	vst v17  }
0xa1: {  	v17 =	vbroadcast v3, $0x5;
	v23 =	vld [tilespmem:s19+$0xFFFFFFE0];
	v19 =	vmul.f32 v19, v15;
	[tilespmem:s19+$0xC0] =	vst v24  }
0xa2: {  	v14 =	vmul.f32 v14, v18;
	[tilespmem:s19+$0xFFFFFF10] =	vst v13;
	v13 =	vbroadcast v3, $0x6;
	v24 =	vld [tilespmem:s19+$0x40]  }
0xa3: {  	v28 =	vbroadcast v3, $0xB;
	v8 =	vmul.f32 v8, v17;
	v18 =	vld [tilespmem:s19+$0xFFFFFF20];
	[tilespmem:s19+$0x90] =	vst v21  }
0xa4: {  	v21 =	vbroadcast v3, $0x9;
	[tilespmem:s19+$0xFFFFFF50] =	vst v20;
	v20 =	vld [tilespmem:s19+$0x20];
	v15 =	vmul.f32 v27, v15  }
0xa5: {  	v17 =	vmul.f32 v26, v17;
	v26 =	vld [tilespmem:s19+$0x50];
	v22 =	vmul.f32 v22, v28;
	[tilespmem:s19+$0xD0] =	vst v14  }
0xa6: {  	v10 =	vmul.f32 v10, v16;
	v14 =	vbroadcast v3, $0x7;
	v27 =	vld [tilespmem:s19+$0x30];
	[tilespmem:s19+$0xA0] =	vst v15  }
0xa7: {  	v11 =	vmul.f32 v11, v13;
	v15 =	vbroadcast v3, $0x3;
	v16 =	vld [tilespmem:s19+$0x0];
	[tilespmem:s19+$0x70] =	vst v22  }
0xa8: {  	v12 =	vmul.f32 v12, v28;
	v9 =	vmul.f32 v9, v13;
	v13 =	vld [tilespmem:s19+$0x10];
	[tilespmem:s19+$0x80] =	vst v10  }
0xa9: {  	v22 =	vbroadcast v3, $0x8;
	v24 =	vmul.f32 v24, v25;
	v10 =	vld [tilespmem:s19+$0xFFFFFF30];
	[tilespmem:s19+$0xB0] =	vst v19  }
0xaa: {  	v19 =	vbroadcast v3, $0x1;
	v28 =	vld [tilespmem:s19+$0xFFFFFF70];
	[tilespmem:s19+$0xFFFFFFD0] =	vst v9;
	v25 =	vmul.f32 v26, v25  }
0xab: {  	v5 =	vmul.f32 v5, v14;
	v9 =	vmul.f32 v23, v14;
	[tilespmem:s19+$0xFFFFFFC0] =	vst v11;
	v11 =	vld [tilespmem:s19+$0xF0]  }
0xac: {  	v23 =	vmul.f32 v27, v21;
	v14 =	vld [tilespmem:s19+$0xFFFFFF80];
	[tilespmem:s19+$0xFFFFFFA0] =	vst v8;
	v16 =	vmul.f32 v16, v22  }
0xad: {  	v8 =	vld [tilespmem:s13+$0xFFFFFFA0];
	[tilespmem:s19+$0xFFFFFFF0] =	vst v5;
	v22 =	vmul.f32 v13, v22;
	v13 =	vmul.f32 v20, v21  }
0xae: {  	v5 =	vmul.f32 v18, v19;
	v18 =	vmul.f32 v10, v19;
	[tilespmem:s19+$0x60] =	vst v12  }
0xaf: {  	v2 =	vmul.f32 v2, v15;
	v10 =	vmul.f32 v28, v15;
	[tilespmem:s19+$0xFFFFFFB0] =	vst v17  }
0xb0: {  	v3 =	vbroadcast v3, $0x4;
	[tilespmem:s19+$0xFFFFFF20] =	vst v5;
	v5 =	vmul.f32 v11, v7  }
0xb1: {  	[tilespmem:s19+$0xFFFFFF60] =	vst v2  }
0xb2: {  	v7 =	vmul.f32 v14, v3;
	v2 =	vmul.f32 v4, v3;
	[tilespmem:s19+$0x40] =	vst v24  }
0xb3: {  	[tilespmem:s19+$0xFFFFFFE0] =	vst v9  }
0xb4: {  	[tilespmem:s19+$0xF0] =	vst v5  }
0xb5: {  	[tilespmem:s19+$0xFFFFFF90] =	vst v2  }
0xb6: {  	[tilespmem:s19+$0xFFFFFF70] =	vst v10  }
0xb7: {  	v5 =	vld [tilespmem:s13+$0xFFFFFFF0];
	[tilespmem:s19+$0x20] =	vst v13  }
0xb8: {  	v2 =	vld [tilespmem:s13+$0xFFFFFF60];
	[tilespmem:s19+$0x30] =	vst v23  }
0xb9: {  	v9 =	vld [tilespmem:s13+$0xFFFFFFD0];
	[tilespmem:s19+$0xFFFFFF80] =	vst v7  }
0xba: {  	v10 =	vld [tilespmem:s13+$0x80];
	[tilespmem:s19+$0x50] =	vst v25  }
0xbb: {  	v13 =	vld [tilespmem:s13+$0xFFFFFF10];
	[tilespmem:s19+$0x0] =	vst v16  }
0xbc: {  	v17 =	vld [tilespmem:s13+$0xE0];
	[tilespmem:s19+$0xFFFFFF30] =	vst v18  }
0xbd: {  	s14 =	sshra.s32 s14, $0x2;
	v12 =	vld [tilespmem:s13+$0xFFFFFF40];
	[tilespmem:s19+$0x10] =	vst v22;
	s19 =	smov.u32 s13  }
0xbe: {  	v3 =	vld.idx.msk [tilespmem:v6+s14+$0x0 ss:$0x1], $0xffff  }
0xbf: {  	v4 =	vld [tilespmem:s13+$0xFFFFFF90]  }
0xc0: {  	v11 =	vld [tilespmem:s13+$0xFFFFFFC0]  }
0xc1: {  	v15 =	vld [tilespmem:s13+$0xFFFFFF00]  }
0xc2: {  	v14 =	vld [tilespmem:s13+$0xD0]  }
.Ltmp3:
0xc3: {  	v24 =	vld [tilespmem:s13+$0xC0];
	(pc) =	sbr.rel @p0 .LBB2_11-.Ltmp3, $4  }
0xc4: {  	v20 =	vbroadcast v3, $0x0;
	v7 =	vbroadcast v3, $0xF;
	v21 =	vld [tilespmem:s13+$0x90]  }
0xc5: {  	v22 =	vbroadcast v3, $0x2;
	v18 =	vbroadcast v3, $0xE;
	v23 =	vld [tilespmem:s13+$0xFFFFFF50]  }
0xc6: {  	v26 =	vmul.f32 v20, v15;
	v15 =	vbroadcast v3, $0xD;
	v19 =	vld [tilespmem:s13+$0xB0]  }
0xc7: {  	v16 =	vbroadcast v3, $0xC;
	v25 =	vmul.f32 v12, v22;
	v12 =	vld [tilespmem:s13+$0x60]  }
0xc8: {  	[tilespmem:s19+$0xFFFFFF00] =	vst v26;
	v6 =	vmul.f32 v17, v7  }
0xc9: {  	v63 =	vmul.f32 v24, v18;
	[tilespmem:s19+$0xFFFFFF40] =	vst v25  }
0xca: {  	v13 =	vmul.f32 v13, v20;
	[tilespmem:s19+$0xE0] =	vst v6  }
0xcb: {  	v33 =	vmul.f32 v14, v18;
	[tilespmem:s19+$0xC0] =	vst v63  }
0xcc: {  	v30 =	vmul.f32 v21, v16;
	[tilespmem:s19+$0xFFFFFF10] =	vst v13  }
0xcd: {  	v39 =	vbroadcast v3, $0x6;
	v10 =	vmul.f32 v10, v16;
	[tilespmem:s19+$0xD0] =	vst v33  }
0xce: {  	v32 =	vmul.f32 v23, v22;
	[tilespmem:s19+$0x90] =	vst v30  }
0xcf: {  	v43 =	vbroadcast v3, $0x5;
	v9 =	vmul.f32 v9, v39;
	[tilespmem:s19+$0x80] =	vst v10  }
0xd0: {  	v45 =	vbroadcast v3, $0x7;
	v11 =	vmul.f32 v11, v39;
	[tilespmem:s19+$0xFFFFFF50] =	vst v32  }
0xd1: {  	v52 =	vbroadcast v3, $0x3;
	v8 =	vmul.f32 v8, v43;
	[tilespmem:s19+$0xFFFFFFD0] =	vst v9  }
0xd2: {  	v28 =	vld [tilespmem:s19+$0xA0];
	v57 =	vbroadcast v3, $0x4;
	v5 =	vmul.f32 v5, v45;
	[tilespmem:s19+$0xFFFFFFC0] =	vst v11  }
0xd3: {  	v29 =	vld [tilespmem:s19+$0x70];
	v2 =	vmul.f32 v2, v52;
	[tilespmem:s19+$0xFFFFFFA0] =	vst v8  }
0xd4: {  	v31 =	vld [tilespmem:s19+$0xFFFFFFB0];
	v35 =	vbroadcast v3, $0xB;
	v4 =	vmul.f32 v4, v57;
	[tilespmem:s19+$0xFFFFFFF0] =	vst v5  }
0xd5: {  	v34 =	vld [tilespmem:s19+$0xFFFFFF20];
	v41 =	vmul.f32 v19, v15;
	[tilespmem:s19+$0xFFFFFF60] =	vst v2  }
0xd6: {  	v38 =	vld [tilespmem:s19+$0x40];
	v12 =	vmul.f32 v12, v35;
	[tilespmem:s19+$0xFFFFFF90] =	vst v4  }
0xd7: {  	v36 =	vld [tilespmem:s19+$0xFFFFFFE0];
	v37 =	vmul.f32 v28, v15;
	[tilespmem:s19+$0xB0] =	vst v41  }
0xd8: {  	v50 =	vbroadcast v3, $0x1;
	v53 =	vld [tilespmem:s19+$0xF0];
	v20 =	vmul.f32 v29, v35;
	[tilespmem:s19+$0x60] =	vst v12  }
0xd9: {  	v47 =	vld [tilespmem:s19+$0xFFFFFF70];
	v54 =	vbroadcast v3, $0xA;
	v51 =	vmul.f32 v31, v43;
	[tilespmem:s19+$0xA0] =	vst v37  }
0xda: {  	v44 =	vld [tilespmem:s19+$0x30];
	v14 =	vmul.f32 v34, v50;
	[tilespmem:s19+$0x70] =	vst v20  }
0xdb: {  	v48 =	vld [tilespmem:s19+$0xFFFFFF80];
	v56 =	vmul.f32 v38, v54;
	[tilespmem:s19+$0xFFFFFFB0] =	vst v51  }
0xdc: {  	v42 =	vld [tilespmem:s19+$0x20];
	v6 =	vmul.f32 v36, v45;
	[tilespmem:s19+$0xFFFFFF20] =	vst v14  }
0xdd: {  	v46 =	vld [tilespmem:s19+$0x0];
	v58 =	vbroadcast v3, $0x9;
	v2 =	vmul.f32 v53, v7;
	[tilespmem:s19+$0x40] =	vst v56  }
0xde: {  	v40 =	vld [tilespmem:s19+$0x50];
	v59 =	vmul.f32 v47, v52;
	[tilespmem:s19+$0xFFFFFFE0] =	vst v6  }
0xdf: {  	v55 =	vld [tilespmem:s19+$0xFFFFFF30];
	v60 =	vmul.f32 v44, v58;
	[tilespmem:s19+$0xF0] =	vst v2  }
0xe0: {  	v49 =	vld [tilespmem:s19+$0x10];
	v3 =	vbroadcast v3, $0x8;
	v61 =	vmul.f32 v48, v57;
	[tilespmem:s19+$0xFFFFFF70] =	vst v59  }
0xe1: {  	v2 =	vmul.f32 v42, v58;
	[tilespmem:s19+$0x30] =	vst v60  }
0xe2: {  	v62 =	vmul.f32 v46, v3;
	[tilespmem:s19+$0xFFFFFF80] =	vst v61  }
0xe3: {  	p0 =	seq.s32 s31, $0x8;
	[tilespmem:s19+$0x20] =	vst v2;
	v2 =	vmul.f32 v40, v54  }
.Ltmp4:
0xe4: {  	v63 =	vmul.f32 v55, v50;
	[tilespmem:s19+$0x0] =	vst v62;
	(pc) =	sbr.rel @!p0 .LBB2_6-.Ltmp4, $4  }
0xe5: {  	[tilespmem:s19+$0x50] =	vst v2;
	v2 =	vmul.f32 v49, v3  }
0xe6: {  	s9 =	sadd.s32 $0x1980, s9;
	s2 =	sadd.s32 $0x5, s2;
	[tilespmem:s19+$0xFFFFFF30] =	vst v63  }
0xe7: {  	s26 =	sadd.s32 $0x80, s26;
	s29 =	sadd.s32 $0x80, s29;
	s30 =	sadd.s32 $0x80, s30;
	[tilespmem:s19+$0x10] =	vst v2  }
0xe8: {  	[spmem:s1] =	stream.indirect.scatter.add.f32 [tilespmem:s11], [sflag:s2], $0x20, s9, s21, $0xb8;
	[tilespmem:$0x1D380] =	vst v63  }
0xe9: {  	p0 =	seq.s32 s23, $0x62  }
.Ltmp5:
0xea: {  	_ = 	snop;
	(pc) =	sbr.rel @!p0 .LBB2_3-.Ltmp5, $1  }
0xeb: {  	_ =	sdelay $0x3  }
0xec: {  	p0 =	slt.s32 s28, $0x0  }
0xed: {  	p1 =	sgt.s32 @!p0 s18, s28  }
0xee: {  	p0 =	por p1, p0  }
0xef: {  	s2 =	smulhi.u32 @!p0 $0xAAAAAAAB, s28  }
0xf0: {  	p1 =	slt.s32 s25, $0x0  }
0xf1: {  	p2 =	sgt.s32 @!p1 s0, s25;
	s2 =	sshrl.u32 @!p0 s2, $0x1  }
0xf2: {  	p1 =	por p2, p1;
	s0 =	smul.u32 @!p0 $0x3, s2  }
0xf3: {  	s2 =	smulhi.u32 @!p1 $0xAAAAAAAB, s25;
	_ =	sdelay $0x1  }
0xf4: {  	s0 =	ssub.s32 @!p0 s28, s0;
	s2 =	sshrl.u32 @!p1 s2, $0x1  }
0xf5: {  	s0 =	sadd.s32 @!p0 $0x5, s0;
	s2 =	smul.u32 @!p1 $0x3, s2  }
0xf6: {  	_ =	swait.ge @!p0 [sflag:s0], $0x1000  }
0xf7: {  	[sflag:s0] =	ssyncset.done @!p0 $0x0;
	s2 =	ssub.s32 @!p1 s25, s2  }
0xf8: {  	[sflag:s0] =	ssyncadd.s32 @!p0 $0xFFFFF000;
	s0 =	sadd.s32 @!p1 $0x5, s2  }
0xf9: {  	_ =	swait.ge @!p1 [sflag:s0], $0x1000  }
0xfa: {  	[sflag:s0] =	ssyncset.done @!p1 $0x0  }
0xfb: {  	s22 =	sadd.s32 $0x1, s22;
	[sflag:s0] =	ssyncadd.s32 @!p1 $0xFFFFF000  }
0xfc: {  	p0 =	sne.s32 s22, s15;
	[bflag:$0x0] =	sbarrier.arrive $0xFFFF  }
.Ltmp6:
0xfd: {  	s31 =	rddreg [dreg:$0x8];
	(pc) =	sbr.rel @p0 .LBB2_1-.Ltmp6, $4  }
0xfe: {  	[hbm:s31], [sflag:s10] =	dma.local [spmem:s16], $0x30E0  }
0xff: {  	_ =	swait.ge [sflag:s17], $0x30E0  }
0x100: {  	[sflag:s17] =	ssyncset.done $0x0  }
0x101: {  	[sflag:s17] =	ssyncadd.s32 $0xFFFFCF20  }
0x102: {  	_ =	sfence.sel $0x180000  }
0x103: {  	[bflag:$0x0] =	sbarrier.arrive $0xFFFF  }
0x104: {  	_ =	strace $0x9000004A  }
0x105: {  	s0 =	stileid.u32;
	[bflag:$0x2] =	sbarrier.arrive $0xFFFF  }
0x106: {  	p0 =	sne.s32 s0, $0x0;
	s0 =	rddreg [dreg:$0x3]  }
0x107: {  	s0 =	sadd.s32 @!p0 $0x100000, s0  }
0x108: {  	[sflag:s0] =	ssyncadd.tile.s32 @!p0 $0x1;
	_ =	shalt  }
.Lfunc_end2:
_tile_overlayer_lowered:
.L_overlay_start_2:
0x109: {  	(tag) =	ssettag $0x2  }
0x10a: {  	s0 =	rddreg [dreg:$0x0];
	s2 =	stileid.u32  }
0x10b: {  	s1 =	rddreg [dreg:$0x1];
	p0 =	sne.s32 s2, $0x0  }
0x10c: {  	s3 =	rddreg [dreg:$0x2];
	[bflag:$0x3] =	sbarrier.arrive $0xFFFF;
	s2 =	simm.s32 @!p0 $0x1C08  }
0x10d: {  	[timem:s3], [sflag:s2] =	dma.local @!p0 [hbm:s0], s1  }
0x10e: {  	s0 =	simm.s32 @!p0 $0x8  }
0x10f: {  	_ =	swait.ge @!p0 [sflag:s0], s1  }
0x110: {  	s1 =	ssub.s32 @!p0 $0x0, s1;
	[sflag:s0] =	ssyncset.done @!p0 $0x0  }
0x111: {  	[sflag:s0] =	ssyncadd.s32 @!p0 s1  }
0x112: {  	[bflag:$0x3] =	sbarrier.arrive $0xFFFF  }
0x113: {  	_ =	shalt  }

// kernel: kernel.13.cloned.1.call-start
scs
__scs_entry_jumppad:
0x0: {  	(pc) =	sbr.rel $0x88, $3  }
0x1: {  	(tag) =	ssettag $0x0;
	lr =	simm.s32 $0x1  }
0x2: {  	[smem:$0x3F9D] =	sst lr;
	_ =	strace $0xD0000000  }
0x3: {  	_ = 	snop  }
0x4: {  	_ = 	snop  }
0x5: {  	_ = 	snop  }
0x6: {  	_ = 	snop  }
0x7: {  	_ = 	snop  }
__scs_overlays_trampoline_lowered:
0x8: {  	[smem:$0x3FAC] =	sst s0  }
0x9: {  	[smem:$0x3FAD] =	sst s1  }
0xa: {  	[smem:$0x3FAE] =	sst s2  }
0xb: {  	[smem:$0x3FAF] =	sst s3  }
0xc: {  	[smem:$0x3FB0] =	sst s4  }
0xd: {  	[smem:$0x3FB1] =	sst s5  }
0xe: {  	[smem:$0x3FB2] =	sst s6  }
0xf: {  	[smem:$0x3FB3] =	sst s7  }
0x10: {  	[smem:$0x3FB4] =	sst s8  }
0x11: {  	[smem:$0x3FB5] =	sst s9;
	s0 =	simm.s32 @!p0 $0x0  }
0x12: {  	s1 =	sld [smem:$0x3F9B];
	s0 =	simm.s32 @p0 $0x1  }
0x13: {  	[smem:$0x3FB6] =	sst s0;
	s0 =	simm.s32 @!p1 $0x0  }
0x14: {  	s2 =	sld [smem:$0x3F9A];
	s0 =	simm.s32 @p1 $0x1  }
0x15: {  	[smem:$0x3FB7] =	sst s0;
	s0 =	simm.s32 @!p2 $0x0  }
0x16: {  	s3 =	sld [smem:$0x3FDB];
	s0 =	simm.s32 @p2 $0x1  }
0x17: {  	s4 =	simm.s32 $0x1BF5;
	[smem:$0x3FB9] =	sst s0  }
0x18: {  	s0 =	sld [smem:$0x3F9C];
	_ =	swait.ge [sflag:s4], $0x0  }
0x19: {  	s7 =	sld [smem:$0x3F9D]  }
0x1a: {  	s8 =	sadd.s32 $0xFFFFE003, lr  }
0x1b: {  	s9 =	sadd.s32 $0xFFFFFEF7, lr;
	s5 =	simm.s32 $0xFFFFFFFF;
	p2 =	slt.u32 s8, $0xFFFFF086  }
0x1c: {  	p1 =	slt.u32 s9, $0xF7A;
	s5 =	simm.s32 @!p2 $0x0  }
0x1d: {  	s5 =	simm.s32 @p1 $0x1;
	p0 =	seq.s32 s7, s2  }
0x1e: {  	s7 =	smul.u32 @!p0 $0xF7A, s2;
	p2 =	seq.s32 @!p0 s5, $0x0  }
0x1f: {  	s9 =	smul.u32 $0xF7A, s1;
	s8 =	simm.s32 @!p0 $0x1BF5;
	p2 =	por !p2, p0  }
0x20: {  	[sflag:s8] =	ssyncset.s32 @!p0 $0xFFFFF086;
	s6 =	sadd.s32 @!p0 s3, s7;
	s7 =	simm.s32 @!p0 $0x108  }
0x21: {  	s3 =	sadd.s32 s3, s9;
	s6 =	sadd.s32 @!p0 $0x88, s6;
	s7 =	simm.s32 @p2 $0x1082  }
0x22: {  	[simem:s7], [sflag:s8] =	dma.local @!p0 [hbm:s6], $0xF7A  }
0x23: {  	s9 =	sor.u32 $0xD0000000, s2;
	s6 =	simm.s32 $0x108;
	_ =	swait.ge @!p0 [sflag:s8], $0x0  }
0x24: {  	s3 =	sadd.s32 $0x88, s3;
	s6 =	simm.s32 @!p1 $0x1082;
	[sflag:s4] =	ssyncset.s32 $0xFFFFF086  }
0x25: {  	[simem:s6], [sflag:s4] =	dma.local [hbm:s3], $0xF7A  }
0x26: {  	[smem:$0x3F9D] =	sst s1;
	(tag) =	ssettag s2;
	_ =	strace s9  }
0x27: {  	s1 =	sld [smem:$0x3FAD]  }
0x28: {  	s2 =	sld [smem:$0x3FAE]  }
0x29: {  	s4 =	sld [smem:$0x3FB0]  }
0x2a: {  	p0 =	seq.s32 s5, $0x0;
	s5 =	sld [smem:$0x3FB1]  }
0x2b: {  	s6 =	sld [smem:$0x3FB2]  }
0x2c: {  	s7 =	sld [smem:$0x3FB3]  }
0x2d: {  	s3 =	simm.s32 $0x108;
	s8 =	sld [smem:$0x3FB4]  }
0x2e: {  	s3 =	simm.s32 @!p0 $0x1082;
	s9 =	sld [smem:$0x3FB5]  }
0x2f: {  	lr =	sadd.s32 s0, s3;
	s0 =	sld [smem:$0x3FAC]  }
0x30: {  	s3 =	sld [smem:$0x3FAF]  }
0x31: {  	[smem:$0x3FB8] =	sst s10  }
0x32: {  	s10 =	sld [smem:$0x3FB6];
	_ =	sdelay $0x3  }
0x33: {  	p0 =	seq.s32 s10, $0x1;
	s10 =	sld [smem:$0x3FB8];
	_ =	sdelay $0x3  }
0x34: {  	[smem:$0x3FB8] =	sst s10  }
0x35: {  	s10 =	sld [smem:$0x3FB7];
	_ =	sdelay $0x3  }
0x36: {  	p1 =	seq.s32 s10, $0x1;
	s10 =	sld [smem:$0x3FB8];
	_ =	sdelay $0x3  }
0x37: {  	[smem:$0x3FB8] =	sst s10  }
0x38: {  	s10 =	sld [smem:$0x3FB9]  }
0x39: {  	_ = 	snop;
	(pc) =	sbr.ind lr, $3  }
0x3a: {  	_ = 	snop  }
0x3b: {  	_ = 	snop  }
0x3c: {  	p2 =	seq.s32 s10, $0x1;
	s10 =	sld [smem:$0x3FB8]  }
0x3d: {  	_ =	shalt  }
0x3e: {  	_ =	shalt  }
0x3f: {  	_ =	shalt  }
0x40: {  	_ =	shalt  }
0x41: {  	_ =	shalt  }
0x42: {  	_ =	shalt  }
0x43: {  	_ =	shalt  }
0x44: {  	_ =	shalt  }
0x45: {  	_ =	shalt  }
0x46: {  	_ =	shalt  }
0x47: {  	_ =	shalt  }
0x48: {  	_ =	shalt  }
0x49: {  	_ =	shalt  }
0x4a: {  	_ =	shalt  }
0x4b: {  	_ =	shalt  }
0x4c: {  	_ =	shalt  }
0x4d: {  	_ =	shalt  }
0x4e: {  	_ =	shalt  }
0x4f: {  	_ =	shalt  }
0x50: {  	_ =	shalt  }
0x51: {  	_ =	shalt  }
0x52: {  	_ =	shalt  }
0x53: {  	_ =	shalt  }
0x54: {  	_ =	shalt  }
0x55: {  	_ =	shalt  }
0x56: {  	_ =	shalt  }
0x57: {  	_ =	shalt  }
0x58: {  	_ =	shalt  }
0x59: {  	_ =	shalt  }
0x5a: {  	_ =	shalt  }
0x5b: {  	_ =	shalt  }
0x5c: {  	_ =	shalt  }
0x5d: {  	_ =	shalt  }
0x5e: {  	_ =	shalt  }
0x5f: {  	_ =	shalt  }
0x60: {  	_ =	shalt  }
0x61: {  	_ =	shalt  }
0x62: {  	_ =	shalt  }
0x63: {  	_ =	shalt  }
0x64: {  	_ =	shalt  }
0x65: {  	_ =	shalt  }
0x66: {  	_ =	shalt  }
0x67: {  	_ =	shalt  }
0x68: {  	_ =	shalt  }
0x69: {  	_ =	shalt  }
0x6a: {  	_ =	shalt  }
0x6b: {  	_ =	shalt  }
0x6c: {  	_ =	shalt  }
0x6d: {  	_ =	shalt  }
0x6e: {  	_ =	shalt  }
0x6f: {  	_ =	shalt  }
0x70: {  	_ =	shalt  }
0x71: {  	_ =	shalt  }
0x72: {  	_ =	shalt  }
0x73: {  	_ =	shalt  }
0x74: {  	_ =	shalt  }
0x75: {  	_ =	shalt  }
0x76: {  	_ =	shalt  }
0x77: {  	_ =	shalt  }
0x78: {  	_ =	shalt  }
0x79: {  	_ =	shalt  }
0x7a: {  	_ =	shalt  }
0x7b: {  	_ =	shalt  }
0x7c: {  	_ =	shalt  }
0x7d: {  	_ =	shalt  }
0x7e: {  	_ =	shalt  }
0x7f: {  	_ =	shalt  }
0x80: {  	_ =	shalt  }
0x81: {  	_ =	shalt  }
0x82: {  	_ =	shalt  }
0x83: {  	_ =	shalt  }
0x84: {  	_ =	shalt  }
0x85: {  	_ =	shalt  }
0x86: {  	_ =	shalt  }
0x87: {  	_ =	shalt  }
.Lfunc_end0:
.L_simem_size_0:
called_computation.2_lowered:
.L_overlay_start_0:
0x88: {  	s2 =	sld [smem:$0x3FD9]  }
0x89: {  	s3 =	sld [smem:$0x3FFE];
	_ =	sdelay $0x1  }
0x8a: {  	s1 =	srdreg.scid  }
0x8b: {  	s0 =	sand.u32 $0x1, s1  }
0x8c: {  	s14 =	sshll.u32 s0, $0xA;
	s2 =	sadd.s32 s3, s2  }
0x8d: {  	s2 =	sadd.s32 s2, s14  }
0x8e: {  	[smem:$0x3FC4] =	sst s2  }
0x8f: {  	_ = 	snop  }
0x90: {  	s2 =	sld [smem:$0x3FD0];
	_ =	sdelay $0x2  }
0x91: {  	s15 =	simm.s32 $0xA;
	s4 =	simm.s32 $0x10  }
0x92: {  	[smem:s4], [sflag:s15] =	dma.local [hbm:s2], $0x1  }
0x93: {  	_ =	swait.eq [sflag:s15], $0x1  }
0x94: {  	[sflag:s15] =	ssyncset.done $0x0  }
0x95: {  	[sflag:s15] =	ssyncadd.s32 $0xFFFFFFFF  }
0x96: {  	s16 =	sld [smem:$0x11];
	(tm) =	ssettm $0x1  }
0x97: {  	s17 =	sld [smem:$0x3FFB];
	_ =	sdelay $0x3  }
0x98: {  	_ =	strace s17  }
0x99: {  	s3 =	sld [smem:$0x3FFC];
	_ =	sdelay $0x3  }
0x9a: {  	_ =	strace s3  }
0x9b: {  	s3 =	sld [smem:$0x3FFD];
	_ =	sdelay $0x3  }
0x9c: {  	_ =	strace s3  }
0x9d: {  	_ =	strace $0x8FFFFFFF  }
0x9e: {  	s18 =	sld [smem:$0x3FDB];
	_ =	sdelay $0x1  }
0x9f: {  	s19 =	simm.s32 $_scs_section_size  }
0xa0: {  	s5 =	simm.s32 $_size__tile_overlayer_lowered;
	s6 =	simm.s32 $_tile_overlayer_lowered  }
0xa1: {  	s22 =	simm.s32 $0x1BFF;
	s21 =	sshll.u32 s6, $0x1;
	s3 =	sadd.s32 s19, s18  }
0xa2: {  	s7 =	simm.s32 $0x0;
	s20 =	sshll.u32 s5, $0x1;
	s5 =	sadd.s32 s21, s3  }
0xa3: {  	[timem:s7], [sflag:s22] =	dma.local [hbm:s5], s20  }
0xa4: {  	_ =	swait.ge [sflag:s22], s20  }
0xa5: {  	s4 =	ssub.s32 $0x0, s20;
	[sflag:s22] =	ssyncset.done $0x0  }
0xa6: {  	[sflag:s22] =	ssyncadd.s32 s4;
	_ =	sdelay $0x1  }
0xa7: {  	s23 =	simm.s32 $0x1B8B  }
0xa8: {  	_ =	swait.ge [sflag:s23], $0x1  }
0xa9: {  	[sflag:s23] =	ssyncset.done $0x0  }
0xaa: {  	s25 =	simm.s32 $0x1B8E;
	s24 =	sld [smem:$0x3FFE];
	[sflag:s23] =	ssyncadd.s32 $0xFFFFFFFF  }
0xab: {  	s26 =	simm.s32 $execute0_lowered;
	[smem:$0x3FD2] =	sst s25  }
0xac: {  	s5 =	sshll.u32 s26, $0x1;
	_ =	strace $0x8000004C;
	[dreg:$0x1] =	wrdreg $0xFFFFFFFF  }
0xad: {  	s28 =	simm.s32 $_size_execute0_lowered;
	s3 =	sadd.s32 s3, s5;
	[dreg:$0x0] =	wrdreg $0x0  }
0xae: {  	s5 =	sshll.u32 s28, $0x1;
	[dreg:$0x2] =	wrdreg s3  }
0xaf: {  	[dreg:$0x3] =	wrdreg s5  }
0xb0: {  	[dreg:$0x4] =	wrdreg $0xC0  }
0xb1: {  	_ =	task [dreg:s7], $0x5FFFF  }
0xb2: {  	[dreg:$0x1] =	wrdreg $0xFFFFFFFF  }
0xb3: {  	[dreg:$0x0] =	wrdreg $0x60  }
0xb4: {  	[dreg:$0x2] =	wrdreg s24  }
0xb5: {  	[dreg:$0x3] =	wrdreg s16  }
0xb6: {  	[dreg:$0x4] =	wrdreg $0x4C800  }
0xb7: {  	[dreg:$0x5] =	wrdreg $0x9  }
0xb8: {  	_ =	task.clear_ibuf [dreg:s7], $0x6FFFF;
	_ =	strace $0x9000004C  }
0xb9: {  	s29 =	simm.s32 $0x9;
	_ =	strace $0x8000004E  }
0xba: {  	_ =	swait.ge [sflag:s29], $0x1  }
0xbb: {  	[sflag:s29] =	ssyncadd.s32 $0xFFFFFFFF  }
0xbc: {  	_ =	strace $0x9000004E  }
0xbd: {  	_ =	sfence  }
0xbe: {  	s30 =	sld [smem:$0x0];
	_ =	sdelay $0x2  }
0xbf: {  	s31 =	sshll.u32 s1, $0xD;
	s1 =	sshrl.u32 s1, $0x2  }
0xc0: {  	s3 =	sand.u32 $0x4000, s31;
	s1 =	sadd.s32 s1, s30  }
0xc1: {  	s0 =	sor.u32 s3, s0;
	s1 =	sshll.u32 s1, $0x11  }
0xc2: {  	s0 =	sor.u32 s1, s0  }
0xc3: {  	s0 =	sadd.s32 $0x8F2B, s0  }
0xc4: {  	[sflag:s0] =	ssyncadd.remote.s32 $0x1  }
0xc5: {  	_ =	sfence.sel $0xFFFF  }
0xc6: {  	[dreg:$0x0] =	wrdreg $0xFFFFFFFF;
	(pc) =	sbr.abs _section_cstart, $3  }
0xc7: {  	[dreg:$0x1] =	wrdreg $0xFFFFFFFF  }
0xc8: {  	_ =	task.clear_ibuf [dreg:s7], $0x2FFFF;
	_ =	strace $0x9FFFFFFF  }
0xc9: {  	(tm) =	ssettm $0x7FFFFFFF  }
tec
execute0_lowered:
.L_overlay_start_1:
0x0: {  	(tag) =	ssettag $0x1  }
0x1: {  	s0 =	rddreg [dreg:$0x0]  }
0x2: {  	s2 =	rddreg [dreg:$0x1]  }
0x3: {  	s1 =	rddreg [dreg:$0x2];
	s3 =	simm.s32 $0x0;
	s5 =	srdreg.scid  }
0x4: {  	s13 =	stileid.u32;
	s17 =	simm.s32 $0x8;
	s20 =	simm.s32 $0x1  }
0x5: {  	s21 =	simm.s32 $0x80;
	s22 =	simm.s32 $0x0;
	s9 =	smul.u32 $0x30E0, s13  }
0x6: {  	[smem:$0x7FF] =	sst s3;
	s8 =	sand.u32 $0x1, s5;
	s26 =	smul.u32 $0x18700, s13  }
0x7: {  	s4 =	sadd.s32 $0xF7000, s0;
	s5 =	sadd.s32 $0x33400, s0;
	s10 =	smul.u32 $0x30E00, s8  }
0x8: {  	s6 =	sadd.s32 $0x2400, s0;
	s7 =	sadd.s32 $0x64400, s0;
	s12 =	smul.u32 $0xC350, s8  }
0x9: {  	_ =	strace $0x8000004D;
	s11 =	ssub.s32 $0x2, s8;
	s8 =	smul.u32 $0x18800, s13  }
0xa: {  	s13 =	sshll.u32 s13, $0x6;
	s24 =	sadd.s32 s9, s10;
	s10 =	sshrl.u32 s26, $0x3  }
0xb: {  	s25 =	sshrl.u32 s11, $0x1;
	s29 =	sshrl.u32 s8, $0x3;
	s2 =	sadd.s32 s2, s10  }
0xc: {  	s28 =	sadd.s32 s26, s1;
	s30 =	sadd.s32 s5, s29;
	[dreg:$0x4] =	wrdreg s2  }
0xd: {  	s9 =	ssub.s32 s11, s25;
	s31 =	sadd.s32 s6, s29;
	[dreg:$0x5] =	wrdreg s30  }
0xe: {  	s0 =	sadd.s32 s24, s0;
	[dreg:$0x6] =	wrdreg s31;
	s2 =	sadd.s32 s7, s29  }
0xf: {  	v1 =	vlaneseq.u32;
	s16 =	sshrl.u32 s28, $0x3;
	s0 =	sadd.s32 $0x158C00, s0;
	[dreg:$0x7] =	wrdreg s2  }
0x10: {  	v1 =	vor.u32 $0xC350, v1;
	v0 =	vmov s12;
	s10 =	sor.u32 $0x1C08, s13;
	s15 =	smax.u32 s9, $0x1;
	[dreg:$0x8] =	wrdreg s0  }
.LBB2_1:
0x11: {  	s0 =	rddreg [dreg:$0x4]  }
0x12: {  	[spmem:s16], [sflag:s10] =	dma.local [hbm:s0], $0x30E0  }
0x13: {  	_ =	swait.ge [sflag:s17], $0x30E0  }
0x14: {  	[sflag:s17] =	ssyncset.done $0x0  }
0x15: {  	[sflag:s17] =	ssyncadd.s32 $0xFFFFCF20  }
0x16: {  	[bflag:$0x0] =	sbarrier.arrive $0xFFFF  }
0x17: {  	s2 =	simm.s32 $0x800;
	s28 =	rddreg [dreg:$0x5]  }
0x18: {  	[tilespmem:s3], [sflag:$0x1] =	stream.linear.gather [hbm4b:s28+s3], $0x400, $0x38;
	[tilespmem:$0x1D380] =	vst v63  }
0x19: {  	s31 =	simm.s32 $0x1000;
	s24 =	simm.s32 $0x0;
	s29 =	rddreg [dreg:$0x6]  }
0x1a: {  	[tilespmem:s2], [sflag:$0x1] =	stream.linear.gather [hbm4b:s29+s3], $0x400, $0x38;
	[tilespmem:$0x1D380] =	vst v63  }
0x1b: {  	s23 =	simm.s32 $0x0;
	s0 =	simm.s32 $0x0;
	s30 =	rddreg [dreg:$0x7]  }
0x1c: {  	[tilespmem:s31], [sflag:$0x1] =	stream.linear.gather [hbm4b:s30+s3], $0x400, $0x38;
	[tilespmem:$0x1D380] =	vst v63  }
.LBB2_3:
0x1d: {  	_ =	swait.ge [sflag:s20], $0x400  }
0x1e: {  	[sflag:s20] =	ssyncset.done $0x0  }
0x1f: {  	[sflag:s20] =	ssyncadd.s32 $0xFFFFFC00  }
0x20: {  	s2 =	smov.u32 s23;
	_ =	swait.ge [sflag:s20], $0x400  }
0x21: {  	s23 =	sadd.s32 $0x1, s23;
	p0 =	seq.s32 s2, $0x61;
	[sflag:s20] =	ssyncset.done $0x0  }
0x22: {  	s9 =	sshll.u32 @!p0 s23, $0xA;
	s2 =	sshll.u32 @!p0 s2, $0xA;
	[sflag:s20] =	ssyncadd.s32 $0xFFFFFC00  }
0x23: {  	s13 =	simm.s32 @!p0 $0x0;
	s9 =	sadd.s32 @!p0 s8, s9;
	_ =	swait.ge [sflag:s20], $0x400  }
0x24: {  	s2 =	sand.u32 @!p0 $0x400, s2;
	s9 =	sshrl.u32 @!p0 s9, $0x3;
	[sflag:s20] =	ssyncset.done $0x0  }
0x25: {  	s11 =	sxor.u32 @!p0 $0x400, s2;
	s12 =	sadd.s32 @!p0 s5, s9;
	[sflag:s20] =	ssyncadd.s32 $0xFFFFFC00  }
0x26: {  	[tilespmem:s11], [sflag:$0x1] =	stream.linear.gather @!p0 [hbm4b:s12+s13], $0x400, $0x38;
	[tilespmem:$0x1D380] =	vst v63  }
0x27: {  	s18 =	smulhi.u32 $0x55555556, s24;
	s11 =	sxor.u32 @!p0 $0xC00, s2;
	s12 =	sadd.s32 @!p0 s6, s9  }
0x28: {  	[tilespmem:s11], [sflag:$0x1] =	stream.linear.gather @!p0 [hbm4b:s12+s13], $0x400, $0x38;
	[tilespmem:$0x1D380] =	vst v63  }
0x29: {  	s19 =	sshra.s32 s24, $0x1F;
	s9 =	sadd.s32 @!p0 s7, s9;
	s11 =	sxor.u32 @!p0 $0x1400, s2  }
0x2a: {  	[tilespmem:s11], [sflag:$0x1] =	stream.linear.gather @!p0 [hbm4b:s9+s13], $0x400, $0x38;
	[tilespmem:$0x1D380] =	vst v63  }
0x2b: {  	s11 =	smul.u32 $0x55555556, s19;
	_ =	sdelay $0x1  }
0x2c: {  	s2 =	simm.s32 @p0 $0x400;
	s9 =	sadd.s32 s11, s18  }
0x2d: {  	s25 =	sor.u32 $0x800, s2;
	v3 =	vmov s2;
	s26 =	sshrl.u32 s9, $0x1F  }
0x2e: {  	v2 =	vmov s25;
	s9 =	sadd.s32 s26, s9  }
0x2f: {  	s9 =	smul.u32 $0x3, s9  }
0x30: {  	s28 =	sor.u32 $0x1000, s2  }
0x31: {  	s14 =	simm.s32 $0x0;
	v6 =	vmov s28;
	s9 =	ssub.s32 s24, s9  }
0x32: {  	v9 =	vld.idx.msk [tilespmem:v3+s14+$0x0 ss:$0x1], $0xffff;
	s29 =	sshll.u32 s9, $0x9  }
0x33: {  	v8 =	vld.idx.msk [tilespmem:v2+s14+$0x0 ss:$0x1], $0xffff;
	s30 =	sshra.s32 s29, $0x2  }
0x34: {  	s11 =	sadd.s32 $0x1800, s30  }
0x35: {  	s31 =	sadd.s32 $0x1980, s30;
	v7 =	vmov s11  }
0x36: {  	v10 =	vld.idx.msk [tilespmem:v6+s14+$0x0 ss:$0x1], $0xffff;
	s12 =	sadd.s32 $0x1B00, s30;
	v4 =	vmov s31  }
0x37: {  	v5 =	vmov s12  }
0x38: {  	vm0 =	vgt.s32 v9, $0xC34F;
	v11 =	vadd.s32 $0x30, v9;
	v8 =	vsub.s32 v8, v0;
	s12 =	simm.s32 $0x0  }
0x39: {  	v9 =	vsel vm0, v11, v9;
	vm15 =	vlt.u32 v8, $0xC350;
	v11 =	vadd.s32 s12, v1  }
0x3a: {  	v8 =	vsel vm15, v8, v11;
	[tilespmem:v7+s14+$0x0 ss:$0x1] =	vst.idx.msk $0xffff, v9  }
0x3b: {  	v9 =	vnsel vm15, $0x0, v10;
	[tilespmem:v4+s14+$0x0 ss:$0x1] =	vst.idx.msk $0xffff, v8  }
0x3c: {  	s13 =	simm.s32 $0x10;
	[tilespmem:v5+s14+$0x0 ss:$0x1] =	vst.idx.msk $0xffff, v9  }
0x3d: {  	v9 =	vld.idx.msk [tilespmem:v2+s13+$0x0 ss:$0x1], $0xffff  }
0x3e: {  	s14 =	simm.s32 $0x80;
	v8 =	vld.idx.msk [tilespmem:v3+s13+$0x0 ss:$0x1], $0xffff  }
.LBB2_4:
0x3f: {  	p0 =	sne.s32 s14, $0x1C0;
	v10 =	vld.idx.msk [tilespmem:v6+s13+$0x0 ss:$0x1], $0xffff;
	_ =	sdelay $0x4  }
0x40: {  	s12 =	sadd.s32 $0x1, s12;
	v9 =	vsub.s32 v9, v0;
	vm0 =	vgt.s32 v8, $0xC34F;
	v11 =	vadd.s32 $0x30, v8  }
0x41: {  	v8 =	vsel vm0, v11, v8;
	vm0 =	vlt.u32 v9, $0xC350;
	v11 =	vadd.s32 s12, v1  }
.Ltmp0:
0x42: {  	[tilespmem:v7+s13+$0x0 ss:$0x1] =	vst.idx.msk $0xffff, v8;
	v8 =	vsel vm0, v9, v11;
	v9 =	vnsel vm0, $0x0, v10;
	(pc) =	sbr.rel @p0 .LBB2_4-.Ltmp0, $4  }
0x43: {  	[tilespmem:v4+s13+$0x0 ss:$0x1] =	vst.idx.msk $0xffff, v8  }
0x44: {  	[tilespmem:v5+s13+$0x0 ss:$0x1] =	vst.idx.msk $0xffff, v9;
	s13 =	sshra.s32 s14, $0x2  }
0x45: {  	v9 =	vld.idx.msk [tilespmem:v2+s13+$0x0 ss:$0x1], $0xffff  }
0x46: {  	s14 =	sadd.s32 $0x40, s14;
	v8 =	vld.idx.msk [tilespmem:v3+s13+$0x0 ss:$0x1], $0xffff  }
0x47: {  	_ =	sdelay $0x3  }
0x48: {  	v2 =	vld.idx.msk [tilespmem:v6+s13+$0x0 ss:$0x1], $0xffff;
	_ =	sdelay $0x1  }
0x49: {  	s12 =	sadd.s32 $0x1, s12;
	v62 =	vsub.s32 v9, v0;
	vm0 =	vgt.s32 v8, $0xC34F;
	v3 =	vadd.s32 $0x30, v8  }
0x4a: {  	v63 =	vadd.s32 s12, v1;
	vm15 =	vlt.u32 v62, $0xC350;
	v3 =	vsel vm0, v3, v8  }
0x4b: {  	s26 =	sshll.u32 s9, $0xE;
	s28 =	sadd.s32 $0x2, s9;
	[tilespmem:v7+s13+$0x0 ss:$0x1] =	vst.idx.msk $0xffff, v3;
	v3 =	vsel vm15, v62, v63  }
0x4c: {  	s29 =	sadd.s32 $0x880, s2;
	s30 =	sadd.s32 $0x1080, s2;
	s12 =	sshra.s32 s26, $0x2;
	v2 =	vnsel vm15, $0x0, v2;
	[tilespmem:v4+s13+$0x0 ss:$0x1] =	vst.idx.msk $0xffff, v3  }
0x4d: {  	s31 =	simm.s32 $0x0;
	s26 =	sadd.s32 $0x80, s2;
	s12 =	sadd.s32 $0x1C80, s12;
	[tilespmem:v5+s13+$0x0 ss:$0x1] =	vst.idx.msk $0xffff, v2  }
0x4e: {  	[tilespmem:s12], [sflag:s28] =	stream.indirect.gather [hbm4b:s4+s21], $0x20, s11, s21, $0xb8;
	[tilespmem:$0x1D380] =	vst v63  }
.LBB2_6:
0x4f: {  	s2 =	sadd.s32 $0xFFFFFFFE, s24  }
0x50: {  	p0 =	slt.s32 s2, $0x0  }
0x51: {  	p1 =	slt.s32 @!p0 s2, s0  }
0x52: {  	p0 =	por p1, p0  }
0x53: {  	s18 =	smov.u32 s0;
	s0 =	smulhi.u32 @!p0 $0xAAAAAAAB, s2;
	_ =	sdelay $0x1  }
0x54: {  	s0 =	sshrl.u32 @!p0 s0, $0x1  }
0x55: {  	s0 =	smul.u32 @!p0 $0x3, s0  }
0x56: {  	p1 =	seq.s32 s31, $0x7  }
.Ltmp1:
0x57: {  	s0 =	ssub.s32 @!p0 s2, s0;
	(pc) =	sbr.rel @p1 .LBB2_10-.Ltmp1, $4  }
0x58: {  	s0 =	sadd.s32 @!p0 $0x5, s0  }
0x59: {  	_ =	swait.ge @!p0 [sflag:s0], $0x1000  }
0x5a: {  	[sflag:s0] =	ssyncset.done @!p0 $0x0  }
0x5b: {  	s25 =	smov.u32 s24;
	s24 =	sadd.s32 $0x1, s24;
	[sflag:s0] =	ssyncadd.s32 @!p0 $0xFFFFF000  }
0x5c: {  	s0 =	smulhi.u32 $0x55555556, s24;
	s2 =	sshra.s32 s24, $0x1F  }
0x5d: {  	s2 =	smul.u32 $0x55555556, s2;
	_ =	sdelay $0x1  }
0x5e: {  	s0 =	sadd.s32 s2, s0  }
0x5f: {  	v2 =	vmov s29;
	s2 =	sshrl.u32 s0, $0x1F  }
0x60: {  	v5 =	vmov s26;
	s0 =	sadd.s32 s2, s0  }
0x61: {  	s0 =	smul.u32 $0x3, s0;
	_ =	sdelay $0x1  }
0x62: {  	v6 =	vmov s30;
	s12 =	simm.s32 $0x0;
	s0 =	ssub.s32 s24, s0  }
0x63: {  	v8 =	vld.idx.msk [tilespmem:v2+s12+$0x0 ss:$0x1], $0xffff;
	s28 =	sshll.u32 s0, $0x9  }
0x64: {  	v9 =	vld.idx.msk [tilespmem:v5+s12+$0x0 ss:$0x1], $0xffff;
	s9 =	sshra.s32 s28, $0x2  }
0x65: {  	s2 =	sadd.s32 $0x1800, s9  }
0x66: {  	s11 =	sadd.s32 $0x1980, s9;
	v7 =	vmov s2  }
0x67: {  	v10 =	vld.idx.msk [tilespmem:v6+s12+$0x0 ss:$0x1], $0xffff;
	s9 =	sadd.s32 $0x1B00, s9;
	v3 =	vmov s11  }
0x68: {  	v4 =	vmov s9  }
0x69: {  	vm0 =	vgt.s32 v9, $0xC34F;
	v11 =	vadd.s32 $0x30, v9;
	v8 =	vsub.s32 v8, v0;
	s9 =	simm.s32 $0x0  }
0x6a: {  	v9 =	vsel vm0, v11, v9;
	vm15 =	vlt.u32 v8, $0xC350;
	v11 =	vadd.s32 s9, v1  }
0x6b: {  	v8 =	vsel vm15, v8, v11;
	[tilespmem:v7+s12+$0x0 ss:$0x1] =	vst.idx.msk $0xffff, v9  }
0x6c: {  	v9 =	vnsel vm15, $0x0, v10;
	[tilespmem:v3+s12+$0x0 ss:$0x1] =	vst.idx.msk $0xffff, v8  }
0x6d: {  	s11 =	simm.s32 $0x10;
	[tilespmem:v4+s12+$0x0 ss:$0x1] =	vst.idx.msk $0xffff, v9  }
0x6e: {  	v9 =	vld.idx.msk [tilespmem:v2+s11+$0x0 ss:$0x1], $0xffff  }
0x6f: {  	s12 =	simm.s32 $0x80;
	v8 =	vld.idx.msk [tilespmem:v5+s11+$0x0 ss:$0x1], $0xffff  }
.LBB2_8:
0x70: {  	p0 =	sne.s32 s12, $0x1C0;
	v10 =	vld.idx.msk [tilespmem:v6+s11+$0x0 ss:$0x1], $0xffff;
	_ =	sdelay $0x4  }
0x71: {  	s9 =	sadd.s32 $0x1, s9;
	v9 =	vsub.s32 v9, v0;
	vm0 =	vgt.s32 v8, $0xC34F;
	v11 =	vadd.s32 $0x30, v8  }
0x72: {  	v8 =	vsel vm0, v11, v8;
	vm0 =	vlt.u32 v9, $0xC350;
	v11 =	vadd.s32 s9, v1  }
.Ltmp2:
0x73: {  	[tilespmem:v7+s11+$0x0 ss:$0x1] =	vst.idx.msk $0xffff, v8;
	v8 =	vsel vm0, v9, v11;
	v9 =	vnsel vm0, $0x0, v10;
	(pc) =	sbr.rel @p0 .LBB2_8-.Ltmp2, $4  }
0x74: {  	[tilespmem:v3+s11+$0x0 ss:$0x1] =	vst.idx.msk $0xffff, v8  }
0x75: {  	[tilespmem:v4+s11+$0x0 ss:$0x1] =	vst.idx.msk $0xffff, v9;
	s11 =	sshra.s32 s12, $0x2  }
0x76: {  	v9 =	vld.idx.msk [tilespmem:v2+s11+$0x0 ss:$0x1], $0xffff  }
0x77: {  	s12 =	sadd.s32 $0x40, s12;
	v8 =	vld.idx.msk [tilespmem:v5+s11+$0x0 ss:$0x1], $0xffff  }
0x78: {  	_ =	sdelay $0x3  }
0x79: {  	v2 =	vld.idx.msk [tilespmem:v6+s11+$0x0 ss:$0x1], $0xffff;
	_ =	sdelay $0x1  }
0x7a: {  	s9 =	sadd.s32 $0x1, s9;
	v61 =	vsub.s32 v9, v0;
	vm0 =	vgt.s32 v8, $0xC34F;
	v5 =	vadd.s32 $0x30, v8  }
0x7b: {  	v62 =	vadd.s32 s9, v1;
	vm15 =	vlt.u32 v61, $0xC350;
	v5 =	vsel vm0, v5, v8  }
0x7c: {  	s19 =	sshll.u32 s0, $0xE;
	v63 =	vsel vm15, v61, v62;
	[tilespmem:v7+s11+$0x0 ss:$0x1] =	vst.idx.msk $0xffff, v5  }
0x7d: {  	s9 =	sshra.s32 s19, $0x2;
	v2 =	vnsel vm15, $0x0, v2;
	[tilespmem:v3+s11+$0x0 ss:$0x1] =	vst.idx.msk $0xffff, v63  }
0x7e: {  	s28 =	sadd.s32 $0x2, s0;
	s9 =	sadd.s32 $0x1C80, s9;
	[tilespmem:v4+s11+$0x0 ss:$0x1] =	vst.idx.msk $0xffff, v2  }
0x7f: {  	[tilespmem:s9], [sflag:s28] =	stream.indirect.gather [hbm4b:s4+s21], $0x20, s2, s21, $0xb8;
	[tilespmem:$0x1D380] =	vst v63  }
.LBB2_10:
0x80: {  	s0 =	smulhi.u32 $0x55555556, s25;
	s2 =	sshra.s32 s25, $0x1F  }
0x81: {  	s2 =	smul.u32 $0x55555556, s2;
	_ =	sdelay $0x1  }
0x82: {  	s0 =	sadd.s32 s2, s0  }
0x83: {  	s2 =	sshrl.u32 s0, $0x1F  }
0x84: {  	s0 =	sadd.s32 s2, s0  }
0x85: {  	s0 =	smul.u32 $0x3, s0;
	_ =	sdelay $0x1  }
0x86: {  	s2 =	ssub.s32 s25, s0  }
0x87: {  	s0 =	sadd.s32 $0x2, s2  }
0x88: {  	s9 =	sshll.u32 s2, $0xE;
	_ =	swait.ge [sflag:s0], $0x1000  }
0x89: {  	s11 =	sshra.s32 s9, $0x2;
	[sflag:s0] =	ssyncset.done $0x0  }
0x8a: {  	s19 =	sadd.s32 $0x1D80, s11;
	[sflag:s0] =	ssyncadd.s32 $0xFFFFF000  }
0x8b: {  	v8 =	vld [tilespmem:s19+$0xFFFFFFA0]  }
0x8c: {  	s13 =	sshll.u32 s2, $0x9;
	v5 =	vld [tilespmem:s19+$0xFFFFFFF0]  }
0x8d: {  	s9 =	sshra.s32 s13, $0x2;
	v2 =	vld [tilespmem:s19+$0xFFFFFF60]  }
0x8e: {  	s0 =	sadd.s32 $0x1B00, s9;
	v9 =	vld [tilespmem:s19+$0xFFFFFFD0]  }
0x8f: {  	v6 =	vmov s0;
	v10 =	vld [tilespmem:s19+$0x80]  }
0x90: {  	v13 =	vld [tilespmem:s19+$0xFFFFFF10]  }
0x91: {  	v17 =	vld [tilespmem:s19+$0xE0]  }
0x92: {  	v12 =	vld [tilespmem:s19+$0xFFFFFF40]  }
0x93: {  	s14 =	simm.s32 $0x0;
	v4 =	vld [tilespmem:s19+$0xFFFFFF90]  }
0x94: {  	v3 =	vld.idx.msk [tilespmem:v6+s14+$0x0 ss:$0x1], $0xffff  }
0x95: {  	v11 =	vld [tilespmem:s19+$0xFFFFFFC0]  }
0x96: {  	v15 =	vld [tilespmem:s19+$0xFFFFFF00]  }
0x97: {  	v14 =	vld [tilespmem:s19+$0xD0]  }
0x98: {  	v24 =	vld [tilespmem:s19+$0xC0]  }
0x99: {  	v21 =	vld [tilespmem:s19+$0x90];
	v20 =	vbroadcast v3, $0x0;
	v7 =	vbroadcast v3, $0xF  }
0x9a: {  	s28 =	sadd.s32 $0xFFFFFFFF, s25;
	s31 =	sadd.s32 $0x1, s31;
	v23 =	vld [tilespmem:s19+$0xFFFFFF50];
	v22 =	vbroadcast v3, $0x2;
	v18 =	vbroadcast v3, $0xE  }
0x9b: {  	s12 =	simm.s32 $0x40;
	p0 =	sgt.s32 s18, s28;
	s0 =	smov.u32 s28;
	v19 =	vld [tilespmem:s19+$0xB0];
	v16 =	vbroadcast v3, $0xC;
	v26 =	vmul.f32 v20, v15  }
0x9c: {  	s11 =	sadd.s32 $0x1C80, s11;
	s13 =	smov.u32 s19;
	s0 =	smov.u32 @p0 s18;
	v15 =	vbroadcast v3, $0xD;
	v25 =	vmul.f32 v12, v22;
	v12 =	vld [tilespmem:s19+$0x60]  }
.LBB2_11:
0x9d: {  	p0 =	sne.s32 s12, $0x1C0  }
0x9e: {  	[tilespmem:s19+$0xFFFFFF00] =	vst v26;
	v26 =	vld [tilespmem:s19+$0xFFFFFFB0];
	v24 =	vmul.f32 v24, v18;
	v17 =	vmul.f32 v17, v7;
	s13 =	sadd.s32 $0x200, s13;
	s14 =	smov.u32 s12;
	s12 =	sadd.s32 $0x40, s12  }
0x9f: {  	[tilespmem:s19+$0xFFFFFF40] =	vst v25;
	v25 =	vbroadcast v3, $0xA;
	v21 =	vmul.f32 v21, v16;
	v27 =	vld [tilespmem:s19+$0xA0]  }
0xa0: {  	v13 =	vmul.f32 v13, v20;
	v20 =	vmul.f32 v23, v22;
	v22 =	vld [tilespmem:s19+$0x70];
	[tilespmem:s19+$0xE0] =	vst v17  }
0xa1: {  	v17 =	vbroadcast v3, $0x5;
	v23 =	vld [tilespmem:s19+$0xFFFFFFE0];
	v19 =	vmul.f32 v19, v15;
	[tilespmem:s19+$0xC0] =	vst v24  }
0xa2: {  	v14 =	vmul.f32 v14, v18;
	[tilespmem:s19+$0xFFFFFF10] =	vst v13;
	v13 =	vbroadcast v3, $0x6;
	v24 =	vld [tilespmem:s19+$0x40]  }
0xa3: {  	v28 =	vbroadcast v3, $0xB;
	v8 =	vmul.f32 v8, v17;
	v18 =	vld [tilespmem:s19+$0xFFFFFF20];
	[tilespmem:s19+$0x90] =	vst v21  }
0xa4: {  	v21 =	vbroadcast v3, $0x9;
	[tilespmem:s19+$0xFFFFFF50] =	vst v20;
	v20 =	vld [tilespmem:s19+$0x20];
	v15 =	vmul.f32 v27, v15  }
0xa5: {  	v17 =	vmul.f32 v26, v17;
	v26 =	vld [tilespmem:s19+$0x50];
	v22 =	vmul.f32 v22, v28;
	[tilespmem:s19+$0xD0] =	vst v14  }
0xa6: {  	v10 =	vmul.f32 v10, v16;
	v14 =	vbroadcast v3, $0x7;
	v27 =	vld [tilespmem:s19+$0x30];
	[tilespmem:s19+$0xA0] =	vst v15  }
0xa7: {  	v11 =	vmul.f32 v11, v13;
	v15 =	vbroadcast v3, $0x3;
	v16 =	vld [tilespmem:s19+$0x0];
	[tilespmem:s19+$0x70] =	vst v22  }
0xa8: {  	v12 =	vmul.f32 v12, v28;
	v9 =	vmul.f32 v9, v13;
	v13 =	vld [tilespmem:s19+$0x10];
	[tilespmem:s19+$0x80] =	vst v10  }
0xa9: {  	v22 =	vbroadcast v3, $0x8;
	v24 =	vmul.f32 v24, v25;
	v10 =	vld [tilespmem:s19+$0xFFFFFF30];
	[tilespmem:s19+$0xB0] =	vst v19  }
0xaa: {  	v19 =	vbroadcast v3, $0x1;
	v28 =	vld [tilespmem:s19+$0xFFFFFF70];
	[tilespmem:s19+$0xFFFFFFD0] =	vst v9;
	v25 =	vmul.f32 v26, v25  }
0xab: {  	v5 =	vmul.f32 v5, v14;
	v9 =	vmul.f32 v23, v14;
	[tilespmem:s19+$0xFFFFFFC0] =	vst v11;
	v11 =	vld [tilespmem:s19+$0xF0]  }
0xac: {  	v23 =	vmul.f32 v27, v21;
	v14 =	vld [tilespmem:s19+$0xFFFFFF80];
	[tilespmem:s19+$0xFFFFFFA0] =	vst v8;
	v16 =	vmul.f32 v16, v22  }
0xad: {  	v8 =	vld [tilespmem:s13+$0xFFFFFFA0];
	[tilespmem:s19+$0xFFFFFFF0] =	vst v5;
	v22 =	vmul.f32 v13, v22;
	v13 =	vmul.f32 v20, v21  }
0xae: {  	v5 =	vmul.f32 v18, v19;
	v18 =	vmul.f32 v10, v19;
	[tilespmem:s19+$0x60] =	vst v12  }
0xaf: {  	v2 =	vmul.f32 v2, v15;
	v10 =	vmul.f32 v28, v15;
	[tilespmem:s19+$0xFFFFFFB0] =	vst v17  }
0xb0: {  	v3 =	vbroadcast v3, $0x4;
	[tilespmem:s19+$0xFFFFFF20] =	vst v5;
	v5 =	vmul.f32 v11, v7  }
0xb1: {  	[tilespmem:s19+$0xFFFFFF60] =	vst v2  }
0xb2: {  	v7 =	vmul.f32 v14, v3;
	v2 =	vmul.f32 v4, v3;
	[tilespmem:s19+$0x40] =	vst v24  }
0xb3: {  	[tilespmem:s19+$0xFFFFFFE0] =	vst v9  }
0xb4: {  	[tilespmem:s19+$0xF0] =	vst v5  }
0xb5: {  	[tilespmem:s19+$0xFFFFFF90] =	vst v2  }
0xb6: {  	[tilespmem:s19+$0xFFFFFF70] =	vst v10  }
0xb7: {  	v5 =	vld [tilespmem:s13+$0xFFFFFFF0];
	[tilespmem:s19+$0x20] =	vst v13  }
0xb8: {  	v2 =	vld [tilespmem:s13+$0xFFFFFF60];
	[tilespmem:s19+$0x30] =	vst v23  }
0xb9: {  	v9 =	vld [tilespmem:s13+$0xFFFFFFD0];
	[tilespmem:s19+$0xFFFFFF80] =	vst v7  }
0xba: {  	v10 =	vld [tilespmem:s13+$0x80];
	[tilespmem:s19+$0x50] =	vst v25  }
0xbb: {  	v13 =	vld [tilespmem:s13+$0xFFFFFF10];
	[tilespmem:s19+$0x0] =	vst v16  }
0xbc: {  	v17 =	vld [tilespmem:s13+$0xE0];
	[tilespmem:s19+$0xFFFFFF30] =	vst v18  }
0xbd: {  	s14 =	sshra.s32 s14, $0x2;
	v12 =	vld [tilespmem:s13+$0xFFFFFF40];
	[tilespmem:s19+$0x10] =	vst v22;
	s19 =	smov.u32 s13  }
0xbe: {  	v3 =	vld.idx.msk [tilespmem:v6+s14+$0x0 ss:$0x1], $0xffff  }
0xbf: {  	v4 =	vld [tilespmem:s13+$0xFFFFFF90]  }
0xc0: {  	v11 =	vld [tilespmem:s13+$0xFFFFFFC0]  }
0xc1: {  	v15 =	vld [tilespmem:s13+$0xFFFFFF00]  }
0xc2: {  	v14 =	vld [tilespmem:s13+$0xD0]  }
.Ltmp3:
0xc3: {  	v24 =	vld [tilespmem:s13+$0xC0];
	(pc) =	sbr.rel @p0 .LBB2_11-.Ltmp3, $4  }
0xc4: {  	v20 =	vbroadcast v3, $0x0;
	v7 =	vbroadcast v3, $0xF;
	v21 =	vld [tilespmem:s13+$0x90]  }
0xc5: {  	v22 =	vbroadcast v3, $0x2;
	v18 =	vbroadcast v3, $0xE;
	v23 =	vld [tilespmem:s13+$0xFFFFFF50]  }
0xc6: {  	v26 =	vmul.f32 v20, v15;
	v15 =	vbroadcast v3, $0xD;
	v19 =	vld [tilespmem:s13+$0xB0]  }
0xc7: {  	v16 =	vbroadcast v3, $0xC;
	v25 =	vmul.f32 v12, v22;
	v12 =	vld [tilespmem:s13+$0x60]  }
0xc8: {  	[tilespmem:s19+$0xFFFFFF00] =	vst v26;
	v6 =	vmul.f32 v17, v7  }
0xc9: {  	v63 =	vmul.f32 v24, v18;
	[tilespmem:s19+$0xFFFFFF40] =	vst v25  }
0xca: {  	v13 =	vmul.f32 v13, v20;
	[tilespmem:s19+$0xE0] =	vst v6  }
0xcb: {  	v33 =	vmul.f32 v14, v18;
	[tilespmem:s19+$0xC0] =	vst v63  }
0xcc: {  	v30 =	vmul.f32 v21, v16;
	[tilespmem:s19+$0xFFFFFF10] =	vst v13  }
0xcd: {  	v39 =	vbroadcast v3, $0x6;
	v10 =	vmul.f32 v10, v16;
	[tilespmem:s19+$0xD0] =	vst v33  }
0xce: {  	v32 =	vmul.f32 v23, v22;
	[tilespmem:s19+$0x90] =	vst v30  }
0xcf: {  	v43 =	vbroadcast v3, $0x5;
	v9 =	vmul.f32 v9, v39;
	[tilespmem:s19+$0x80] =	vst v10  }
0xd0: {  	v45 =	vbroadcast v3, $0x7;
	v11 =	vmul.f32 v11, v39;
	[tilespmem:s19+$0xFFFFFF50] =	vst v32  }
0xd1: {  	v52 =	vbroadcast v3, $0x3;
	v8 =	vmul.f32 v8, v43;
	[tilespmem:s19+$0xFFFFFFD0] =	vst v9  }
0xd2: {  	v28 =	vld [tilespmem:s19+$0xA0];
	v57 =	vbroadcast v3, $0x4;
	v5 =	vmul.f32 v5, v45;
	[tilespmem:s19+$0xFFFFFFC0] =	vst v11  }
0xd3: {  	v29 =	vld [tilespmem:s19+$0x70];
	v2 =	vmul.f32 v2, v52;
	[tilespmem:s19+$0xFFFFFFA0] =	vst v8  }
0xd4: {  	v31 =	vld [tilespmem:s19+$0xFFFFFFB0];
	v35 =	vbroadcast v3, $0xB;
	v4 =	vmul.f32 v4, v57;
	[tilespmem:s19+$0xFFFFFFF0] =	vst v5  }
0xd5: {  	v34 =	vld [tilespmem:s19+$0xFFFFFF20];
	v41 =	vmul.f32 v19, v15;
	[tilespmem:s19+$0xFFFFFF60] =	vst v2  }
0xd6: {  	v38 =	vld [tilespmem:s19+$0x40];
	v12 =	vmul.f32 v12, v35;
	[tilespmem:s19+$0xFFFFFF90] =	vst v4  }
0xd7: {  	v36 =	vld [tilespmem:s19+$0xFFFFFFE0];
	v37 =	vmul.f32 v28, v15;
	[tilespmem:s19+$0xB0] =	vst v41  }
0xd8: {  	v50 =	vbroadcast v3, $0x1;
	v53 =	vld [tilespmem:s19+$0xF0];
	v20 =	vmul.f32 v29, v35;
	[tilespmem:s19+$0x60] =	vst v12  }
0xd9: {  	v47 =	vld [tilespmem:s19+$0xFFFFFF70];
	v54 =	vbroadcast v3, $0xA;
	v51 =	vmul.f32 v31, v43;
	[tilespmem:s19+$0xA0] =	vst v37  }
0xda: {  	v44 =	vld [tilespmem:s19+$0x30];
	v14 =	vmul.f32 v34, v50;
	[tilespmem:s19+$0x70] =	vst v20  }
0xdb: {  	v48 =	vld [tilespmem:s19+$0xFFFFFF80];
	v56 =	vmul.f32 v38, v54;
	[tilespmem:s19+$0xFFFFFFB0] =	vst v51  }
0xdc: {  	v42 =	vld [tilespmem:s19+$0x20];
	v6 =	vmul.f32 v36, v45;
	[tilespmem:s19+$0xFFFFFF20] =	vst v14  }
0xdd: {  	v46 =	vld [tilespmem:s19+$0x0];
	v58 =	vbroadcast v3, $0x9;
	v2 =	vmul.f32 v53, v7;
	[tilespmem:s19+$0x40] =	vst v56  }
0xde: {  	v40 =	vld [tilespmem:s19+$0x50];
	v59 =	vmul.f32 v47, v52;
	[tilespmem:s19+$0xFFFFFFE0] =	vst v6  }
0xdf: {  	v55 =	vld [tilespmem:s19+$0xFFFFFF30];
	v60 =	vmul.f32 v44, v58;
	[tilespmem:s19+$0xF0] =	vst v2  }
0xe0: {  	v49 =	vld [tilespmem:s19+$0x10];
	v3 =	vbroadcast v3, $0x8;
	v61 =	vmul.f32 v48, v57;
	[tilespmem:s19+$0xFFFFFF70] =	vst v59  }
0xe1: {  	v2 =	vmul.f32 v42, v58;
	[tilespmem:s19+$0x30] =	vst v60  }
0xe2: {  	v62 =	vmul.f32 v46, v3;
	[tilespmem:s19+$0xFFFFFF80] =	vst v61  }
0xe3: {  	p0 =	seq.s32 s31, $0x8;
	[tilespmem:s19+$0x20] =	vst v2;
	v2 =	vmul.f32 v40, v54  }
.Ltmp4:
0xe4: {  	v63 =	vmul.f32 v55, v50;
	[tilespmem:s19+$0x0] =	vst v62;
	(pc) =	sbr.rel @!p0 .LBB2_6-.Ltmp4, $4  }
0xe5: {  	[tilespmem:s19+$0x50] =	vst v2;
	v2 =	vmul.f32 v49, v3  }
0xe6: {  	s9 =	sadd.s32 $0x1980, s9;
	s2 =	sadd.s32 $0x5, s2;
	[tilespmem:s19+$0xFFFFFF30] =	vst v63  }
0xe7: {  	s26 =	sadd.s32 $0x80, s26;
	s29 =	sadd.s32 $0x80, s29;
	s30 =	sadd.s32 $0x80, s30;
	[tilespmem:s19+$0x10] =	vst v2  }
0xe8: {  	[spmem:s1] =	stream.indirect.scatter.add.f32 [tilespmem:s11], [sflag:s2], $0x20, s9, s21, $0xb8;
	[tilespmem:$0x1D380] =	vst v63  }
0xe9: {  	p0 =	seq.s32 s23, $0x62  }
.Ltmp5:
0xea: {  	_ = 	snop;
	(pc) =	sbr.rel @!p0 .LBB2_3-.Ltmp5, $1  }
0xeb: {  	_ =	sdelay $0x3  }
0xec: {  	p0 =	slt.s32 s28, $0x0  }
0xed: {  	p1 =	sgt.s32 @!p0 s18, s28  }
0xee: {  	p0 =	por p1, p0  }
0xef: {  	s2 =	smulhi.u32 @!p0 $0xAAAAAAAB, s28  }
0xf0: {  	p1 =	slt.s32 s25, $0x0  }
0xf1: {  	p2 =	sgt.s32 @!p1 s0, s25;
	s2 =	sshrl.u32 @!p0 s2, $0x1  }
0xf2: {  	p1 =	por p2, p1;
	s0 =	smul.u32 @!p0 $0x3, s2  }
0xf3: {  	s2 =	smulhi.u32 @!p1 $0xAAAAAAAB, s25;
	_ =	sdelay $0x1  }
0xf4: {  	s0 =	ssub.s32 @!p0 s28, s0;
	s2 =	sshrl.u32 @!p1 s2, $0x1  }
0xf5: {  	s0 =	sadd.s32 @!p0 $0x5, s0;
	s2 =	smul.u32 @!p1 $0x3, s2  }
0xf6: {  	_ =	swait.ge @!p0 [sflag:s0], $0x1000  }
0xf7: {  	[sflag:s0] =	ssyncset.done @!p0 $0x0;
	s2 =	ssub.s32 @!p1 s25, s2  }
0xf8: {  	[sflag:s0] =	ssyncadd.s32 @!p0 $0xFFFFF000;
	s0 =	sadd.s32 @!p1 $0x5, s2  }
0xf9: {  	_ =	swait.ge @!p1 [sflag:s0], $0x1000  }
0xfa: {  	[sflag:s0] =	ssyncset.done @!p1 $0x0  }
0xfb: {  	s22 =	sadd.s32 $0x1, s22;
	[sflag:s0] =	ssyncadd.s32 @!p1 $0xFFFFF000  }
0xfc: {  	p0 =	sne.s32 s22, s15;
	[bflag:$0x0] =	sbarrier.arrive $0xFFFF  }
.Ltmp6:
0xfd: {  	s31 =	rddreg [dreg:$0x8];
	(pc) =	sbr.rel @p0 .LBB2_1-.Ltmp6, $4  }
0xfe: {  	[hbm:s31], [sflag:s10] =	dma.local [spmem:s16], $0x30E0  }
0xff: {  	_ =	swait.ge [sflag:s17], $0x30E0  }
0x100: {  	[sflag:s17] =	ssyncset.done $0x0  }
0x101: {  	[sflag:s17] =	ssyncadd.s32 $0xFFFFCF20  }
0x102: {  	_ =	sfence.sel $0x180000  }
0x103: {  	[bflag:$0x0] =	sbarrier.arrive $0xFFFF  }
0x104: {  	_ =	strace $0x9000004D  }
0x105: {  	s0 =	stileid.u32;
	[bflag:$0x2] =	sbarrier.arrive $0xFFFF  }
0x106: {  	p0 =	sne.s32 s0, $0x0;
	s0 =	rddreg [dreg:$0x3]  }
0x107: {  	s0 =	sadd.s32 @!p0 $0x100000, s0  }
0x108: {  	[sflag:s0] =	ssyncadd.tile.s32 @!p0 $0x1;
	_ =	shalt  }
.Lfunc_end2:
_tile_overlayer_lowered:
.L_overlay_start_2:
0x109: {  	(tag) =	ssettag $0x2  }
0x10a: {  	s0 =	rddreg [dreg:$0x0];
	s2 =	stileid.u32  }
0x10b: {  	s1 =	rddreg [dreg:$0x1];
	p0 =	sne.s32 s2, $0x0  }
0x10c: {  	s3 =	rddreg [dreg:$0x2];
	[bflag:$0x3] =	sbarrier.arrive $0xFFFF;
	s2 =	simm.s32 @!p0 $0x1C08  }
0x10d: {  	[timem:s3], [sflag:s2] =	dma.local @!p0 [hbm:s0], s1  }
0x10e: {  	s0 =	simm.s32 @!p0 $0x8  }
0x10f: {  	_ =	swait.ge @!p0 [sflag:s0], s1  }
0x110: {  	s1 =	ssub.s32 @!p0 $0x0, s1;
	[sflag:s0] =	ssyncset.done @!p0 $0x0  }
0x111: {  	[sflag:s0] =	ssyncadd.s32 @!p0 s1  }
0x112: {  	[bflag:$0x3] =	sbarrier.arrive $0xFFFF  }
0x113: {  	_ =	shalt  }

// kernel: kernel.7.cloned.1.call-start
scs
__scs_entry_jumppad:
0x0: {  	(pc) =	sbr.rel $0x88, $3  }
0x1: {  	(tag) =	ssettag $0x0;
	lr =	simm.s32 $0x1  }
0x2: {  	[smem:$0x3F9D] =	sst lr;
	_ =	strace $0xD0000000  }
0x3: {  	_ = 	snop  }
0x4: {  	_ = 	snop  }
0x5: {  	_ = 	snop  }
0x6: {  	_ = 	snop  }
0x7: {  	_ = 	snop  }
__scs_overlays_trampoline_lowered:
0x8: {  	[smem:$0x3FAC] =	sst s0  }
0x9: {  	[smem:$0x3FAD] =	sst s1  }
0xa: {  	[smem:$0x3FAE] =	sst s2  }
0xb: {  	[smem:$0x3FAF] =	sst s3  }
0xc: {  	[smem:$0x3FB0] =	sst s4  }
0xd: {  	[smem:$0x3FB1] =	sst s5  }
0xe: {  	[smem:$0x3FB2] =	sst s6  }
0xf: {  	[smem:$0x3FB3] =	sst s7  }
0x10: {  	[smem:$0x3FB4] =	sst s8  }
0x11: {  	[smem:$0x3FB5] =	sst s9;
	s0 =	simm.s32 @!p0 $0x0  }
0x12: {  	s1 =	sld [smem:$0x3F9B];
	s0 =	simm.s32 @p0 $0x1  }
0x13: {  	[smem:$0x3FB6] =	sst s0;
	s0 =	simm.s32 @!p1 $0x0  }
0x14: {  	s2 =	sld [smem:$0x3F9A];
	s0 =	simm.s32 @p1 $0x1  }
0x15: {  	[smem:$0x3FB7] =	sst s0;
	s0 =	simm.s32 @!p2 $0x0  }
0x16: {  	s3 =	sld [smem:$0x3FDB];
	s0 =	simm.s32 @p2 $0x1  }
0x17: {  	s4 =	simm.s32 $0x1BF5;
	[smem:$0x3FB9] =	sst s0  }
0x18: {  	s0 =	sld [smem:$0x3F9C];
	_ =	swait.ge [sflag:s4], $0x0  }
0x19: {  	s7 =	sld [smem:$0x3F9D]  }
0x1a: {  	s8 =	sadd.s32 $0xFFFFE003, lr  }
0x1b: {  	s9 =	sadd.s32 $0xFFFFFEF7, lr;
	s5 =	simm.s32 $0xFFFFFFFF;
	p2 =	slt.u32 s8, $0xFFFFF086  }
0x1c: {  	p1 =	slt.u32 s9, $0xF7A;
	s5 =	simm.s32 @!p2 $0x0  }
0x1d: {  	s5 =	simm.s32 @p1 $0x1;
	p0 =	seq.s32 s7, s2  }
0x1e: {  	s7 =	smul.u32 @!p0 $0xF7A, s2;
	p2 =	seq.s32 @!p0 s5, $0x0  }
0x1f: {  	s9 =	smul.u32 $0xF7A, s1;
	s8 =	simm.s32 @!p0 $0x1BF5;
	p2 =	por !p2, p0  }
0x20: {  	[sflag:s8] =	ssyncset.s32 @!p0 $0xFFFFF086;
	s6 =	sadd.s32 @!p0 s3, s7;
	s7 =	simm.s32 @!p0 $0x108  }
0x21: {  	s3 =	sadd.s32 s3, s9;
	s6 =	sadd.s32 @!p0 $0x88, s6;
	s7 =	simm.s32 @p2 $0x1082  }
0x22: {  	[simem:s7], [sflag:s8] =	dma.local @!p0 [hbm:s6], $0xF7A  }
0x23: {  	s9 =	sor.u32 $0xD0000000, s2;
	s6 =	simm.s32 $0x108;
	_ =	swait.ge @!p0 [sflag:s8], $0x0  }
0x24: {  	s3 =	sadd.s32 $0x88, s3;
	s6 =	simm.s32 @!p1 $0x1082;
	[sflag:s4] =	ssyncset.s32 $0xFFFFF086  }
0x25: {  	[simem:s6], [sflag:s4] =	dma.local [hbm:s3], $0xF7A  }
0x26: {  	[smem:$0x3F9D] =	sst s1;
	(tag) =	ssettag s2;
	_ =	strace s9  }
0x27: {  	s1 =	sld [smem:$0x3FAD]  }
0x28: {  	s2 =	sld [smem:$0x3FAE]  }
0x29: {  	s4 =	sld [smem:$0x3FB0]  }
0x2a: {  	p0 =	seq.s32 s5, $0x0;
	s5 =	sld [smem:$0x3FB1]  }
0x2b: {  	s6 =	sld [smem:$0x3FB2]  }
0x2c: {  	s7 =	sld [smem:$0x3FB3]  }
0x2d: {  	s3 =	simm.s32 $0x108;
	s8 =	sld [smem:$0x3FB4]  }
0x2e: {  	s3 =	simm.s32 @!p0 $0x1082;
	s9 =	sld [smem:$0x3FB5]  }
0x2f: {  	lr =	sadd.s32 s0, s3;
	s0 =	sld [smem:$0x3FAC]  }
0x30: {  	s3 =	sld [smem:$0x3FAF]  }
0x31: {  	[smem:$0x3FB8] =	sst s10  }
0x32: {  	s10 =	sld [smem:$0x3FB6];
	_ =	sdelay $0x3  }
0x33: {  	p0 =	seq.s32 s10, $0x1;
	s10 =	sld [smem:$0x3FB8];
	_ =	sdelay $0x3  }
0x34: {  	[smem:$0x3FB8] =	sst s10  }
0x35: {  	s10 =	sld [smem:$0x3FB7];
	_ =	sdelay $0x3  }
0x36: {  	p1 =	seq.s32 s10, $0x1;
	s10 =	sld [smem:$0x3FB8];
	_ =	sdelay $0x3  }
0x37: {  	[smem:$0x3FB8] =	sst s10  }
0x38: {  	s10 =	sld [smem:$0x3FB9]  }
0x39: {  	_ = 	snop;
	(pc) =	sbr.ind lr, $3  }
0x3a: {  	_ = 	snop  }
0x3b: {  	_ = 	snop  }
0x3c: {  	p2 =	seq.s32 s10, $0x1;
	s10 =	sld [smem:$0x3FB8]  }
0x3d: {  	_ =	shalt  }
0x3e: {  	_ =	shalt  }
0x3f: {  	_ =	shalt  }
0x40: {  	_ =	shalt  }
0x41: {  	_ =	shalt  }
0x42: {  	_ =	shalt  }
0x43: {  	_ =	shalt  }
0x44: {  	_ =	shalt  }
0x45: {  	_ =	shalt  }
0x46: {  	_ =	shalt  }
0x47: {  	_ =	shalt  }
0x48: {  	_ =	shalt  }
0x49: {  	_ =	shalt  }
0x4a: {  	_ =	shalt  }
0x4b: {  	_ =	shalt  }
0x4c: {  	_ =	shalt  }
0x4d: {  	_ =	shalt  }
0x4e: {  	_ =	shalt  }
0x4f: {  	_ =	shalt  }
0x50: {  	_ =	shalt  }
0x51: {  	_ =	shalt  }
0x52: {  	_ =	shalt  }
0x53: {  	_ =	shalt  }
0x54: {  	_ =	shalt  }
0x55: {  	_ =	shalt  }
0x56: {  	_ =	shalt  }
0x57: {  	_ =	shalt  }
0x58: {  	_ =	shalt  }
0x59: {  	_ =	shalt  }
0x5a: {  	_ =	shalt  }
0x5b: {  	_ =	shalt  }
0x5c: {  	_ =	shalt  }
0x5d: {  	_ =	shalt  }
0x5e: {  	_ =	shalt  }
0x5f: {  	_ =	shalt  }
0x60: {  	_ =	shalt  }
0x61: {  	_ =	shalt  }
0x62: {  	_ =	shalt  }
0x63: {  	_ =	shalt  }
0x64: {  	_ =	shalt  }
0x65: {  	_ =	shalt  }
0x66: {  	_ =	shalt  }
0x67: {  	_ =	shalt  }
0x68: {  	_ =	shalt  }
0x69: {  	_ =	shalt  }
0x6a: {  	_ =	shalt  }
0x6b: {  	_ =	shalt  }
0x6c: {  	_ =	shalt  }
0x6d: {  	_ =	shalt  }
0x6e: {  	_ =	shalt  }
0x6f: {  	_ =	shalt  }
0x70: {  	_ =	shalt  }
0x71: {  	_ =	shalt  }
0x72: {  	_ =	shalt  }
0x73: {  	_ =	shalt  }
0x74: {  	_ =	shalt  }
0x75: {  	_ =	shalt  }
0x76: {  	_ =	shalt  }
0x77: {  	_ =	shalt  }
0x78: {  	_ =	shalt  }
0x79: {  	_ =	shalt  }
0x7a: {  	_ =	shalt  }
0x7b: {  	_ =	shalt  }
0x7c: {  	_ =	shalt  }
0x7d: {  	_ =	shalt  }
0x7e: {  	_ =	shalt  }
0x7f: {  	_ =	shalt  }
0x80: {  	_ =	shalt  }
0x81: {  	_ =	shalt  }
0x82: {  	_ =	shalt  }
0x83: {  	_ =	shalt  }
0x84: {  	_ =	shalt  }
0x85: {  	_ =	shalt  }
0x86: {  	_ =	shalt  }
0x87: {  	_ =	shalt  }
.Lfunc_end0:
.L_simem_size_0:
called_computation_lowered:
.L_overlay_start_0:
0x88: {  	s2 =	sld [smem:$0x3FD9]  }
0x89: {  	s3 =	sld [smem:$0x3FFE];
	_ =	sdelay $0x1  }
0x8a: {  	s1 =	srdreg.scid  }
0x8b: {  	s0 =	sand.u32 $0x1, s1  }
0x8c: {  	s14 =	sshll.u32 s0, $0xA;
	s2 =	sadd.s32 s3, s2  }
0x8d: {  	s2 =	sadd.s32 s2, s14  }
0x8e: {  	[smem:$0x3FC4] =	sst s2  }
0x8f: {  	_ = 	snop  }
0x90: {  	s2 =	sld [smem:$0x3FD0];
	_ =	sdelay $0x2  }
0x91: {  	s15 =	simm.s32 $0xA;
	s4 =	simm.s32 $0x10  }
0x92: {  	[smem:s4], [sflag:s15] =	dma.local [hbm:s2], $0x1  }
0x93: {  	_ =	swait.eq [sflag:s15], $0x1  }
0x94: {  	[sflag:s15] =	ssyncset.done $0x0  }
0x95: {  	[sflag:s15] =	ssyncadd.s32 $0xFFFFFFFF  }
0x96: {  	s16 =	sld [smem:$0x11];
	(tm) =	ssettm $0x1  }
0x97: {  	s17 =	sld [smem:$0x3FFB];
	_ =	sdelay $0x3  }
0x98: {  	_ =	strace s17  }
0x99: {  	s3 =	sld [smem:$0x3FFC];
	_ =	sdelay $0x3  }
0x9a: {  	_ =	strace s3  }
0x9b: {  	s3 =	sld [smem:$0x3FFD];
	_ =	sdelay $0x3  }
0x9c: {  	_ =	strace s3  }
0x9d: {  	_ =	strace $0x8FFFFFFF  }
0x9e: {  	s18 =	sld [smem:$0x3FDB];
	_ =	sdelay $0x1  }
0x9f: {  	s19 =	simm.s32 $_scs_section_size  }
0xa0: {  	s5 =	simm.s32 $_size__tile_overlayer_lowered;
	s6 =	simm.s32 $_tile_overlayer_lowered  }
0xa1: {  	s22 =	simm.s32 $0x1BFF;
	s21 =	sshll.u32 s6, $0x1;
	s3 =	sadd.s32 s19, s18  }
0xa2: {  	s7 =	simm.s32 $0x0;
	s20 =	sshll.u32 s5, $0x1;
	s5 =	sadd.s32 s21, s3  }
0xa3: {  	[timem:s7], [sflag:s22] =	dma.local [hbm:s5], s20  }
0xa4: {  	_ =	swait.ge [sflag:s22], s20  }
0xa5: {  	s4 =	ssub.s32 $0x0, s20;
	[sflag:s22] =	ssyncset.done $0x0  }
0xa6: {  	[sflag:s22] =	ssyncadd.s32 s4;
	_ =	sdelay $0x1  }
0xa7: {  	s23 =	simm.s32 $0x1B8B  }
0xa8: {  	_ =	swait.ge [sflag:s23], $0x1  }
0xa9: {  	[sflag:s23] =	ssyncset.done $0x0  }
0xaa: {  	s25 =	simm.s32 $0x1B8E;
	s24 =	sld [smem:$0x3FFE];
	[sflag:s23] =	ssyncadd.s32 $0xFFFFFFFF  }
0xab: {  	s26 =	simm.s32 $execute0_lowered;
	[smem:$0x3FD2] =	sst s25  }
0xac: {  	s5 =	sshll.u32 s26, $0x1;
	_ =	strace $0x80000046;
	[dreg:$0x1] =	wrdreg $0xFFFFFFFF  }
0xad: {  	s28 =	simm.s32 $_size_execute0_lowered;
	s3 =	sadd.s32 s3, s5;
	[dreg:$0x0] =	wrdreg $0x0  }
0xae: {  	s5 =	sshll.u32 s28, $0x1;
	[dreg:$0x2] =	wrdreg s3  }
0xaf: {  	[dreg:$0x3] =	wrdreg s5  }
0xb0: {  	[dreg:$0x4] =	wrdreg $0xC0  }
0xb1: {  	_ =	task [dreg:s7], $0x5FFFF  }
0xb2: {  	[dreg:$0x1] =	wrdreg $0xFFFFFFFF  }
0xb3: {  	[dreg:$0x0] =	wrdreg $0x60  }
0xb4: {  	[dreg:$0x2] =	wrdreg s24  }
0xb5: {  	[dreg:$0x3] =	wrdreg s16  }
0xb6: {  	[dreg:$0x4] =	wrdreg $0x4C800  }
0xb7: {  	[dreg:$0x5] =	wrdreg $0x9  }
0xb8: {  	_ =	task.clear_ibuf [dreg:s7], $0x6FFFF;
	_ =	strace $0x90000046  }
0xb9: {  	s29 =	simm.s32 $0x9;
	_ =	strace $0x80000048  }
0xba: {  	_ =	swait.ge [sflag:s29], $0x1  }
0xbb: {  	[sflag:s29] =	ssyncadd.s32 $0xFFFFFFFF  }
0xbc: {  	_ =	strace $0x90000048  }
0xbd: {  	_ =	sfence  }
0xbe: {  	s30 =	sld [smem:$0x0];
	_ =	sdelay $0x2  }
0xbf: {  	s31 =	sshll.u32 s1, $0xD;
	s1 =	sshrl.u32 s1, $0x2  }
0xc0: {  	s3 =	sand.u32 $0x4000, s31;
	s1 =	sadd.s32 s1, s30  }
0xc1: {  	s0 =	sor.u32 s3, s0;
	s1 =	sshll.u32 s1, $0x11  }
0xc2: {  	s0 =	sor.u32 s1, s0  }
0xc3: {  	s0 =	sadd.s32 $0x8F2B, s0  }
0xc4: {  	[sflag:s0] =	ssyncadd.remote.s32 $0x1  }
0xc5: {  	_ =	sfence.sel $0xFFFF  }
0xc6: {  	[dreg:$0x0] =	wrdreg $0xFFFFFFFF;
	(pc) =	sbr.abs _section_cstart, $3  }
0xc7: {  	[dreg:$0x1] =	wrdreg $0xFFFFFFFF  }
0xc8: {  	_ =	task.clear_ibuf [dreg:s7], $0x2FFFF;
	_ =	strace $0x9FFFFFFF  }
0xc9: {  	(tm) =	ssettm $0x7FFFFFFF  }
tec
execute0_lowered:
.L_overlay_start_1:
0x0: {  	(tag) =	ssettag $0x1  }
0x1: {  	s0 =	rddreg [dreg:$0x0]  }
0x2: {  	s2 =	rddreg [dreg:$0x1]  }
0x3: {  	s1 =	rddreg [dreg:$0x2];
	s3 =	simm.s32 $0x0;
	s5 =	srdreg.scid  }
0x4: {  	s13 =	stileid.u32;
	s17 =	simm.s32 $0x8;
	s20 =	simm.s32 $0x1  }
0x5: {  	s21 =	simm.s32 $0x80;
	s22 =	simm.s32 $0x0;
	s9 =	smul.u32 $0x30E0, s13  }
0x6: {  	[smem:$0x7FF] =	sst s3;
	s8 =	sand.u32 $0x1, s5;
	s26 =	smul.u32 $0x18700, s13  }
0x7: {  	s4 =	sadd.s32 $0x21C400, s0;
	s5 =	sadd.s32 $0x33400, s0;
	s10 =	smul.u32 $0x30E00, s8  }
0x8: {  	s6 =	sadd.s32 $0x2400, s0;
	s7 =	sadd.s32 $0x64400, s0;
	s12 =	smul.u32 $0xC350, s8  }
0x9: {  	_ =	strace $0x80000047;
	s11 =	ssub.s32 $0x2, s8;
	s8 =	smul.u32 $0x18800, s13  }
0xa: {  	s13 =	sshll.u32 s13, $0x6;
	s24 =	sadd.s32 s9, s10;
	s10 =	sshrl.u32 s26, $0x3  }
0xb: {  	s25 =	sshrl.u32 s11, $0x1;
	s29 =	sshrl.u32 s8, $0x3;
	s2 =	sadd.s32 s2, s10  }
0xc: {  	s28 =	sadd.s32 s26, s1;
	s30 =	sadd.s32 s5, s29;
	[dreg:$0x4] =	wrdreg s2  }
0xd: {  	s9 =	ssub.s32 s11, s25;
	s31 =	sadd.s32 s6, s29;
	[dreg:$0x5] =	wrdreg s30  }
0xe: {  	s0 =	sadd.s32 s24, s0;
	[dreg:$0x6] =	wrdreg s31;
	s2 =	sadd.s32 s7, s29  }
0xf: {  	v1 =	vlaneseq.u32;
	s16 =	sshrl.u32 s28, $0x3;
	s0 =	sadd.s32 $0x95400, s0;
	[dreg:$0x7] =	wrdreg s2  }
0x10: {  	v1 =	vor.u32 $0xC350, v1;
	v0 =	vmov s12;
	s10 =	sor.u32 $0x1C08, s13;
	s15 =	smax.u32 s9, $0x1;
	[dreg:$0x8] =	wrdreg s0  }
.LBB2_1:
0x11: {  	s0 =	rddreg [dreg:$0x4]  }
0x12: {  	[spmem:s16], [sflag:s10] =	dma.local [hbm:s0], $0x30E0  }
0x13: {  	_ =	swait.ge [sflag:s17], $0x30E0  }
0x14: {  	[sflag:s17] =	ssyncset.done $0x0  }
0x15: {  	[sflag:s17] =	ssyncadd.s32 $0xFFFFCF20  }
0x16: {  	[bflag:$0x0] =	sbarrier.arrive $0xFFFF  }
0x17: {  	s2 =	simm.s32 $0x800;
	s28 =	rddreg [dreg:$0x5]  }
0x18: {  	[tilespmem:s3], [sflag:$0x1] =	stream.linear.gather [hbm4b:s28+s3], $0x400, $0x38;
	[tilespmem:$0x1D380] =	vst v63  }
0x19: {  	s31 =	simm.s32 $0x1000;
	s24 =	simm.s32 $0x0;
	s29 =	rddreg [dreg:$0x6]  }
0x1a: {  	[tilespmem:s2], [sflag:$0x1] =	stream.linear.gather [hbm4b:s29+s3], $0x400, $0x38;
	[tilespmem:$0x1D380] =	vst v63  }
0x1b: {  	s23 =	simm.s32 $0x0;
	s0 =	simm.s32 $0x0;
	s30 =	rddreg [dreg:$0x7]  }
0x1c: {  	[tilespmem:s31], [sflag:$0x1] =	stream.linear.gather [hbm4b:s30+s3], $0x400, $0x38;
	[tilespmem:$0x1D380] =	vst v63  }
.LBB2_3:
0x1d: {  	_ =	swait.ge [sflag:s20], $0x400  }
0x1e: {  	[sflag:s20] =	ssyncset.done $0x0  }
0x1f: {  	[sflag:s20] =	ssyncadd.s32 $0xFFFFFC00  }
0x20: {  	s2 =	smov.u32 s23;
	_ =	swait.ge [sflag:s20], $0x400  }
0x21: {  	s23 =	sadd.s32 $0x1, s23;
	p0 =	seq.s32 s2, $0x61;
	[sflag:s20] =	ssyncset.done $0x0  }
0x22: {  	s9 =	sshll.u32 @!p0 s23, $0xA;
	s2 =	sshll.u32 @!p0 s2, $0xA;
	[sflag:s20] =	ssyncadd.s32 $0xFFFFFC00  }
0x23: {  	s13 =	simm.s32 @!p0 $0x0;
	s9 =	sadd.s32 @!p0 s8, s9;
	_ =	swait.ge [sflag:s20], $0x400  }
0x24: {  	s2 =	sand.u32 @!p0 $0x400, s2;
	s9 =	sshrl.u32 @!p0 s9, $0x3;
	[sflag:s20] =	ssyncset.done $0x0  }
0x25: {  	s11 =	sxor.u32 @!p0 $0x400, s2;
	s12 =	sadd.s32 @!p0 s5, s9;
	[sflag:s20] =	ssyncadd.s32 $0xFFFFFC00  }
0x26: {  	[tilespmem:s11], [sflag:$0x1] =	stream.linear.gather @!p0 [hbm4b:s12+s13], $0x400, $0x38;
	[tilespmem:$0x1D380] =	vst v63  }
0x27: {  	s18 =	smulhi.u32 $0x55555556, s24;
	s11 =	sxor.u32 @!p0 $0xC00, s2;
	s12 =	sadd.s32 @!p0 s6, s9  }
0x28: {  	[tilespmem:s11], [sflag:$0x1] =	stream.linear.gather @!p0 [hbm4b:s12+s13], $0x400, $0x38;
	[tilespmem:$0x1D380] =	vst v63  }
0x29: {  	s19 =	sshra.s32 s24, $0x1F;
	s9 =	sadd.s32 @!p0 s7, s9;
	s11 =	sxor.u32 @!p0 $0x1400, s2  }
0x2a: {  	[tilespmem:s11], [sflag:$0x1] =	stream.linear.gather @!p0 [hbm4b:s9+s13], $0x400, $0x38;
	[tilespmem:$0x1D380] =	vst v63  }
0x2b: {  	s11 =	smul.u32 $0x55555556, s19;
	_ =	sdelay $0x1  }
0x2c: {  	s2 =	simm.s32 @p0 $0x400;
	s9 =	sadd.s32 s11, s18  }
0x2d: {  	s25 =	sor.u32 $0x800, s2;
	v3 =	vmov s2;
	s26 =	sshrl.u32 s9, $0x1F  }
0x2e: {  	v2 =	vmov s25;
	s9 =	sadd.s32 s26, s9  }
0x2f: {  	s9 =	smul.u32 $0x3, s9  }
0x30: {  	s28 =	sor.u32 $0x1000, s2  }
0x31: {  	s14 =	simm.s32 $0x0;
	v6 =	vmov s28;
	s9 =	ssub.s32 s24, s9  }
0x32: {  	v9 =	vld.idx.msk [tilespmem:v3+s14+$0x0 ss:$0x1], $0xffff;
	s29 =	sshll.u32 s9, $0x9  }
0x33: {  	v8 =	vld.idx.msk [tilespmem:v2+s14+$0x0 ss:$0x1], $0xffff;
	s30 =	sshra.s32 s29, $0x2  }
0x34: {  	s11 =	sadd.s32 $0x1800, s30  }
0x35: {  	s31 =	sadd.s32 $0x1980, s30;
	v7 =	vmov s11  }
0x36: {  	v10 =	vld.idx.msk [tilespmem:v6+s14+$0x0 ss:$0x1], $0xffff;
	s12 =	sadd.s32 $0x1B00, s30;
	v4 =	vmov s31  }
0x37: {  	v5 =	vmov s12  }
0x38: {  	vm0 =	vgt.s32 v9, $0xC34F;
	v11 =	vadd.s32 $0x30, v9;
	v8 =	vsub.s32 v8, v0;
	s12 =	simm.s32 $0x0  }
0x39: {  	v9 =	vsel vm0, v11, v9;
	vm15 =	vlt.u32 v8, $0xC350;
	v11 =	vadd.s32 s12, v1  }
0x3a: {  	v8 =	vsel vm15, v8, v11;
	[tilespmem:v7+s14+$0x0 ss:$0x1] =	vst.idx.msk $0xffff, v9  }
0x3b: {  	v9 =	vnsel vm15, $0x0, v10;
	[tilespmem:v4+s14+$0x0 ss:$0x1] =	vst.idx.msk $0xffff, v8  }
0x3c: {  	s13 =	simm.s32 $0x10;
	[tilespmem:v5+s14+$0x0 ss:$0x1] =	vst.idx.msk $0xffff, v9  }
0x3d: {  	v9 =	vld.idx.msk [tilespmem:v2+s13+$0x0 ss:$0x1], $0xffff  }
0x3e: {  	s14 =	simm.s32 $0x80;
	v8 =	vld.idx.msk [tilespmem:v3+s13+$0x0 ss:$0x1], $0xffff  }
.LBB2_4:
0x3f: {  	p0 =	sne.s32 s14, $0x1C0;
	v10 =	vld.idx.msk [tilespmem:v6+s13+$0x0 ss:$0x1], $0xffff;
	_ =	sdelay $0x4  }
0x40: {  	s12 =	sadd.s32 $0x1, s12;
	v9 =	vsub.s32 v9, v0;
	vm0 =	vgt.s32 v8, $0xC34F;
	v11 =	vadd.s32 $0x30, v8  }
0x41: {  	v8 =	vsel vm0, v11, v8;
	vm0 =	vlt.u32 v9, $0xC350;
	v11 =	vadd.s32 s12, v1  }
.Ltmp0:
0x42: {  	[tilespmem:v7+s13+$0x0 ss:$0x1] =	vst.idx.msk $0xffff, v8;
	v8 =	vsel vm0, v9, v11;
	v9 =	vnsel vm0, $0x0, v10;
	(pc) =	sbr.rel @p0 .LBB2_4-.Ltmp0, $4  }
0x43: {  	[tilespmem:v4+s13+$0x0 ss:$0x1] =	vst.idx.msk $0xffff, v8  }
0x44: {  	[tilespmem:v5+s13+$0x0 ss:$0x1] =	vst.idx.msk $0xffff, v9;
	s13 =	sshra.s32 s14, $0x2  }
0x45: {  	v9 =	vld.idx.msk [tilespmem:v2+s13+$0x0 ss:$0x1], $0xffff  }
0x46: {  	s14 =	sadd.s32 $0x40, s14;
	v8 =	vld.idx.msk [tilespmem:v3+s13+$0x0 ss:$0x1], $0xffff  }
0x47: {  	_ =	sdelay $0x3  }
0x48: {  	v2 =	vld.idx.msk [tilespmem:v6+s13+$0x0 ss:$0x1], $0xffff;
	_ =	sdelay $0x1  }
0x49: {  	s12 =	sadd.s32 $0x1, s12;
	v62 =	vsub.s32 v9, v0;
	vm0 =	vgt.s32 v8, $0xC34F;
	v3 =	vadd.s32 $0x30, v8  }
0x4a: {  	v63 =	vadd.s32 s12, v1;
	vm15 =	vlt.u32 v62, $0xC350;
	v3 =	vsel vm0, v3, v8  }
0x4b: {  	s26 =	sshll.u32 s9, $0xE;
	s28 =	sadd.s32 $0x2, s9;
	[tilespmem:v7+s13+$0x0 ss:$0x1] =	vst.idx.msk $0xffff, v3;
	v3 =	vsel vm15, v62, v63  }
0x4c: {  	s29 =	sadd.s32 $0x880, s2;
	s30 =	sadd.s32 $0x1080, s2;
	s12 =	sshra.s32 s26, $0x2;
	v2 =	vnsel vm15, $0x0, v2;
	[tilespmem:v4+s13+$0x0 ss:$0x1] =	vst.idx.msk $0xffff, v3  }
0x4d: {  	s31 =	simm.s32 $0x0;
	s26 =	sadd.s32 $0x80, s2;
	s12 =	sadd.s32 $0x1C80, s12;
	[tilespmem:v5+s13+$0x0 ss:$0x1] =	vst.idx.msk $0xffff, v2  }
0x4e: {  	[tilespmem:s12], [sflag:s28] =	stream.indirect.gather [hbm4b:s4+s21], $0x20, s11, s21, $0xb8;
	[tilespmem:$0x1D380] =	vst v63  }
.LBB2_6:
0x4f: {  	s2 =	sadd.s32 $0xFFFFFFFE, s24  }
0x50: {  	p0 =	slt.s32 s2, $0x0  }
0x51: {  	p1 =	slt.s32 @!p0 s2, s0  }
0x52: {  	p0 =	por p1, p0  }
0x53: {  	s18 =	smov.u32 s0;
	s0 =	smulhi.u32 @!p0 $0xAAAAAAAB, s2;
	_ =	sdelay $0x1  }
0x54: {  	s0 =	sshrl.u32 @!p0 s0, $0x1  }
0x55: {  	s0 =	smul.u32 @!p0 $0x3, s0  }
0x56: {  	p1 =	seq.s32 s31, $0x7  }
.Ltmp1:
0x57: {  	s0 =	ssub.s32 @!p0 s2, s0;
	(pc) =	sbr.rel @p1 .LBB2_10-.Ltmp1, $4  }
0x58: {  	s0 =	sadd.s32 @!p0 $0x5, s0  }
0x59: {  	_ =	swait.ge @!p0 [sflag:s0], $0x1000  }
0x5a: {  	[sflag:s0] =	ssyncset.done @!p0 $0x0  }
0x5b: {  	s25 =	smov.u32 s24;
	s24 =	sadd.s32 $0x1, s24;
	[sflag:s0] =	ssyncadd.s32 @!p0 $0xFFFFF000  }
0x5c: {  	s0 =	smulhi.u32 $0x55555556, s24;
	s2 =	sshra.s32 s24, $0x1F  }
0x5d: {  	s2 =	smul.u32 $0x55555556, s2;
	_ =	sdelay $0x1  }
0x5e: {  	s0 =	sadd.s32 s2, s0  }
0x5f: {  	v2 =	vmov s29;
	s2 =	sshrl.u32 s0, $0x1F  }
0x60: {  	v5 =	vmov s26;
	s0 =	sadd.s32 s2, s0  }
0x61: {  	s0 =	smul.u32 $0x3, s0;
	_ =	sdelay $0x1  }
0x62: {  	v6 =	vmov s30;
	s12 =	simm.s32 $0x0;
	s0 =	ssub.s32 s24, s0  }
0x63: {  	v8 =	vld.idx.msk [tilespmem:v2+s12+$0x0 ss:$0x1], $0xffff;
	s28 =	sshll.u32 s0, $0x9  }
0x64: {  	v9 =	vld.idx.msk [tilespmem:v5+s12+$0x0 ss:$0x1], $0xffff;
	s9 =	sshra.s32 s28, $0x2  }
0x65: {  	s2 =	sadd.s32 $0x1800, s9  }
0x66: {  	s11 =	sadd.s32 $0x1980, s9;
	v7 =	vmov s2  }
0x67: {  	v10 =	vld.idx.msk [tilespmem:v6+s12+$0x0 ss:$0x1], $0xffff;
	s9 =	sadd.s32 $0x1B00, s9;
	v3 =	vmov s11  }
0x68: {  	v4 =	vmov s9  }
0x69: {  	vm0 =	vgt.s32 v9, $0xC34F;
	v11 =	vadd.s32 $0x30, v9;
	v8 =	vsub.s32 v8, v0;
	s9 =	simm.s32 $0x0  }
0x6a: {  	v9 =	vsel vm0, v11, v9;
	vm15 =	vlt.u32 v8, $0xC350;
	v11 =	vadd.s32 s9, v1  }
0x6b: {  	v8 =	vsel vm15, v8, v11;
	[tilespmem:v7+s12+$0x0 ss:$0x1] =	vst.idx.msk $0xffff, v9  }
0x6c: {  	v9 =	vnsel vm15, $0x0, v10;
	[tilespmem:v3+s12+$0x0 ss:$0x1] =	vst.idx.msk $0xffff, v8  }
0x6d: {  	s11 =	simm.s32 $0x10;
	[tilespmem:v4+s12+$0x0 ss:$0x1] =	vst.idx.msk $0xffff, v9  }
0x6e: {  	v9 =	vld.idx.msk [tilespmem:v2+s11+$0x0 ss:$0x1], $0xffff  }
0x6f: {  	s12 =	simm.s32 $0x80;
	v8 =	vld.idx.msk [tilespmem:v5+s11+$0x0 ss:$0x1], $0xffff  }
.LBB2_8:
0x70: {  	p0 =	sne.s32 s12, $0x1C0;
	v10 =	vld.idx.msk [tilespmem:v6+s11+$0x0 ss:$0x1], $0xffff;
	_ =	sdelay $0x4  }
0x71: {  	s9 =	sadd.s32 $0x1, s9;
	v9 =	vsub.s32 v9, v0;
	vm0 =	vgt.s32 v8, $0xC34F;
	v11 =	vadd.s32 $0x30, v8  }
0x72: {  	v8 =	vsel vm0, v11, v8;
	vm0 =	vlt.u32 v9, $0xC350;
	v11 =	vadd.s32 s9, v1  }
.Ltmp2:
0x73: {  	[tilespmem:v7+s11+$0x0 ss:$0x1] =	vst.idx.msk $0xffff, v8;
	v8 =	vsel vm0, v9, v11;
	v9 =	vnsel vm0, $0x0, v10;
	(pc) =	sbr.rel @p0 .LBB2_8-.Ltmp2, $4  }
0x74: {  	[tilespmem:v3+s11+$0x0 ss:$0x1] =	vst.idx.msk $0xffff, v8  }
0x75: {  	[tilespmem:v4+s11+$0x0 ss:$0x1] =	vst.idx.msk $0xffff, v9;
	s11 =	sshra.s32 s12, $0x2  }
0x76: {  	v9 =	vld.idx.msk [tilespmem:v2+s11+$0x0 ss:$0x1], $0xffff  }
0x77: {  	s12 =	sadd.s32 $0x40, s12;
	v8 =	vld.idx.msk [tilespmem:v5+s11+$0x0 ss:$0x1], $0xffff  }
0x78: {  	_ =	sdelay $0x3  }
0x79: {  	v2 =	vld.idx.msk [tilespmem:v6+s11+$0x0 ss:$0x1], $0xffff;
	_ =	sdelay $0x1  }
0x7a: {  	s9 =	sadd.s32 $0x1, s9;
	v61 =	vsub.s32 v9, v0;
	vm0 =	vgt.s32 v8, $0xC34F;
	v5 =	vadd.s32 $0x30, v8  }
0x7b: {  	v62 =	vadd.s32 s9, v1;
	vm15 =	vlt.u32 v61, $0xC350;
	v5 =	vsel vm0, v5, v8  }
0x7c: {  	s19 =	sshll.u32 s0, $0xE;
	v63 =	vsel vm15, v61, v62;
	[tilespmem:v7+s11+$0x0 ss:$0x1] =	vst.idx.msk $0xffff, v5  }
0x7d: {  	s9 =	sshra.s32 s19, $0x2;
	v2 =	vnsel vm15, $0x0, v2;
	[tilespmem:v3+s11+$0x0 ss:$0x1] =	vst.idx.msk $0xffff, v63  }
0x7e: {  	s28 =	sadd.s32 $0x2, s0;
	s9 =	sadd.s32 $0x1C80, s9;
	[tilespmem:v4+s11+$0x0 ss:$0x1] =	vst.idx.msk $0xffff, v2  }
0x7f: {  	[tilespmem:s9], [sflag:s28] =	stream.indirect.gather [hbm4b:s4+s21], $0x20, s2, s21, $0xb8;
	[tilespmem:$0x1D380] =	vst v63  }
.LBB2_10:
0x80: {  	s0 =	smulhi.u32 $0x55555556, s25;
	s2 =	sshra.s32 s25, $0x1F  }
0x81: {  	s2 =	smul.u32 $0x55555556, s2;
	_ =	sdelay $0x1  }
0x82: {  	s0 =	sadd.s32 s2, s0  }
0x83: {  	s2 =	sshrl.u32 s0, $0x1F  }
0x84: {  	s0 =	sadd.s32 s2, s0  }
0x85: {  	s0 =	smul.u32 $0x3, s0;
	_ =	sdelay $0x1  }
0x86: {  	s2 =	ssub.s32 s25, s0  }
0x87: {  	s0 =	sadd.s32 $0x2, s2  }
0x88: {  	s9 =	sshll.u32 s2, $0xE;
	_ =	swait.ge [sflag:s0], $0x1000  }
0x89: {  	s11 =	sshra.s32 s9, $0x2;
	[sflag:s0] =	ssyncset.done $0x0  }
0x8a: {  	s19 =	sadd.s32 $0x1D80, s11;
	[sflag:s0] =	ssyncadd.s32 $0xFFFFF000  }
0x8b: {  	v8 =	vld [tilespmem:s19+$0xFFFFFFA0]  }
0x8c: {  	s13 =	sshll.u32 s2, $0x9;
	v5 =	vld [tilespmem:s19+$0xFFFFFFF0]  }
0x8d: {  	s9 =	sshra.s32 s13, $0x2;
	v2 =	vld [tilespmem:s19+$0xFFFFFF60]  }
0x8e: {  	s0 =	sadd.s32 $0x1B00, s9;
	v9 =	vld [tilespmem:s19+$0xFFFFFFD0]  }
0x8f: {  	v6 =	vmov s0;
	v10 =	vld [tilespmem:s19+$0x80]  }
0x90: {  	v13 =	vld [tilespmem:s19+$0xFFFFFF10]  }
0x91: {  	v17 =	vld [tilespmem:s19+$0xE0]  }
0x92: {  	v12 =	vld [tilespmem:s19+$0xFFFFFF40]  }
0x93: {  	s14 =	simm.s32 $0x0;
	v4 =	vld [tilespmem:s19+$0xFFFFFF90]  }
0x94: {  	v3 =	vld.idx.msk [tilespmem:v6+s14+$0x0 ss:$0x1], $0xffff  }
0x95: {  	v11 =	vld [tilespmem:s19+$0xFFFFFFC0]  }
0x96: {  	v15 =	vld [tilespmem:s19+$0xFFFFFF00]  }
0x97: {  	v14 =	vld [tilespmem:s19+$0xD0]  }
0x98: {  	v24 =	vld [tilespmem:s19+$0xC0]  }
0x99: {  	v21 =	vld [tilespmem:s19+$0x90];
	v20 =	vbroadcast v3, $0x0;
	v7 =	vbroadcast v3, $0xF  }
0x9a: {  	s28 =	sadd.s32 $0xFFFFFFFF, s25;
	s31 =	sadd.s32 $0x1, s31;
	v23 =	vld [tilespmem:s19+$0xFFFFFF50];
	v22 =	vbroadcast v3, $0x2;
	v18 =	vbroadcast v3, $0xE  }
0x9b: {  	s12 =	simm.s32 $0x40;
	p0 =	sgt.s32 s18, s28;
	s0 =	smov.u32 s28;
	v19 =	vld [tilespmem:s19+$0xB0];
	v16 =	vbroadcast v3, $0xC;
	v26 =	vmul.f32 v20, v15  }
0x9c: {  	s11 =	sadd.s32 $0x1C80, s11;
	s13 =	smov.u32 s19;
	s0 =	smov.u32 @p0 s18;
	v15 =	vbroadcast v3, $0xD;
	v25 =	vmul.f32 v12, v22;
	v12 =	vld [tilespmem:s19+$0x60]  }
.LBB2_11:
0x9d: {  	p0 =	sne.s32 s12, $0x1C0  }
0x9e: {  	[tilespmem:s19+$0xFFFFFF00] =	vst v26;
	v26 =	vld [tilespmem:s19+$0xFFFFFFB0];
	v24 =	vmul.f32 v24, v18;
	v17 =	vmul.f32 v17, v7;
	s13 =	sadd.s32 $0x200, s13;
	s14 =	smov.u32 s12;
	s12 =	sadd.s32 $0x40, s12  }
0x9f: {  	[tilespmem:s19+$0xFFFFFF40] =	vst v25;
	v25 =	vbroadcast v3, $0xA;
	v21 =	vmul.f32 v21, v16;
	v27 =	vld [tilespmem:s19+$0xA0]  }
0xa0: {  	v13 =	vmul.f32 v13, v20;
	v20 =	vmul.f32 v23, v22;
	v22 =	vld [tilespmem:s19+$0x70];
	[tilespmem:s19+$0xE0] =	vst v17  }
0xa1: {  	v17 =	vbroadcast v3, $0x5;
	v23 =	vld [tilespmem:s19+$0xFFFFFFE0];
	v19 =	vmul.f32 v19, v15;
	[tilespmem:s19+$0xC0] =	vst v24  }
0xa2: {  	v14 =	vmul.f32 v14, v18;
	[tilespmem:s19+$0xFFFFFF10] =	vst v13;
	v13 =	vbroadcast v3, $0x6;
	v24 =	vld [tilespmem:s19+$0x40]  }
0xa3: {  	v28 =	vbroadcast v3, $0xB;
	v8 =	vmul.f32 v8, v17;
	v18 =	vld [tilespmem:s19+$0xFFFFFF20];
	[tilespmem:s19+$0x90] =	vst v21  }
0xa4: {  	v21 =	vbroadcast v3, $0x9;
	[tilespmem:s19+$0xFFFFFF50] =	vst v20;
	v20 =	vld [tilespmem:s19+$0x20];
	v15 =	vmul.f32 v27, v15  }
0xa5: {  	v17 =	vmul.f32 v26, v17;
	v26 =	vld [tilespmem:s19+$0x50];
	v22 =	vmul.f32 v22, v28;
	[tilespmem:s19+$0xD0] =	vst v14  }
0xa6: {  	v10 =	vmul.f32 v10, v16;
	v14 =	vbroadcast v3, $0x7;
	v27 =	vld [tilespmem:s19+$0x30];
	[tilespmem:s19+$0xA0] =	vst v15  }
0xa7: {  	v11 =	vmul.f32 v11, v13;
	v15 =	vbroadcast v3, $0x3;
	v16 =	vld [tilespmem:s19+$0x0];
	[tilespmem:s19+$0x70] =	vst v22  }
0xa8: {  	v12 =	vmul.f32 v12, v28;
	v9 =	vmul.f32 v9, v13;
	v13 =	vld [tilespmem:s19+$0x10];
	[tilespmem:s19+$0x80] =	vst v10  }
0xa9: {  	v22 =	vbroadcast v3, $0x8;
	v24 =	vmul.f32 v24, v25;
	v10 =	vld [tilespmem:s19+$0xFFFFFF30];
	[tilespmem:s19+$0xB0] =	vst v19  }
0xaa: {  	v19 =	vbroadcast v3, $0x1;
	v28 =	vld [tilespmem:s19+$0xFFFFFF70];
	[tilespmem:s19+$0xFFFFFFD0] =	vst v9;
	v25 =	vmul.f32 v26, v25  }
0xab: {  	v5 =	vmul.f32 v5, v14;
	v9 =	vmul.f32 v23, v14;
	[tilespmem:s19+$0xFFFFFFC0] =	vst v11;
	v11 =	vld [tilespmem:s19+$0xF0]  }
0xac: {  	v23 =	vmul.f32 v27, v21;
	v14 =	vld [tilespmem:s19+$0xFFFFFF80];
	[tilespmem:s19+$0xFFFFFFA0] =	vst v8;
	v16 =	vmul.f32 v16, v22  }
0xad: {  	v8 =	vld [tilespmem:s13+$0xFFFFFFA0];
	[tilespmem:s19+$0xFFFFFFF0] =	vst v5;
	v22 =	vmul.f32 v13, v22;
	v13 =	vmul.f32 v20, v21  }
0xae: {  	v5 =	vmul.f32 v18, v19;
	v18 =	vmul.f32 v10, v19;
	[tilespmem:s19+$0x60] =	vst v12  }
0xaf: {  	v2 =	vmul.f32 v2, v15;
	v10 =	vmul.f32 v28, v15;
	[tilespmem:s19+$0xFFFFFFB0] =	vst v17  }
0xb0: {  	v3 =	vbroadcast v3, $0x4;
	[tilespmem:s19+$0xFFFFFF20] =	vst v5;
	v5 =	vmul.f32 v11, v7  }
0xb1: {  	[tilespmem:s19+$0xFFFFFF60] =	vst v2  }
0xb2: {  	v7 =	vmul.f32 v14, v3;
	v2 =	vmul.f32 v4, v3;
	[tilespmem:s19+$0x40] =	vst v24  }
0xb3: {  	[tilespmem:s19+$0xFFFFFFE0] =	vst v9  }
0xb4: {  	[tilespmem:s19+$0xF0] =	vst v5  }
0xb5: {  	[tilespmem:s19+$0xFFFFFF90] =	vst v2  }
0xb6: {  	[tilespmem:s19+$0xFFFFFF70] =	vst v10  }
0xb7: {  	v5 =	vld [tilespmem:s13+$0xFFFFFFF0];
	[tilespmem:s19+$0x20] =	vst v13  }
0xb8: {  	v2 =	vld [tilespmem:s13+$0xFFFFFF60];
	[tilespmem:s19+$0x30] =	vst v23  }
0xb9: {  	v9 =	vld [tilespmem:s13+$0xFFFFFFD0];
	[tilespmem:s19+$0xFFFFFF80] =	vst v7  }
0xba: {  	v10 =	vld [tilespmem:s13+$0x80];
	[tilespmem:s19+$0x50] =	vst v25  }
0xbb: {  	v13 =	vld [tilespmem:s13+$0xFFFFFF10];
	[tilespmem:s19+$0x0] =	vst v16  }
0xbc: {  	v17 =	vld [tilespmem:s13+$0xE0];
	[tilespmem:s19+$0xFFFFFF30] =	vst v18  }
0xbd: {  	s14 =	sshra.s32 s14, $0x2;
	v12 =	vld [tilespmem:s13+$0xFFFFFF40];
	[tilespmem:s19+$0x10] =	vst v22;
	s19 =	smov.u32 s13  }
0xbe: {  	v3 =	vld.idx.msk [tilespmem:v6+s14+$0x0 ss:$0x1], $0xffff  }
0xbf: {  	v4 =	vld [tilespmem:s13+$0xFFFFFF90]  }
0xc0: {  	v11 =	vld [tilespmem:s13+$0xFFFFFFC0]  }
0xc1: {  	v15 =	vld [tilespmem:s13+$0xFFFFFF00]  }
0xc2: {  	v14 =	vld [tilespmem:s13+$0xD0]  }
.Ltmp3:
0xc3: {  	v24 =	vld [tilespmem:s13+$0xC0];
	(pc) =	sbr.rel @p0 .LBB2_11-.Ltmp3, $4  }
0xc4: {  	v20 =	vbroadcast v3, $0x0;
	v7 =	vbroadcast v3, $0xF;
	v21 =	vld [tilespmem:s13+$0x90]  }
0xc5: {  	v22 =	vbroadcast v3, $0x2;
	v18 =	vbroadcast v3, $0xE;
	v23 =	vld [tilespmem:s13+$0xFFFFFF50]  }
0xc6: {  	v26 =	vmul.f32 v20, v15;
	v15 =	vbroadcast v3, $0xD;
	v19 =	vld [tilespmem:s13+$0xB0]  }
0xc7: {  	v16 =	vbroadcast v3, $0xC;
	v25 =	vmul.f32 v12, v22;
	v12 =	vld [tilespmem:s13+$0x60]  }
0xc8: {  	[tilespmem:s19+$0xFFFFFF00] =	vst v26;
	v6 =	vmul.f32 v17, v7  }
0xc9: {  	v63 =	vmul.f32 v24, v18;
	[tilespmem:s19+$0xFFFFFF40] =	vst v25  }
0xca: {  	v13 =	vmul.f32 v13, v20;
	[tilespmem:s19+$0xE0] =	vst v6  }
0xcb: {  	v33 =	vmul.f32 v14, v18;
	[tilespmem:s19+$0xC0] =	vst v63  }
0xcc: {  	v30 =	vmul.f32 v21, v16;
	[tilespmem:s19+$0xFFFFFF10] =	vst v13  }
0xcd: {  	v39 =	vbroadcast v3, $0x6;
	v10 =	vmul.f32 v10, v16;
	[tilespmem:s19+$0xD0] =	vst v33  }
0xce: {  	v32 =	vmul.f32 v23, v22;
	[tilespmem:s19+$0x90] =	vst v30  }
0xcf: {  	v43 =	vbroadcast v3, $0x5;
	v9 =	vmul.f32 v9, v39;
	[tilespmem:s19+$0x80] =	vst v10  }
0xd0: {  	v45 =	vbroadcast v3, $0x7;
	v11 =	vmul.f32 v11, v39;
	[tilespmem:s19+$0xFFFFFF50] =	vst v32  }
0xd1: {  	v52 =	vbroadcast v3, $0x3;
	v8 =	vmul.f32 v8, v43;
	[tilespmem:s19+$0xFFFFFFD0] =	vst v9  }
0xd2: {  	v28 =	vld [tilespmem:s19+$0xA0];
	v57 =	vbroadcast v3, $0x4;
	v5 =	vmul.f32 v5, v45;
	[tilespmem:s19+$0xFFFFFFC0] =	vst v11  }
0xd3: {  	v29 =	vld [tilespmem:s19+$0x70];
	v2 =	vmul.f32 v2, v52;
	[tilespmem:s19+$0xFFFFFFA0] =	vst v8  }
0xd4: {  	v31 =	vld [tilespmem:s19+$0xFFFFFFB0];
	v35 =	vbroadcast v3, $0xB;
	v4 =	vmul.f32 v4, v57;
	[tilespmem:s19+$0xFFFFFFF0] =	vst v5  }
0xd5: {  	v34 =	vld [tilespmem:s19+$0xFFFFFF20];
	v41 =	vmul.f32 v19, v15;
	[tilespmem:s19+$0xFFFFFF60] =	vst v2  }
0xd6: {  	v38 =	vld [tilespmem:s19+$0x40];
	v12 =	vmul.f32 v12, v35;
	[tilespmem:s19+$0xFFFFFF90] =	vst v4  }
0xd7: {  	v36 =	vld [tilespmem:s19+$0xFFFFFFE0];
	v37 =	vmul.f32 v28, v15;
	[tilespmem:s19+$0xB0] =	vst v41  }
0xd8: {  	v50 =	vbroadcast v3, $0x1;
	v53 =	vld [tilespmem:s19+$0xF0];
	v20 =	vmul.f32 v29, v35;
	[tilespmem:s19+$0x60] =	vst v12  }
0xd9: {  	v47 =	vld [tilespmem:s19+$0xFFFFFF70];
	v54 =	vbroadcast v3, $0xA;
	v51 =	vmul.f32 v31, v43;
	[tilespmem:s19+$0xA0] =	vst v37  }
0xda: {  	v44 =	vld [tilespmem:s19+$0x30];
	v14 =	vmul.f32 v34, v50;
	[tilespmem:s19+$0x70] =	vst v20  }
0xdb: {  	v48 =	vld [tilespmem:s19+$0xFFFFFF80];
	v56 =	vmul.f32 v38, v54;
	[tilespmem:s19+$0xFFFFFFB0] =	vst v51  }
0xdc: {  	v42 =	vld [tilespmem:s19+$0x20];
	v6 =	vmul.f32 v36, v45;
	[tilespmem:s19+$0xFFFFFF20] =	vst v14  }
0xdd: {  	v46 =	vld [tilespmem:s19+$0x0];
	v58 =	vbroadcast v3, $0x9;
	v2 =	vmul.f32 v53, v7;
	[tilespmem:s19+$0x40] =	vst v56  }
0xde: {  	v40 =	vld [tilespmem:s19+$0x50];
	v59 =	vmul.f32 v47, v52;
	[tilespmem:s19+$0xFFFFFFE0] =	vst v6  }
0xdf: {  	v55 =	vld [tilespmem:s19+$0xFFFFFF30];
	v60 =	vmul.f32 v44, v58;
	[tilespmem:s19+$0xF0] =	vst v2  }
0xe0: {  	v49 =	vld [tilespmem:s19+$0x10];
	v3 =	vbroadcast v3, $0x8;
	v61 =	vmul.f32 v48, v57;
	[tilespmem:s19+$0xFFFFFF70] =	vst v59  }
0xe1: {  	v2 =	vmul.f32 v42, v58;
	[tilespmem:s19+$0x30] =	vst v60  }
0xe2: {  	v62 =	vmul.f32 v46, v3;
	[tilespmem:s19+$0xFFFFFF80] =	vst v61  }
0xe3: {  	p0 =	seq.s32 s31, $0x8;
	[tilespmem:s19+$0x20] =	vst v2;
	v2 =	vmul.f32 v40, v54  }
.Ltmp4:
0xe4: {  	v63 =	vmul.f32 v55, v50;
	[tilespmem:s19+$0x0] =	vst v62;
	(pc) =	sbr.rel @!p0 .LBB2_6-.Ltmp4, $4  }
0xe5: {  	[tilespmem:s19+$0x50] =	vst v2;
	v2 =	vmul.f32 v49, v3  }
0xe6: {  	s9 =	sadd.s32 $0x1980, s9;
	s2 =	sadd.s32 $0x5, s2;
	[tilespmem:s19+$0xFFFFFF30] =	vst v63  }
0xe7: {  	s26 =	sadd.s32 $0x80, s26;
	s29 =	sadd.s32 $0x80, s29;
	s30 =	sadd.s32 $0x80, s30;
	[tilespmem:s19+$0x10] =	vst v2  }
0xe8: {  	[spmem:s1] =	stream.indirect.scatter.add.f32 [tilespmem:s11], [sflag:s2], $0x20, s9, s21, $0xb8;
	[tilespmem:$0x1D380] =	vst v63  }
0xe9: {  	p0 =	seq.s32 s23, $0x62  }
.Ltmp5:
0xea: {  	_ = 	snop;
	(pc) =	sbr.rel @!p0 .LBB2_3-.Ltmp5, $1  }
0xeb: {  	_ =	sdelay $0x3  }
0xec: {  	p0 =	slt.s32 s28, $0x0  }
0xed: {  	p1 =	sgt.s32 @!p0 s18, s28  }
0xee: {  	p0 =	por p1, p0  }
0xef: {  	s2 =	smulhi.u32 @!p0 $0xAAAAAAAB, s28  }
0xf0: {  	p1 =	slt.s32 s25, $0x0  }
0xf1: {  	p2 =	sgt.s32 @!p1 s0, s25;
	s2 =	sshrl.u32 @!p0 s2, $0x1  }
0xf2: {  	p1 =	por p2, p1;
	s0 =	smul.u32 @!p0 $0x3, s2  }
0xf3: {  	s2 =	smulhi.u32 @!p1 $0xAAAAAAAB, s25;
	_ =	sdelay $0x1  }
0xf4: {  	s0 =	ssub.s32 @!p0 s28, s0;
	s2 =	sshrl.u32 @!p1 s2, $0x1  }
0xf5: {  	s0 =	sadd.s32 @!p0 $0x5, s0;
	s2 =	smul.u32 @!p1 $0x3, s2  }
0xf6: {  	_ =	swait.ge @!p0 [sflag:s0], $0x1000  }
0xf7: {  	[sflag:s0] =	ssyncset.done @!p0 $0x0;
	s2 =	ssub.s32 @!p1 s25, s2  }
0xf8: {  	[sflag:s0] =	ssyncadd.s32 @!p0 $0xFFFFF000;
	s0 =	sadd.s32 @!p1 $0x5, s2  }
0xf9: {  	_ =	swait.ge @!p1 [sflag:s0], $0x1000  }
0xfa: {  	[sflag:s0] =	ssyncset.done @!p1 $0x0  }
0xfb: {  	s22 =	sadd.s32 $0x1, s22;
	[sflag:s0] =	ssyncadd.s32 @!p1 $0xFFFFF000  }
0xfc: {  	p0 =	sne.s32 s22, s15;
	[bflag:$0x0] =	sbarrier.arrive $0xFFFF  }
.Ltmp6:
0xfd: {  	s31 =	rddreg [dreg:$0x8];
	(pc) =	sbr.rel @p0 .LBB2_1-.Ltmp6, $4  }
0xfe: {  	[hbm:s31], [sflag:s10] =	dma.local [spmem:s16], $0x30E0  }
0xff: {  	_ =	swait.ge [sflag:s17], $0x30E0  }
0x100: {  	[sflag:s17] =	ssyncset.done $0x0  }
0x101: {  	[sflag:s17] =	ssyncadd.s32 $0xFFFFCF20  }
0x102: {  	_ =	sfence.sel $0x180000  }
0x103: {  	[bflag:$0x0] =	sbarrier.arrive $0xFFFF  }
0x104: {  	_ =	strace $0x90000047  }
0x105: {  	s0 =	stileid.u32;
	[bflag:$0x2] =	sbarrier.arrive $0xFFFF  }
0x106: {  	p0 =	sne.s32 s0, $0x0;
	s0 =	rddreg [dreg:$0x3]  }
0x107: {  	s0 =	sadd.s32 @!p0 $0x100000, s0  }
0x108: {  	[sflag:s0] =	ssyncadd.tile.s32 @!p0 $0x1;
	_ =	shalt  }
.Lfunc_end2:
_tile_overlayer_lowered:
.L_overlay_start_2:
0x109: {  	(tag) =	ssettag $0x2  }
0x10a: {  	s0 =	rddreg [dreg:$0x0];
	s2 =	stileid.u32  }
0x10b: {  	s1 =	rddreg [dreg:$0x1];
	p0 =	sne.s32 s2, $0x0  }
0x10c: {  	s3 =	rddreg [dreg:$0x2];
	[bflag:$0x3] =	sbarrier.arrive $0xFFFF;
	s2 =	simm.s32 @!p0 $0x1C08  }
0x10d: {  	[timem:s3], [sflag:s2] =	dma.local @!p0 [hbm:s0], s1  }
0x10e: {  	s0 =	simm.s32 @!p0 $0x8  }
0x10f: {  	_ =	swait.ge @!p0 [sflag:s0], s1  }
0x110: {  	s1 =	ssub.s32 @!p0 $0x0, s1;
	[sflag:s0] =	ssyncset.done @!p0 $0x0  }
0x111: {  	[sflag:s0] =	ssyncadd.s32 @!p0 s1  }
0x112: {  	[bflag:$0x3] =	sbarrier.arrive $0xFFFF  }
0x113: {  	_ =	shalt  }

</sc_bundles>
